<compile_context>
chip_gen: v7x
topology: tpu7x:2x2x1
jax: 0.10.2.dev20260603
libtpu: 0.0.44.dev20260713+nightly
codegen_flags: <defaults>
</compile_context>

<pallas_src>
import functools

import jax
import jax.numpy as jnp
from jax import lax
from jax.experimental import pallas as pl
from jax.experimental.pallas import tpu as pltpu
from jax.experimental.pallas import tpu_sc as plsc

N = 10000
E = 320000
D = 128
NC = 2
NS = 16
NW = NC * NS
CB = 2560
NV = CB // 16
NCH = E // CB
KMAX = (NCH + NW - 1) // NW
NP = 10240
STRIPE = NP // NS
UNROLL = 8


def _proj_matmul(x, w8, b8):
    def mm(x_ref, w_ref, b_ref, *o_refs):
        res = lax.dot_general(w_ref[...], x_ref[...],
                              (((0,), (1,)), ((), ())),
                              preferred_element_type=jnp.float32)
        res = res + b_ref[...]
        for k in range(8):
            o_refs[k][...] = res[k]

    return pl.pallas_call(
        mm,
        out_shape=[jax.ShapeDtypeStruct((N,), jnp.float32)] * 8,
    )(x, w8, b8)


def _edge_pass1(p0, p1, p2, p3, p4, p5, p6, p7, edge_index):
    mesh = plsc.VectorSubcoreMesh(core_axis_name="c", subcore_axis_name="s")

    @functools.partial(
        pl.kernel,
        mesh=mesh,
        compiler_params=pltpu.CompilerParams(needs_layout_passes=False),
        out_type=(
            jax.ShapeDtypeStruct((E,), jnp.float32),
            jax.ShapeDtypeStruct((E,), jnp.float32),
            jax.ShapeDtypeStruct((E,), jnp.float32),
            jax.ShapeDtypeStruct((NC, NP), jnp.float32),
            jax.ShapeDtypeStruct((NC, NP), jnp.float32),
        ),
        scratch_types=[
            [pltpu.VMEM((N,), jnp.float32)] * 8,
            [pltpu.VMEM((2, CB), jnp.int32)] * 2,
            [pltpu.VMEM((CB,), jnp.int32)] * 2,
            [pltpu.VMEM((CB,), jnp.float32)] * 2,
            [pltpu.VMEM((CB,), jnp.float32)] * 2,
            [pltpu.VMEM((CB,), jnp.float32)] * 2,
            pltpu.VMEM((STRIPE,), jnp.float32),
            pltpu.VMEM_SHARED((NP,), jnp.float32),
            pltpu.VMEM_SHARED((NP,), jnp.float32),
            pltpu.SemaphoreType.DMA,
            pltpu.SemaphoreType.DMA,
            pltpu.SemaphoreType.DMA,
            pltpu.SemaphoreType.DMA,
            pltpu.SemaphoreType.DMA,
        ],
    )
    def k(p0_hbm, p1_hbm, p2_hbm, p3_hbm, p4_hbm, p5_hbm, p6_hbm, p7_hbm,
          ei_hbm, ex0_hbm, ex1_hbm, am_hbm, s0p_hbm, s1p_hbm,
          pv, eiv, rowv, ex0v, ex1v, amv, zv, s0s, s1s,
          psem, isem0, isem1, osem0, osem1):
        p_hbms = (p0_hbm, p1_hbm, p2_hbm, p3_hbm, p4_hbm, p5_hbm, p6_hbm,
                  p7_hbm)
        isems = (isem0, isem1)
        osems = (osem0, osem1)
        cid = lax.axis_index("c")
        sid = lax.axis_index("s")
        wid = sid * NC + cid

        pcopies = [pltpu.async_copy(p_hbms[kk], pv[kk], psem)
                   for kk in range(8)]

        @plsc.parallel_loop(0, STRIPE // 16, 1, unroll=UNROLL)
        def zbody(i):
            zv[pl.ds(i * 16, 16)] = jnp.zeros((16,), jnp.float32)
        pltpu.sync_copy(zv, s0s.at[pl.ds(sid * STRIPE, STRIPE)])
        pltpu.sync_copy(zv, s1s.at[pl.ds(sid * STRIPE, STRIPE)])

        pltpu.async_copy(ei_hbm.at[:, pl.ds(wid * CB, CB)], eiv[0], isems[0])

        for d in pcopies:
            d.wait()
        plsc.subcore_barrier()

        def in_wait(buf):
            pltpu.make_async_copy(
                ei_hbm.at[:, pl.ds(0, CB)], eiv[buf], isems[buf]).wait()

        def out_wait(buf):
            pltpu.make_async_copy(
                ex0v[buf], ex0_hbm.at[pl.ds(0, CB)], osems[buf]).wait()
            pltpu.make_async_copy(
                ex1v[buf], ex1_hbm.at[pl.ds(0, CB)], osems[buf]).wait()
            pltpu.make_async_copy(
                amv[buf], am_hbm.at[pl.ds(0, CB)], osems[buf]).wait()

        for kk in range(KMAX):
            c = wid + NW * kk
            buf = kk % 2

            @pl.when(c < NCH)
            def _chunk():
                off = c * CB
                in_wait(buf)
                if kk >= 1:
                    @pl.when((c - NW) >= 0)
                    def _():
                        out_wait(1 - buf)
                if kk + 1 < KMAX:
                    @pl.when((c + NW) < NCH)
                    def _():
                        pltpu.async_copy(
                            ei_hbm.at[:, pl.ds((c + NW) * CB, CB)],
                            eiv[1 - buf], isems[1 - buf])

                @plsc.parallel_loop(0, NV, 1, unroll=UNROLL)
                def body(j):
                    sl = pl.ds(j * 16, 16)
                    r = eiv[buf][0, sl]
                    cc = eiv[buf][1, sl]
                    rowv[buf][sl] = r
                    a0 = plsc.load_gather(pv[0], [r])
                    a1 = plsc.load_gather(pv[1], [r])
                    g0 = plsc.load_gather(pv[2], [r])
                    g1 = plsc.load_gather(pv[3], [r])
                    b0 = plsc.load_gather(pv[4], [cc])
                    b1 = plsc.load_gather(pv[5], [cc])
                    h0 = plsc.load_gather(pv[6], [cc])
                    h1 = plsc.load_gather(pv[7], [cc])
                    ex0v[buf][sl] = jnp.exp(jnp.maximum(a0 + b0, 0.0))
                    ex1v[buf][sl] = jnp.exp(jnp.maximum(a1 + b1, 0.0))
                    amv[buf][sl] = (jnp.maximum(g0 + h0, 0.0)
                                    + jnp.maximum(g1 + h1, 0.0))

                pltpu.async_copy(ex0v[buf], ex0_hbm.at[pl.ds(off, CB)],
                                 osems[buf])
                pltpu.async_copy(ex1v[buf], ex1_hbm.at[pl.ds(off, CB)],
                                 osems[buf])
                pltpu.async_copy(amv[buf], am_hbm.at[pl.ds(off, CB)],
                                 osems[buf])
                pltpu.sync_copy(ex0v[buf], s0s.at[rowv[buf]], add=True)
                pltpu.sync_copy(ex1v[buf], s1s.at[rowv[buf]], add=True)

        c_last = wid + NW * (KMAX - 1)

        @pl.when(c_last < NCH)
        def _():
            out_wait((KMAX - 1) % 2)

        @pl.when(c_last >= NCH)
        def _():
            out_wait((KMAX - 2) % 2)

        plsc.subcore_barrier()

        @pl.when(sid == 0)
        def _dump():
            pltpu.sync_copy(s0s, s0p_hbm.at[cid])
            pltpu.sync_copy(s1s, s1p_hbm.at[cid])

    return k(p0, p1, p2, p3, p4, p5, p6, p7, edge_index)


def _edge_pass2(s0p, s1p, edge_index, ex0, ex1, mcode):
    mesh = plsc.VectorSubcoreMesh(core_axis_name="c", subcore_axis_name="s")

    @functools.partial(
        pl.kernel,
        mesh=mesh,
        compiler_params=pltpu.CompilerParams(needs_layout_passes=False),
        out_type=jax.ShapeDtypeStruct((E,), jnp.float32),
        scratch_types=[
            pltpu.VMEM((2, NP), jnp.float32),
            pltpu.VMEM((2, NP), jnp.float32),
            pltpu.VMEM((NP,), jnp.float32),
            pltpu.VMEM((NP,), jnp.float32),
            [pltpu.VMEM((2, CB), jnp.int32)] * 2,
            [pltpu.VMEM((CB,), jnp.float32)] * 2,
            [pltpu.VMEM((CB,), jnp.float32)] * 2,
            [pltpu.VMEM((CB,), jnp.int32)] * 2,
            [pltpu.VMEM((CB,), jnp.float32)] * 2,
            pltpu.SemaphoreType.DMA,
            pltpu.SemaphoreType.DMA,
            pltpu.SemaphoreType.DMA,
            pltpu.SemaphoreType.DMA,
            pltpu.SemaphoreType.DMA,
            pltpu.SemaphoreType.DMA,
        ],
    )
    def k(s0p_hbm, s1p_hbm, ei_hbm, ex0_hbm, ex1_hbm, mc_hbm, att_hbm,
          t2a, t2b, s0v, s1v, eiv, ex0v, ex1v, mcv, attv,
          tsem, tsem2, isem0, isem1, osem0, osem1):
        isems = (isem0, isem1)
        osems = (osem0, osem1)
        cid = lax.axis_index("c")
        sid = lax.axis_index("s")
        wid = sid * NC + cid

        ca = pltpu.async_copy(s0p_hbm, t2a, tsem)
        cb = pltpu.async_copy(s1p_hbm, t2b, tsem2)
        pltpu.async_copy(ei_hbm.at[:, pl.ds(wid * CB, CB)], eiv[0], isems[0])
        pltpu.async_copy(ex0_hbm.at[pl.ds(wid * CB, CB)], ex0v[0], isems[0])
        pltpu.async_copy(ex1_hbm.at[pl.ds(wid * CB, CB)], ex1v[0], isems[0])
        pltpu.async_copy(mc_hbm.at[pl.ds(wid * CB, CB)], mcv[0], isems[0])

        ca.wait()

        @plsc.parallel_loop(0, NP // 16, 1, unroll=UNROLL)
        def r0(i):
            sl = pl.ds(i * 16, 16)
            s0v[sl] = t2a[0, sl] + t2a[1, sl]
        cb.wait()

        @plsc.parallel_loop(0, NP // 16, 1, unroll=UNROLL)
        def r1(i):
            sl = pl.ds(i * 16, 16)
            s1v[sl] = t2b[0, sl] + t2b[1, sl]

        def in_wait(buf):
            pltpu.make_async_copy(
                ei_hbm.at[:, pl.ds(0, CB)], eiv[buf], isems[buf]).wait()
            pltpu.make_async_copy(
                ex0_hbm.at[pl.ds(0, CB)], ex0v[buf], isems[buf]).wait()
            pltpu.make_async_copy(
                ex1_hbm.at[pl.ds(0, CB)], ex1v[buf], isems[buf]).wait()
            pltpu.make_async_copy(
                mc_hbm.at[pl.ds(0, CB)], mcv[buf], isems[buf]).wait()

        def in_start(c, buf):
            off = c * CB
            pltpu.async_copy(ei_hbm.at[:, pl.ds(off, CB)], eiv[buf],
                             isems[buf])
            pltpu.async_copy(ex0_hbm.at[pl.ds(off, CB)], ex0v[buf],
                             isems[buf])
            pltpu.async_copy(ex1_hbm.at[pl.ds(off, CB)], ex1v[buf],
                             isems[buf])
            pltpu.async_copy(mc_hbm.at[pl.ds(off, CB)], mcv[buf], isems[buf])

        def out_wait(buf):
            pltpu.make_async_copy(
                attv[buf], att_hbm.at[pl.ds(0, CB)], osems[buf]).wait()

        for kk in range(KMAX):
            c = wid + NW * kk
            buf = kk % 2

            @pl.when(c < NCH)
            def _chunk():
                off = c * CB
                in_wait(buf)
                if kk >= 2:
                    @pl.when((c - 2 * NW) >= 0)
                    def _():
                        out_wait(buf)
                if kk + 1 < KMAX:
                    @pl.when((c + NW) < NCH)
                    def _():
                        in_start(c + NW, 1 - buf)

                @plsc.parallel_loop(0, NV, 1, unroll=UNROLL)
                def body(j):
                    sl = pl.ds(j * 16, 16)
                    r = eiv[buf][0, sl]
                    s0 = plsc.load_gather(s0v, [r])
                    s1 = plsc.load_gather(s1v, [r])
                    mc = mcv[buf][sl]
                    t0 = jnp.where((mc & 1) == 0, 0.0, ex0v[buf][sl] / s0)
                    t1 = jnp.where((mc & 2) == 0, 0.0, ex1v[buf][sl] / s1)
                    attv[buf][sl] = t0 + t1

                pltpu.async_copy(attv[buf], att_hbm.at[pl.ds(off, CB)],
                                 osems[buf])

        out_wait(0)
        out_wait(1)

    return k(s0p, s1p, edge_index, ex0, ex1, mcode)


def kernel(x, edge_index, actual_amount, Wc, bc, Wa, ba):
    w8 = jnp.concatenate([Wc[:D], Wa[:D], Wc[D:], Wa[D:]], axis=1)
    b8 = jnp.concatenate([bc, ba, jnp.zeros((4,), jnp.float32)]).reshape(8, 1)
    ps = _proj_matmul(x, w8, b8)
    aa_b, _ = lax.optimization_barrier((actual_amount, ps[0]))
    sel = jnp.where(aa_b != 0, jnp.array([1, 2], jnp.int32), 0)
    mcode = jnp.sum(sel, axis=1, dtype=jnp.int32)
    ex0, ex1, amount, s0p, s1p = _edge_pass1(*ps, edge_index)
    att = _edge_pass2(s0p, s1p, edge_index, ex0, ex1, mcode)
    return (att, amount)

# --- scband reference (transcript-rebuilt; emitter-appended) ---
"""Pipeline reference for scband-two-step-policy-61512521613571 (READ-ONLY COPY).

The authoritative reference and input builder live on the scoring server;
editing this copy changes nothing except your own understanding.
"""

import jax, jax.numpy as jnp
import numpy as np

N = 10000
E = 320000
D = 128


def setup_inputs(seed: int = 0) -> dict:
    key = jax.random.key(seed)
    ks = jax.random.split(key, 8)
    x = jax.random.normal(ks[0], (N, D), dtype=jnp.float32)
    edge_index = jax.random.randint(ks[1], (2, E), 0, N, dtype=jnp.int32)
    actual_amount = jax.random.randint(ks[2], (E, 2), 0, 3).astype(jnp.float32)
    # choice_attention: Linear(2*D, 2)
    Wc = jax.random.normal(ks[3], (2 * D, 2), dtype=jnp.float32) * (1.0 / np.sqrt(2 * D))
    bc = jnp.zeros((2,), dtype=jnp.float32)
    # amount_attention: Linear(2*D, 2)
    Wa = jax.random.normal(ks[4], (2 * D, 2), dtype=jnp.float32) * (1.0 / np.sqrt(2 * D))
    ba = jnp.zeros((2,), dtype=jnp.float32)
    return {"x": x, "edge_index": edge_index, "actual_amount": actual_amount,
            "Wc": Wc, "bc": bc, "Wa": Wa, "ba": ba}


def _segment_softmax(logits, seg, num_segments):
    # per-segment (by seg ids) softmax along axis 0, applied independently per column
    m = jax.ops.segment_max(logits, seg, num_segments=num_segments)
    m = jnp.where(jnp.isfinite(m), m, 0.0)  # guard empty segments (-inf)
    ex = jnp.exp(logits - m[seg])
    s = jax.ops.segment_sum(ex, seg, num_segments=num_segments)
    return ex / (s[seg] + 1e-16)


def reference(x, edge_index, actual_amount, Wc, bc, Wa, ba):
    row = edge_index[0]
    col = edge_index[1]
    h = jnp.concatenate([x[row], x[col]], axis=1)          # [E, 2D] gather
    att_edge = jax.nn.relu(h @ Wc + bc)                     # [E, 2]
    amount_edge = jax.nn.relu(h @ Wa + ba)                  # [E, 2]
    att_sm = _segment_softmax(att_edge, row, N)             # [E, 2]
    att_sm = jnp.where(actual_amount == 0, 0.0, att_sm)     # att_sm[actual_amount == 0] = 0
    att = jnp.sum(att_sm, axis=1)                           # [E]
    # NOTE: original code computes amount_edge * actual_amount then immediately
    # overwrites it; faithful translation keeps the final assignment.
    amount = amount_edge * actual_amount
    amount = jnp.sum(amount_edge, axis=-1)                  # [E]
    return (att, amount)

if __name__ == "__main__":
    import jax
    _d = setup_inputs()
    print(jax.jit(kernel)(*tuple(_d.values())))

</pallas_src>

<mosaic_0001>
#map = affine_map<(d0, d1) -> (0, 0)>
#map1 = affine_map<(d0, d1) -> (0)>
module attributes {stable_mosaic.version = 14 : i64} {
  func.func @k(%arg0: i32, %arg1: i32, %arg2: memref<2x10240xf32, #tpu.memory_space<hbm>>, %arg3: memref<2x10240xf32, #tpu.memory_space<hbm>>, %arg4: memref<2x320000xi32, #tpu.memory_space<hbm>>, %arg5: memref<320000xf32, #tpu.memory_space<hbm>>, %arg6: memref<320000xf32, #tpu.memory_space<hbm>>, %arg7: memref<320000xi32, #tpu.memory_space<hbm>>, %arg8: memref<320000xf32, #tpu.memory_space<hbm>>, %arg9: memref<2x10240xf32, #tpu.memory_space<vmem>>, %arg10: memref<2x10240xf32, #tpu.memory_space<vmem>>, %arg11: memref<10240xf32, #tpu.memory_space<vmem>>, %arg12: memref<10240xf32, #tpu.memory_space<vmem>>, %arg13: memref<2x2560xi32, #tpu.memory_space<vmem>>, %arg14: memref<2x2560xi32, #tpu.memory_space<vmem>>, %arg15: memref<2560xf32, #tpu.memory_space<vmem>>, %arg16: memref<2560xf32, #tpu.memory_space<vmem>>, %arg17: memref<2560xf32, #tpu.memory_space<vmem>>, %arg18: memref<2560xf32, #tpu.memory_space<vmem>>, %arg19: memref<2560xi32, #tpu.memory_space<vmem>>, %arg20: memref<2560xi32, #tpu.memory_space<vmem>>, %arg21: memref<2560xf32, #tpu.memory_space<vmem>>, %arg22: memref<2560xf32, #tpu.memory_space<vmem>>, %arg23: memref<!tpu.dma_semaphore, #tpu.memory_space<semaphore_mem>>, %arg24: memref<!tpu.dma_semaphore, #tpu.memory_space<semaphore_mem>>, %arg25: memref<!tpu.dma_semaphore, #tpu.memory_space<semaphore_mem>>, %arg26: memref<!tpu.dma_semaphore, #tpu.memory_space<semaphore_mem>>, %arg27: memref<!tpu.dma_semaphore, #tpu.memory_space<semaphore_mem>>, %arg28: memref<!tpu.dma_semaphore, #tpu.memory_space<semaphore_mem>>) attributes {dimension_semantics = [#tpu.dimension_semantics<core_parallel>, #tpu.dimension_semantics<subcore_parallel>], iteration_bounds = array<i64: 2, 16>, scalar_prefetch = 0 : i64, scratch_operands = 20 : i64, tpu.core_type = #tpu.core_type<sc_vector_subcore>, window_params = [{transform_indices = #map}, {transform_indices = #map}, {transform_indices = #map}, {transform_indices = #map1}, {transform_indices = #map1}, {transform_indices = #map1}, {transform_indices = #map1}]} {
    %mul3A = arith.constant 2 : i32
    %mul3A_0 = arith.muli %arg1, %mul3A : i32
    %add3A = arith.addi %mul3A_0, %arg0 : i32
    tpu.enqueue_dma source(%arg2 : memref<2x10240xf32, #tpu.memory_space<hbm>>) target(%arg9 : memref<2x10240xf32, #tpu.memory_space<vmem>>) target_semaphore(%arg23 : memref<!tpu.dma_semaphore, #tpu.memory_space<semaphore_mem>>)
    tpu.enqueue_dma source(%arg3 : memref<2x10240xf32, #tpu.memory_space<hbm>>) target(%arg10 : memref<2x10240xf32, #tpu.memory_space<vmem>>) target_semaphore(%arg24 : memref<!tpu.dma_semaphore, #tpu.memory_space<semaphore_mem>>)
    %mul3A_1 = arith.constant 2560 : i32
    %mul3A_2 = arith.muli %add3A, %mul3A_1 : i32
    %dma_start3A = arith.constant 0 : i32
    %dma_start3A_3 = tpu.memref_slice %arg4[%dma_start3A, %mul3A_2] : memref<2x320000xi32, #tpu.memory_space<hbm>> -> memref<2x2560xi32, #tpu.memory_space<hbm>>
    %dma_start3A_4 = arith.constant 0 : i32
    %dma_start3A_5 = tpu.memref_slice %arg4[%dma_start3A_4, %mul3A_2] : memref<2x320000xi32, #tpu.memory_space<hbm>> -> memref<2x2560xi32, #tpu.memory_space<hbm>>
    tpu.enqueue_dma source(%dma_start3A_5 : memref<2x2560xi32, #tpu.memory_space<hbm>>) target(%arg13 : memref<2x2560xi32, #tpu.memory_space<vmem>>) target_semaphore(%arg25 : memref<!tpu.dma_semaphore, #tpu.memory_space<semaphore_mem>>)
    %mul3A_6 = arith.constant 2560 : i32
    %mul3A_7 = arith.muli %add3A, %mul3A_6 : i32
    %dma_start3A_8 = tpu.memref_slice %arg5[%mul3A_7] : memref<320000xf32, #tpu.memory_space<hbm>> -> memref<2560xf32, #tpu.memory_space<hbm>>
    %dma_start3A_9 = tpu.memref_slice %arg5[%mul3A_7] : memref<320000xf32, #tpu.memory_space<hbm>> -> memref<2560xf32, #tpu.memory_space<hbm>>
    tpu.enqueue_dma source(%dma_start3A_9 : memref<2560xf32, #tpu.memory_space<hbm>>) target(%arg15 : memref<2560xf32, #tpu.memory_space<vmem>>) target_semaphore(%arg25 : memref<!tpu.dma_semaphore, #tpu.memory_space<semaphore_mem>>)
    %mul3A_10 = arith.constant 2560 : i32
    %mul3A_11 = arith.muli %add3A, %mul3A_10 : i32
    %dma_start3A_12 = tpu.memref_slice %arg6[%mul3A_11] : memref<320000xf32, #tpu.memory_space<hbm>> -> memref<2560xf32, #tpu.memory_space<hbm>>
    %dma_start3A_13 = tpu.memref_slice %arg6[%mul3A_11] : memref<320000xf32, #tpu.memory_space<hbm>> -> memref<2560xf32, #tpu.memory_space<hbm>>
    tpu.enqueue_dma source(%dma_start3A_13 : memref<2560xf32, #tpu.memory_space<hbm>>) target(%arg17 : memref<2560xf32, #tpu.memory_space<vmem>>) target_semaphore(%arg25 : memref<!tpu.dma_semaphore, #tpu.memory_space<semaphore_mem>>)
    %mul3A_14 = arith.constant 2560 : i32
    %mul3A_15 = arith.muli %add3A, %mul3A_14 : i32
    %dma_start3A_16 = tpu.memref_slice %arg7[%mul3A_15] : memref<320000xi32, #tpu.memory_space<hbm>> -> memref<2560xi32, #tpu.memory_space<hbm>>
    %dma_start3A_17 = tpu.memref_slice %arg7[%mul3A_15] : memref<320000xi32, #tpu.memory_space<hbm>> -> memref<2560xi32, #tpu.memory_space<hbm>>
    tpu.enqueue_dma source(%dma_start3A_17 : memref<2560xi32, #tpu.memory_space<hbm>>) target(%arg19 : memref<2560xi32, #tpu.memory_space<vmem>>) target_semaphore(%arg25 : memref<!tpu.dma_semaphore, #tpu.memory_space<semaphore_mem>>)
    tpu.wait_dma2 semaphore(%arg23 : memref<!tpu.dma_semaphore, #tpu.memory_space<semaphore_mem>>) src(%arg2 : memref<2x10240xf32, #tpu.memory_space<hbm>>) dst(%arg9 : memref<2x10240xf32, #tpu.memory_space<vmem>>)
    %parallel_loop3A = arith.constant 0 : i32
    %parallel_loop3A_18 = arith.constant 640 : i32
    %parallel_loop3A_19 = arith.constant 1 : i32
    scf.for %parallel_loop3A_55 = %parallel_loop3A to %parallel_loop3A_18 step %parallel_loop3A_19  : i32 {
      %parallel_loop3A_56 = arith.constant 16 : i32
      %parallel_loop3A_57 = arith.muli %parallel_loop3A_55, %parallel_loop3A_56 : i32
      %parallel_loop3A_58 = arith.constant 0 : i32
      %parallel_loop3A_59 = arith.index_cast %parallel_loop3A_58 : i32 to index
      %parallel_loop3A_60 = arith.index_cast %parallel_loop3A_57 : i32 to index
      %parallel_loop3A_61 = tpu.vector_load %arg9[%parallel_loop3A_59, %parallel_loop3A_60] {strides = array<i32>} : memref<2x10240xf32, #tpu.memory_space<vmem>>, vector<16xf32>,
      %parallel_loop3A_62 = arith.constant 1 : i32
      %parallel_loop3A_63 = arith.index_cast %parallel_loop3A_62 : i32 to index
      %parallel_loop3A_64 = arith.index_cast %parallel_loop3A_57 : i32 to index
      %parallel_loop3A_65 = tpu.vector_load %arg9[%parallel_loop3A_63, %parallel_loop3A_64] {strides = array<i32>} : memref<2x10240xf32, #tpu.memory_space<vmem>>, vector<16xf32>,
      %parallel_loop3A_66 = arith.addf %parallel_loop3A_61, %parallel_loop3A_65 : vector<16xf32>
      %parallel_loop3A_67 = arith.index_cast %parallel_loop3A_57 : i32 to index
      %parallel_loop3A_68 = tpu.vector_load %arg11[%parallel_loop3A_67] {strides = array<i32>} : memref<10240xf32, #tpu.memory_space<vmem>>, vector<16xf32>,
      tpu.vector_store %arg11[%parallel_loop3A_67], %parallel_loop3A_66 {strides = array<i32>} : memref<10240xf32, #tpu.memory_space<vmem>>, vector<16xf32>,
    } {sc.loop_unroll_factor = 8 : i64, sc.parallel_access}
    tpu.wait_dma2 semaphore(%arg24 : memref<!tpu.dma_semaphore, #tpu.memory_space<semaphore_mem>>) src(%arg3 : memref<2x10240xf32, #tpu.memory_space<hbm>>) dst(%arg10 : memref<2x10240xf32, #tpu.memory_space<vmem>>)
    %parallel_loop3A_20 = arith.constant 0 : i32
    %parallel_loop3A_21 = arith.constant 640 : i32
    %parallel_loop3A_22 = arith.constant 1 : i32
    scf.for %parallel_loop3A_55 = %parallel_loop3A_20 to %parallel_loop3A_21 step %parallel_loop3A_22  : i32 {
      %parallel_loop3A_56 = arith.constant 16 : i32
      %parallel_loop3A_57 = arith.muli %parallel_loop3A_55, %parallel_loop3A_56 : i32
      %parallel_loop3A_58 = arith.constant 0 : i32
      %parallel_loop3A_59 = arith.index_cast %parallel_loop3A_58 : i32 to index
      %parallel_loop3A_60 = arith.index_cast %parallel_loop3A_57 : i32 to index
      %parallel_loop3A_61 = tpu.vector_load %arg10[%parallel_loop3A_59, %parallel_loop3A_60] {strides = array<i32>} : memref<2x10240xf32, #tpu.memory_space<vmem>>, vector<16xf32>,
      %parallel_loop3A_62 = arith.constant 1 : i32
      %parallel_loop3A_63 = arith.index_cast %parallel_loop3A_62 : i32 to index
      %parallel_loop3A_64 = arith.index_cast %parallel_loop3A_57 : i32 to index
      %parallel_loop3A_65 = tpu.vector_load %arg10[%parallel_loop3A_63, %parallel_loop3A_64] {strides = array<i32>} : memref<2x10240xf32, #tpu.memory_space<vmem>>, vector<16xf32>,
      %parallel_loop3A_66 = arith.addf %parallel_loop3A_61, %parallel_loop3A_65 : vector<16xf32>
      %parallel_loop3A_67 = arith.index_cast %parallel_loop3A_57 : i32 to index
      %parallel_loop3A_68 = tpu.vector_load %arg12[%parallel_loop3A_67] {strides = array<i32>} : memref<10240xf32, #tpu.memory_space<vmem>>, vector<16xf32>,
      tpu.vector_store %arg12[%parallel_loop3A_67], %parallel_loop3A_66 {strides = array<i32>} : memref<10240xf32, #tpu.memory_space<vmem>>, vector<16xf32>,
    } {sc.loop_unroll_factor = 8 : i64, sc.parallel_access}
    %add3A_23 = arith.constant 0 : i32
    %add3A_24 = arith.addi %add3A, %add3A_23 : i32
    %lt3A = arith.constant 125 : i32
    %lt3A_25 = arith.cmpi slt, %add3A_24, %lt3A : i32
    %convert_element_type3A = arith.extui %lt3A_25 : i1 to i32
    %cond3A = arith.constant 0 : i32
    %cond3A_26 = arith.cmpi ne, %convert_element_type3A, %cond3A : i32
    scf.if %cond3A_26 {
      %mul3A_55 = arith.constant 2560 : i32
      %mul3A_56 = arith.muli %add3A_24, %mul3A_55 : i32
      %dma_wait3A_57 = arith.constant 0 : i32
      %dma_wait3A_58 = arith.constant 0 : i32
      %dma_wait3A_59 = tpu.memref_slice %arg4[%dma_wait3A_57, %dma_wait3A_58] : memref<2x320000xi32, #tpu.memory_space<hbm>> -> memref<2x2560xi32, #tpu.memory_space<hbm>>
      %dma_wait3A_60 = arith.constant 0 : i32
      %dma_wait3A_61 = arith.constant 0 : i32
      %dma_wait3A_62 = tpu.memref_slice %arg4[%dma_wait3A_60, %dma_wait3A_61] : memref<2x320000xi32, #tpu.memory_space<hbm>> -> memref<2x2560xi32, #tpu.memory_space<hbm>>
      tpu.wait_dma2 semaphore(%arg25 : memref<!tpu.dma_semaphore, #tpu.memory_space<semaphore_mem>>) src(%dma_wait3A_62 : memref<2x2560xi32, #tpu.memory_space<hbm>>) dst(%arg13 : memref<2x2560xi32, #tpu.memory_space<vmem>>)
      %dma_wait3A_63 = arith.constant 0 : i32
      %dma_wait3A_64 = tpu.memref_slice %arg5[%dma_wait3A_63] : memref<320000xf32, #tpu.memory_space<hbm>> -> memref<2560xf32, #tpu.memory_space<hbm>>
      %dma_wait3A_65 = arith.constant 0 : i32
      %dma_wait3A_66 = tpu.memref_slice %arg5[%dma_wait3A_65] : memref<320000xf32, #tpu.memory_space<hbm>> -> memref<2560xf32, #tpu.memory_space<hbm>>
      tpu.wait_dma2 semaphore(%arg25 : memref<!tpu.dma_semaphore, #tpu.memory_space<semaphore_mem>>) src(%dma_wait3A_66 : memref<2560xf32, #tpu.memory_space<hbm>>) dst(%arg15 : memref<2560xf32, #tpu.memory_space<vmem>>)
      %dma_wait3A_67 = arith.constant 0 : i32
      %dma_wait3A_68 = tpu.memref_slice %arg6[%dma_wait3A_67] : memref<320000xf32, #tpu.memory_space<hbm>> -> memref<2560xf32, #tpu.memory_space<hbm>>
      %dma_wait3A_69 = arith.constant 0 : i32
      %dma_wait3A_70 = tpu.memref_slice %arg6[%dma_wait3A_69] : memref<320000xf32, #tpu.memory_space<hbm>> -> memref<2560xf32, #tpu.memory_space<hbm>>
      tpu.wait_dma2 semaphore(%arg25 : memref<!tpu.dma_semaphore, #tpu.memory_space<semaphore_mem>>) src(%dma_wait3A_70 : memref<2560xf32, #tpu.memory_space<hbm>>) dst(%arg17 : memref<2560xf32, #tpu.memory_space<vmem>>)
      %dma_wait3A_71 = arith.constant 0 : i32
      %dma_wait3A_72 = tpu.memref_slice %arg7[%dma_wait3A_71] : memref<320000xi32, #tpu.memory_space<hbm>> -> memref<2560xi32, #tpu.memory_space<hbm>>
      %dma_wait3A_73 = arith.constant 0 : i32
      %dma_wait3A_74 = tpu.memref_slice %arg7[%dma_wait3A_73] : memref<320000xi32, #tpu.memory_space<hbm>> -> memref<2560xi32, #tpu.memory_space<hbm>>
      tpu.wait_dma2 semaphore(%arg25 : memref<!tpu.dma_semaphore, #tpu.memory_space<semaphore_mem>>) src(%dma_wait3A_74 : memref<2560xi32, #tpu.memory_space<hbm>>) dst(%arg19 : memref<2560xi32, #tpu.memory_space<vmem>>)
      %add3A_75 = arith.constant 32 : i32
      %add3A_76 = arith.addi %add3A_24, %add3A_75 : i32
      %lt3A_77 = arith.constant 125 : i32
      %lt3A_78 = arith.cmpi slt, %add3A_76, %lt3A_77 : i32
      %convert_element_type3A_79 = arith.extui %lt3A_78 : i1 to i32
      %cond3A_80 = arith.constant 0 : i32
      %cond3A_81 = arith.cmpi ne, %convert_element_type3A_79, %cond3A_80 : i32
      scf.if %cond3A_81 {
        %add3A_87 = arith.constant 32 : i32
        %add3A_88 = arith.addi %add3A_24, %add3A_87 : i32
        %mul3A_89 = arith.constant 2560 : i32
        %mul3A_90 = arith.muli %add3A_88, %mul3A_89 : i32
        %dma_start3A_91 = arith.constant 0 : i32
        %dma_start3A_92 = tpu.memref_slice %arg4[%dma_start3A_91, %mul3A_90] : memref<2x320000xi32, #tpu.memory_space<hbm>> -> memref<2x2560xi32, #tpu.memory_space<hbm>>
        %dma_start3A_93 = arith.constant 0 : i32
        %dma_start3A_94 = tpu.memref_slice %arg4[%dma_start3A_93, %mul3A_90] : memref<2x320000xi32, #tpu.memory_space<hbm>> -> memref<2x2560xi32, #tpu.memory_space<hbm>>
        tpu.enqueue_dma source(%dma_start3A_94 : memref<2x2560xi32, #tpu.memory_space<hbm>>) target(%arg14 : memref<2x2560xi32, #tpu.memory_space<vmem>>) target_semaphore(%arg26 : memref<!tpu.dma_semaphore, #tpu.memory_space<semaphore_mem>>)
        %dma_start3A_95 = tpu.memref_slice %arg5[%mul3A_90] : memref<320000xf32, #tpu.memory_space<hbm>> -> memref<2560xf32, #tpu.memory_space<hbm>>
        %dma_start3A_96 = tpu.memref_slice %arg5[%mul3A_90] : memref<320000xf32, #tpu.memory_space<hbm>> -> memref<2560xf32, #tpu.memory_space<hbm>>
        tpu.enqueue_dma source(%dma_start3A_96 : memref<2560xf32, #tpu.memory_space<hbm>>) target(%arg16 : memref<2560xf32, #tpu.memory_space<vmem>>) target_semaphore(%arg26 : memref<!tpu.dma_semaphore, #tpu.memory_space<semaphore_mem>>)
        %dma_start3A_97 = tpu.memref_slice %arg6[%mul3A_90] : memref<320000xf32, #tpu.memory_space<hbm>> -> memref<2560xf32, #tpu.memory_space<hbm>>
        %dma_start3A_98 = tpu.memref_slice %arg6[%mul3A_90] : memref<320000xf32, #tpu.memory_space<hbm>> -> memref<2560xf32, #tpu.memory_space<hbm>>
        tpu.enqueue_dma source(%dma_start3A_98 : memref<2560xf32, #tpu.memory_space<hbm>>) target(%arg18 : memref<2560xf32, #tpu.memory_space<vmem>>) target_semaphore(%arg26 : memref<!tpu.dma_semaphore, #tpu.memory_space<semaphore_mem>>)
        %dma_start3A_99 = tpu.memref_slice %arg7[%mul3A_90] : memref<320000xi32, #tpu.memory_space<hbm>> -> memref<2560xi32, #tpu.memory_space<hbm>>
        %dma_start3A_100 = tpu.memref_slice %arg7[%mul3A_90] : memref<320000xi32, #tpu.memory_space<hbm>> -> memref<2560xi32, #tpu.memory_space<hbm>>
        tpu.enqueue_dma source(%dma_start3A_100 : memref<2560xi32, #tpu.memory_space<hbm>>) target(%arg20 : memref<2560xi32, #tpu.memory_space<vmem>>) target_semaphore(%arg26 : memref<!tpu.dma_semaphore, #tpu.memory_space<semaphore_mem>>)
      } else {
      }
      %parallel_loop3A_82 = arith.constant 0 : i32
      %parallel_loop3A_83 = arith.constant 160 : i32
      %parallel_loop3A_84 = arith.constant 1 : i32
      scf.for %parallel_loop3A_87 = %parallel_loop3A_82 to %parallel_loop3A_83 step %parallel_loop3A_84  : i32 {
        %parallel_loop3A_88 = arith.constant 16 : i32
        %parallel_loop3A_89 = arith.muli %parallel_loop3A_87, %parallel_loop3A_88 : i32
        %parallel_loop3A_90 = arith.constant 0 : i32
        %parallel_loop3A_91 = arith.index_cast %parallel_loop3A_90 : i32 to index
        %parallel_loop3A_92 = arith.index_cast %parallel_loop3A_89 : i32 to index
        %parallel_loop3A_93 = tpu.vector_load %arg13[%parallel_loop3A_91, %parallel_loop3A_92] {strides = array<i32>} : memref<2x2560xi32, #tpu.memory_space<vmem>>, vector<16xi32>,
        %parallel_loop3A_94 = tpu.vector_load_idx %arg11[%parallel_loop3A_93] : memref<10240xf32, #tpu.memory_space<vmem>>[vector<16xi32>], vector<16xf32>,
        %parallel_loop3A_95 = tpu.vector_load_idx %arg12[%parallel_loop3A_93] : memref<10240xf32, #tpu.memory_space<vmem>>[vector<16xi32>], vector<16xf32>,
        %parallel_loop3A_96 = arith.index_cast %parallel_loop3A_89 : i32 to index
        %parallel_loop3A_97 = tpu.vector_load %arg19[%parallel_loop3A_96] {strides = array<i32>} : memref<2560xi32, #tpu.memory_space<vmem>>, vector<16xi32>,
        %parallel_loop3A_98 = arith.constant 1 : i32
        %parallel_loop3A_99 = vector.broadcast %parallel_loop3A_98 : i32 to vector<16xi32>
        %parallel_loop3A_100 = arith.andi %parallel_loop3A_97, %parallel_loop3A_99 : vector<16xi32>
        %parallel_loop3A_101 = arith.constant 0 : i32
        %parallel_loop3A_102 = vector.broadcast %parallel_loop3A_101 : i32 to vector<16xi32>
        %parallel_loop3A_103 = arith.cmpi eq, %parallel_loop3A_100, %parallel_loop3A_102 : vector<16xi32>
        %parallel_loop3A_104 = arith.index_cast %parallel_loop3A_89 : i32 to index
        %parallel_loop3A_105 = tpu.vector_load %arg15[%parallel_loop3A_104] {strides = array<i32>} : memref<2560xf32, #tpu.memory_space<vmem>>, vector<16xf32>,
        %parallel_loop3A_106 = arith.divf %parallel_loop3A_105, %parallel_loop3A_94 : vector<16xf32>
        %parallel_loop3A_107 = arith.constant 0.000000e+00 : f32
        %parallel_loop3A_108 = vector.broadcast %parallel_loop3A_107 : f32 to vector<16xf32>
        %parallel_loop3A_109 = arith.select %parallel_loop3A_103, %parallel_loop3A_108, %parallel_loop3A_106 : vector<16xi1>, vector<16xf32>
        %parallel_loop3A_110 = arith.constant 2 : i32
        %parallel_loop3A_111 = vector.broadcast %parallel_loop3A_110 : i32 to vector<16xi32>
        %parallel_loop3A_112 = arith.andi %parallel_loop3A_97, %parallel_loop3A_111 : vector<16xi32>
        %parallel_loop3A_113 = arith.constant 0 : i32
        %parallel_loop3A_114 = vector.broadcast %parallel_loop3A_113 : i32 to vector<16xi32>
        %parallel_loop3A_115 = arith.cmpi eq, %parallel_loop3A_112, %parallel_loop3A_114 : vector<16xi32>
        %parallel_loop3A_116 = arith.index_cast %parallel_loop3A_89 : i32 to index
        %parallel_loop3A_117 = tpu.vector_load %arg17[%parallel_loop3A_116] {strides = array<i32>} : memref<2560xf32, #tpu.memory_space<vmem>>, vector<16xf32>,
        %parallel_loop3A_118 = arith.divf %parallel_loop3A_117, %parallel_loop3A_95 : vector<16xf32>
        %parallel_loop3A_119 = arith.constant 0.000000e+00 : f32
        %parallel_loop3A_120 = vector.broadcast %parallel_loop3A_119 : f32 to vector<16xf32>
        %parallel_loop3A_121 = arith.select %parallel_loop3A_115, %parallel_loop3A_120, %parallel_loop3A_118 : vector<16xi1>, vector<16xf32>
        %parallel_loop3A_122 = arith.addf %parallel_loop3A_109, %parallel_loop3A_121 : vector<16xf32>
        %parallel_loop3A_123 = arith.index_cast %parallel_loop3A_89 : i32 to index
        %parallel_loop3A_124 = tpu.vector_load %arg21[%parallel_loop3A_123] {strides = array<i32>} : memref<2560xf32, #tpu.memory_space<vmem>>, vector<16xf32>,
        tpu.vector_store %arg21[%parallel_loop3A_123], %parallel_loop3A_122 {strides = array<i32>} : memref<2560xf32, #tpu.memory_space<vmem>>, vector<16xf32>,
      } {sc.loop_unroll_factor = 8 : i64, sc.parallel_access}
      %dma_start3A_85 = tpu.memref_slice %arg8[%mul3A_56] : memref<320000xf32, #tpu.memory_space<hbm>> -> memref<2560xf32, #tpu.memory_space<hbm>>
      %dma_start3A_86 = tpu.memref_slice %arg8[%mul3A_56] : memref<320000xf32, #tpu.memory_space<hbm>> -> memref<2560xf32, #tpu.memory_space<hbm>>
      tpu.enqueue_dma source(%arg21 : memref<2560xf32, #tpu.memory_space<vmem>>) target(%dma_start3A_86 : memref<2560xf32, #tpu.memory_space<hbm>>) target_semaphore(%arg27 : memref<!tpu.dma_semaphore, #tpu.memory_space<semaphore_mem>>)
    } else {
    }
    %add3A_27 = arith.constant 32 : i32
    %add3A_28 = arith.addi %add3A, %add3A_27 : i32
    %lt3A_29 = arith.constant 125 : i32
    %lt3A_30 = arith.cmpi slt, %add3A_28, %lt3A_29 : i32
    %convert_element_type3A_31 = arith.extui %lt3A_30 : i1 to i32
    %cond3A_32 = arith.constant 0 : i32
    %cond3A_33 = arith.cmpi ne, %convert_element_type3A_31, %cond3A_32 : i32
    scf.if %cond3A_33 {
      %mul3A_55 = arith.constant 2560 : i32
      %mul3A_56 = arith.muli %add3A_28, %mul3A_55 : i32
      %dma_wait3A_57 = arith.constant 0 : i32
      %dma_wait3A_58 = arith.constant 0 : i32
      %dma_wait3A_59 = tpu.memref_slice %arg4[%dma_wait3A_57, %dma_wait3A_58] : memref<2x320000xi32, #tpu.memory_space<hbm>> -> memref<2x2560xi32, #tpu.memory_space<hbm>>
      %dma_wait3A_60 = arith.constant 0 : i32
      %dma_wait3A_61 = arith.constant 0 : i32
      %dma_wait3A_62 = tpu.memref_slice %arg4[%dma_wait3A_60, %dma_wait3A_61] : memref<2x320000xi32, #tpu.memory_space<hbm>> -> memref<2x2560xi32, #tpu.memory_space<hbm>>
      tpu.wait_dma2 semaphore(%arg26 : memref<!tpu.dma_semaphore, #tpu.memory_space<semaphore_mem>>) src(%dma_wait3A_62 : memref<2x2560xi32, #tpu.memory_space<hbm>>) dst(%arg14 : memref<2x2560xi32, #tpu.memory_space<vmem>>)
      %dma_wait3A_63 = arith.constant 0 : i32
      %dma_wait3A_64 = tpu.memref_slice %arg5[%dma_wait3A_63] : memref<320000xf32, #tpu.memory_space<hbm>> -> memref<2560xf32, #tpu.memory_space<hbm>>
      %dma_wait3A_65 = arith.constant 0 : i32
      %dma_wait3A_66 = tpu.memref_slice %arg5[%dma_wait3A_65] : memref<320000xf32, #tpu.memory_space<hbm>> -> memref<2560xf32, #tpu.memory_space<hbm>>
      tpu.wait_dma2 semaphore(%arg26 : memref<!tpu.dma_semaphore, #tpu.memory_space<semaphore_mem>>) src(%dma_wait3A_66 : memref<2560xf32, #tpu.memory_space<hbm>>) dst(%arg16 : memref<2560xf32, #tpu.memory_space<vmem>>)
      %dma_wait3A_67 = arith.constant 0 : i32
      %dma_wait3A_68 = tpu.memref_slice %arg6[%dma_wait3A_67] : memref<320000xf32, #tpu.memory_space<hbm>> -> memref<2560xf32, #tpu.memory_space<hbm>>
      %dma_wait3A_69 = arith.constant 0 : i32
      %dma_wait3A_70 = tpu.memref_slice %arg6[%dma_wait3A_69] : memref<320000xf32, #tpu.memory_space<hbm>> -> memref<2560xf32, #tpu.memory_space<hbm>>
      tpu.wait_dma2 semaphore(%arg26 : memref<!tpu.dma_semaphore, #tpu.memory_space<semaphore_mem>>) src(%dma_wait3A_70 : memref<2560xf32, #tpu.memory_space<hbm>>) dst(%arg18 : memref<2560xf32, #tpu.memory_space<vmem>>)
      %dma_wait3A_71 = arith.constant 0 : i32
      %dma_wait3A_72 = tpu.memref_slice %arg7[%dma_wait3A_71] : memref<320000xi32, #tpu.memory_space<hbm>> -> memref<2560xi32, #tpu.memory_space<hbm>>
      %dma_wait3A_73 = arith.constant 0 : i32
      %dma_wait3A_74 = tpu.memref_slice %arg7[%dma_wait3A_73] : memref<320000xi32, #tpu.memory_space<hbm>> -> memref<2560xi32, #tpu.memory_space<hbm>>
      tpu.wait_dma2 semaphore(%arg26 : memref<!tpu.dma_semaphore, #tpu.memory_space<semaphore_mem>>) src(%dma_wait3A_74 : memref<2560xi32, #tpu.memory_space<hbm>>) dst(%arg20 : memref<2560xi32, #tpu.memory_space<vmem>>)
      %add3A_75 = arith.constant 32 : i32
      %add3A_76 = arith.addi %add3A_28, %add3A_75 : i32
      %lt3A_77 = arith.constant 125 : i32
      %lt3A_78 = arith.cmpi slt, %add3A_76, %lt3A_77 : i32
      %convert_element_type3A_79 = arith.extui %lt3A_78 : i1 to i32
      %cond3A_80 = arith.constant 0 : i32
      %cond3A_81 = arith.cmpi ne, %convert_element_type3A_79, %cond3A_80 : i32
      scf.if %cond3A_81 {
        %add3A_87 = arith.constant 32 : i32
        %add3A_88 = arith.addi %add3A_28, %add3A_87 : i32
        %mul3A_89 = arith.constant 2560 : i32
        %mul3A_90 = arith.muli %add3A_88, %mul3A_89 : i32
        %dma_start3A_91 = arith.constant 0 : i32
        %dma_start3A_92 = tpu.memref_slice %arg4[%dma_start3A_91, %mul3A_90] : memref<2x320000xi32, #tpu.memory_space<hbm>> -> memref<2x2560xi32, #tpu.memory_space<hbm>>
        %dma_start3A_93 = arith.constant 0 : i32
        %dma_start3A_94 = tpu.memref_slice %arg4[%dma_start3A_93, %mul3A_90] : memref<2x320000xi32, #tpu.memory_space<hbm>> -> memref<2x2560xi32, #tpu.memory_space<hbm>>
        tpu.enqueue_dma source(%dma_start3A_94 : memref<2x2560xi32, #tpu.memory_space<hbm>>) target(%arg13 : memref<2x2560xi32, #tpu.memory_space<vmem>>) target_semaphore(%arg25 : memref<!tpu.dma_semaphore, #tpu.memory_space<semaphore_mem>>)
        %dma_start3A_95 = tpu.memref_slice %arg5[%mul3A_90] : memref<320000xf32, #tpu.memory_space<hbm>> -> memref<2560xf32, #tpu.memory_space<hbm>>
        %dma_start3A_96 = tpu.memref_slice %arg5[%mul3A_90] : memref<320000xf32, #tpu.memory_space<hbm>> -> memref<2560xf32, #tpu.memory_space<hbm>>
        tpu.enqueue_dma source(%dma_start3A_96 : memref<2560xf32, #tpu.memory_space<hbm>>) target(%arg15 : memref<2560xf32, #tpu.memory_space<vmem>>) target_semaphore(%arg25 : memref<!tpu.dma_semaphore, #tpu.memory_space<semaphore_mem>>)
        %dma_start3A_97 = tpu.memref_slice %arg6[%mul3A_90] : memref<320000xf32, #tpu.memory_space<hbm>> -> memref<2560xf32, #tpu.memory_space<hbm>>
        %dma_start3A_98 = tpu.memref_slice %arg6[%mul3A_90] : memref<320000xf32, #tpu.memory_space<hbm>> -> memref<2560xf32, #tpu.memory_space<hbm>>
        tpu.enqueue_dma source(%dma_start3A_98 : memref<2560xf32, #tpu.memory_space<hbm>>) target(%arg17 : memref<2560xf32, #tpu.memory_space<vmem>>) target_semaphore(%arg25 : memref<!tpu.dma_semaphore, #tpu.memory_space<semaphore_mem>>)
        %dma_start3A_99 = tpu.memref_slice %arg7[%mul3A_90] : memref<320000xi32, #tpu.memory_space<hbm>> -> memref<2560xi32, #tpu.memory_space<hbm>>
        %dma_start3A_100 = tpu.memref_slice %arg7[%mul3A_90] : memref<320000xi32, #tpu.memory_space<hbm>> -> memref<2560xi32, #tpu.memory_space<hbm>>
        tpu.enqueue_dma source(%dma_start3A_100 : memref<2560xi32, #tpu.memory_space<hbm>>) target(%arg19 : memref<2560xi32, #tpu.memory_space<vmem>>) target_semaphore(%arg25 : memref<!tpu.dma_semaphore, #tpu.memory_space<semaphore_mem>>)
      } else {
      }
      %parallel_loop3A_82 = arith.constant 0 : i32
      %parallel_loop3A_83 = arith.constant 160 : i32
      %parallel_loop3A_84 = arith.constant 1 : i32
      scf.for %parallel_loop3A_87 = %parallel_loop3A_82 to %parallel_loop3A_83 step %parallel_loop3A_84  : i32 {
        %parallel_loop3A_88 = arith.constant 16 : i32
        %parallel_loop3A_89 = arith.muli %parallel_loop3A_87, %parallel_loop3A_88 : i32
        %parallel_loop3A_90 = arith.constant 0 : i32
        %parallel_loop3A_91 = arith.index_cast %parallel_loop3A_90 : i32 to index
        %parallel_loop3A_92 = arith.index_cast %parallel_loop3A_89 : i32 to index
        %parallel_loop3A_93 = tpu.vector_load %arg14[%parallel_loop3A_91, %parallel_loop3A_92] {strides = array<i32>} : memref<2x2560xi32, #tpu.memory_space<vmem>>, vector<16xi32>,
        %parallel_loop3A_94 = tpu.vector_load_idx %arg11[%parallel_loop3A_93] : memref<10240xf32, #tpu.memory_space<vmem>>[vector<16xi32>], vector<16xf32>,
        %parallel_loop3A_95 = tpu.vector_load_idx %arg12[%parallel_loop3A_93] : memref<10240xf32, #tpu.memory_space<vmem>>[vector<16xi32>], vector<16xf32>,
        %parallel_loop3A_96 = arith.index_cast %parallel_loop3A_89 : i32 to index
        %parallel_loop3A_97 = tpu.vector_load %arg20[%parallel_loop3A_96] {strides = array<i32>} : memref<2560xi32, #tpu.memory_space<vmem>>, vector<16xi32>,
        %parallel_loop3A_98 = arith.constant 1 : i32
        %parallel_loop3A_99 = vector.broadcast %parallel_loop3A_98 : i32 to vector<16xi32>
        %parallel_loop3A_100 = arith.andi %parallel_loop3A_97, %parallel_loop3A_99 : vector<16xi32>
        %parallel_loop3A_101 = arith.constant 0 : i32
        %parallel_loop3A_102 = vector.broadcast %parallel_loop3A_101 : i32 to vector<16xi32>
        %parallel_loop3A_103 = arith.cmpi eq, %parallel_loop3A_100, %parallel_loop3A_102 : vector<16xi32>
        %parallel_loop3A_104 = arith.index_cast %parallel_loop3A_89 : i32 to index
        %parallel_loop3A_105 = tpu.vector_load %arg16[%parallel_loop3A_104] {strides = array<i32>} : memref<2560xf32, #tpu.memory_space<vmem>>, vector<16xf32>,
        %parallel_loop3A_106 = arith.divf %parallel_loop3A_105, %parallel_loop3A_94 : vector<16xf32>
        %parallel_loop3A_107 = arith.constant 0.000000e+00 : f32
        %parallel_loop3A_108 = vector.broadcast %parallel_loop3A_107 : f32 to vector<16xf32>
        %parallel_loop3A_109 = arith.select %parallel_loop3A_103, %parallel_loop3A_108, %parallel_loop3A_106 : vector<16xi1>, vector<16xf32>
        %parallel_loop3A_110 = arith.constant 2 : i32
        %parallel_loop3A_111 = vector.broadcast %parallel_loop3A_110 : i32 to vector<16xi32>
        %parallel_loop3A_112 = arith.andi %parallel_loop3A_97, %parallel_loop3A_111 : vector<16xi32>
        %parallel_loop3A_113 = arith.constant 0 : i32
        %parallel_loop3A_114 = vector.broadcast %parallel_loop3A_113 : i32 to vector<16xi32>
        %parallel_loop3A_115 = arith.cmpi eq, %parallel_loop3A_112, %parallel_loop3A_114 : vector<16xi32>
        %parallel_loop3A_116 = arith.index_cast %parallel_loop3A_89 : i32 to index
        %parallel_loop3A_117 = tpu.vector_load %arg18[%parallel_loop3A_116] {strides = array<i32>} : memref<2560xf32, #tpu.memory_space<vmem>>, vector<16xf32>,
        %parallel_loop3A_118 = arith.divf %parallel_loop3A_117, %parallel_loop3A_95 : vector<16xf32>
        %parallel_loop3A_119 = arith.constant 0.000000e+00 : f32
        %parallel_loop3A_120 = vector.broadcast %parallel_loop3A_119 : f32 to vector<16xf32>
        %parallel_loop3A_121 = arith.select %parallel_loop3A_115, %parallel_loop3A_120, %parallel_loop3A_118 : vector<16xi1>, vector<16xf32>
        %parallel_loop3A_122 = arith.addf %parallel_loop3A_109, %parallel_loop3A_121 : vector<16xf32>
        %parallel_loop3A_123 = arith.index_cast %parallel_loop3A_89 : i32 to index
        %parallel_loop3A_124 = tpu.vector_load %arg22[%parallel_loop3A_123] {strides = array<i32>} : memref<2560xf32, #tpu.memory_space<vmem>>, vector<16xf32>,
        tpu.vector_store %arg22[%parallel_loop3A_123], %parallel_loop3A_122 {strides = array<i32>} : memref<2560xf32, #tpu.memory_space<vmem>>, vector<16xf32>,
      } {sc.loop_unroll_factor = 8 : i64, sc.parallel_access}
      %dma_start3A_85 = tpu.memref_slice %arg8[%mul3A_56] : memref<320000xf32, #tpu.memory_space<hbm>> -> memref<2560xf32, #tpu.memory_space<hbm>>
      %dma_start3A_86 = tpu.memref_slice %arg8[%mul3A_56] : memref<320000xf32, #tpu.memory_space<hbm>> -> memref<2560xf32, #tpu.memory_space<hbm>>
      tpu.enqueue_dma source(%arg22 : memref<2560xf32, #tpu.memory_space<vmem>>) target(%dma_start3A_86 : memref<2560xf32, #tpu.memory_space<hbm>>) target_semaphore(%arg28 : memref<!tpu.dma_semaphore, #tpu.memory_space<semaphore_mem>>)
    } else {
    }
    %add3A_34 = arith.constant 64 : i32
    %add3A_35 = arith.addi %add3A, %add3A_34 : i32
    %lt3A_36 = arith.constant 125 : i32
    %lt3A_37 = arith.cmpi slt, %add3A_35, %lt3A_36 : i32
    %convert_element_type3A_38 = arith.extui %lt3A_37 : i1 to i32
    %cond3A_39 = arith.constant 0 : i32
    %cond3A_40 = arith.cmpi ne, %convert_element_type3A_38, %cond3A_39 : i32
    scf.if %cond3A_40 {
      %mul3A_55 = arith.constant 2560 : i32
      %mul3A_56 = arith.muli %add3A_35, %mul3A_55 : i32
      %dma_wait3A_57 = arith.constant 0 : i32
      %dma_wait3A_58 = arith.constant 0 : i32
      %dma_wait3A_59 = tpu.memref_slice %arg4[%dma_wait3A_57, %dma_wait3A_58] : memref<2x320000xi32, #tpu.memory_space<hbm>> -> memref<2x2560xi32, #tpu.memory_space<hbm>>
      %dma_wait3A_60 = arith.constant 0 : i32
      %dma_wait3A_61 = arith.constant 0 : i32
      %dma_wait3A_62 = tpu.memref_slice %arg4[%dma_wait3A_60, %dma_wait3A_61] : memref<2x320000xi32, #tpu.memory_space<hbm>> -> memref<2x2560xi32, #tpu.memory_space<hbm>>
      tpu.wait_dma2 semaphore(%arg25 : memref<!tpu.dma_semaphore, #tpu.memory_space<semaphore_mem>>) src(%dma_wait3A_62 : memref<2x2560xi32, #tpu.memory_space<hbm>>) dst(%arg13 : memref<2x2560xi32, #tpu.memory_space<vmem>>)
      %dma_wait3A_63 = arith.constant 0 : i32
      %dma_wait3A_64 = tpu.memref_slice %arg5[%dma_wait3A_63] : memref<320000xf32, #tpu.memory_space<hbm>> -> memref<2560xf32, #tpu.memory_space<hbm>>
      %dma_wait3A_65 = arith.constant 0 : i32
      %dma_wait3A_66 = tpu.memref_slice %arg5[%dma_wait3A_65] : memref<320000xf32, #tpu.memory_space<hbm>> -> memref<2560xf32, #tpu.memory_space<hbm>>
      tpu.wait_dma2 semaphore(%arg25 : memref<!tpu.dma_semaphore, #tpu.memory_space<semaphore_mem>>) src(%dma_wait3A_66 : memref<2560xf32, #tpu.memory_space<hbm>>) dst(%arg15 : memref<2560xf32, #tpu.memory_space<vmem>>)
      %dma_wait3A_67 = arith.constant 0 : i32
      %dma_wait3A_68 = tpu.memref_slice %arg6[%dma_wait3A_67] : memref<320000xf32, #tpu.memory_space<hbm>> -> memref<2560xf32, #tpu.memory_space<hbm>>
      %dma_wait3A_69 = arith.constant 0 : i32
      %dma_wait3A_70 = tpu.memref_slice %arg6[%dma_wait3A_69] : memref<320000xf32, #tpu.memory_space<hbm>> -> memref<2560xf32, #tpu.memory_space<hbm>>
      tpu.wait_dma2 semaphore(%arg25 : memref<!tpu.dma_semaphore, #tpu.memory_space<semaphore_mem>>) src(%dma_wait3A_70 : memref<2560xf32, #tpu.memory_space<hbm>>) dst(%arg17 : memref<2560xf32, #tpu.memory_space<vmem>>)
      %dma_wait3A_71 = arith.constant 0 : i32
      %dma_wait3A_72 = tpu.memref_slice %arg7[%dma_wait3A_71] : memref<320000xi32, #tpu.memory_space<hbm>> -> memref<2560xi32, #tpu.memory_space<hbm>>
      %dma_wait3A_73 = arith.constant 0 : i32
      %dma_wait3A_74 = tpu.memref_slice %arg7[%dma_wait3A_73] : memref<320000xi32, #tpu.memory_space<hbm>> -> memref<2560xi32, #tpu.memory_space<hbm>>
      tpu.wait_dma2 semaphore(%arg25 : memref<!tpu.dma_semaphore, #tpu.memory_space<semaphore_mem>>) src(%dma_wait3A_74 : memref<2560xi32, #tpu.memory_space<hbm>>) dst(%arg19 : memref<2560xi32, #tpu.memory_space<vmem>>)
      %sub3A = arith.constant 64 : i32
      %sub3A_75 = arith.subi %add3A_35, %sub3A : i32
      %ge3A = arith.constant 0 : i32
      %ge3A_76 = arith.cmpi sge, %sub3A_75, %ge3A : i32
      %convert_element_type3A_77 = arith.extui %ge3A_76 : i1 to i32
      %cond3A_78 = arith.constant 0 : i32
      %cond3A_79 = arith.cmpi ne, %convert_element_type3A_77, %cond3A_78 : i32
      scf.if %cond3A_79 {
        %dma_wait3A_92 = arith.constant 0 : i32
        %dma_wait3A_93 = tpu.memref_slice %arg8[%dma_wait3A_92] : memref<320000xf32, #tpu.memory_space<hbm>> -> memref<2560xf32, #tpu.memory_space<hbm>>
        %dma_wait3A_94 = arith.constant 0 : i32
        %dma_wait3A_95 = tpu.memref_slice %arg8[%dma_wait3A_94] : memref<320000xf32, #tpu.memory_space<hbm>> -> memref<2560xf32, #tpu.memory_space<hbm>>
        tpu.wait_dma2 semaphore(%arg27 : memref<!tpu.dma_semaphore, #tpu.memory_space<semaphore_mem>>) src(%arg21 : memref<2560xf32, #tpu.memory_space<vmem>>) dst(%dma_wait3A_95 : memref<2560xf32, #tpu.memory_space<hbm>>)
      } else {
      }
      %add3A_80 = arith.constant 32 : i32
      %add3A_81 = arith.addi %add3A_35, %add3A_80 : i32
      %lt3A_82 = arith.constant 125 : i32
      %lt3A_83 = arith.cmpi slt, %add3A_81, %lt3A_82 : i32
      %convert_element_type3A_84 = arith.extui %lt3A_83 : i1 to i32
      %cond3A_85 = arith.constant 0 : i32
      %cond3A_86 = arith.cmpi ne, %convert_element_type3A_84, %cond3A_85 : i32
      scf.if %cond3A_86 {
        %add3A_92 = arith.constant 32 : i32
        %add3A_93 = arith.addi %add3A_35, %add3A_92 : i32
        %mul3A_94 = arith.constant 2560 : i32
        %mul3A_95 = arith.muli %add3A_93, %mul3A_94 : i32
        %dma_start3A_96 = arith.constant 0 : i32
        %dma_start3A_97 = tpu.memref_slice %arg4[%dma_start3A_96, %mul3A_95] : memref<2x320000xi32, #tpu.memory_space<hbm>> -> memref<2x2560xi32, #tpu.memory_space<hbm>>
        %dma_start3A_98 = arith.constant 0 : i32
        %dma_start3A_99 = tpu.memref_slice %arg4[%dma_start3A_98, %mul3A_95] : memref<2x320000xi32, #tpu.memory_space<hbm>> -> memref<2x2560xi32, #tpu.memory_space<hbm>>
        tpu.enqueue_dma source(%dma_start3A_99 : memref<2x2560xi32, #tpu.memory_space<hbm>>) target(%arg14 : memref<2x2560xi32, #tpu.memory_space<vmem>>) target_semaphore(%arg26 : memref<!tpu.dma_semaphore, #tpu.memory_space<semaphore_mem>>)
        %dma_start3A_100 = tpu.memref_slice %arg5[%mul3A_95] : memref<320000xf32, #tpu.memory_space<hbm>> -> memref<2560xf32, #tpu.memory_space<hbm>>
        %dma_start3A_101 = tpu.memref_slice %arg5[%mul3A_95] : memref<320000xf32, #tpu.memory_space<hbm>> -> memref<2560xf32, #tpu.memory_space<hbm>>
        tpu.enqueue_dma source(%dma_start3A_101 : memref<2560xf32, #tpu.memory_space<hbm>>) target(%arg16 : memref<2560xf32, #tpu.memory_space<vmem>>) target_semaphore(%arg26 : memref<!tpu.dma_semaphore, #tpu.memory_space<semaphore_mem>>)
        %dma_start3A_102 = tpu.memref_slice %arg6[%mul3A_95] : memref<320000xf32, #tpu.memory_space<hbm>> -> memref<2560xf32, #tpu.memory_space<hbm>>
        %dma_start3A_103 = tpu.memref_slice %arg6[%mul3A_95] : memref<320000xf32, #tpu.memory_space<hbm>> -> memref<2560xf32, #tpu.memory_space<hbm>>
        tpu.enqueue_dma source(%dma_start3A_103 : memref<2560xf32, #tpu.memory_space<hbm>>) target(%arg18 : memref<2560xf32, #tpu.memory_space<vmem>>) target_semaphore(%arg26 : memref<!tpu.dma_semaphore, #tpu.memory_space<semaphore_mem>>)
        %dma_start3A_104 = tpu.memref_slice %arg7[%mul3A_95] : memref<320000xi32, #tpu.memory_space<hbm>> -> memref<2560xi32, #tpu.memory_space<hbm>>
        %dma_start3A_105 = tpu.memref_slice %arg7[%mul3A_95] : memref<320000xi32, #tpu.memory_space<hbm>> -> memref<2560xi32, #tpu.memory_space<hbm>>
        tpu.enqueue_dma source(%dma_start3A_105 : memref<2560xi32, #tpu.memory_space<hbm>>) target(%arg20 : memref<2560xi32, #tpu.memory_space<vmem>>) target_semaphore(%arg26 : memref<!tpu.dma_semaphore, #tpu.memory_space<semaphore_mem>>)
      } else {
      }
      %parallel_loop3A_87 = arith.constant 0 : i32
      %parallel_loop3A_88 = arith.constant 160 : i32
      %parallel_loop3A_89 = arith.constant 1 : i32
      scf.for %parallel_loop3A_92 = %parallel_loop3A_87 to %parallel_loop3A_88 step %parallel_loop3A_89  : i32 {
        %parallel_loop3A_93 = arith.constant 16 : i32
        %parallel_loop3A_94 = arith.muli %parallel_loop3A_92, %parallel_loop3A_93 : i32
        %parallel_loop3A_95 = arith.constant 0 : i32
        %parallel_loop3A_96 = arith.index_cast %parallel_loop3A_95 : i32 to index
        %parallel_loop3A_97 = arith.index_cast %parallel_loop3A_94 : i32 to index
        %parallel_loop3A_98 = tpu.vector_load %arg13[%parallel_loop3A_96, %parallel_loop3A_97] {strides = array<i32>} : memref<2x2560xi32, #tpu.memory_space<vmem>>, vector<16xi32>,
        %parallel_loop3A_99 = tpu.vector_load_idx %arg11[%parallel_loop3A_98] : memref<10240xf32, #tpu.memory_space<vmem>>[vector<16xi32>], vector<16xf32>,
        %parallel_loop3A_100 = tpu.vector_load_idx %arg12[%parallel_loop3A_98] : memref<10240xf32, #tpu.memory_space<vmem>>[vector<16xi32>], vector<16xf32>,
        %parallel_loop3A_101 = arith.index_cast %parallel_loop3A_94 : i32 to index
        %parallel_loop3A_102 = tpu.vector_load %arg19[%parallel_loop3A_101] {strides = array<i32>} : memref<2560xi32, #tpu.memory_space<vmem>>, vector<16xi32>,
        %parallel_loop3A_103 = arith.constant 1 : i32
        %parallel_loop3A_104 = vector.broadcast %parallel_loop3A_103 : i32 to vector<16xi32>
        %parallel_loop3A_105 = arith.andi %parallel_loop3A_102, %parallel_loop3A_104 : vector<16xi32>
        %parallel_loop3A_106 = arith.constant 0 : i32
        %parallel_loop3A_107 = vector.broadcast %parallel_loop3A_106 : i32 to vector<16xi32>
        %parallel_loop3A_108 = arith.cmpi eq, %parallel_loop3A_105, %parallel_loop3A_107 : vector<16xi32>
        %parallel_loop3A_109 = arith.index_cast %parallel_loop3A_94 : i32 to index
        %parallel_loop3A_110 = tpu.vector_load %arg15[%parallel_loop3A_109] {strides = array<i32>} : memref<2560xf32, #tpu.memory_space<vmem>>, vector<16xf32>,
        %parallel_loop3A_111 = arith.divf %parallel_loop3A_110, %parallel_loop3A_99 : vector<16xf32>
        %parallel_loop3A_112 = arith.constant 0.000000e+00 : f32
        %parallel_loop3A_113 = vector.broadcast %parallel_loop3A_112 : f32 to vector<16xf32>
        %parallel_loop3A_114 = arith.select %parallel_loop3A_108, %parallel_loop3A_113, %parallel_loop3A_111 : vector<16xi1>, vector<16xf32>
        %parallel_loop3A_115 = arith.constant 2 : i32
        %parallel_loop3A_116 = vector.broadcast %parallel_loop3A_115 : i32 to vector<16xi32>
        %parallel_loop3A_117 = arith.andi %parallel_loop3A_102, %parallel_loop3A_116 : vector<16xi32>
        %parallel_loop3A_118 = arith.constant 0 : i32
        %parallel_loop3A_119 = vector.broadcast %parallel_loop3A_118 : i32 to vector<16xi32>
        %parallel_loop3A_120 = arith.cmpi eq, %parallel_loop3A_117, %parallel_loop3A_119 : vector<16xi32>
        %parallel_loop3A_121 = arith.index_cast %parallel_loop3A_94 : i32 to index
        %parallel_loop3A_122 = tpu.vector_load %arg17[%parallel_loop3A_121] {strides = array<i32>} : memref<2560xf32, #tpu.memory_space<vmem>>, vector<16xf32>,
        %parallel_loop3A_123 = arith.divf %parallel_loop3A_122, %parallel_loop3A_100 : vector<16xf32>
        %parallel_loop3A_124 = arith.constant 0.000000e+00 : f32
        %parallel_loop3A_125 = vector.broadcast %parallel_loop3A_124 : f32 to vector<16xf32>
        %parallel_loop3A_126 = arith.select %parallel_loop3A_120, %parallel_loop3A_125, %parallel_loop3A_123 : vector<16xi1>, vector<16xf32>
        %parallel_loop3A_127 = arith.addf %parallel_loop3A_114, %parallel_loop3A_126 : vector<16xf32>
        %parallel_loop3A_128 = arith.index_cast %parallel_loop3A_94 : i32 to index
        %parallel_loop3A_129 = tpu.vector_load %arg21[%parallel_loop3A_128] {strides = array<i32>} : memref<2560xf32, #tpu.memory_space<vmem>>, vector<16xf32>,
        tpu.vector_store %arg21[%parallel_loop3A_128], %parallel_loop3A_127 {strides = array<i32>} : memref<2560xf32, #tpu.memory_space<vmem>>, vector<16xf32>,
      } {sc.loop_unroll_factor = 8 : i64, sc.parallel_access}
      %dma_start3A_90 = tpu.memref_slice %arg8[%mul3A_56] : memref<320000xf32, #tpu.memory_space<hbm>> -> memref<2560xf32, #tpu.memory_space<hbm>>
      %dma_start3A_91 = tpu.memref_slice %arg8[%mul3A_56] : memref<320000xf32, #tpu.memory_space<hbm>> -> memref<2560xf32, #tpu.memory_space<hbm>>
      tpu.enqueue_dma source(%arg21 : memref<2560xf32, #tpu.memory_space<vmem>>) target(%dma_start3A_91 : memref<2560xf32, #tpu.memory_space<hbm>>) target_semaphore(%arg27 : memref<!tpu.dma_semaphore, #tpu.memory_space<semaphore_mem>>)
    } else {
    }
    %add3A_41 = arith.constant 96 : i32
    %add3A_42 = arith.addi %add3A, %add3A_41 : i32
    %lt3A_43 = arith.constant 125 : i32
    %lt3A_44 = arith.cmpi slt, %add3A_42, %lt3A_43 : i32
    %convert_element_type3A_45 = arith.extui %lt3A_44 : i1 to i32
    %cond3A_46 = arith.constant 0 : i32
    %cond3A_47 = arith.cmpi ne, %convert_element_type3A_45, %cond3A_46 : i32
    scf.if %cond3A_47 {
      %mul3A_55 = arith.constant 2560 : i32
      %mul3A_56 = arith.muli %add3A_42, %mul3A_55 : i32
      %dma_wait3A_57 = arith.constant 0 : i32
      %dma_wait3A_58 = arith.constant 0 : i32
      %dma_wait3A_59 = tpu.memref_slice %arg4[%dma_wait3A_57, %dma_wait3A_58] : memref<2x320000xi32, #tpu.memory_space<hbm>> -> memref<2x2560xi32, #tpu.memory_space<hbm>>
      %dma_wait3A_60 = arith.constant 0 : i32
      %dma_wait3A_61 = arith.constant 0 : i32
      %dma_wait3A_62 = tpu.memref_slice %arg4[%dma_wait3A_60, %dma_wait3A_61] : memref<2x320000xi32, #tpu.memory_space<hbm>> -> memref<2x2560xi32, #tpu.memory_space<hbm>>
      tpu.wait_dma2 semaphore(%arg26 : memref<!tpu.dma_semaphore, #tpu.memory_space<semaphore_mem>>) src(%dma_wait3A_62 : memref<2x2560xi32, #tpu.memory_space<hbm>>) dst(%arg14 : memref<2x2560xi32, #tpu.memory_space<vmem>>)
      %dma_wait3A_63 = arith.constant 0 : i32
      %dma_wait3A_64 = tpu.memref_slice %arg5[%dma_wait3A_63] : memref<320000xf32, #tpu.memory_space<hbm>> -> memref<2560xf32, #tpu.memory_space<hbm>>
      %dma_wait3A_65 = arith.constant 0 : i32
      %dma_wait3A_66 = tpu.memref_slice %arg5[%dma_wait3A_65] : memref<320000xf32, #tpu.memory_space<hbm>> -> memref<2560xf32, #tpu.memory_space<hbm>>
      tpu.wait_dma2 semaphore(%arg26 : memref<!tpu.dma_semaphore, #tpu.memory_space<semaphore_mem>>) src(%dma_wait3A_66 : memref<2560xf32, #tpu.memory_space<hbm>>) dst(%arg16 : memref<2560xf32, #tpu.memory_space<vmem>>)
      %dma_wait3A_67 = arith.constant 0 : i32
      %dma_wait3A_68 = tpu.memref_slice %arg6[%dma_wait3A_67] : memref<320000xf32, #tpu.memory_space<hbm>> -> memref<2560xf32, #tpu.memory_space<hbm>>
      %dma_wait3A_69 = arith.constant 0 : i32
      %dma_wait3A_70 = tpu.memref_slice %arg6[%dma_wait3A_69] : memref<320000xf32, #tpu.memory_space<hbm>> -> memref<2560xf32, #tpu.memory_space<hbm>>
      tpu.wait_dma2 semaphore(%arg26 : memref<!tpu.dma_semaphore, #tpu.memory_space<semaphore_mem>>) src(%dma_wait3A_70 : memref<2560xf32, #tpu.memory_space<hbm>>) dst(%arg18 : memref<2560xf32, #tpu.memory_space<vmem>>)
      %dma_wait3A_71 = arith.constant 0 : i32
      %dma_wait3A_72 = tpu.memref_slice %arg7[%dma_wait3A_71] : memref<320000xi32, #tpu.memory_space<hbm>> -> memref<2560xi32, #tpu.memory_space<hbm>>
      %dma_wait3A_73 = arith.constant 0 : i32
      %dma_wait3A_74 = tpu.memref_slice %arg7[%dma_wait3A_73] : memref<320000xi32, #tpu.memory_space<hbm>> -> memref<2560xi32, #tpu.memory_space<hbm>>
      tpu.wait_dma2 semaphore(%arg26 : memref<!tpu.dma_semaphore, #tpu.memory_space<semaphore_mem>>) src(%dma_wait3A_74 : memref<2560xi32, #tpu.memory_space<hbm>>) dst(%arg20 : memref<2560xi32, #tpu.memory_space<vmem>>)
      %sub3A = arith.constant 64 : i32
      %sub3A_75 = arith.subi %add3A_42, %sub3A : i32
      %ge3A = arith.constant 0 : i32
      %ge3A_76 = arith.cmpi sge, %sub3A_75, %ge3A : i32
      %convert_element_type3A_77 = arith.extui %ge3A_76 : i1 to i32
      %cond3A_78 = arith.constant 0 : i32
      %cond3A_79 = arith.cmpi ne, %convert_element_type3A_77, %cond3A_78 : i32
      scf.if %cond3A_79 {
        %dma_wait3A_85 = arith.constant 0 : i32
        %dma_wait3A_86 = tpu.memref_slice %arg8[%dma_wait3A_85] : memref<320000xf32, #tpu.memory_space<hbm>> -> memref<2560xf32, #tpu.memory_space<hbm>>
        %dma_wait3A_87 = arith.constant 0 : i32
        %dma_wait3A_88 = tpu.memref_slice %arg8[%dma_wait3A_87] : memref<320000xf32, #tpu.memory_space<hbm>> -> memref<2560xf32, #tpu.memory_space<hbm>>
        tpu.wait_dma2 semaphore(%arg28 : memref<!tpu.dma_semaphore, #tpu.memory_space<semaphore_mem>>) src(%arg22 : memref<2560xf32, #tpu.memory_space<vmem>>) dst(%dma_wait3A_88 : memref<2560xf32, #tpu.memory_space<hbm>>)
      } else {
      }
      %parallel_loop3A_80 = arith.constant 0 : i32
      %parallel_loop3A_81 = arith.constant 160 : i32
      %parallel_loop3A_82 = arith.constant 1 : i32
      scf.for %parallel_loop3A_85 = %parallel_loop3A_80 to %parallel_loop3A_81 step %parallel_loop3A_82  : i32 {
        %parallel_loop3A_86 = arith.constant 16 : i32
        %parallel_loop3A_87 = arith.muli %parallel_loop3A_85, %parallel_loop3A_86 : i32
        %parallel_loop3A_88 = arith.constant 0 : i32
        %parallel_loop3A_89 = arith.index_cast %parallel_loop3A_88 : i32 to index
        %parallel_loop3A_90 = arith.index_cast %parallel_loop3A_87 : i32 to index
        %parallel_loop3A_91 = tpu.vector_load %arg14[%parallel_loop3A_89, %parallel_loop3A_90] {strides = array<i32>} : memref<2x2560xi32, #tpu.memory_space<vmem>>, vector<16xi32>,
        %parallel_loop3A_92 = tpu.vector_load_idx %arg11[%parallel_loop3A_91] : memref<10240xf32, #tpu.memory_space<vmem>>[vector<16xi32>], vector<16xf32>,
        %parallel_loop3A_93 = tpu.vector_load_idx %arg12[%parallel_loop3A_91] : memref<10240xf32, #tpu.memory_space<vmem>>[vector<16xi32>], vector<16xf32>,
        %parallel_loop3A_94 = arith.index_cast %parallel_loop3A_87 : i32 to index
        %parallel_loop3A_95 = tpu.vector_load %arg20[%parallel_loop3A_94] {strides = array<i32>} : memref<2560xi32, #tpu.memory_space<vmem>>, vector<16xi32>,
        %parallel_loop3A_96 = arith.constant 1 : i32
        %parallel_loop3A_97 = vector.broadcast %parallel_loop3A_96 : i32 to vector<16xi32>
        %parallel_loop3A_98 = arith.andi %parallel_loop3A_95, %parallel_loop3A_97 : vector<16xi32>
        %parallel_loop3A_99 = arith.constant 0 : i32
        %parallel_loop3A_100 = vector.broadcast %parallel_loop3A_99 : i32 to vector<16xi32>
        %parallel_loop3A_101 = arith.cmpi eq, %parallel_loop3A_98, %parallel_loop3A_100 : vector<16xi32>
        %parallel_loop3A_102 = arith.index_cast %parallel_loop3A_87 : i32 to index
        %parallel_loop3A_103 = tpu.vector_load %arg16[%parallel_loop3A_102] {strides = array<i32>} : memref<2560xf32, #tpu.memory_space<vmem>>, vector<16xf32>,
        %parallel_loop3A_104 = arith.divf %parallel_loop3A_103, %parallel_loop3A_92 : vector<16xf32>
        %parallel_loop3A_105 = arith.constant 0.000000e+00 : f32
        %parallel_loop3A_106 = vector.broadcast %parallel_loop3A_105 : f32 to vector<16xf32>
        %parallel_loop3A_107 = arith.select %parallel_loop3A_101, %parallel_loop3A_106, %parallel_loop3A_104 : vector<16xi1>, vector<16xf32>
        %parallel_loop3A_108 = arith.constant 2 : i32
        %parallel_loop3A_109 = vector.broadcast %parallel_loop3A_108 : i32 to vector<16xi32>
        %parallel_loop3A_110 = arith.andi %parallel_loop3A_95, %parallel_loop3A_109 : vector<16xi32>
        %parallel_loop3A_111 = arith.constant 0 : i32
        %parallel_loop3A_112 = vector.broadcast %parallel_loop3A_111 : i32 to vector<16xi32>
        %parallel_loop3A_113 = arith.cmpi eq, %parallel_loop3A_110, %parallel_loop3A_112 : vector<16xi32>
        %parallel_loop3A_114 = arith.index_cast %parallel_loop3A_87 : i32 to index
        %parallel_loop3A_115 = tpu.vector_load %arg18[%parallel_loop3A_114] {strides = array<i32>} : memref<2560xf32, #tpu.memory_space<vmem>>, vector<16xf32>,
        %parallel_loop3A_116 = arith.divf %parallel_loop3A_115, %parallel_loop3A_93 : vector<16xf32>
        %parallel_loop3A_117 = arith.constant 0.000000e+00 : f32
        %parallel_loop3A_118 = vector.broadcast %parallel_loop3A_117 : f32 to vector<16xf32>
        %parallel_loop3A_119 = arith.select %parallel_loop3A_113, %parallel_loop3A_118, %parallel_loop3A_116 : vector<16xi1>, vector<16xf32>
        %parallel_loop3A_120 = arith.addf %parallel_loop3A_107, %parallel_loop3A_119 : vector<16xf32>
        %parallel_loop3A_121 = arith.index_cast %parallel_loop3A_87 : i32 to index
        %parallel_loop3A_122 = tpu.vector_load %arg22[%parallel_loop3A_121] {strides = array<i32>} : memref<2560xf32, #tpu.memory_space<vmem>>, vector<16xf32>,
        tpu.vector_store %arg22[%parallel_loop3A_121], %parallel_loop3A_120 {strides = array<i32>} : memref<2560xf32, #tpu.memory_space<vmem>>, vector<16xf32>,
      } {sc.loop_unroll_factor = 8 : i64, sc.parallel_access}
      %dma_start3A_83 = tpu.memref_slice %arg8[%mul3A_56] : memref<320000xf32, #tpu.memory_space<hbm>> -> memref<2560xf32, #tpu.memory_space<hbm>>
      %dma_start3A_84 = tpu.memref_slice %arg8[%mul3A_56] : memref<320000xf32, #tpu.memory_space<hbm>> -> memref<2560xf32, #tpu.memory_space<hbm>>
      tpu.enqueue_dma source(%arg22 : memref<2560xf32, #tpu.memory_space<vmem>>) target(%dma_start3A_84 : memref<2560xf32, #tpu.memory_space<hbm>>) target_semaphore(%arg28 : memref<!tpu.dma_semaphore, #tpu.memory_space<semaphore_mem>>)
    } else {
    }
    %dma_wait3A = arith.constant 0 : i32
    %dma_wait3A_48 = tpu.memref_slice %arg8[%dma_wait3A] : memref<320000xf32, #tpu.memory_space<hbm>> -> memref<2560xf32, #tpu.memory_space<hbm>>
    %dma_wait3A_49 = arith.constant 0 : i32
    %dma_wait3A_50 = tpu.memref_slice %arg8[%dma_wait3A_49] : memref<320000xf32, #tpu.memory_space<hbm>> -> memref<2560xf32, #tpu.memory_space<hbm>>
    tpu.wait_dma2 semaphore(%arg27 : memref<!tpu.dma_semaphore, #tpu.memory_space<semaphore_mem>>) src(%arg21 : memref<2560xf32, #tpu.memory_space<vmem>>) dst(%dma_wait3A_50 : memref<2560xf32, #tpu.memory_space<hbm>>)
    %dma_wait3A_51 = arith.constant 0 : i32
    %dma_wait3A_52 = tpu.memref_slice %arg8[%dma_wait3A_51] : memref<320000xf32, #tpu.memory_space<hbm>> -> memref<2560xf32, #tpu.memory_space<hbm>>
    %dma_wait3A_53 = arith.constant 0 : i32
    %dma_wait3A_54 = tpu.memref_slice %arg8[%dma_wait3A_53] : memref<320000xf32, #tpu.memory_space<hbm>> -> memref<2560xf32, #tpu.memory_space<hbm>>
    tpu.wait_dma2 semaphore(%arg28 : memref<!tpu.dma_semaphore, #tpu.memory_space<semaphore_mem>>) src(%arg22 : memref<2560xf32, #tpu.memory_space<vmem>>) dst(%dma_wait3A_54 : memref<2560xf32, #tpu.memory_space<hbm>>)
    return
  }
}

#map = affine_map<(d0, d1) -> (0)>
#map1 = affine_map<(d0, d1) -> (0, 0)>
module attributes {stable_mosaic.version = 14 : i64} {
  func.func @k(%arg0: i32, %arg1: i32, %arg2: memref<10000xf32, #tpu.memory_space<hbm>>, %arg3: memref<10000xf32, #tpu.memory_space<hbm>>, %arg4: memref<10000xf32, #tpu.memory_space<hbm>>, %arg5: memref<10000xf32, #tpu.memory_space<hbm>>, %arg6: memref<10000xf32, #tpu.memory_space<hbm>>, %arg7: memref<10000xf32, #tpu.memory_space<hbm>>, %arg8: memref<10000xf32, #tpu.memory_space<hbm>>, %arg9: memref<10000xf32, #tpu.memory_space<hbm>>, %arg10: memref<2x320000xi32, #tpu.memory_space<hbm>>, %arg11: memref<320000xf32, #tpu.memory_space<hbm>>, %arg12: memref<320000xf32, #tpu.memory_space<hbm>>, %arg13: memref<320000xf32, #tpu.memory_space<hbm>>, %arg14: memref<2x10240xf32, #tpu.memory_space<hbm>>, %arg15: memref<2x10240xf32, #tpu.memory_space<hbm>>, %arg16: memref<10000xf32, #tpu.memory_space<vmem>>, %arg17: memref<10000xf32, #tpu.memory_space<vmem>>, %arg18: memref<10000xf32, #tpu.memory_space<vmem>>, %arg19: memref<10000xf32, #tpu.memory_space<vmem>>, %arg20: memref<10000xf32, #tpu.memory_space<vmem>>, %arg21: memref<10000xf32, #tpu.memory_space<vmem>>, %arg22: memref<10000xf32, #tpu.memory_space<vmem>>, %arg23: memref<10000xf32, #tpu.memory_space<vmem>>, %arg24: memref<2x2560xi32, #tpu.memory_space<vmem>>, %arg25: memref<2x2560xi32, #tpu.memory_space<vmem>>, %arg26: memref<2560xi32, #tpu.memory_space<vmem>>, %arg27: memref<2560xi32, #tpu.memory_space<vmem>>, %arg28: memref<2560xf32, #tpu.memory_space<vmem>>, %arg29: memref<2560xf32, #tpu.memory_space<vmem>>, %arg30: memref<2560xf32, #tpu.memory_space<vmem>>, %arg31: memref<2560xf32, #tpu.memory_space<vmem>>, %arg32: memref<2560xf32, #tpu.memory_space<vmem>>, %arg33: memref<2560xf32, #tpu.memory_space<vmem>>, %arg34: memref<640xf32, #tpu.memory_space<vmem>>, %arg35: memref<10240xf32, #tpu.memory_space<vmem_shared>>, %arg36: memref<10240xf32, #tpu.memory_space<vmem_shared>>, %arg37: memref<!tpu.dma_semaphore, #tpu.memory_space<semaphore_mem>>, %arg38: memref<!tpu.dma_semaphore, #tpu.memory_space<semaphore_mem>>, %arg39: memref<!tpu.dma_semaphore, #tpu.memory_space<semaphore_mem>>, %arg40: memref<!tpu.dma_semaphore, #tpu.memory_space<semaphore_mem>>, %arg41: memref<!tpu.dma_semaphore, #tpu.memory_space<semaphore_mem>>) attributes {dimension_semantics = [#tpu.dimension_semantics<core_parallel>, #tpu.dimension_semantics<subcore_parallel>], iteration_bounds = array<i64: 2, 16>, scalar_prefetch = 0 : i64, scratch_operands = 26 : i64, tpu.core_type = #tpu.core_type<sc_vector_subcore>, window_params = [{transform_indices = #map}, {transform_indices = #map}, {transform_indices = #map}, {transform_indices = #map}, {transform_indices = #map}, {transform_indices = #map}, {transform_indices = #map}, {transform_indices = #map}, {transform_indices = #map1}, {transform_indices = #map}, {transform_indices = #map}, {transform_indices = #map}, {transform_indices = #map1}, {transform_indices = #map1}]} {
    %mul3A = arith.constant 2 : i32
    %mul3A_0 = arith.muli %arg1, %mul3A : i32
    %add3A = arith.addi %mul3A_0, %arg0 : i32
    tpu.enqueue_dma source(%arg2 : memref<10000xf32, #tpu.memory_space<hbm>>) target(%arg16 : memref<10000xf32, #tpu.memory_space<vmem>>) target_semaphore(%arg37 : memref<!tpu.dma_semaphore, #tpu.memory_space<semaphore_mem>>)
    tpu.enqueue_dma source(%arg3 : memref<10000xf32, #tpu.memory_space<hbm>>) target(%arg17 : memref<10000xf32, #tpu.memory_space<vmem>>) target_semaphore(%arg37 : memref<!tpu.dma_semaphore, #tpu.memory_space<semaphore_mem>>)
    tpu.enqueue_dma source(%arg4 : memref<10000xf32, #tpu.memory_space<hbm>>) target(%arg18 : memref<10000xf32, #tpu.memory_space<vmem>>) target_semaphore(%arg37 : memref<!tpu.dma_semaphore, #tpu.memory_space<semaphore_mem>>)
    tpu.enqueue_dma source(%arg5 : memref<10000xf32, #tpu.memory_space<hbm>>) target(%arg19 : memref<10000xf32, #tpu.memory_space<vmem>>) target_semaphore(%arg37 : memref<!tpu.dma_semaphore, #tpu.memory_space<semaphore_mem>>)
    tpu.enqueue_dma source(%arg6 : memref<10000xf32, #tpu.memory_space<hbm>>) target(%arg20 : memref<10000xf32, #tpu.memory_space<vmem>>) target_semaphore(%arg37 : memref<!tpu.dma_semaphore, #tpu.memory_space<semaphore_mem>>)
    tpu.enqueue_dma source(%arg7 : memref<10000xf32, #tpu.memory_space<hbm>>) target(%arg21 : memref<10000xf32, #tpu.memory_space<vmem>>) target_semaphore(%arg37 : memref<!tpu.dma_semaphore, #tpu.memory_space<semaphore_mem>>)
    tpu.enqueue_dma source(%arg8 : memref<10000xf32, #tpu.memory_space<hbm>>) target(%arg22 : memref<10000xf32, #tpu.memory_space<vmem>>) target_semaphore(%arg37 : memref<!tpu.dma_semaphore, #tpu.memory_space<semaphore_mem>>)
    tpu.enqueue_dma source(%arg9 : memref<10000xf32, #tpu.memory_space<hbm>>) target(%arg23 : memref<10000xf32, #tpu.memory_space<vmem>>) target_semaphore(%arg37 : memref<!tpu.dma_semaphore, #tpu.memory_space<semaphore_mem>>)
    %parallel_loop3A = arith.constant 0 : i32
    %parallel_loop3A_1 = arith.constant 40 : i32
    %parallel_loop3A_2 = arith.constant 1 : i32
    scf.for %parallel_loop3A_53 = %parallel_loop3A to %parallel_loop3A_1 step %parallel_loop3A_2  : i32 {
      %parallel_loop3A_54 = arith.constant 0.000000e+00 : f32
      %parallel_loop3A_55 = vector.broadcast %parallel_loop3A_54 : f32 to vector<16xf32>
      %parallel_loop3A_56 = arith.constant 16 : i32
      %parallel_loop3A_57 = arith.muli %parallel_loop3A_53, %parallel_loop3A_56 : i32
      %parallel_loop3A_58 = arith.index_cast %parallel_loop3A_57 : i32 to index
      %parallel_loop3A_59 = tpu.vector_load %arg34[%parallel_loop3A_58] {strides = array<i32>} : memref<640xf32, #tpu.memory_space<vmem>>, vector<16xf32>,
      tpu.vector_store %arg34[%parallel_loop3A_58], %parallel_loop3A_55 {strides = array<i32>} : memref<640xf32, #tpu.memory_space<vmem>>, vector<16xf32>,
    } {sc.loop_unroll_factor = 8 : i64, sc.parallel_access}
    %mul3A_3 = arith.constant 640 : i32
    %mul3A_4 = arith.muli %arg1, %mul3A_3 : i32
    "tpu.region"() ({
      %run_scoped3A = tpu.sem_alloc : memref<!tpu.dma_semaphore, #tpu.memory_space<semaphore_mem>>
      %dma_start3A_53 = tpu.memref_slice %arg35[%mul3A_4] : memref<10240xf32, #tpu.memory_space<vmem_shared>> -> memref<640xf32, #tpu.memory_space<vmem_shared>>
      %dma_start3A_54 = tpu.memref_slice %arg35[%mul3A_4] : memref<10240xf32, #tpu.memory_space<vmem_shared>> -> memref<640xf32, #tpu.memory_space<vmem_shared>>
      tpu.enqueue_dma source(%arg34 : memref<640xf32, #tpu.memory_space<vmem>>) target(%dma_start3A_54 : memref<640xf32, #tpu.memory_space<vmem_shared>>) target_semaphore(%run_scoped3A : memref<!tpu.dma_semaphore, #tpu.memory_space<semaphore_mem>>)
      %dma_wait3A = tpu.memref_slice %arg35[%mul3A_4] : memref<10240xf32, #tpu.memory_space<vmem_shared>> -> memref<640xf32, #tpu.memory_space<vmem_shared>>
      %dma_wait3A_55 = tpu.memref_slice %arg35[%mul3A_4] : memref<10240xf32, #tpu.memory_space<vmem_shared>> -> memref<640xf32, #tpu.memory_space<vmem_shared>>
      tpu.wait_dma2 semaphore(%run_scoped3A : memref<!tpu.dma_semaphore, #tpu.memory_space<semaphore_mem>>) src(%arg34 : memref<640xf32, #tpu.memory_space<vmem>>) dst(%dma_wait3A_55 : memref<640xf32, #tpu.memory_space<vmem_shared>>)
      tpu.yield
    }) : () -> ()
    %mul3A_5 = arith.constant 640 : i32
    %mul3A_6 = arith.muli %arg1, %mul3A_5 : i32
    "tpu.region"() ({
      %run_scoped3A = tpu.sem_alloc : memref<!tpu.dma_semaphore, #tpu.memory_space<semaphore_mem>>
      %dma_start3A_53 = tpu.memref_slice %arg36[%mul3A_6] : memref<10240xf32, #tpu.memory_space<vmem_shared>> -> memref<640xf32, #tpu.memory_space<vmem_shared>>
      %dma_start3A_54 = tpu.memref_slice %arg36[%mul3A_6] : memref<10240xf32, #tpu.memory_space<vmem_shared>> -> memref<640xf32, #tpu.memory_space<vmem_shared>>
      tpu.enqueue_dma source(%arg34 : memref<640xf32, #tpu.memory_space<vmem>>) target(%dma_start3A_54 : memref<640xf32, #tpu.memory_space<vmem_shared>>) target_semaphore(%run_scoped3A : memref<!tpu.dma_semaphore, #tpu.memory_space<semaphore_mem>>)
      %dma_wait3A = tpu.memref_slice %arg36[%mul3A_6] : memref<10240xf32, #tpu.memory_space<vmem_shared>> -> memref<640xf32, #tpu.memory_space<vmem_shared>>
      %dma_wait3A_55 = tpu.memref_slice %arg36[%mul3A_6] : memref<10240xf32, #tpu.memory_space<vmem_shared>> -> memref<640xf32, #tpu.memory_space<vmem_shared>>
      tpu.wait_dma2 semaphore(%run_scoped3A : memref<!tpu.dma_semaphore, #tpu.memory_space<semaphore_mem>>) src(%arg34 : memref<640xf32, #tpu.memory_space<vmem>>) dst(%dma_wait3A_55 : memref<640xf32, #tpu.memory_space<vmem_shared>>)
      tpu.yield
    }) : () -> ()
    %mul3A_7 = arith.constant 2560 : i32
    %mul3A_8 = arith.muli %add3A, %mul3A_7 : i32
    %dma_start3A = arith.constant 0 : i32
    %dma_start3A_9 = tpu.memref_slice %arg10[%dma_start3A, %mul3A_8] : memref<2x320000xi32, #tpu.memory_space<hbm>> -> memref<2x2560xi32, #tpu.memory_space<hbm>>
    %dma_start3A_10 = arith.constant 0 : i32
    %dma_start3A_11 = tpu.memref_slice %arg10[%dma_start3A_10, %mul3A_8] : memref<2x320000xi32, #tpu.memory_space<hbm>> -> memref<2x2560xi32, #tpu.memory_space<hbm>>
    tpu.enqueue_dma source(%dma_start3A_11 : memref<2x2560xi32, #tpu.memory_space<hbm>>) target(%arg24 : memref<2x2560xi32, #tpu.memory_space<vmem>>) target_semaphore(%arg38 : memref<!tpu.dma_semaphore, #tpu.memory_space<semaphore_mem>>)
    tpu.wait_dma2 semaphore(%arg37 : memref<!tpu.dma_semaphore, #tpu.memory_space<semaphore_mem>>) src(%arg2 : memref<10000xf32, #tpu.memory_space<hbm>>) dst(%arg16 : memref<10000xf32, #tpu.memory_space<vmem>>)
    tpu.wait_dma2 semaphore(%arg37 : memref<!tpu.dma_semaphore, #tpu.memory_space<semaphore_mem>>) src(%arg3 : memref<10000xf32, #tpu.memory_space<hbm>>) dst(%arg17 : memref<10000xf32, #tpu.memory_space<vmem>>)
    tpu.wait_dma2 semaphore(%arg37 : memref<!tpu.dma_semaphore, #tpu.memory_space<semaphore_mem>>) src(%arg4 : memref<10000xf32, #tpu.memory_space<hbm>>) dst(%arg18 : memref<10000xf32, #tpu.memory_space<vmem>>)
    tpu.wait_dma2 semaphore(%arg37 : memref<!tpu.dma_semaphore, #tpu.memory_space<semaphore_mem>>) src(%arg5 : memref<10000xf32, #tpu.memory_space<hbm>>) dst(%arg19 : memref<10000xf32, #tpu.memory_space<vmem>>)
    tpu.wait_dma2 semaphore(%arg37 : memref<!tpu.dma_semaphore, #tpu.memory_space<semaphore_mem>>) src(%arg6 : memref<10000xf32, #tpu.memory_space<hbm>>) dst(%arg20 : memref<10000xf32, #tpu.memory_space<vmem>>)
    tpu.wait_dma2 semaphore(%arg37 : memref<!tpu.dma_semaphore, #tpu.memory_space<semaphore_mem>>) src(%arg7 : memref<10000xf32, #tpu.memory_space<hbm>>) dst(%arg21 : memref<10000xf32, #tpu.memory_space<vmem>>)
    tpu.wait_dma2 semaphore(%arg37 : memref<!tpu.dma_semaphore, #tpu.memory_space<semaphore_mem>>) src(%arg8 : memref<10000xf32, #tpu.memory_space<hbm>>) dst(%arg22 : memref<10000xf32, #tpu.memory_space<vmem>>)
    tpu.wait_dma2 semaphore(%arg37 : memref<!tpu.dma_semaphore, #tpu.memory_space<semaphore_mem>>) src(%arg9 : memref<10000xf32, #tpu.memory_space<hbm>>) dst(%arg23 : memref<10000xf32, #tpu.memory_space<vmem>>)
    %barrier3A = arith.constant 0 : index
    tpu.barrier barrier_id(%barrier3A)
    %add3A_12 = arith.constant 0 : i32
    %add3A_13 = arith.addi %add3A, %add3A_12 : i32
    %lt3A = arith.constant 125 : i32
    %lt3A_14 = arith.cmpi slt, %add3A_13, %lt3A : i32
    %convert_element_type3A = arith.extui %lt3A_14 : i1 to i32
    %cond3A = arith.constant 0 : i32
    %cond3A_15 = arith.cmpi ne, %convert_element_type3A, %cond3A : i32
    scf.if %cond3A_15 {
      %mul3A_53 = arith.constant 2560 : i32
      %mul3A_54 = arith.muli %add3A_13, %mul3A_53 : i32
      %dma_wait3A = arith.constant 0 : i32
      %dma_wait3A_55 = arith.constant 0 : i32
      %dma_wait3A_56 = tpu.memref_slice %arg10[%dma_wait3A, %dma_wait3A_55] : memref<2x320000xi32, #tpu.memory_space<hbm>> -> memref<2x2560xi32, #tpu.memory_space<hbm>>
      %dma_wait3A_57 = arith.constant 0 : i32
      %dma_wait3A_58 = arith.constant 0 : i32
      %dma_wait3A_59 = tpu.memref_slice %arg10[%dma_wait3A_57, %dma_wait3A_58] : memref<2x320000xi32, #tpu.memory_space<hbm>> -> memref<2x2560xi32, #tpu.memory_space<hbm>>
      tpu.wait_dma2 semaphore(%arg38 : memref<!tpu.dma_semaphore, #tpu.memory_space<semaphore_mem>>) src(%dma_wait3A_59 : memref<2x2560xi32, #tpu.memory_space<hbm>>) dst(%arg24 : memref<2x2560xi32, #tpu.memory_space<vmem>>)
      %add3A_60 = arith.constant 32 : i32
      %add3A_61 = arith.addi %add3A_13, %add3A_60 : i32
      %lt3A_62 = arith.constant 125 : i32
      %lt3A_63 = arith.cmpi slt, %add3A_61, %lt3A_62 : i32
      %convert_element_type3A_64 = arith.extui %lt3A_63 : i1 to i32
      %cond3A_65 = arith.constant 0 : i32
      %cond3A_66 = arith.cmpi ne, %convert_element_type3A_64, %cond3A_65 : i32
      scf.if %cond3A_66 {
        %add3A_76 = arith.constant 32 : i32
        %add3A_77 = arith.addi %add3A_13, %add3A_76 : i32
        %mul3A_78 = arith.constant 2560 : i32
        %mul3A_79 = arith.muli %add3A_77, %mul3A_78 : i32
        %dma_start3A_80 = arith.constant 0 : i32
        %dma_start3A_81 = tpu.memref_slice %arg10[%dma_start3A_80, %mul3A_79] : memref<2x320000xi32, #tpu.memory_space<hbm>> -> memref<2x2560xi32, #tpu.memory_space<hbm>>
        %dma_start3A_82 = arith.constant 0 : i32
        %dma_start3A_83 = tpu.memref_slice %arg10[%dma_start3A_82, %mul3A_79] : memref<2x320000xi32, #tpu.memory_space<hbm>> -> memref<2x2560xi32, #tpu.memory_space<hbm>>
        tpu.enqueue_dma source(%dma_start3A_83 : memref<2x2560xi32, #tpu.memory_space<hbm>>) target(%arg25 : memref<2x2560xi32, #tpu.memory_space<vmem>>) target_semaphore(%arg39 : memref<!tpu.dma_semaphore, #tpu.memory_space<semaphore_mem>>)
      } else {
      }
      %parallel_loop3A_67 = arith.constant 0 : i32
      %parallel_loop3A_68 = arith.constant 160 : i32
      %parallel_loop3A_69 = arith.constant 1 : i32
      scf.for %parallel_loop3A_76 = %parallel_loop3A_67 to %parallel_loop3A_68 step %parallel_loop3A_69  : i32 {
        %parallel_loop3A_77 = arith.constant 16 : i32
        %parallel_loop3A_78 = arith.muli %parallel_loop3A_76, %parallel_loop3A_77 : i32
        %parallel_loop3A_79 = arith.constant 0 : i32
        %parallel_loop3A_80 = arith.index_cast %parallel_loop3A_79 : i32 to index
        %parallel_loop3A_81 = arith.index_cast %parallel_loop3A_78 : i32 to index
        %parallel_loop3A_82 = tpu.vector_load %arg24[%parallel_loop3A_80, %parallel_loop3A_81] {strides = array<i32>} : memref<2x2560xi32, #tpu.memory_space<vmem>>, vector<16xi32>,
        %parallel_loop3A_83 = arith.constant 1 : i32
        %parallel_loop3A_84 = arith.index_cast %parallel_loop3A_83 : i32 to index
        %parallel_loop3A_85 = arith.index_cast %parallel_loop3A_78 : i32 to index
        %parallel_loop3A_86 = tpu.vector_load %arg24[%parallel_loop3A_84, %parallel_loop3A_85] {strides = array<i32>} : memref<2x2560xi32, #tpu.memory_space<vmem>>, vector<16xi32>,
        %parallel_loop3A_87 = arith.index_cast %parallel_loop3A_78 : i32 to index
        %parallel_loop3A_88 = tpu.vector_load %arg26[%parallel_loop3A_87] {strides = array<i32>} : memref<2560xi32, #tpu.memory_space<vmem>>, vector<16xi32>,
        tpu.vector_store %arg26[%parallel_loop3A_87], %parallel_loop3A_82 {strides = array<i32>} : memref<2560xi32, #tpu.memory_space<vmem>>, vector<16xi32>,
        %parallel_loop3A_89 = tpu.vector_load_idx %arg16[%parallel_loop3A_82] : memref<10000xf32, #tpu.memory_space<vmem>>[vector<16xi32>], vector<16xf32>,
        %parallel_loop3A_90 = tpu.vector_load_idx %arg17[%parallel_loop3A_82] : memref<10000xf32, #tpu.memory_space<vmem>>[vector<16xi32>], vector<16xf32>,
        %parallel_loop3A_91 = tpu.vector_load_idx %arg18[%parallel_loop3A_82] : memref<10000xf32, #tpu.memory_space<vmem>>[vector<16xi32>], vector<16xf32>,
        %parallel_loop3A_92 = tpu.vector_load_idx %arg19[%parallel_loop3A_82] : memref<10000xf32, #tpu.memory_space<vmem>>[vector<16xi32>], vector<16xf32>,
        %parallel_loop3A_93 = tpu.vector_load_idx %arg20[%parallel_loop3A_86] : memref<10000xf32, #tpu.memory_space<vmem>>[vector<16xi32>], vector<16xf32>,
        %parallel_loop3A_94 = tpu.vector_load_idx %arg21[%parallel_loop3A_86] : memref<10000xf32, #tpu.memory_space<vmem>>[vector<16xi32>], vector<16xf32>,
        %parallel_loop3A_95 = tpu.vector_load_idx %arg22[%parallel_loop3A_86] : memref<10000xf32, #tpu.memory_space<vmem>>[vector<16xi32>], vector<16xf32>,
        %parallel_loop3A_96 = tpu.vector_load_idx %arg23[%parallel_loop3A_86] : memref<10000xf32, #tpu.memory_space<vmem>>[vector<16xi32>], vector<16xf32>,
        %parallel_loop3A_97 = arith.addf %parallel_loop3A_89, %parallel_loop3A_93 : vector<16xf32>
        %parallel_loop3A_98 = arith.constant 0.000000e+00 : f32
        %parallel_loop3A_99 = vector.broadcast %parallel_loop3A_98 : f32 to vector<16xf32>
        %parallel_loop3A_100 = arith.maximumf %parallel_loop3A_97, %parallel_loop3A_99 : vector<16xf32>
        %parallel_loop3A_101 = math.exp %parallel_loop3A_100 : vector<16xf32>
        %parallel_loop3A_102 = arith.index_cast %parallel_loop3A_78 : i32 to index
        %parallel_loop3A_103 = tpu.vector_load %arg28[%parallel_loop3A_102] {strides = array<i32>} : memref<2560xf32, #tpu.memory_space<vmem>>, vector<16xf32>,
        tpu.vector_store %arg28[%parallel_loop3A_102], %parallel_loop3A_101 {strides = array<i32>} : memref<2560xf32, #tpu.memory_space<vmem>>, vector<16xf32>,
        %parallel_loop3A_104 = arith.addf %parallel_loop3A_90, %parallel_loop3A_94 : vector<16xf32>
        %parallel_loop3A_105 = arith.constant 0.000000e+00 : f32
        %parallel_loop3A_106 = vector.broadcast %parallel_loop3A_105 : f32 to vector<16xf32>
        %parallel_loop3A_107 = arith.maximumf %parallel_loop3A_104, %parallel_loop3A_106 : vector<16xf32>
        %parallel_loop3A_108 = math.exp %parallel_loop3A_107 : vector<16xf32>
        %parallel_loop3A_109 = arith.index_cast %parallel_loop3A_78 : i32 to index
        %parallel_loop3A_110 = tpu.vector_load %arg30[%parallel_loop3A_109] {strides = array<i32>} : memref<2560xf32, #tpu.memory_space<vmem>>, vector<16xf32>,
        tpu.vector_store %arg30[%parallel_loop3A_109], %parallel_loop3A_108 {strides = array<i32>} : memref<2560xf32, #tpu.memory_space<vmem>>, vector<16xf32>,
        %parallel_loop3A_111 = arith.addf %parallel_loop3A_91, %parallel_loop3A_95 : vector<16xf32>
        %parallel_loop3A_112 = arith.constant 0.000000e+00 : f32
        %parallel_loop3A_113 = vector.broadcast %parallel_loop3A_112 : f32 to vector<16xf32>
        %parallel_loop3A_114 = arith.maximumf %parallel_loop3A_111, %parallel_loop3A_113 : vector<16xf32>
        %parallel_loop3A_115 = arith.addf %parallel_loop3A_92, %parallel_loop3A_96 : vector<16xf32>
        %parallel_loop3A_116 = arith.constant 0.000000e+00 : f32
        %parallel_loop3A_117 = vector.broadcast %parallel_loop3A_116 : f32 to vector<16xf32>
        %parallel_loop3A_118 = arith.maximumf %parallel_loop3A_115, %parallel_loop3A_117 : vector<16xf32>
        %parallel_loop3A_119 = arith.addf %parallel_loop3A_114, %parallel_loop3A_118 : vector<16xf32>
        %parallel_loop3A_120 = arith.index_cast %parallel_loop3A_78 : i32 to index
        %parallel_loop3A_121 = tpu.vector_load %arg32[%parallel_loop3A_120] {strides = array<i32>} : memref<2560xf32, #tpu.memory_space<vmem>>, vector<16xf32>,
        tpu.vector_store %arg32[%parallel_loop3A_120], %parallel_loop3A_119 {strides = array<i32>} : memref<2560xf32, #tpu.memory_space<vmem>>, vector<16xf32>,
      } {sc.loop_unroll_factor = 8 : i64, sc.parallel_access}
      %dma_start3A_70 = tpu.memref_slice %arg11[%mul3A_54] : memref<320000xf32, #tpu.memory_space<hbm>> -> memref<2560xf32, #tpu.memory_space<hbm>>
      %dma_start3A_71 = tpu.memref_slice %arg11[%mul3A_54] : memref<320000xf32, #tpu.memory_space<hbm>> -> memref<2560xf32, #tpu.memory_space<hbm>>
      tpu.enqueue_dma source(%arg28 : memref<2560xf32, #tpu.memory_space<vmem>>) target(%dma_start3A_71 : memref<2560xf32, #tpu.memory_space<hbm>>) target_semaphore(%arg40 : memref<!tpu.dma_semaphore, #tpu.memory_space<semaphore_mem>>)
      %dma_start3A_72 = tpu.memref_slice %arg12[%mul3A_54] : memref<320000xf32, #tpu.memory_space<hbm>> -> memref<2560xf32, #tpu.memory_space<hbm>>
      %dma_start3A_73 = tpu.memref_slice %arg12[%mul3A_54] : memref<320000xf32, #tpu.memory_space<hbm>> -> memref<2560xf32, #tpu.memory_space<hbm>>
      tpu.enqueue_dma source(%arg30 : memref<2560xf32, #tpu.memory_space<vmem>>) target(%dma_start3A_73 : memref<2560xf32, #tpu.memory_space<hbm>>) target_semaphore(%arg40 : memref<!tpu.dma_semaphore, #tpu.memory_space<semaphore_mem>>)
      %dma_start3A_74 = tpu.memref_slice %arg13[%mul3A_54] : memref<320000xf32, #tpu.memory_space<hbm>> -> memref<2560xf32, #tpu.memory_space<hbm>>
      %dma_start3A_75 = tpu.memref_slice %arg13[%mul3A_54] : memref<320000xf32, #tpu.memory_space<hbm>> -> memref<2560xf32, #tpu.memory_space<hbm>>
      tpu.enqueue_dma source(%arg32 : memref<2560xf32, #tpu.memory_space<vmem>>) target(%dma_start3A_75 : memref<2560xf32, #tpu.memory_space<hbm>>) target_semaphore(%arg40 : memref<!tpu.dma_semaphore, #tpu.memory_space<semaphore_mem>>)
      "tpu.region"() ({
        %run_scoped3A = tpu.sem_alloc : memref<!tpu.dma_semaphore, #tpu.memory_space<semaphore_mem>>
        %dma_start3A_76 = arith.constant 0 : i32
        %dma_start3A_77 = tpu.memref_slice %arg35[%dma_start3A_76] : memref<10240xf32, #tpu.memory_space<vmem_shared>> -> memref<10240xf32, #tpu.memory_space<vmem_shared>>
        tpu.enqueue_indirect_dma source(%arg28 : memref<2560xf32, #tpu.memory_space<vmem>>) target(%dma_start3A_77 : memref<10240xf32, #tpu.memory_space<vmem_shared>>) offsets(%arg26 : memref<2560xi32, #tpu.memory_space<vmem>>) semaphore(%run_scoped3A : memref<!tpu.dma_semaphore, #tpu.memory_space<semaphore_mem>>) {add = true}
        %dma_wait3A_78 = arith.constant 0 : i32
        %dma_wait3A_79 = tpu.memref_slice %arg35[%dma_wait3A_78] : memref<10240xf32, #tpu.memory_space<vmem_shared>> -> memref<10240xf32, #tpu.memory_space<vmem_shared>>
        tpu.wait_indirect_dma semaphore(%run_scoped3A : memref<!tpu.dma_semaphore, #tpu.memory_space<semaphore_mem>>) src(%arg28 : memref<2560xf32, #tpu.memory_space<vmem>>) dst(%dma_wait3A_79 : memref<10240xf32, #tpu.memory_space<vmem_shared>>)
        tpu.yield
      }) : () -> ()
      "tpu.region"() ({
        %run_scoped3A = tpu.sem_alloc : memref<!tpu.dma_semaphore, #tpu.memory_space<semaphore_mem>>
        %dma_start3A_76 = arith.constant 0 : i32
        %dma_start3A_77 = tpu.memref_slice %arg36[%dma_start3A_76] : memref<10240xf32, #tpu.memory_space<vmem_shared>> -> memref<10240xf32, #tpu.memory_space<vmem_shared>>
        tpu.enqueue_indirect_dma source(%arg30 : memref<2560xf32, #tpu.memory_space<vmem>>) target(%dma_start3A_77 : memref<10240xf32, #tpu.memory_space<vmem_shared>>) offsets(%arg26 : memref<2560xi32, #tpu.memory_space<vmem>>) semaphore(%run_scoped3A : memref<!tpu.dma_semaphore, #tpu.memory_space<semaphore_mem>>) {add = true}
        %dma_wait3A_78 = arith.constant 0 : i32
        %dma_wait3A_79 = tpu.memref_slice %arg36[%dma_wait3A_78] : memref<10240xf32, #tpu.memory_space<vmem_shared>> -> memref<10240xf32, #tpu.memory_space<vmem_shared>>
        tpu.wait_indirect_dma semaphore(%run_scoped3A : memref<!tpu.dma_semaphore, #tpu.memory_space<semaphore_mem>>) src(%arg30 : memref<2560xf32, #tpu.memory_space<vmem>>) dst(%dma_wait3A_79 : memref<10240xf32, #tpu.memory_space<vmem_shared>>)
        tpu.yield
      }) : () -> ()
    } else {
    }
    %add3A_16 = arith.constant 32 : i32
    %add3A_17 = arith.addi %add3A, %add3A_16 : i32
    %lt3A_18 = arith.constant 125 : i32
    %lt3A_19 = arith.cmpi slt, %add3A_17, %lt3A_18 : i32
    %convert_element_type3A_20 = arith.extui %lt3A_19 : i1 to i32
    %cond3A_21 = arith.constant 0 : i32
    %cond3A_22 = arith.cmpi ne, %convert_element_type3A_20, %cond3A_21 : i32
    scf.if %cond3A_22 {
      %mul3A_53 = arith.constant 2560 : i32
      %mul3A_54 = arith.muli %add3A_17, %mul3A_53 : i32
      %dma_wait3A = arith.constant 0 : i32
      %dma_wait3A_55 = arith.constant 0 : i32
      %dma_wait3A_56 = tpu.memref_slice %arg10[%dma_wait3A, %dma_wait3A_55] : memref<2x320000xi32, #tpu.memory_space<hbm>> -> memref<2x2560xi32, #tpu.memory_space<hbm>>
      %dma_wait3A_57 = arith.constant 0 : i32
      %dma_wait3A_58 = arith.constant 0 : i32
      %dma_wait3A_59 = tpu.memref_slice %arg10[%dma_wait3A_57, %dma_wait3A_58] : memref<2x320000xi32, #tpu.memory_space<hbm>> -> memref<2x2560xi32, #tpu.memory_space<hbm>>
      tpu.wait_dma2 semaphore(%arg39 : memref<!tpu.dma_semaphore, #tpu.memory_space<semaphore_mem>>) src(%dma_wait3A_59 : memref<2x2560xi32, #tpu.memory_space<hbm>>) dst(%arg25 : memref<2x2560xi32, #tpu.memory_space<vmem>>)
      %sub3A = arith.constant 32 : i32
      %sub3A_60 = arith.subi %add3A_17, %sub3A : i32
      %ge3A_61 = arith.constant 0 : i32
      %ge3A_62 = arith.cmpi sge, %sub3A_60, %ge3A_61 : i32
      %convert_element_type3A_63 = arith.extui %ge3A_62 : i1 to i32
      %cond3A_64 = arith.constant 0 : i32
      %cond3A_65 = arith.cmpi ne, %convert_element_type3A_63, %cond3A_64 : i32
      scf.if %cond3A_65 {
        %dma_wait3A_82 = arith.constant 0 : i32
        %dma_wait3A_83 = tpu.memref_slice %arg11[%dma_wait3A_82] : memref<320000xf32, #tpu.memory_space<hbm>> -> memref<2560xf32, #tpu.memory_space<hbm>>
        %dma_wait3A_84 = arith.constant 0 : i32
        %dma_wait3A_85 = tpu.memref_slice %arg11[%dma_wait3A_84] : memref<320000xf32, #tpu.memory_space<hbm>> -> memref<2560xf32, #tpu.memory_space<hbm>>
        tpu.wait_dma2 semaphore(%arg40 : memref<!tpu.dma_semaphore, #tpu.memory_space<semaphore_mem>>) src(%arg28 : memref<2560xf32, #tpu.memory_space<vmem>>) dst(%dma_wait3A_85 : memref<2560xf32, #tpu.memory_space<hbm>>)
        %dma_wait3A_86 = arith.constant 0 : i32
        %dma_wait3A_87 = tpu.memref_slice %arg12[%dma_wait3A_86] : memref<320000xf32, #tpu.memory_space<hbm>> -> memref<2560xf32, #tpu.memory_space<hbm>>
        %dma_wait3A_88 = arith.constant 0 : i32
        %dma_wait3A_89 = tpu.memref_slice %arg12[%dma_wait3A_88] : memref<320000xf32, #tpu.memory_space<hbm>> -> memref<2560xf32, #tpu.memory_space<hbm>>
        tpu.wait_dma2 semaphore(%arg40 : memref<!tpu.dma_semaphore, #tpu.memory_space<semaphore_mem>>) src(%arg30 : memref<2560xf32, #tpu.memory_space<vmem>>) dst(%dma_wait3A_89 : memref<2560xf32, #tpu.memory_space<hbm>>)
        %dma_wait3A_90 = arith.constant 0 : i32
        %dma_wait3A_91 = tpu.memref_slice %arg13[%dma_wait3A_90] : memref<320000xf32, #tpu.memory_space<hbm>> -> memref<2560xf32, #tpu.memory_space<hbm>>
        %dma_wait3A_92 = arith.constant 0 : i32
        %dma_wait3A_93 = tpu.memref_slice %arg13[%dma_wait3A_92] : memref<320000xf32, #tpu.memory_space<hbm>> -> memref<2560xf32, #tpu.memory_space<hbm>>
        tpu.wait_dma2 semaphore(%arg40 : memref<!tpu.dma_semaphore, #tpu.memory_space<semaphore_mem>>) src(%arg32 : memref<2560xf32, #tpu.memory_space<vmem>>) dst(%dma_wait3A_93 : memref<2560xf32, #tpu.memory_space<hbm>>)
      } else {
      }
      %add3A_66 = arith.constant 32 : i32
      %add3A_67 = arith.addi %add3A_17, %add3A_66 : i32
      %lt3A_68 = arith.constant 125 : i32
      %lt3A_69 = arith.cmpi slt, %add3A_67, %lt3A_68 : i32
      %convert_element_type3A_70 = arith.extui %lt3A_69 : i1 to i32
      %cond3A_71 = arith.constant 0 : i32
      %cond3A_72 = arith.cmpi ne, %convert_element_type3A_70, %cond3A_71 : i32
      scf.if %cond3A_72 {
        %add3A_82 = arith.constant 32 : i32
        %add3A_83 = arith.addi %add3A_17, %add3A_82 : i32
        %mul3A_84 = arith.constant 2560 : i32
        %mul3A_85 = arith.muli %add3A_83, %mul3A_84 : i32
        %dma_start3A_86 = arith.constant 0 : i32
        %dma_start3A_87 = tpu.memref_slice %arg10[%dma_start3A_86, %mul3A_85] : memref<2x320000xi32, #tpu.memory_space<hbm>> -> memref<2x2560xi32, #tpu.memory_space<hbm>>
        %dma_start3A_88 = arith.constant 0 : i32
        %dma_start3A_89 = tpu.memref_slice %arg10[%dma_start3A_88, %mul3A_85] : memref<2x320000xi32, #tpu.memory_space<hbm>> -> memref<2x2560xi32, #tpu.memory_space<hbm>>
        tpu.enqueue_dma source(%dma_start3A_89 : memref<2x2560xi32, #tpu.memory_space<hbm>>) target(%arg24 : memref<2x2560xi32, #tpu.memory_space<vmem>>) target_semaphore(%arg38 : memref<!tpu.dma_semaphore, #tpu.memory_space<semaphore_mem>>)
      } else {
      }
      %parallel_loop3A_73 = arith.constant 0 : i32
      %parallel_loop3A_74 = arith.constant 160 : i32
      %parallel_loop3A_75 = arith.constant 1 : i32
      scf.for %parallel_loop3A_82 = %parallel_loop3A_73 to %parallel_loop3A_74 step %parallel_loop3A_75  : i32 {
        %parallel_loop3A_83 = arith.constant 16 : i32
        %parallel_loop3A_84 = arith.muli %parallel_loop3A_82, %parallel_loop3A_83 : i32
        %parallel_loop3A_85 = arith.constant 0 : i32
        %parallel_loop3A_86 = arith.index_cast %parallel_loop3A_85 : i32 to index
        %parallel_loop3A_87 = arith.index_cast %parallel_loop3A_84 : i32 to index
        %parallel_loop3A_88 = tpu.vector_load %arg25[%parallel_loop3A_86, %parallel_loop3A_87] {strides = array<i32>} : memref<2x2560xi32, #tpu.memory_space<vmem>>, vector<16xi32>,
        %parallel_loop3A_89 = arith.constant 1 : i32
        %parallel_loop3A_90 = arith.index_cast %parallel_loop3A_89 : i32 to index
        %parallel_loop3A_91 = arith.index_cast %parallel_loop3A_84 : i32 to index
        %parallel_loop3A_92 = tpu.vector_load %arg25[%parallel_loop3A_90, %parallel_loop3A_91] {strides = array<i32>} : memref<2x2560xi32, #tpu.memory_space<vmem>>, vector<16xi32>,
        %parallel_loop3A_93 = arith.index_cast %parallel_loop3A_84 : i32 to index
        %parallel_loop3A_94 = tpu.vector_load %arg27[%parallel_loop3A_93] {strides = array<i32>} : memref<2560xi32, #tpu.memory_space<vmem>>, vector<16xi32>,
        tpu.vector_store %arg27[%parallel_loop3A_93], %parallel_loop3A_88 {strides = array<i32>} : memref<2560xi32, #tpu.memory_space<vmem>>, vector<16xi32>,
        %parallel_loop3A_95 = tpu.vector_load_idx %arg16[%parallel_loop3A_88] : memref<10000xf32, #tpu.memory_space<vmem>>[vector<16xi32>], vector<16xf32>,
        %parallel_loop3A_96 = tpu.vector_load_idx %arg17[%parallel_loop3A_88] : memref<10000xf32, #tpu.memory_space<vmem>>[vector<16xi32>], vector<16xf32>,
        %parallel_loop3A_97 = tpu.vector_load_idx %arg18[%parallel_loop3A_88] : memref<10000xf32, #tpu.memory_space<vmem>>[vector<16xi32>], vector<16xf32>,
        %parallel_loop3A_98 = tpu.vector_load_idx %arg19[%parallel_loop3A_88] : memref<10000xf32, #tpu.memory_space<vmem>>[vector<16xi32>], vector<16xf32>,
        %parallel_loop3A_99 = tpu.vector_load_idx %arg20[%parallel_loop3A_92] : memref<10000xf32, #tpu.memory_space<vmem>>[vector<16xi32>], vector<16xf32>,
        %parallel_loop3A_100 = tpu.vector_load_idx %arg21[%parallel_loop3A_92] : memref<10000xf32, #tpu.memory_space<vmem>>[vector<16xi32>], vector<16xf32>,
        %parallel_loop3A_101 = tpu.vector_load_idx %arg22[%parallel_loop3A_92] : memref<10000xf32, #tpu.memory_space<vmem>>[vector<16xi32>], vector<16xf32>,
        %parallel_loop3A_102 = tpu.vector_load_idx %arg23[%parallel_loop3A_92] : memref<10000xf32, #tpu.memory_space<vmem>>[vector<16xi32>], vector<16xf32>,
        %parallel_loop3A_103 = arith.addf %parallel_loop3A_95, %parallel_loop3A_99 : vector<16xf32>
        %parallel_loop3A_104 = arith.constant 0.000000e+00 : f32
        %parallel_loop3A_105 = vector.broadcast %parallel_loop3A_104 : f32 to vector<16xf32>
        %parallel_loop3A_106 = arith.maximumf %parallel_loop3A_103, %parallel_loop3A_105 : vector<16xf32>
        %parallel_loop3A_107 = math.exp %parallel_loop3A_106 : vector<16xf32>
        %parallel_loop3A_108 = arith.index_cast %parallel_loop3A_84 : i32 to index
        %parallel_loop3A_109 = tpu.vector_load %arg29[%parallel_loop3A_108] {strides = array<i32>} : memref<2560xf32, #tpu.memory_space<vmem>>, vector<16xf32>,
        tpu.vector_store %arg29[%parallel_loop3A_108], %parallel_loop3A_107 {strides = array<i32>} : memref<2560xf32, #tpu.memory_space<vmem>>, vector<16xf32>,
        %parallel_loop3A_110 = arith.addf %parallel_loop3A_96, %parallel_loop3A_100 : vector<16xf32>
        %parallel_loop3A_111 = arith.constant 0.000000e+00 : f32
        %parallel_loop3A_112 = vector.broadcast %parallel_loop3A_111 : f32 to vector<16xf32>
        %parallel_loop3A_113 = arith.maximumf %parallel_loop3A_110, %parallel_loop3A_112 : vector<16xf32>
        %parallel_loop3A_114 = math.exp %parallel_loop3A_113 : vector<16xf32>
        %parallel_loop3A_115 = arith.index_cast %parallel_loop3A_84 : i32 to index
        %parallel_loop3A_116 = tpu.vector_load %arg31[%parallel_loop3A_115] {strides = array<i32>} : memref<2560xf32, #tpu.memory_space<vmem>>, vector<16xf32>,
        tpu.vector_store %arg31[%parallel_loop3A_115], %parallel_loop3A_114 {strides = array<i32>} : memref<2560xf32, #tpu.memory_space<vmem>>, vector<16xf32>,
        %parallel_loop3A_117 = arith.addf %parallel_loop3A_97, %parallel_loop3A_101 : vector<16xf32>
        %parallel_loop3A_118 = arith.constant 0.000000e+00 : f32
        %parallel_loop3A_119 = vector.broadcast %parallel_loop3A_118 : f32 to vector<16xf32>
        %parallel_loop3A_120 = arith.maximumf %parallel_loop3A_117, %parallel_loop3A_119 : vector<16xf32>
        %parallel_loop3A_121 = arith.addf %parallel_loop3A_98, %parallel_loop3A_102 : vector<16xf32>
        %parallel_loop3A_122 = arith.constant 0.000000e+00 : f32
        %parallel_loop3A_123 = vector.broadcast %parallel_loop3A_122 : f32 to vector<16xf32>
        %parallel_loop3A_124 = arith.maximumf %parallel_loop3A_121, %parallel_loop3A_123 : vector<16xf32>
        %parallel_loop3A_125 = arith.addf %parallel_loop3A_120, %parallel_loop3A_124 : vector<16xf32>
        %parallel_loop3A_126 = arith.index_cast %parallel_loop3A_84 : i32 to index
        %parallel_loop3A_127 = tpu.vector_load %arg33[%parallel_loop3A_126] {strides = array<i32>} : memref<2560xf32, #tpu.memory_space<vmem>>, vector<16xf32>,
        tpu.vector_store %arg33[%parallel_loop3A_126], %parallel_loop3A_125 {strides = array<i32>} : memref<2560xf32, #tpu.memory_space<vmem>>, vector<16xf32>,
      } {sc.loop_unroll_factor = 8 : i64, sc.parallel_access}
      %dma_start3A_76 = tpu.memref_slice %arg11[%mul3A_54] : memref<320000xf32, #tpu.memory_space<hbm>> -> memref<2560xf32, #tpu.memory_space<hbm>>
      %dma_start3A_77 = tpu.memref_slice %arg11[%mul3A_54] : memref<320000xf32, #tpu.memory_space<hbm>> -> memref<2560xf32, #tpu.memory_space<hbm>>
      tpu.enqueue_dma source(%arg29 : memref<2560xf32, #tpu.memory_space<vmem>>) target(%dma_start3A_77 : memref<2560xf32, #tpu.memory_space<hbm>>) target_semaphore(%arg41 : memref<!tpu.dma_semaphore, #tpu.memory_space<semaphore_mem>>)
      %dma_start3A_78 = tpu.memref_slice %arg12[%mul3A_54] : memref<320000xf32, #tpu.memory_space<hbm>> -> memref<2560xf32, #tpu.memory_space<hbm>>
      %dma_start3A_79 = tpu.memref_slice %arg12[%mul3A_54] : memref<320000xf32, #tpu.memory_space<hbm>> -> memref<2560xf32, #tpu.memory_space<hbm>>
      tpu.enqueue_dma source(%arg31 : memref<2560xf32, #tpu.memory_space<vmem>>) target(%dma_start3A_79 : memref<2560xf32, #tpu.memory_space<hbm>>) target_semaphore(%arg41 : memref<!tpu.dma_semaphore, #tpu.memory_space<semaphore_mem>>)
      %dma_start3A_80 = tpu.memref_slice %arg13[%mul3A_54] : memref<320000xf32, #tpu.memory_space<hbm>> -> memref<2560xf32, #tpu.memory_space<hbm>>
      %dma_start3A_81 = tpu.memref_slice %arg13[%mul3A_54] : memref<320000xf32, #tpu.memory_space<hbm>> -> memref<2560xf32, #tpu.memory_space<hbm>>
      tpu.enqueue_dma source(%arg33 : memref<2560xf32, #tpu.memory_space<vmem>>) target(%dma_start3A_81 : memref<2560xf32, #tpu.memory_space<hbm>>) target_semaphore(%arg41 : memref<!tpu.dma_semaphore, #tpu.memory_space<semaphore_mem>>)
      "tpu.region"() ({
        %run_scoped3A = tpu.sem_alloc : memref<!tpu.dma_semaphore, #tpu.memory_space<semaphore_mem>>
        %dma_start3A_82 = arith.constant 0 : i32
        %dma_start3A_83 = tpu.memref_slice %arg35[%dma_start3A_82] : memref<10240xf32, #tpu.memory_space<vmem_shared>> -> memref<10240xf32, #tpu.memory_space<vmem_shared>>
        tpu.enqueue_indirect_dma source(%arg29 : memref<2560xf32, #tpu.memory_space<vmem>>) target(%dma_start3A_83 : memref<10240xf32, #tpu.memory_space<vmem_shared>>) offsets(%arg27 : memref<2560xi32, #tpu.memory_space<vmem>>) semaphore(%run_scoped3A : memref<!tpu.dma_semaphore, #tpu.memory_space<semaphore_mem>>) {add = true}
        %dma_wait3A_84 = arith.constant 0 : i32
        %dma_wait3A_85 = tpu.memref_slice %arg35[%dma_wait3A_84] : memref<10240xf32, #tpu.memory_space<vmem_shared>> -> memref<10240xf32, #tpu.memory_space<vmem_shared>>
        tpu.wait_indirect_dma semaphore(%run_scoped3A : memref<!tpu.dma_semaphore, #tpu.memory_space<semaphore_mem>>) src(%arg29 : memref<2560xf32, #tpu.memory_space<vmem>>) dst(%dma_wait3A_85 : memref<10240xf32, #tpu.memory_space<vmem_shared>>)
        tpu.yield
      }) : () -> ()
      "tpu.region"() ({
        %run_scoped3A = tpu.sem_alloc : memref<!tpu.dma_semaphore, #tpu.memory_space<semaphore_mem>>
        %dma_start3A_82 = arith.constant 0 : i32
        %dma_start3A_83 = tpu.memref_slice %arg36[%dma_start3A_82] : memref<10240xf32, #tpu.memory_space<vmem_shared>> -> memref<10240xf32, #tpu.memory_space<vmem_shared>>
        tpu.enqueue_indirect_dma source(%arg31 : memref<2560xf32, #tpu.memory_space<vmem>>) target(%dma_start3A_83 : memref<10240xf32, #tpu.memory_space<vmem_shared>>) offsets(%arg27 : memref<2560xi32, #tpu.memory_space<vmem>>) semaphore(%run_scoped3A : memref<!tpu.dma_semaphore, #tpu.memory_space<semaphore_mem>>) {add = true}
        %dma_wait3A_84 = arith.constant 0 : i32
        %dma_wait3A_85 = tpu.memref_slice %arg36[%dma_wait3A_84] : memref<10240xf32, #tpu.memory_space<vmem_shared>> -> memref<10240xf32, #tpu.memory_space<vmem_shared>>
        tpu.wait_indirect_dma semaphore(%run_scoped3A : memref<!tpu.dma_semaphore, #tpu.memory_space<semaphore_mem>>) src(%arg31 : memref<2560xf32, #tpu.memory_space<vmem>>) dst(%dma_wait3A_85 : memref<10240xf32, #tpu.memory_space<vmem_shared>>)
        tpu.yield
      }) : () -> ()
    } else {
    }
    %add3A_23 = arith.constant 64 : i32
    %add3A_24 = arith.addi %add3A, %add3A_23 : i32
    %lt3A_25 = arith.constant 125 : i32
    %lt3A_26 = arith.cmpi slt, %add3A_24, %lt3A_25 : i32
    %convert_element_type3A_27 = arith.extui %lt3A_26 : i1 to i32
    %cond3A_28 = arith.constant 0 : i32
    %cond3A_29 = arith.cmpi ne, %convert_element_type3A_27, %cond3A_28 : i32
    scf.if %cond3A_29 {
      %mul3A_53 = arith.constant 2560 : i32
      %mul3A_54 = arith.muli %add3A_24, %mul3A_53 : i32
      %dma_wait3A = arith.constant 0 : i32
      %dma_wait3A_55 = arith.constant 0 : i32
      %dma_wait3A_56 = tpu.memref_slice %arg10[%dma_wait3A, %dma_wait3A_55] : memref<2x320000xi32, #tpu.memory_space<hbm>> -> memref<2x2560xi32, #tpu.memory_space<hbm>>
      %dma_wait3A_57 = arith.constant 0 : i32
      %dma_wait3A_58 = arith.constant 0 : i32
      %dma_wait3A_59 = tpu.memref_slice %arg10[%dma_wait3A_57, %dma_wait3A_58] : memref<2x320000xi32, #tpu.memory_space<hbm>> -> memref<2x2560xi32, #tpu.memory_space<hbm>>
      tpu.wait_dma2 semaphore(%arg38 : memref<!tpu.dma_semaphore, #tpu.memory_space<semaphore_mem>>) src(%dma_wait3A_59 : memref<2x2560xi32, #tpu.memory_space<hbm>>) dst(%arg24 : memref<2x2560xi32, #tpu.memory_space<vmem>>)
      %sub3A = arith.constant 32 : i32
      %sub3A_60 = arith.subi %add3A_24, %sub3A : i32
      %ge3A_61 = arith.constant 0 : i32
      %ge3A_62 = arith.cmpi sge, %sub3A_60, %ge3A_61 : i32
      %convert_element_type3A_63 = arith.extui %ge3A_62 : i1 to i32
      %cond3A_64 = arith.constant 0 : i32
      %cond3A_65 = arith.cmpi ne, %convert_element_type3A_63, %cond3A_64 : i32
      scf.if %cond3A_65 {
        %dma_wait3A_82 = arith.constant 0 : i32
        %dma_wait3A_83 = tpu.memref_slice %arg11[%dma_wait3A_82] : memref<320000xf32, #tpu.memory_space<hbm>> -> memref<2560xf32, #tpu.memory_space<hbm>>
        %dma_wait3A_84 = arith.constant 0 : i32
        %dma_wait3A_85 = tpu.memref_slice %arg11[%dma_wait3A_84] : memref<320000xf32, #tpu.memory_space<hbm>> -> memref<2560xf32, #tpu.memory_space<hbm>>
        tpu.wait_dma2 semaphore(%arg41 : memref<!tpu.dma_semaphore, #tpu.memory_space<semaphore_mem>>) src(%arg29 : memref<2560xf32, #tpu.memory_space<vmem>>) dst(%dma_wait3A_85 : memref<2560xf32, #tpu.memory_space<hbm>>)
        %dma_wait3A_86 = arith.constant 0 : i32
        %dma_wait3A_87 = tpu.memref_slice %arg12[%dma_wait3A_86] : memref<320000xf32, #tpu.memory_space<hbm>> -> memref<2560xf32, #tpu.memory_space<hbm>>
        %dma_wait3A_88 = arith.constant 0 : i32
        %dma_wait3A_89 = tpu.memref_slice %arg12[%dma_wait3A_88] : memref<320000xf32, #tpu.memory_space<hbm>> -> memref<2560xf32, #tpu.memory_space<hbm>>
        tpu.wait_dma2 semaphore(%arg41 : memref<!tpu.dma_semaphore, #tpu.memory_space<semaphore_mem>>) src(%arg31 : memref<2560xf32, #tpu.memory_space<vmem>>) dst(%dma_wait3A_89 : memref<2560xf32, #tpu.memory_space<hbm>>)
        %dma_wait3A_90 = arith.constant 0 : i32
        %dma_wait3A_91 = tpu.memref_slice %arg13[%dma_wait3A_90] : memref<320000xf32, #tpu.memory_space<hbm>> -> memref<2560xf32, #tpu.memory_space<hbm>>
        %dma_wait3A_92 = arith.constant 0 : i32
        %dma_wait3A_93 = tpu.memref_slice %arg13[%dma_wait3A_92] : memref<320000xf32, #tpu.memory_space<hbm>> -> memref<2560xf32, #tpu.memory_space<hbm>>
        tpu.wait_dma2 semaphore(%arg41 : memref<!tpu.dma_semaphore, #tpu.memory_space<semaphore_mem>>) src(%arg33 : memref<2560xf32, #tpu.memory_space<vmem>>) dst(%dma_wait3A_93 : memref<2560xf32, #tpu.memory_space<hbm>>)
      } else {
      }
      %add3A_66 = arith.constant 32 : i32
      %add3A_67 = arith.addi %add3A_24, %add3A_66 : i32
      %lt3A_68 = arith.constant 125 : i32
      %lt3A_69 = arith.cmpi slt, %add3A_67, %lt3A_68 : i32
      %convert_element_type3A_70 = arith.extui %lt3A_69 : i1 to i32
      %cond3A_71 = arith.constant 0 : i32
      %cond3A_72 = arith.cmpi ne, %convert_element_type3A_70, %cond3A_71 : i32
      scf.if %cond3A_72 {
        %add3A_82 = arith.constant 32 : i32
        %add3A_83 = arith.addi %add3A_24, %add3A_82 : i32
        %mul3A_84 = arith.constant 2560 : i32
        %mul3A_85 = arith.muli %add3A_83, %mul3A_84 : i32
        %dma_start3A_86 = arith.constant 0 : i32
        %dma_start3A_87 = tpu.memref_slice %arg10[%dma_start3A_86, %mul3A_85] : memref<2x320000xi32, #tpu.memory_space<hbm>> -> memref<2x2560xi32, #tpu.memory_space<hbm>>
        %dma_start3A_88 = arith.constant 0 : i32
        %dma_start3A_89 = tpu.memref_slice %arg10[%dma_start3A_88, %mul3A_85] : memref<2x320000xi32, #tpu.memory_space<hbm>> -> memref<2x2560xi32, #tpu.memory_space<hbm>>
        tpu.enqueue_dma source(%dma_start3A_89 : memref<2x2560xi32, #tpu.memory_space<hbm>>) target(%arg25 : memref<2x2560xi32, #tpu.memory_space<vmem>>) target_semaphore(%arg39 : memref<!tpu.dma_semaphore, #tpu.memory_space<semaphore_mem>>)
      } else {
      }
      %parallel_loop3A_73 = arith.constant 0 : i32
      %parallel_loop3A_74 = arith.constant 160 : i32
      %parallel_loop3A_75 = arith.constant 1 : i32
      scf.for %parallel_loop3A_82 = %parallel_loop3A_73 to %parallel_loop3A_74 step %parallel_loop3A_75  : i32 {
        %parallel_loop3A_83 = arith.constant 16 : i32
        %parallel_loop3A_84 = arith.muli %parallel_loop3A_82, %parallel_loop3A_83 : i32
        %parallel_loop3A_85 = arith.constant 0 : i32
        %parallel_loop3A_86 = arith.index_cast %parallel_loop3A_85 : i32 to index
        %parallel_loop3A_87 = arith.index_cast %parallel_loop3A_84 : i32 to index
        %parallel_loop3A_88 = tpu.vector_load %arg24[%parallel_loop3A_86, %parallel_loop3A_87] {strides = array<i32>} : memref<2x2560xi32, #tpu.memory_space<vmem>>, vector<16xi32>,
        %parallel_loop3A_89 = arith.constant 1 : i32
        %parallel_loop3A_90 = arith.index_cast %parallel_loop3A_89 : i32 to index
        %parallel_loop3A_91 = arith.index_cast %parallel_loop3A_84 : i32 to index
        %parallel_loop3A_92 = tpu.vector_load %arg24[%parallel_loop3A_90, %parallel_loop3A_91] {strides = array<i32>} : memref<2x2560xi32, #tpu.memory_space<vmem>>, vector<16xi32>,
        %parallel_loop3A_93 = arith.index_cast %parallel_loop3A_84 : i32 to index
        %parallel_loop3A_94 = tpu.vector_load %arg26[%parallel_loop3A_93] {strides = array<i32>} : memref<2560xi32, #tpu.memory_space<vmem>>, vector<16xi32>,
        tpu.vector_store %arg26[%parallel_loop3A_93], %parallel_loop3A_88 {strides = array<i32>} : memref<2560xi32, #tpu.memory_space<vmem>>, vector<16xi32>,
        %parallel_loop3A_95 = tpu.vector_load_idx %arg16[%parallel_loop3A_88] : memref<10000xf32, #tpu.memory_space<vmem>>[vector<16xi32>], vector<16xf32>,
        %parallel_loop3A_96 = tpu.vector_load_idx %arg17[%parallel_loop3A_88] : memref<10000xf32, #tpu.memory_space<vmem>>[vector<16xi32>], vector<16xf32>,
        %parallel_loop3A_97 = tpu.vector_load_idx %arg18[%parallel_loop3A_88] : memref<10000xf32, #tpu.memory_space<vmem>>[vector<16xi32>], vector<16xf32>,
        %parallel_loop3A_98 = tpu.vector_load_idx %arg19[%parallel_loop3A_88] : memref<10000xf32, #tpu.memory_space<vmem>>[vector<16xi32>], vector<16xf32>,
        %parallel_loop3A_99 = tpu.vector_load_idx %arg20[%parallel_loop3A_92] : memref<10000xf32, #tpu.memory_space<vmem>>[vector<16xi32>], vector<16xf32>,
        %parallel_loop3A_100 = tpu.vector_load_idx %arg21[%parallel_loop3A_92] : memref<10000xf32, #tpu.memory_space<vmem>>[vector<16xi32>], vector<16xf32>,
        %parallel_loop3A_101 = tpu.vector_load_idx %arg22[%parallel_loop3A_92] : memref<10000xf32, #tpu.memory_space<vmem>>[vector<16xi32>], vector<16xf32>,
        %parallel_loop3A_102 = tpu.vector_load_idx %arg23[%parallel_loop3A_92] : memref<10000xf32, #tpu.memory_space<vmem>>[vector<16xi32>], vector<16xf32>,
        %parallel_loop3A_103 = arith.addf %parallel_loop3A_95, %parallel_loop3A_99 : vector<16xf32>
        %parallel_loop3A_104 = arith.constant 0.000000e+00 : f32
        %parallel_loop3A_105 = vector.broadcast %parallel_loop3A_104 : f32 to vector<16xf32>
        %parallel_loop3A_106 = arith.maximumf %parallel_loop3A_103, %parallel_loop3A_105 : vector<16xf32>
        %parallel_loop3A_107 = math.exp %parallel_loop3A_106 : vector<16xf32>
        %parallel_loop3A_108 = arith.index_cast %parallel_loop3A_84 : i32 to index
        %parallel_loop3A_109 = tpu.vector_load %arg28[%parallel_loop3A_108] {strides = array<i32>} : memref<2560xf32, #tpu.memory_space<vmem>>, vector<16xf32>,
        tpu.vector_store %arg28[%parallel_loop3A_108], %parallel_loop3A_107 {strides = array<i32>} : memref<2560xf32, #tpu.memory_space<vmem>>, vector<16xf32>,
        %parallel_loop3A_110 = arith.addf %parallel_loop3A_96, %parallel_loop3A_100 : vector<16xf32>
        %parallel_loop3A_111 = arith.constant 0.000000e+00 : f32
        %parallel_loop3A_112 = vector.broadcast %parallel_loop3A_111 : f32 to vector<16xf32>
        %parallel_loop3A_113 = arith.maximumf %parallel_loop3A_110, %parallel_loop3A_112 : vector<16xf32>
        %parallel_loop3A_114 = math.exp %parallel_loop3A_113 : vector<16xf32>
        %parallel_loop3A_115 = arith.index_cast %parallel_loop3A_84 : i32 to index
        %parallel_loop3A_116 = tpu.vector_load %arg30[%parallel_loop3A_115] {strides = array<i32>} : memref<2560xf32, #tpu.memory_space<vmem>>, vector<16xf32>,
        tpu.vector_store %arg30[%parallel_loop3A_115], %parallel_loop3A_114 {strides = array<i32>} : memref<2560xf32, #tpu.memory_space<vmem>>, vector<16xf32>,
        %parallel_loop3A_117 = arith.addf %parallel_loop3A_97, %parallel_loop3A_101 : vector<16xf32>
        %parallel_loop3A_118 = arith.constant 0.000000e+00 : f32
        %parallel_loop3A_119 = vector.broadcast %parallel_loop3A_118 : f32 to vector<16xf32>
        %parallel_loop3A_120 = arith.maximumf %parallel_loop3A_117, %parallel_loop3A_119 : vector<16xf32>
        %parallel_loop3A_121 = arith.addf %parallel_loop3A_98, %parallel_loop3A_102 : vector<16xf32>
        %parallel_loop3A_122 = arith.constant 0.000000e+00 : f32
        %parallel_loop3A_123 = vector.broadcast %parallel_loop3A_122 : f32 to vector<16xf32>
        %parallel_loop3A_124 = arith.maximumf %parallel_loop3A_121, %parallel_loop3A_123 : vector<16xf32>
        %parallel_loop3A_125 = arith.addf %parallel_loop3A_120, %parallel_loop3A_124 : vector<16xf32>
        %parallel_loop3A_126 = arith.index_cast %parallel_loop3A_84 : i32 to index
        %parallel_loop3A_127 = tpu.vector_load %arg32[%parallel_loop3A_126] {strides = array<i32>} : memref<2560xf32, #tpu.memory_space<vmem>>, vector<16xf32>,
        tpu.vector_store %arg32[%parallel_loop3A_126], %parallel_loop3A_125 {strides = array<i32>} : memref<2560xf32, #tpu.memory_space<vmem>>, vector<16xf32>,
      } {sc.loop_unroll_factor = 8 : i64, sc.parallel_access}
      %dma_start3A_76 = tpu.memref_slice %arg11[%mul3A_54] : memref<320000xf32, #tpu.memory_space<hbm>> -> memref<2560xf32, #tpu.memory_space<hbm>>
      %dma_start3A_77 = tpu.memref_slice %arg11[%mul3A_54] : memref<320000xf32, #tpu.memory_space<hbm>> -> memref<2560xf32, #tpu.memory_space<hbm>>
      tpu.enqueue_dma source(%arg28 : memref<2560xf32, #tpu.memory_space<vmem>>) target(%dma_start3A_77 : memref<2560xf32, #tpu.memory_space<hbm>>) target_semaphore(%arg40 : memref<!tpu.dma_semaphore, #tpu.memory_space<semaphore_mem>>)
      %dma_start3A_78 = tpu.memref_slice %arg12[%mul3A_54] : memref<320000xf32, #tpu.memory_space<hbm>> -> memref<2560xf32, #tpu.memory_space<hbm>>
      %dma_start3A_79 = tpu.memref_slice %arg12[%mul3A_54] : memref<320000xf32, #tpu.memory_space<hbm>> -> memref<2560xf32, #tpu.memory_space<hbm>>
      tpu.enqueue_dma source(%arg30 : memref<2560xf32, #tpu.memory_space<vmem>>) target(%dma_start3A_79 : memref<2560xf32, #tpu.memory_space<hbm>>) target_semaphore(%arg40 : memref<!tpu.dma_semaphore, #tpu.memory_space<semaphore_mem>>)
      %dma_start3A_80 = tpu.memref_slice %arg13[%mul3A_54] : memref<320000xf32, #tpu.memory_space<hbm>> -> memref<2560xf32, #tpu.memory_space<hbm>>
      %dma_start3A_81 = tpu.memref_slice %arg13[%mul3A_54] : memref<320000xf32, #tpu.memory_space<hbm>> -> memref<2560xf32, #tpu.memory_space<hbm>>
      tpu.enqueue_dma source(%arg32 : memref<2560xf32, #tpu.memory_space<vmem>>) target(%dma_start3A_81 : memref<2560xf32, #tpu.memory_space<hbm>>) target_semaphore(%arg40 : memref<!tpu.dma_semaphore, #tpu.memory_space<semaphore_mem>>)
      "tpu.region"() ({
        %run_scoped3A = tpu.sem_alloc : memref<!tpu.dma_semaphore, #tpu.memory_space<semaphore_mem>>
        %dma_start3A_82 = arith.constant 0 : i32
        %dma_start3A_83 = tpu.memref_slice %arg35[%dma_start3A_82] : memref<10240xf32, #tpu.memory_space<vmem_shared>> -> memref<10240xf32, #tpu.memory_space<vmem_shared>>
        tpu.enqueue_indirect_dma source(%arg28 : memref<2560xf32, #tpu.memory_space<vmem>>) target(%dma_start3A_83 : memref<10240xf32, #tpu.memory_space<vmem_shared>>) offsets(%arg26 : memref<2560xi32, #tpu.memory_space<vmem>>) semaphore(%run_scoped3A : memref<!tpu.dma_semaphore, #tpu.memory_space<semaphore_mem>>) {add = true}
        %dma_wait3A_84 = arith.constant 0 : i32
        %dma_wait3A_85 = tpu.memref_slice %arg35[%dma_wait3A_84] : memref<10240xf32, #tpu.memory_space<vmem_shared>> -> memref<10240xf32, #tpu.memory_space<vmem_shared>>
        tpu.wait_indirect_dma semaphore(%run_scoped3A : memref<!tpu.dma_semaphore, #tpu.memory_space<semaphore_mem>>) src(%arg28 : memref<2560xf32, #tpu.memory_space<vmem>>) dst(%dma_wait3A_85 : memref<10240xf32, #tpu.memory_space<vmem_shared>>)
        tpu.yield
      }) : () -> ()
      "tpu.region"() ({
        %run_scoped3A = tpu.sem_alloc : memref<!tpu.dma_semaphore, #tpu.memory_space<semaphore_mem>>
        %dma_start3A_82 = arith.constant 0 : i32
        %dma_start3A_83 = tpu.memref_slice %arg36[%dma_start3A_82] : memref<10240xf32, #tpu.memory_space<vmem_shared>> -> memref<10240xf32, #tpu.memory_space<vmem_shared>>
        tpu.enqueue_indirect_dma source(%arg30 : memref<2560xf32, #tpu.memory_space<vmem>>) target(%dma_start3A_83 : memref<10240xf32, #tpu.memory_space<vmem_shared>>) offsets(%arg26 : memref<2560xi32, #tpu.memory_space<vmem>>) semaphore(%run_scoped3A : memref<!tpu.dma_semaphore, #tpu.memory_space<semaphore_mem>>) {add = true}
        %dma_wait3A_84 = arith.constant 0 : i32
        %dma_wait3A_85 = tpu.memref_slice %arg36[%dma_wait3A_84] : memref<10240xf32, #tpu.memory_space<vmem_shared>> -> memref<10240xf32, #tpu.memory_space<vmem_shared>>
        tpu.wait_indirect_dma semaphore(%run_scoped3A : memref<!tpu.dma_semaphore, #tpu.memory_space<semaphore_mem>>) src(%arg30 : memref<2560xf32, #tpu.memory_space<vmem>>) dst(%dma_wait3A_85 : memref<10240xf32, #tpu.memory_space<vmem_shared>>)
        tpu.yield
      }) : () -> ()
    } else {
    }
    %add3A_30 = arith.constant 96 : i32
    %add3A_31 = arith.addi %add3A, %add3A_30 : i32
    %lt3A_32 = arith.constant 125 : i32
    %lt3A_33 = arith.cmpi slt, %add3A_31, %lt3A_32 : i32
    %convert_element_type3A_34 = arith.extui %lt3A_33 : i1 to i32
    %cond3A_35 = arith.constant 0 : i32
    %cond3A_36 = arith.cmpi ne, %convert_element_type3A_34, %cond3A_35 : i32
    scf.if %cond3A_36 {
      %mul3A_53 = arith.constant 2560 : i32
      %mul3A_54 = arith.muli %add3A_31, %mul3A_53 : i32
      %dma_wait3A = arith.constant 0 : i32
      %dma_wait3A_55 = arith.constant 0 : i32
      %dma_wait3A_56 = tpu.memref_slice %arg10[%dma_wait3A, %dma_wait3A_55] : memref<2x320000xi32, #tpu.memory_space<hbm>> -> memref<2x2560xi32, #tpu.memory_space<hbm>>
      %dma_wait3A_57 = arith.constant 0 : i32
      %dma_wait3A_58 = arith.constant 0 : i32
      %dma_wait3A_59 = tpu.memref_slice %arg10[%dma_wait3A_57, %dma_wait3A_58] : memref<2x320000xi32, #tpu.memory_space<hbm>> -> memref<2x2560xi32, #tpu.memory_space<hbm>>
      tpu.wait_dma2 semaphore(%arg39 : memref<!tpu.dma_semaphore, #tpu.memory_space<semaphore_mem>>) src(%dma_wait3A_59 : memref<2x2560xi32, #tpu.memory_space<hbm>>) dst(%arg25 : memref<2x2560xi32, #tpu.memory_space<vmem>>)
      %sub3A = arith.constant 32 : i32
      %sub3A_60 = arith.subi %add3A_31, %sub3A : i32
      %ge3A_61 = arith.constant 0 : i32
      %ge3A_62 = arith.cmpi sge, %sub3A_60, %ge3A_61 : i32
      %convert_element_type3A_63 = arith.extui %ge3A_62 : i1 to i32
      %cond3A_64 = arith.constant 0 : i32
      %cond3A_65 = arith.cmpi ne, %convert_element_type3A_63, %cond3A_64 : i32
      scf.if %cond3A_65 {
        %dma_wait3A_75 = arith.constant 0 : i32
        %dma_wait3A_76 = tpu.memref_slice %arg11[%dma_wait3A_75] : memref<320000xf32, #tpu.memory_space<hbm>> -> memref<2560xf32, #tpu.memory_space<hbm>>
        %dma_wait3A_77 = arith.constant 0 : i32
        %dma_wait3A_78 = tpu.memref_slice %arg11[%dma_wait3A_77] : memref<320000xf32, #tpu.memory_space<hbm>> -> memref<2560xf32, #tpu.memory_space<hbm>>
        tpu.wait_dma2 semaphore(%arg40 : memref<!tpu.dma_semaphore, #tpu.memory_space<semaphore_mem>>) src(%arg28 : memref<2560xf32, #tpu.memory_space<vmem>>) dst(%dma_wait3A_78 : memref<2560xf32, #tpu.memory_space<hbm>>)
        %dma_wait3A_79 = arith.constant 0 : i32
        %dma_wait3A_80 = tpu.memref_slice %arg12[%dma_wait3A_79] : memref<320000xf32, #tpu.memory_space<hbm>> -> memref<2560xf32, #tpu.memory_space<hbm>>
        %dma_wait3A_81 = arith.constant 0 : i32
        %dma_wait3A_82 = tpu.memref_slice %arg12[%dma_wait3A_81] : memref<320000xf32, #tpu.memory_space<hbm>> -> memref<2560xf32, #tpu.memory_space<hbm>>
        tpu.wait_dma2 semaphore(%arg40 : memref<!tpu.dma_semaphore, #tpu.memory_space<semaphore_mem>>) src(%arg30 : memref<2560xf32, #tpu.memory_space<vmem>>) dst(%dma_wait3A_82 : memref<2560xf32, #tpu.memory_space<hbm>>)
        %dma_wait3A_83 = arith.constant 0 : i32
        %dma_wait3A_84 = tpu.memref_slice %arg13[%dma_wait3A_83] : memref<320000xf32, #tpu.memory_space<hbm>> -> memref<2560xf32, #tpu.memory_space<hbm>>
        %dma_wait3A_85 = arith.constant 0 : i32
        %dma_wait3A_86 = tpu.memref_slice %arg13[%dma_wait3A_85] : memref<320000xf32, #tpu.memory_space<hbm>> -> memref<2560xf32, #tpu.memory_space<hbm>>
        tpu.wait_dma2 semaphore(%arg40 : memref<!tpu.dma_semaphore, #tpu.memory_space<semaphore_mem>>) src(%arg32 : memref<2560xf32, #tpu.memory_space<vmem>>) dst(%dma_wait3A_86 : memref<2560xf32, #tpu.memory_space<hbm>>)
      } else {
      }
      %parallel_loop3A_66 = arith.constant 0 : i32
      %parallel_loop3A_67 = arith.constant 160 : i32
      %parallel_loop3A_68 = arith.constant 1 : i32
      scf.for %parallel_loop3A_75 = %parallel_loop3A_66 to %parallel_loop3A_67 step %parallel_loop3A_68  : i32 {
        %parallel_loop3A_76 = arith.constant 16 : i32
        %parallel_loop3A_77 = arith.muli %parallel_loop3A_75, %parallel_loop3A_76 : i32
        %parallel_loop3A_78 = arith.constant 0 : i32
        %parallel_loop3A_79 = arith.index_cast %parallel_loop3A_78 : i32 to index
        %parallel_loop3A_80 = arith.index_cast %parallel_loop3A_77 : i32 to index
        %parallel_loop3A_81 = tpu.vector_load %arg25[%parallel_loop3A_79, %parallel_loop3A_80] {strides = array<i32>} : memref<2x2560xi32, #tpu.memory_space<vmem>>, vector<16xi32>,
        %parallel_loop3A_82 = arith.constant 1 : i32
        %parallel_loop3A_83 = arith.index_cast %parallel_loop3A_82 : i32 to index
        %parallel_loop3A_84 = arith.index_cast %parallel_loop3A_77 : i32 to index
        %parallel_loop3A_85 = tpu.vector_load %arg25[%parallel_loop3A_83, %parallel_loop3A_84] {strides = array<i32>} : memref<2x2560xi32, #tpu.memory_space<vmem>>, vector<16xi32>,
        %parallel_loop3A_86 = arith.index_cast %parallel_loop3A_77 : i32 to index
        %parallel_loop3A_87 = tpu.vector_load %arg27[%parallel_loop3A_86] {strides = array<i32>} : memref<2560xi32, #tpu.memory_space<vmem>>, vector<16xi32>,
        tpu.vector_store %arg27[%parallel_loop3A_86], %parallel_loop3A_81 {strides = array<i32>} : memref<2560xi32, #tpu.memory_space<vmem>>, vector<16xi32>,
        %parallel_loop3A_88 = tpu.vector_load_idx %arg16[%parallel_loop3A_81] : memref<10000xf32, #tpu.memory_space<vmem>>[vector<16xi32>], vector<16xf32>,
        %parallel_loop3A_89 = tpu.vector_load_idx %arg17[%parallel_loop3A_81] : memref<10000xf32, #tpu.memory_space<vmem>>[vector<16xi32>], vector<16xf32>,
        %parallel_loop3A_90 = tpu.vector_load_idx %arg18[%parallel_loop3A_81] : memref<10000xf32, #tpu.memory_space<vmem>>[vector<16xi32>], vector<16xf32>,
        %parallel_loop3A_91 = tpu.vector_load_idx %arg19[%parallel_loop3A_81] : memref<10000xf32, #tpu.memory_space<vmem>>[vector<16xi32>], vector<16xf32>,
        %parallel_loop3A_92 = tpu.vector_load_idx %arg20[%parallel_loop3A_85] : memref<10000xf32, #tpu.memory_space<vmem>>[vector<16xi32>], vector<16xf32>,
        %parallel_loop3A_93 = tpu.vector_load_idx %arg21[%parallel_loop3A_85] : memref<10000xf32, #tpu.memory_space<vmem>>[vector<16xi32>], vector<16xf32>,
        %parallel_loop3A_94 = tpu.vector_load_idx %arg22[%parallel_loop3A_85] : memref<10000xf32, #tpu.memory_space<vmem>>[vector<16xi32>], vector<16xf32>,
        %parallel_loop3A_95 = tpu.vector_load_idx %arg23[%parallel_loop3A_85] : memref<10000xf32, #tpu.memory_space<vmem>>[vector<16xi32>], vector<16xf32>,
        %parallel_loop3A_96 = arith.addf %parallel_loop3A_88, %parallel_loop3A_92 : vector<16xf32>
        %parallel_loop3A_97 = arith.constant 0.000000e+00 : f32
        %parallel_loop3A_98 = vector.broadcast %parallel_loop3A_97 : f32 to vector<16xf32>
        %parallel_loop3A_99 = arith.maximumf %parallel_loop3A_96, %parallel_loop3A_98 : vector<16xf32>
        %parallel_loop3A_100 = math.exp %parallel_loop3A_99 : vector<16xf32>
        %parallel_loop3A_101 = arith.index_cast %parallel_loop3A_77 : i32 to index
        %parallel_loop3A_102 = tpu.vector_load %arg29[%parallel_loop3A_101] {strides = array<i32>} : memref<2560xf32, #tpu.memory_space<vmem>>, vector<16xf32>,
        tpu.vector_store %arg29[%parallel_loop3A_101], %parallel_loop3A_100 {strides = array<i32>} : memref<2560xf32, #tpu.memory_space<vmem>>, vector<16xf32>,
        %parallel_loop3A_103 = arith.addf %parallel_loop3A_89, %parallel_loop3A_93 : vector<16xf32>
        %parallel_loop3A_104 = arith.constant 0.000000e+00 : f32
        %parallel_loop3A_105 = vector.broadcast %parallel_loop3A_104 : f32 to vector<16xf32>
        %parallel_loop3A_106 = arith.maximumf %parallel_loop3A_103, %parallel_loop3A_105 : vector<16xf32>
        %parallel_loop3A_107 = math.exp %parallel_loop3A_106 : vector<16xf32>
        %parallel_loop3A_108 = arith.index_cast %parallel_loop3A_77 : i32 to index
        %parallel_loop3A_109 = tpu.vector_load %arg31[%parallel_loop3A_108] {strides = array<i32>} : memref<2560xf32, #tpu.memory_space<vmem>>, vector<16xf32>,
        tpu.vector_store %arg31[%parallel_loop3A_108], %parallel_loop3A_107 {strides = array<i32>} : memref<2560xf32, #tpu.memory_space<vmem>>, vector<16xf32>,
        %parallel_loop3A_110 = arith.addf %parallel_loop3A_90, %parallel_loop3A_94 : vector<16xf32>
        %parallel_loop3A_111 = arith.constant 0.000000e+00 : f32
        %parallel_loop3A_112 = vector.broadcast %parallel_loop3A_111 : f32 to vector<16xf32>
        %parallel_loop3A_113 = arith.maximumf %parallel_loop3A_110, %parallel_loop3A_112 : vector<16xf32>
        %parallel_loop3A_114 = arith.addf %parallel_loop3A_91, %parallel_loop3A_95 : vector<16xf32>
        %parallel_loop3A_115 = arith.constant 0.000000e+00 : f32
        %parallel_loop3A_116 = vector.broadcast %parallel_loop3A_115 : f32 to vector<16xf32>
        %parallel_loop3A_117 = arith.maximumf %parallel_loop3A_114, %parallel_loop3A_116 : vector<16xf32>
        %parallel_loop3A_118 = arith.addf %parallel_loop3A_113, %parallel_loop3A_117 : vector<16xf32>
        %parallel_loop3A_119 = arith.index_cast %parallel_loop3A_77 : i32 to index
        %parallel_loop3A_120 = tpu.vector_load %arg33[%parallel_loop3A_119] {strides = array<i32>} : memref<2560xf32, #tpu.memory_space<vmem>>, vector<16xf32>,
        tpu.vector_store %arg33[%parallel_loop3A_119], %parallel_loop3A_118 {strides = array<i32>} : memref<2560xf32, #tpu.memory_space<vmem>>, vector<16xf32>,
      } {sc.loop_unroll_factor = 8 : i64, sc.parallel_access}
      %dma_start3A_69 = tpu.memref_slice %arg11[%mul3A_54] : memref<320000xf32, #tpu.memory_space<hbm>> -> memref<2560xf32, #tpu.memory_space<hbm>>
      %dma_start3A_70 = tpu.memref_slice %arg11[%mul3A_54] : memref<320000xf32, #tpu.memory_space<hbm>> -> memref<2560xf32, #tpu.memory_space<hbm>>
      tpu.enqueue_dma source(%arg29 : memref<2560xf32, #tpu.memory_space<vmem>>) target(%dma_start3A_70 : memref<2560xf32, #tpu.memory_space<hbm>>) target_semaphore(%arg41 : memref<!tpu.dma_semaphore, #tpu.memory_space<semaphore_mem>>)
      %dma_start3A_71 = tpu.memref_slice %arg12[%mul3A_54] : memref<320000xf32, #tpu.memory_space<hbm>> -> memref<2560xf32, #tpu.memory_space<hbm>>
      %dma_start3A_72 = tpu.memref_slice %arg12[%mul3A_54] : memref<320000xf32, #tpu.memory_space<hbm>> -> memref<2560xf32, #tpu.memory_space<hbm>>
      tpu.enqueue_dma source(%arg31 : memref<2560xf32, #tpu.memory_space<vmem>>) target(%dma_start3A_72 : memref<2560xf32, #tpu.memory_space<hbm>>) target_semaphore(%arg41 : memref<!tpu.dma_semaphore, #tpu.memory_space<semaphore_mem>>)
      %dma_start3A_73 = tpu.memref_slice %arg13[%mul3A_54] : memref<320000xf32, #tpu.memory_space<hbm>> -> memref<2560xf32, #tpu.memory_space<hbm>>
      %dma_start3A_74 = tpu.memref_slice %arg13[%mul3A_54] : memref<320000xf32, #tpu.memory_space<hbm>> -> memref<2560xf32, #tpu.memory_space<hbm>>
      tpu.enqueue_dma source(%arg33 : memref<2560xf32, #tpu.memory_space<vmem>>) target(%dma_start3A_74 : memref<2560xf32, #tpu.memory_space<hbm>>) target_semaphore(%arg41 : memref<!tpu.dma_semaphore, #tpu.memory_space<semaphore_mem>>)
      "tpu.region"() ({
        %run_scoped3A = tpu.sem_alloc : memref<!tpu.dma_semaphore, #tpu.memory_space<semaphore_mem>>
        %dma_start3A_75 = arith.constant 0 : i32
        %dma_start3A_76 = tpu.memref_slice %arg35[%dma_start3A_75] : memref<10240xf32, #tpu.memory_space<vmem_shared>> -> memref<10240xf32, #tpu.memory_space<vmem_shared>>
        tpu.enqueue_indirect_dma source(%arg29 : memref<2560xf32, #tpu.memory_space<vmem>>) target(%dma_start3A_76 : memref<10240xf32, #tpu.memory_space<vmem_shared>>) offsets(%arg27 : memref<2560xi32, #tpu.memory_space<vmem>>) semaphore(%run_scoped3A : memref<!tpu.dma_semaphore, #tpu.memory_space<semaphore_mem>>) {add = true}
        %dma_wait3A_77 = arith.constant 0 : i32
        %dma_wait3A_78 = tpu.memref_slice %arg35[%dma_wait3A_77] : memref<10240xf32, #tpu.memory_space<vmem_shared>> -> memref<10240xf32, #tpu.memory_space<vmem_shared>>
        tpu.wait_indirect_dma semaphore(%run_scoped3A : memref<!tpu.dma_semaphore, #tpu.memory_space<semaphore_mem>>) src(%arg29 : memref<2560xf32, #tpu.memory_space<vmem>>) dst(%dma_wait3A_78 : memref<10240xf32, #tpu.memory_space<vmem_shared>>)
        tpu.yield
      }) : () -> ()
      "tpu.region"() ({
        %run_scoped3A = tpu.sem_alloc : memref<!tpu.dma_semaphore, #tpu.memory_space<semaphore_mem>>
        %dma_start3A_75 = arith.constant 0 : i32
        %dma_start3A_76 = tpu.memref_slice %arg36[%dma_start3A_75] : memref<10240xf32, #tpu.memory_space<vmem_shared>> -> memref<10240xf32, #tpu.memory_space<vmem_shared>>
        tpu.enqueue_indirect_dma source(%arg31 : memref<2560xf32, #tpu.memory_space<vmem>>) target(%dma_start3A_76 : memref<10240xf32, #tpu.memory_space<vmem_shared>>) offsets(%arg27 : memref<2560xi32, #tpu.memory_space<vmem>>) semaphore(%run_scoped3A : memref<!tpu.dma_semaphore, #tpu.memory_space<semaphore_mem>>) {add = true}
        %dma_wait3A_77 = arith.constant 0 : i32
        %dma_wait3A_78 = tpu.memref_slice %arg36[%dma_wait3A_77] : memref<10240xf32, #tpu.memory_space<vmem_shared>> -> memref<10240xf32, #tpu.memory_space<vmem_shared>>
        tpu.wait_indirect_dma semaphore(%run_scoped3A : memref<!tpu.dma_semaphore, #tpu.memory_space<semaphore_mem>>) src(%arg31 : memref<2560xf32, #tpu.memory_space<vmem>>) dst(%dma_wait3A_78 : memref<10240xf32, #tpu.memory_space<vmem_shared>>)
        tpu.yield
      }) : () -> ()
    } else {
    }
    %add3A_37 = arith.constant 96 : i32
    %add3A_38 = arith.addi %add3A, %add3A_37 : i32
    %lt3A_39 = arith.constant 125 : i32
    %lt3A_40 = arith.cmpi slt, %add3A_38, %lt3A_39 : i32
    %convert_element_type3A_41 = arith.extui %lt3A_40 : i1 to i32
    %cond3A_42 = arith.constant 0 : i32
    %cond3A_43 = arith.cmpi ne, %convert_element_type3A_41, %cond3A_42 : i32
    scf.if %cond3A_43 {
      %dma_wait3A = arith.constant 0 : i32
      %dma_wait3A_53 = tpu.memref_slice %arg11[%dma_wait3A] : memref<320000xf32, #tpu.memory_space<hbm>> -> memref<2560xf32, #tpu.memory_space<hbm>>
      %dma_wait3A_54 = arith.constant 0 : i32
      %dma_wait3A_55 = tpu.memref_slice %arg11[%dma_wait3A_54] : memref<320000xf32, #tpu.memory_space<hbm>> -> memref<2560xf32, #tpu.memory_space<hbm>>
      tpu.wait_dma2 semaphore(%arg41 : memref<!tpu.dma_semaphore, #tpu.memory_space<semaphore_mem>>) src(%arg29 : memref<2560xf32, #tpu.memory_space<vmem>>) dst(%dma_wait3A_55 : memref<2560xf32, #tpu.memory_space<hbm>>)
      %dma_wait3A_56 = arith.constant 0 : i32
      %dma_wait3A_57 = tpu.memref_slice %arg12[%dma_wait3A_56] : memref<320000xf32, #tpu.memory_space<hbm>> -> memref<2560xf32, #tpu.memory_space<hbm>>
      %dma_wait3A_58 = arith.constant 0 : i32
      %dma_wait3A_59 = tpu.memref_slice %arg12[%dma_wait3A_58] : memref<320000xf32, #tpu.memory_space<hbm>> -> memref<2560xf32, #tpu.memory_space<hbm>>
      tpu.wait_dma2 semaphore(%arg41 : memref<!tpu.dma_semaphore, #tpu.memory_space<semaphore_mem>>) src(%arg31 : memref<2560xf32, #tpu.memory_space<vmem>>) dst(%dma_wait3A_59 : memref<2560xf32, #tpu.memory_space<hbm>>)
      %dma_wait3A_60 = arith.constant 0 : i32
      %dma_wait3A_61 = tpu.memref_slice %arg13[%dma_wait3A_60] : memref<320000xf32, #tpu.memory_space<hbm>> -> memref<2560xf32, #tpu.memory_space<hbm>>
      %dma_wait3A_62 = arith.constant 0 : i32
      %dma_wait3A_63 = tpu.memref_slice %arg13[%dma_wait3A_62] : memref<320000xf32, #tpu.memory_space<hbm>> -> memref<2560xf32, #tpu.memory_space<hbm>>
      tpu.wait_dma2 semaphore(%arg41 : memref<!tpu.dma_semaphore, #tpu.memory_space<semaphore_mem>>) src(%arg33 : memref<2560xf32, #tpu.memory_space<vmem>>) dst(%dma_wait3A_63 : memref<2560xf32, #tpu.memory_space<hbm>>)
    } else {
    }
    %ge3A = arith.constant 125 : i32
    %ge3A_44 = arith.cmpi sge, %add3A_38, %ge3A : i32
    %convert_element_type3A_45 = arith.extui %ge3A_44 : i1 to i32
    %cond3A_46 = arith.constant 0 : i32
    %cond3A_47 = arith.cmpi ne, %convert_element_type3A_45, %cond3A_46 : i32
    scf.if %cond3A_47 {
      %dma_wait3A = arith.constant 0 : i32
      %dma_wait3A_53 = tpu.memref_slice %arg11[%dma_wait3A] : memref<320000xf32, #tpu.memory_space<hbm>> -> memref<2560xf32, #tpu.memory_space<hbm>>
      %dma_wait3A_54 = arith.constant 0 : i32
      %dma_wait3A_55 = tpu.memref_slice %arg11[%dma_wait3A_54] : memref<320000xf32, #tpu.memory_space<hbm>> -> memref<2560xf32, #tpu.memory_space<hbm>>
      tpu.wait_dma2 semaphore(%arg40 : memref<!tpu.dma_semaphore, #tpu.memory_space<semaphore_mem>>) src(%arg28 : memref<2560xf32, #tpu.memory_space<vmem>>) dst(%dma_wait3A_55 : memref<2560xf32, #tpu.memory_space<hbm>>)
      %dma_wait3A_56 = arith.constant 0 : i32
      %dma_wait3A_57 = tpu.memref_slice %arg12[%dma_wait3A_56] : memref<320000xf32, #tpu.memory_space<hbm>> -> memref<2560xf32, #tpu.memory_space<hbm>>
      %dma_wait3A_58 = arith.constant 0 : i32
      %dma_wait3A_59 = tpu.memref_slice %arg12[%dma_wait3A_58] : memref<320000xf32, #tpu.memory_space<hbm>> -> memref<2560xf32, #tpu.memory_space<hbm>>
      tpu.wait_dma2 semaphore(%arg40 : memref<!tpu.dma_semaphore, #tpu.memory_space<semaphore_mem>>) src(%arg30 : memref<2560xf32, #tpu.memory_space<vmem>>) dst(%dma_wait3A_59 : memref<2560xf32, #tpu.memory_space<hbm>>)
      %dma_wait3A_60 = arith.constant 0 : i32
      %dma_wait3A_61 = tpu.memref_slice %arg13[%dma_wait3A_60] : memref<320000xf32, #tpu.memory_space<hbm>> -> memref<2560xf32, #tpu.memory_space<hbm>>
      %dma_wait3A_62 = arith.constant 0 : i32
      %dma_wait3A_63 = tpu.memref_slice %arg13[%dma_wait3A_62] : memref<320000xf32, #tpu.memory_space<hbm>> -> memref<2560xf32, #tpu.memory_space<hbm>>
      tpu.wait_dma2 semaphore(%arg40 : memref<!tpu.dma_semaphore, #tpu.memory_space<semaphore_mem>>) src(%arg32 : memref<2560xf32, #tpu.memory_space<vmem>>) dst(%dma_wait3A_63 : memref<2560xf32, #tpu.memory_space<hbm>>)
    } else {
    }
    %barrier3A_48 = arith.constant 0 : index
    tpu.barrier barrier_id(%barrier3A_48)
    %eq3A = arith.constant 0 : i32
    %eq3A_49 = arith.cmpi eq, %arg1, %eq3A : i32
    %convert_element_type3A_50 = arith.extui %eq3A_49 : i1 to i32
    %cond3A_51 = arith.constant 0 : i32
    %cond3A_52 = arith.cmpi ne, %convert_element_type3A_50, %cond3A_51 : i32
    scf.if %cond3A_52 {
      "tpu.region"() ({
        %run_scoped3A = tpu.sem_alloc : memref<!tpu.dma_semaphore, #tpu.memory_space<semaphore_mem>>
        %dma_start3A_53 = arith.constant 0 : i32
        %dma_start3A_54 = tpu.memref_slice %arg14[%arg0, %dma_start3A_53] : memref<2x10240xf32, #tpu.memory_space<hbm>> -> memref<1x10240xf32, #tpu.memory_space<hbm>>
        %dma_start3A_55 = tpu.memref_squeeze %dma_start3A_54 : memref<1x10240xf32, #tpu.memory_space<hbm>> -> memref<10240xf32, #tpu.memory_space<hbm>>
        tpu.enqueue_dma source(%arg35 : memref<10240xf32, #tpu.memory_space<vmem_shared>>) target(%dma_start3A_55 : memref<10240xf32, #tpu.memory_space<hbm>>) target_semaphore(%run_scoped3A : memref<!tpu.dma_semaphore, #tpu.memory_space<semaphore_mem>>)
        %dma_wait3A = arith.constant 0 : i32
        %dma_wait3A_56 = tpu.memref_slice %arg14[%arg0, %dma_wait3A] : memref<2x10240xf32, #tpu.memory_space<hbm>> -> memref<1x10240xf32, #tpu.memory_space<hbm>>
        %dma_wait3A_57 = tpu.memref_squeeze %dma_wait3A_56 : memref<1x10240xf32, #tpu.memory_space<hbm>> -> memref<10240xf32, #tpu.memory_space<hbm>>
        tpu.wait_dma2 semaphore(%run_scoped3A : memref<!tpu.dma_semaphore, #tpu.memory_space<semaphore_mem>>) src(%arg35 : memref<10240xf32, #tpu.memory_space<vmem_shared>>) dst(%dma_wait3A_57 : memref<10240xf32, #tpu.memory_space<hbm>>)
        tpu.yield
      }) : () -> ()
      "tpu.region"() ({
        %run_scoped3A = tpu.sem_alloc : memref<!tpu.dma_semaphore, #tpu.memory_space<semaphore_mem>>
        %dma_start3A_53 = arith.constant 0 : i32
        %dma_start3A_54 = tpu.memref_slice %arg15[%arg0, %dma_start3A_53] : memref<2x10240xf32, #tpu.memory_space<hbm>> -> memref<1x10240xf32, #tpu.memory_space<hbm>>
        %dma_start3A_55 = tpu.memref_squeeze %dma_start3A_54 : memref<1x10240xf32, #tpu.memory_space<hbm>> -> memref<10240xf32, #tpu.memory_space<hbm>>
        tpu.enqueue_dma source(%arg36 : memref<10240xf32, #tpu.memory_space<vmem_shared>>) target(%dma_start3A_55 : memref<10240xf32, #tpu.memory_space<hbm>>) target_semaphore(%run_scoped3A : memref<!tpu.dma_semaphore, #tpu.memory_space<semaphore_mem>>)
        %dma_wait3A = arith.constant 0 : i32
        %dma_wait3A_56 = tpu.memref_slice %arg15[%arg0, %dma_wait3A] : memref<2x10240xf32, #tpu.memory_space<hbm>> -> memref<1x10240xf32, #tpu.memory_space<hbm>>
        %dma_wait3A_57 = tpu.memref_squeeze %dma_wait3A_56 : memref<1x10240xf32, #tpu.memory_space<hbm>> -> memref<10240xf32, #tpu.memory_space<hbm>>
        tpu.wait_dma2 semaphore(%run_scoped3A : memref<!tpu.dma_semaphore, #tpu.memory_space<semaphore_mem>>) src(%arg36 : memref<10240xf32, #tpu.memory_space<vmem_shared>>) dst(%dma_wait3A_57 : memref<10240xf32, #tpu.memory_space<hbm>>)
        tpu.yield
      }) : () -> ()
    } else {
    }
    return
  }
}

module attributes {stable_mosaic.version = 14 : i64} {
  func.func @mm(%arg0: memref<10000x128xf32, #tpu.memory_space<vmem>>, %arg1: memref<128x8xf32, #tpu.memory_space<vmem>>, %arg2: memref<8x1xf32, #tpu.memory_space<vmem>>, %arg3: memref<10000xf32, #tpu.memory_space<vmem>>, %arg4: memref<10000xf32, #tpu.memory_space<vmem>>, %arg5: memref<10000xf32, #tpu.memory_space<vmem>>, %arg6: memref<10000xf32, #tpu.memory_space<vmem>>, %arg7: memref<10000xf32, #tpu.memory_space<vmem>>, %arg8: memref<10000xf32, #tpu.memory_space<vmem>>, %arg9: memref<10000xf32, #tpu.memory_space<vmem>>, %arg10: memref<10000xf32, #tpu.memory_space<vmem>>) attributes {dimension_semantics = [], scalar_prefetch = 0 : i64, scratch_operands = 0 : i64, tpu.core_type = #tpu.core_type<tc>} {
    %get3A = arith.constant 0 : index
    %get3A_0 = arith.constant 0 : index
    %get3A_1 = vector.load %arg1[%get3A, %get3A_0] : memref<128x8xf32, #tpu.memory_space<vmem>>, vector<128x8xf32>
    %get3A_2 = arith.constant 0 : index
    %get3A_3 = arith.constant 0 : index
    %get3A_4 = vector.load %arg0[%get3A_2, %get3A_3] : memref<10000x128xf32, #tpu.memory_space<vmem>>, vector<10000x128xf32>
    %dot_general3A = arith.constant dense<0.000000e+00> : vector<8x10000xf32>
    %dot_general3A_5 = tpu.matmul %get3A_1, %get3A_4, %dot_general3A {dimension_numbers = #tpu.dot_dimension_numbers<[0], [1], [1], [0], [0, 1, 1, 0], [], []>, transpose_lhs_hint = false} : vector<128x8xf32>, vector<10000x128xf32>, vector<8x10000xf32> -> vector<8x10000xf32>
    %get3A_6 = arith.constant 0 : index
    %get3A_7 = arith.constant 0 : index
    %get3A_8 = vector.load %arg2[%get3A_6, %get3A_7] : memref<8x1xf32, #tpu.memory_space<vmem>>, vector<8x1xf32>
    %add3A = vector.broadcast %get3A_8 : vector<8x1xf32> to vector<8x10000xf32>
    %add3A_9 = arith.addf %dot_general3A_5, %add3A : vector<8x10000xf32>
    %slice3A = vector.extract_strided_slice %add3A_9 {offsets = [0, 0], sizes = [1, 10000], strides = [1, 1]} : vector<8x10000xf32> to vector<1x10000xf32>
    %squeeze3A = vector.shape_cast %slice3A : vector<1x10000xf32> to vector<10000xf32>
    %swap3A = arith.constant 0 : index
    %swap3A_10 = vector.load %arg3[%swap3A] : memref<10000xf32, #tpu.memory_space<vmem>>, vector<10000xf32>
    tpu.vector_store %arg3[%swap3A], %squeeze3A {strides = array<i32>} : memref<10000xf32, #tpu.memory_space<vmem>>, vector<10000xf32>,
    %slice3A_11 = vector.extract_strided_slice %add3A_9 {offsets = [1, 0], sizes = [1, 10000], strides = [1, 1]} : vector<8x10000xf32> to vector<1x10000xf32>
    %squeeze3A_12 = vector.shape_cast %slice3A_11 : vector<1x10000xf32> to vector<10000xf32>
    %swap3A_13 = arith.constant 0 : index
    %swap3A_14 = vector.load %arg4[%swap3A_13] : memref<10000xf32, #tpu.memory_space<vmem>>, vector<10000xf32>
    tpu.vector_store %arg4[%swap3A_13], %squeeze3A_12 {strides = array<i32>} : memref<10000xf32, #tpu.memory_space<vmem>>, vector<10000xf32>,
    %slice3A_15 = vector.extract_strided_slice %add3A_9 {offsets = [2, 0], sizes = [1, 10000], strides = [1, 1]} : vector<8x10000xf32> to vector<1x10000xf32>
    %squeeze3A_16 = vector.shape_cast %slice3A_15 : vector<1x10000xf32> to vector<10000xf32>
    %swap3A_17 = arith.constant 0 : index
    %swap3A_18 = vector.load %arg5[%swap3A_17] : memref<10000xf32, #tpu.memory_space<vmem>>, vector<10000xf32>
    tpu.vector_store %arg5[%swap3A_17], %squeeze3A_16 {strides = array<i32>} : memref<10000xf32, #tpu.memory_space<vmem>>, vector<10000xf32>,
    %slice3A_19 = vector.extract_strided_slice %add3A_9 {offsets = [3, 0], sizes = [1, 10000], strides = [1, 1]} : vector<8x10000xf32> to vector<1x10000xf32>
    %squeeze3A_20 = vector.shape_cast %slice3A_19 : vector<1x10000xf32> to vector<10000xf32>
    %swap3A_21 = arith.constant 0 : index
    %swap3A_22 = vector.load %arg6[%swap3A_21] : memref<10000xf32, #tpu.memory_space<vmem>>, vector<10000xf32>
    tpu.vector_store %arg6[%swap3A_21], %squeeze3A_20 {strides = array<i32>} : memref<10000xf32, #tpu.memory_space<vmem>>, vector<10000xf32>,
    %slice3A_23 = vector.extract_strided_slice %add3A_9 {offsets = [4, 0], sizes = [1, 10000], strides = [1, 1]} : vector<8x10000xf32> to vector<1x10000xf32>
    %squeeze3A_24 = vector.shape_cast %slice3A_23 : vector<1x10000xf32> to vector<10000xf32>
    %swap3A_25 = arith.constant 0 : index
    %swap3A_26 = vector.load %arg7[%swap3A_25] : memref<10000xf32, #tpu.memory_space<vmem>>, vector<10000xf32>
    tpu.vector_store %arg7[%swap3A_25], %squeeze3A_24 {strides = array<i32>} : memref<10000xf32, #tpu.memory_space<vmem>>, vector<10000xf32>,
    %slice3A_27 = vector.extract_strided_slice %add3A_9 {offsets = [5, 0], sizes = [1, 10000], strides = [1, 1]} : vector<8x10000xf32> to vector<1x10000xf32>
    %squeeze3A_28 = vector.shape_cast %slice3A_27 : vector<1x10000xf32> to vector<10000xf32>
    %swap3A_29 = arith.constant 0 : index
    %swap3A_30 = vector.load %arg8[%swap3A_29] : memref<10000xf32, #tpu.memory_space<vmem>>, vector<10000xf32>
    tpu.vector_store %arg8[%swap3A_29], %squeeze3A_28 {strides = array<i32>} : memref<10000xf32, #tpu.memory_space<vmem>>, vector<10000xf32>,
    %slice3A_31 = vector.extract_strided_slice %add3A_9 {offsets = [6, 0], sizes = [1, 10000], strides = [1, 1]} : vector<8x10000xf32> to vector<1x10000xf32>
    %squeeze3A_32 = vector.shape_cast %slice3A_31 : vector<1x10000xf32> to vector<10000xf32>
    %swap3A_33 = arith.constant 0 : index
    %swap3A_34 = vector.load %arg9[%swap3A_33] : memref<10000xf32, #tpu.memory_space<vmem>>, vector<10000xf32>
    tpu.vector_store %arg9[%swap3A_33], %squeeze3A_32 {strides = array<i32>} : memref<10000xf32, #tpu.memory_space<vmem>>, vector<10000xf32>,
    %slice3A_35 = vector.extract_strided_slice %add3A_9 {offsets = [7, 0], sizes = [1, 10000], strides = [1, 1]} : vector<8x10000xf32> to vector<1x10000xf32>
    %squeeze3A_36 = vector.shape_cast %slice3A_35 : vector<1x10000xf32> to vector<10000xf32>
    %swap3A_37 = arith.constant 0 : index
    %swap3A_38 = vector.load %arg10[%swap3A_37] : memref<10000xf32, #tpu.memory_space<vmem>>, vector<10000xf32>
    tpu.vector_store %arg10[%swap3A_37], %squeeze3A_36 {strides = array<i32>} : memref<10000xf32, #tpu.memory_space<vmem>>, vector<10000xf32>,
    return
  }
}

</mosaic_0001>

<sc_bundles>
// kernel: kernel.5.cloned.1.call-start
scs
__scs_entry_jumppad:
0x0: {  	(pc) =	sbr.rel $0x88, $3  }
0x1: {  	(tag) =	ssettag $0x0;
	lr =	simm.s32 $0x1  }
0x2: {  	[smem:$0x3F9A] =	sst lr;
	_ =	strace $0xD0000000  }
0x3: {  	_ = 	snop  }
0x4: {  	_ = 	snop  }
0x5: {  	_ = 	snop  }
0x6: {  	_ = 	snop  }
0x7: {  	_ = 	snop  }
__scs_overlays_trampoline_lowered:
0x8: {  	[smem:$0x3FA9] =	sst s0  }
0x9: {  	[smem:$0x3FAA] =	sst s1  }
0xa: {  	[smem:$0x3FAB] =	sst s2  }
0xb: {  	[smem:$0x3FAC] =	sst s3  }
0xc: {  	[smem:$0x3FAD] =	sst s4  }
0xd: {  	[smem:$0x3FAE] =	sst s5  }
0xe: {  	[smem:$0x3FAF] =	sst s6  }
0xf: {  	[smem:$0x3FB0] =	sst s7  }
0x10: {  	[smem:$0x3FB1] =	sst s8  }
0x11: {  	[smem:$0x3FB2] =	sst s9;
	s0 =	simm.s32 @!p0 $0x0  }
0x12: {  	s1 =	sld [smem:$0x3F98];
	s0 =	simm.s32 @p0 $0x1  }
0x13: {  	[smem:$0x3FB3] =	sst s0;
	s0 =	simm.s32 @!p1 $0x0  }
0x14: {  	s2 =	sld [smem:$0x3F97];
	s0 =	simm.s32 @p1 $0x1  }
0x15: {  	[smem:$0x3FB4] =	sst s0;
	s0 =	simm.s32 @!p2 $0x0  }
0x16: {  	s3 =	sld [smem:$0x3FDB];
	s0 =	simm.s32 @p2 $0x1  }
0x17: {  	s4 =	simm.s32 $0x1BF5;
	[smem:$0x3FB6] =	sst s0  }
0x18: {  	s0 =	sld [smem:$0x3F99];
	_ =	swait.ge [sflag:s4], $0x0  }
0x19: {  	s7 =	sld [smem:$0x3F9A]  }
0x1a: {  	s8 =	sadd.s32 $0xFFFFE003, lr  }
0x1b: {  	s9 =	sadd.s32 $0xFFFFFEF7, lr;
	s5 =	simm.s32 $0xFFFFFFFF;
	p2 =	slt.u32 s8, $0xFFFFF086  }
0x1c: {  	p1 =	slt.u32 s9, $0xF7A;
	s5 =	simm.s32 @!p2 $0x0  }
0x1d: {  	s5 =	simm.s32 @p1 $0x1;
	p0 =	seq.s32 s7, s2  }
0x1e: {  	s7 =	smul.u32 @!p0 $0xF7A, s2;
	p2 =	seq.s32 @!p0 s5, $0x0  }
0x1f: {  	s9 =	smul.u32 $0xF7A, s1;
	s8 =	simm.s32 @!p0 $0x1BF5;
	p2 =	por !p2, p0  }
0x20: {  	[sflag:s8] =	ssyncset.s32 @!p0 $0xFFFFF086;
	s6 =	sadd.s32 @!p0 s3, s7;
	s7 =	simm.s32 @!p0 $0x108  }
0x21: {  	s3 =	sadd.s32 s3, s9;
	s6 =	sadd.s32 @!p0 $0x88, s6;
	s7 =	simm.s32 @p2 $0x1082  }
0x22: {  	[simem:s7], [sflag:s8] =	dma.local @!p0 [hbm:s6], $0xF7A  }
0x23: {  	s9 =	sor.u32 $0xD0000000, s2;
	s6 =	simm.s32 $0x108;
	_ =	swait.ge @!p0 [sflag:s8], $0x0  }
0x24: {  	s3 =	sadd.s32 $0x88, s3;
	s6 =	simm.s32 @!p1 $0x1082;
	[sflag:s4] =	ssyncset.s32 $0xFFFFF086  }
0x25: {  	[simem:s6], [sflag:s4] =	dma.local [hbm:s3], $0xF7A  }
0x26: {  	[smem:$0x3F9A] =	sst s1;
	(tag) =	ssettag s2;
	_ =	strace s9  }
0x27: {  	s1 =	sld [smem:$0x3FAA]  }
0x28: {  	s2 =	sld [smem:$0x3FAB]  }
0x29: {  	s4 =	sld [smem:$0x3FAD]  }
0x2a: {  	p0 =	seq.s32 s5, $0x0;
	s5 =	sld [smem:$0x3FAE]  }
0x2b: {  	s6 =	sld [smem:$0x3FAF]  }
0x2c: {  	s7 =	sld [smem:$0x3FB0]  }
0x2d: {  	s3 =	simm.s32 $0x108;
	s8 =	sld [smem:$0x3FB1]  }
0x2e: {  	s3 =	simm.s32 @!p0 $0x1082;
	s9 =	sld [smem:$0x3FB2]  }
0x2f: {  	lr =	sadd.s32 s0, s3;
	s0 =	sld [smem:$0x3FA9]  }
0x30: {  	s3 =	sld [smem:$0x3FAC]  }
0x31: {  	[smem:$0x3FB5] =	sst s10  }
0x32: {  	s10 =	sld [smem:$0x3FB3];
	_ =	sdelay $0x3  }
0x33: {  	p0 =	seq.s32 s10, $0x1;
	s10 =	sld [smem:$0x3FB5];
	_ =	sdelay $0x3  }
0x34: {  	[smem:$0x3FB5] =	sst s10  }
0x35: {  	s10 =	sld [smem:$0x3FB4];
	_ =	sdelay $0x3  }
0x36: {  	p1 =	seq.s32 s10, $0x1;
	s10 =	sld [smem:$0x3FB5];
	_ =	sdelay $0x3  }
0x37: {  	[smem:$0x3FB5] =	sst s10  }
0x38: {  	s10 =	sld [smem:$0x3FB6]  }
0x39: {  	_ = 	snop;
	(pc) =	sbr.ind lr, $3  }
0x3a: {  	_ = 	snop  }
0x3b: {  	_ = 	snop  }
0x3c: {  	p2 =	seq.s32 s10, $0x1;
	s10 =	sld [smem:$0x3FB5]  }
0x3d: {  	_ =	shalt  }
0x3e: {  	_ =	shalt  }
0x3f: {  	_ =	shalt  }
0x40: {  	_ =	shalt  }
0x41: {  	_ =	shalt  }
0x42: {  	_ =	shalt  }
0x43: {  	_ =	shalt  }
0x44: {  	_ =	shalt  }
0x45: {  	_ =	shalt  }
0x46: {  	_ =	shalt  }
0x47: {  	_ =	shalt  }
0x48: {  	_ =	shalt  }
0x49: {  	_ =	shalt  }
0x4a: {  	_ =	shalt  }
0x4b: {  	_ =	shalt  }
0x4c: {  	_ =	shalt  }
0x4d: {  	_ =	shalt  }
0x4e: {  	_ =	shalt  }
0x4f: {  	_ =	shalt  }
0x50: {  	_ =	shalt  }
0x51: {  	_ =	shalt  }
0x52: {  	_ =	shalt  }
0x53: {  	_ =	shalt  }
0x54: {  	_ =	shalt  }
0x55: {  	_ =	shalt  }
0x56: {  	_ =	shalt  }
0x57: {  	_ =	shalt  }
0x58: {  	_ =	shalt  }
0x59: {  	_ =	shalt  }
0x5a: {  	_ =	shalt  }
0x5b: {  	_ =	shalt  }
0x5c: {  	_ =	shalt  }
0x5d: {  	_ =	shalt  }
0x5e: {  	_ =	shalt  }
0x5f: {  	_ =	shalt  }
0x60: {  	_ =	shalt  }
0x61: {  	_ =	shalt  }
0x62: {  	_ =	shalt  }
0x63: {  	_ =	shalt  }
0x64: {  	_ =	shalt  }
0x65: {  	_ =	shalt  }
0x66: {  	_ =	shalt  }
0x67: {  	_ =	shalt  }
0x68: {  	_ =	shalt  }
0x69: {  	_ =	shalt  }
0x6a: {  	_ =	shalt  }
0x6b: {  	_ =	shalt  }
0x6c: {  	_ =	shalt  }
0x6d: {  	_ =	shalt  }
0x6e: {  	_ =	shalt  }
0x6f: {  	_ =	shalt  }
0x70: {  	_ =	shalt  }
0x71: {  	_ =	shalt  }
0x72: {  	_ =	shalt  }
0x73: {  	_ =	shalt  }
0x74: {  	_ =	shalt  }
0x75: {  	_ =	shalt  }
0x76: {  	_ =	shalt  }
0x77: {  	_ =	shalt  }
0x78: {  	_ =	shalt  }
0x79: {  	_ =	shalt  }
0x7a: {  	_ =	shalt  }
0x7b: {  	_ =	shalt  }
0x7c: {  	_ =	shalt  }
0x7d: {  	_ =	shalt  }
0x7e: {  	_ =	shalt  }
0x7f: {  	_ =	shalt  }
0x80: {  	_ =	shalt  }
0x81: {  	_ =	shalt  }
0x82: {  	_ =	shalt  }
0x83: {  	_ =	shalt  }
0x84: {  	_ =	shalt  }
0x85: {  	_ =	shalt  }
0x86: {  	_ =	shalt  }
0x87: {  	_ =	shalt  }
.Lfunc_end0:
.L_simem_size_0:
called_computation_lowered:
.L_overlay_start_0:
0x88: {  	s2 =	sld [smem:$0x3FD9]  }
0x89: {  	s3 =	sld [smem:$0x3FFE];
	_ =	sdelay $0x1  }
0x8a: {  	s1 =	srdreg.scid  }
0x8b: {  	s0 =	sand.u32 $0x1, s1  }
0x8c: {  	s14 =	sshll.u32 s0, $0xA;
	s2 =	sadd.s32 s3, s2  }
0x8d: {  	s2 =	sadd.s32 s2, s14  }
0x8e: {  	[smem:$0x3FC1] =	sst s2  }
0x8f: {  	_ = 	snop  }
0x90: {  	s2 =	sld [smem:$0x3FD0];
	_ =	sdelay $0x2  }
0x91: {  	s4 =	simm.s32 $0xA;
	s5 =	simm.s32 $0x10;
	s15 =	sld [smem:$0x3FC8]  }
0x92: {  	[smem:s5], [sflag:s4] =	dma.local [hbm:s2], $0x1  }
0x93: {  	_ =	swait.eq [sflag:s4], $0x1  }
0x94: {  	[sflag:s4] =	ssyncset.done $0x0  }
0x95: {  	s16 =	sld [smem:$0x10];
	[sflag:s4] =	ssyncadd.s32 $0xFFFFFFFF  }
0x96: {  	s17 =	sld [smem:$0x11];
	(tm) =	ssettm $0x1  }
0x97: {  	s18 =	sld [smem:$0x3FFB];
	_ =	sdelay $0x3  }
0x98: {  	_ =	strace s18  }
0x99: {  	s5 =	sld [smem:$0x3FFC];
	_ =	sdelay $0x3  }
0x9a: {  	_ =	strace s5  }
0x9b: {  	s5 =	sld [smem:$0x3FFD];
	_ =	sdelay $0x3  }
0x9c: {  	_ =	strace s5  }
0x9d: {  	_ =	strace $0x8FFFFFFF  }
0x9e: {  	s19 =	sld [smem:$0x3FDB];
	_ =	sdelay $0x1  }
0x9f: {  	s6 =	simm.s32 $_scs_section_size  }
0xa0: {  	s7 =	simm.s32 $_size__tile_overlayer_lowered;
	s8 =	simm.s32 $_tile_overlayer_lowered  }
0xa1: {  	s22 =	simm.s32 $0x1BFF;
	s21 =	sshll.u32 s8, $0x1;
	s5 =	sadd.s32 s6, s19  }
0xa2: {  	s9 =	simm.s32 $0x0;
	s20 =	sshll.u32 s7, $0x1;
	s7 =	sadd.s32 s21, s5  }
0xa3: {  	[timem:s9], [sflag:s22] =	dma.local [hbm:s7], s20  }
0xa4: {  	_ =	swait.ge [sflag:s22], s20  }
0xa5: {  	s6 =	ssub.s32 $0x0, s20;
	[sflag:s22] =	ssyncset.done $0x0  }
0xa6: {  	[sflag:s22] =	ssyncadd.s32 s6;
	_ =	sdelay $0x1  }
0xa7: {  	s23 =	simm.s32 $0x1B8B  }
0xa8: {  	_ =	swait.ge [sflag:s23], $0x1  }
0xa9: {  	[sflag:s23] =	ssyncset.done $0x0  }
0xaa: {  	s25 =	simm.s32 $0x1B8E;
	s24 =	sld [smem:$0x3FFE];
	[sflag:s23] =	ssyncadd.s32 $0xFFFFFFFF  }
0xab: {  	s26 =	simm.s32 $execute0_lowered;
	[smem:$0x3FD2] =	sst s25  }
0xac: {  	s7 =	sshll.u32 s26, $0x1;
	_ =	strace $0x80000046;
	[dreg:$0x1] =	wrdreg $0xFFFFFFFF  }
0xad: {  	s28 =	simm.s32 $_size_execute0_lowered;
	s5 =	sadd.s32 s5, s7;
	[dreg:$0x0] =	wrdreg $0x0  }
0xae: {  	s7 =	sshll.u32 s28, $0x1;
	[dreg:$0x2] =	wrdreg s5  }
0xaf: {  	[dreg:$0x3] =	wrdreg s7  }
0xb0: {  	[dreg:$0x4] =	wrdreg $0xC0  }
0xb1: {  	_ =	task [dreg:s9], $0x5FFFF  }
0xb2: {  	[dreg:$0x1] =	wrdreg $0xFFFFFFFF  }
0xb3: {  	[dreg:$0x0] =	wrdreg $0x60  }
0xb4: {  	[dreg:$0x2] =	wrdreg s16  }
0xb5: {  	[dreg:$0x3] =	wrdreg s24  }
0xb6: {  	[dreg:$0x4] =	wrdreg s15  }
0xb7: {  	[dreg:$0x5] =	wrdreg s17  }
0xb8: {  	[dreg:$0x6] =	wrdreg $0x1B6800  }
0xb9: {  	[dreg:$0x7] =	wrdreg $0x1B9000  }
0xba: {  	[dreg:$0x8] =	wrdreg $0x9  }
0xbb: {  	_ =	task.clear_ibuf [dreg:s9], $0x9FFFF;
	_ =	strace $0x90000046  }
0xbc: {  	s29 =	simm.s32 $0x9;
	_ =	strace $0x80000048  }
0xbd: {  	_ =	swait.ge [sflag:s29], $0x1  }
0xbe: {  	[sflag:s29] =	ssyncadd.s32 $0xFFFFFFFF  }
0xbf: {  	_ =	strace $0x90000048  }
0xc0: {  	_ =	sfence  }
0xc1: {  	s30 =	sld [smem:$0x0];
	_ =	sdelay $0x2  }
0xc2: {  	s31 =	sshll.u32 s1, $0xD;
	s1 =	sshrl.u32 s1, $0x2  }
0xc3: {  	s3 =	sand.u32 $0x4000, s31;
	s1 =	sadd.s32 s1, s30  }
0xc4: {  	s0 =	sor.u32 s3, s0;
	s1 =	sshll.u32 s1, $0x11  }
0xc5: {  	s0 =	sor.u32 s1, s0  }
0xc6: {  	s0 =	sadd.s32 $0x8F2B, s0  }
0xc7: {  	[sflag:s0] =	ssyncadd.remote.s32 $0x1  }
0xc8: {  	_ =	sfence.sel $0xFFFF  }
0xc9: {  	[dreg:$0x0] =	wrdreg $0xFFFFFFFF;
	(pc) =	sbr.abs _section_cstart, $3  }
0xca: {  	[dreg:$0x1] =	wrdreg $0xFFFFFFFF  }
0xcb: {  	_ =	task.clear_ibuf [dreg:s9], $0x2FFFF;
	_ =	strace $0x9FFFFFFF  }
0xcc: {  	(tm) =	ssettm $0x7FFFFFFF  }
0xcd: {  	_ =	shalt  }
tec
execute0_lowered:
.L_overlay_start_1:
0x0: {  	(tag) =	ssettag $0x1  }
0x1: {  	s0 =	rddreg [dreg:$0x1]  }
0x2: {  	s1 =	rddreg [dreg:$0x2]  }
0x3: {  	s5 =	rddreg [dreg:$0x3]  }
0x4: {  	s2 =	rddreg [dreg:$0x4]  }
0x5: {  	s3 =	rddreg [dreg:$0x5];
	s6 =	srdreg.scid  }
0x6: {  	s7 =	stileid.u32;
	s4 =	simm.s32 $0x0;
	s6 =	sand.u32 $0x1, s6  }
0x7: {  	s8 =	sshll.u32 s7, $0x1;
	[smem:$0x7FF] =	sst s4;
	s9 =	sadd.s32 $0x2200, s0  }
0x8: {  	s10 =	sadd.s32 $0x4C00, s0;
	s13 =	sadd.s32 $0xEA00, s0;
	s16 =	sadd.s32 $0x2800, s0  }
0x9: {  	s17 =	sadd.s32 $0x2E00, s0;
	p0 =	sne.s32 s7, $0x0;
	s19 =	smul.u32 $0x280, s7  }
0xa: {  	s7 =	simm.s32 $0xED00;
	_ =	strace $0x80000047;
	[dreg:$0x7] =	wrdreg s9  }
0xb: {  	s8 =	sor.u32 s6, s8;
	s11 =	ssub.s32 $0x2, s6;
	[dreg:$0x15] =	wrdreg s16  }
0xc: {  	[dreg:$0x16] =	wrdreg s17;
	s18 =	sshll.u32 s6, $0x4;
	s20 =	smul.u32 $0x280, s8  }
0xd: {  	s16 =	simm.s32 $0x2780;
	s17 =	simm.s32 $0x4F00;
	s12 =	smul.u32 $0x1400, s8  }
0xe: {  	s6 =	simm.s32 $0xC580;
	s14 =	sshrl.u32 s11, $0x1;
	s21 =	smul.u32 $0x140, s8  }
0xf: {  	s15 =	smul.u32 $0xA00, s8;
	p1 =	sgt.u32 s8, $0x1C;
	s9 =	sadd.s32 s1, s20  }
0x10: {  	s8 =	simm.s32 $0x11480;
	s23 =	sadd.s32 s10, s21;
	[dreg:$0x8] =	wrdreg s9  }
0x11: {  	s11 =	ssub.s32 s11, s14;
	s24 =	sadd.s32 s13, s21;
	[dreg:$0x9] =	wrdreg s23  }
0x12: {  	s12 =	sshrl.u32 s12, $0x3;
	s26 =	sadd.s32 s5, s21;
	[dreg:$0xa] =	wrdreg s24  }
0x13: {  	s22 =	sshrl.u32 s15, $0x3;
	s20 =	sadd.s32 $0x3400, s0;
	[dreg:$0xb] =	wrdreg s26  }
0x14: {  	s14 =	sadd.s32 $0x7800, s21;
	s21 =	sadd.s32 $0x3A00, s0;
	[dreg:$0x17] =	wrdreg s20  }
0x15: {  	s25 =	sadd.s32 $0x2800, s22;
	s15 =	sadd.s32 s13, s14;
	[dreg:$0x18] =	wrdreg s21  }
0x16: {  	s9 =	sadd.s32 $0x5000, s22;
	s22 =	sadd.s32 $0x4000, s0;
	[dreg:$0x13] =	wrdreg s15  }
0x17: {  	s1 =	sadd.s32 s1, s12;
	s23 =	sadd.s32 s19, s2;
	[dreg:$0x19] =	wrdreg s22  }
0x18: {  	s24 =	sadd.s32 s19, s3;
	s19 =	simm.s32 $0x3;
	[dreg:$0x1b] =	wrdreg s23  }
0x19: {  	s20 =	simm.s32 $0x4;
	s28 =	sadd.s32 s10, s25;
	[dreg:$0x1c] =	wrdreg s24  }
0x1a: {  	s21 =	simm.s32 $0x18200;
	s29 =	sadd.s32 s13, s25;
	[dreg:$0xc] =	wrdreg s28  }
0x1b: {  	s12 =	sadd.s32 s5, s25;
	s30 =	sadd.s32 s10, s9;
	[dreg:$0xd] =	wrdreg s29  }
0x1c: {  	s31 =	sadd.s32 s13, s9;
	s9 =	sadd.s32 s5, s9;
	[dreg:$0xe] =	wrdreg s12  }
0x1d: {  	s10 =	sadd.s32 s10, s14;
	s5 =	sadd.s32 s5, s14;
	[dreg:$0xf] =	wrdreg s30  }
0x1e: {  	s25 =	sadd.s32 $0x5000, s1;
	s26 =	sadd.s32 $0xA000, s1;
	[dreg:$0x10] =	wrdreg s31  }
0x1f: {  	s13 =	simm.s32 $0x18C00;
	s15 =	simm.s32 $0xA00;
	[dreg:$0x11] =	wrdreg s9  }
0x20: {  	s14 =	simm.s32 $0x16400;
	s22 =	simm.s32 $0x19600;
	[dreg:$0x12] =	wrdreg s10  }
0x21: {  	s23 =	simm.s32 $0x16E00;
	s24 =	simm.s32 $0x5;
	[dreg:$0x14] =	wrdreg s5  }
0x22: {  	s5 =	sadd.s32 s18, s0;
	s0 =	sadd.s32 $0x4600, s0;
	[dreg:$0x1d] =	wrdreg s25  }
0x23: {  	[dreg:$0x1e] =	wrdreg s26;
	s28 =	sadd.s32 $0xF000, s1;
	s31 =	smax.u32 s11, $0x1  }
.Ltmp0:
0x24: {  	s18 =	simm.s32 $0x7680;
	[dreg:$0x1a] =	wrdreg s0;
	(pc) =	sbr.rel .LBB2_1-.Ltmp0, $4  }
0x25: {  	s9 =	simm.s32 $0x6;
	s10 =	simm.s32 $0x1;
	[dreg:$0x1f] =	wrdreg s28  }
0x26: {  	s11 =	simm.s32 $0x2;
	s29 =	sadd.s32 $0x18800, s5;
	[smem:$0x7FD] =	sst s31  }
0x27: {  	s12 =	simm.s32 $0x17800;
	s30 =	sadd.s32 $0x19200, s5;
	[smem:$0x7FB] =	sst s29  }
0x28: {  	v0 =	vimm.f32 $0.0e+00;
	s25 =	simm.s32 $0x0;
	s5 =	simm.s32 $0x9E00;
	[smem:$0x7FC] =	sst s30  }
.LBB2_12:
0x29: {  	v6 =	vadd.f32 v8, v7;
	v3 =	vadd.f32 v10, v3  }
0x2a: {  	v5 =	vadd.f32 v11, v5;
	v1 =	vadd.f32 v2, v1  }
0x2b: {  	v2 =	vadd.f32 v12, v9;
	v6 =	vmax.f32 v6, $0.0e+00;
	v3 =	vmax.f32 v3, $0.0e+00  }
0x2c: {  	[tilespmem:s29+$0x20] =	vst v4;
	v63 =	vmax.f32 v5, $0.0e+00;
	v1 =	vmax.f32 v1, $0.0e+00;
	v3 =	vadd.f32 v3, v6  }
0x2d: {  	[tilespmem:s28+$0x0] =	vst v2;
	v1 =	vadd.f32 v1, v63  }
0x2e: {  	[tilespmem:s28+$0x10] =	vst v3  }
0x2f: {  	[tilespmem:s28+$0x20] =	vst v1  }
0x30: {  	s1 =	rddreg [dreg:$0x12]  }
0x31: {  	[hbm4b:s1+s4] =	stream.linear.scatter [tilespmem:s21], [sflag:$0x5], $0xA00, $0x38;
	[tilespmem:$0x1BB80] =	vst v63  }
0x32: {  	s30 =	rddreg [dreg:$0x13]  }
0x33: {  	[hbm4b:s30+s4] =	stream.linear.scatter [tilespmem:s22], [sflag:$0x5], $0xA00, $0x38;
	[tilespmem:$0x1BB80] =	vst v63  }
0x34: {  	s0 =	simm.s32 $0x1AA00;
	s31 =	rddreg [dreg:$0x14]  }
0x35: {  	[hbm4b:s31+s4] =	stream.linear.scatter [tilespmem:s0], [sflag:$0x5], $0xA00, $0x38;
	[tilespmem:$0x1BB80] =	vst v63  }
0x36: {  	_ = 	snop  }
0x37: {  	[spmem:s2] =	stream.indirect.scatter.add.f32 [tilespmem:s21], [sflag:$0x6], $0x1, s23, s15, $0xb8;
	[tilespmem:$0x1BB80] =	vst v63  }
0x38: {  	_ =	swait.ge [sflag:s9], $0xA00  }
0x39: {  	[sflag:s9] =	ssyncset.done $0x0  }
0x3a: {  	[sflag:s9] =	ssyncadd.s32 $0xFFFFF600  }
0x3b: {  	[spmem:s3] =	stream.indirect.scatter.add.f32 [tilespmem:s22], [sflag:$0x6], $0x1, s23, s15, $0xb8;
	[tilespmem:$0x1BB80] =	vst v63  }
0x3c: {  	_ =	swait.ge [sflag:s9], $0xA00  }
0x3d: {  	[sflag:s9] =	ssyncset.done $0x0  }
0x3e: {  	s1 =	simm.s32 $0x5;
	[sflag:s9] =	ssyncadd.s32 $0xFFFFF600  }
.LBB2_13:
0x3f: {  	_ =	swait.ge [sflag:s1], $0xA00  }
0x40: {  	[sflag:s1] =	ssyncset.done $0x0  }
0x41: {  	[sflag:s1] =	ssyncadd.s32 $0xFFFFF600  }
0x42: {  	_ =	swait.ge [sflag:s1], $0xA00  }
0x43: {  	[sflag:s1] =	ssyncset.done $0x0  }
0x44: {  	[sflag:s1] =	ssyncadd.s32 $0xFFFFF600  }
0x45: {  	_ =	swait.ge [sflag:s1], $0xA00  }
0x46: {  	[sflag:s1] =	ssyncset.done $0x0  }
0x47: {  	[sflag:s1] =	ssyncadd.s32 $0xFFFFF600  }
0x48: {  	[bflag:$0x0] =	sbarrier.arrive $0xFFFF  }
0x49: {  	s31 =	sld [smem:$0x7FB]  }
0x4a: {  	s26 =	simm.s32 @!p0 $0x1;
	s28 =	simm.s32 @!p0 $0x20  }
0x4b: {  	s29 =	simm.s32 @!p0 $0x10;
	s30 =	simm.s32 @!p0 $0x1C06;
	s1 =	sshrl.u32 @!p0 s2, $0x3  }
0x4c: {  	[hbm:s31@s28], [sflag:s30] =	dma.strided @!p0 [spmem:s1@s29], $0x500, s26, $0x10   }
0x4d: {  	s1 =	simm.s32 @!p0 $0x6  }
0x4e: {  	_ =	swait.ge @!p0 [sflag:s1], $0x500  }
0x4f: {  	s0 =	sld [smem:$0x7FC]  }
0x50: {  	[sflag:s1] =	ssyncset.done @!p0 $0x0  }
0x51: {  	s31 =	sshrl.u32 @!p0 s3, $0x3;
	[sflag:s1] =	ssyncadd.s32 @!p0 $0xFFFFFB00  }
0x52: {  	[hbm:s0@s28], [sflag:s30] =	dma.strided @!p0 [spmem:s31@s29], $0x500, s26, $0x10   }
0x53: {  	_ =	swait.ge @!p0 [sflag:s1], $0x500  }
0x54: {  	s31 =	sld [smem:$0x7FD];
	_ =	sdelay $0x1  }
0x55: {  	s25 =	sadd.s32 $0x1, s25  }
0x56: {  	p2 =	sne.s32 s25, s31  }
.Ltmp1:
0x57: {  	_ = 	snop;
	(pc) =	sbr.rel @!p2 .LBB2_14-.Ltmp1, $3  }
0x58: {  	_ =	sdelay $0x1  }
0x59: {  	[sflag:s1] =	ssyncset.done @!p0 $0x0  }
0x5a: {  	[sflag:s1] =	ssyncadd.s32 @!p0 $0xFFFFFB00  }
.LBB2_1:
0x5b: {  	s1 =	rddreg [dreg:$0x0]  }
0x5c: {  	[tilespmem:s4], [sflag:$0x1] =	stream.linear.gather [hbm4b:s1+s4], $0x2780, $0x38;
	[tilespmem:$0x1BB80] =	vst v63  }
0x5d: {  	s31 =	rddreg [dreg:$0x7]  }
0x5e: {  	[tilespmem:s16], [sflag:$0x1] =	stream.linear.gather [hbm4b:s31+s4], $0x2780, $0x38;
	[tilespmem:$0x1BB80] =	vst v63  }
0x5f: {  	s0 =	rddreg [dreg:$0x15]  }
0x60: {  	[tilespmem:s17], [sflag:$0x1] =	stream.linear.gather [hbm4b:s0+s4], $0x2780, $0x38;
	[tilespmem:$0x1BB80] =	vst v63  }
0x61: {  	s26 =	rddreg [dreg:$0x16]  }
0x62: {  	[tilespmem:s18], [sflag:$0x1] =	stream.linear.gather [hbm4b:s26+s4], $0x2780, $0x38;
	[tilespmem:$0x1BB80] =	vst v63  }
0x63: {  	s28 =	rddreg [dreg:$0x17]  }
0x64: {  	[tilespmem:s5], [sflag:$0x1] =	stream.linear.gather [hbm4b:s28+s4], $0x2780, $0x38;
	[tilespmem:$0x1BB80] =	vst v63  }
0x65: {  	s29 =	rddreg [dreg:$0x18]  }
0x66: {  	[tilespmem:s6], [sflag:$0x1] =	stream.linear.gather [hbm4b:s29+s4], $0x2780, $0x38;
	[tilespmem:$0x1BB80] =	vst v63  }
0x67: {  	s30 =	rddreg [dreg:$0x19]  }
0x68: {  	[tilespmem:s7], [sflag:$0x1] =	stream.linear.gather [hbm4b:s30+s4], $0x2780, $0x38;
	[tilespmem:$0x1BB80] =	vst v63  }
0x69: {  	s1 =	simm.s32 $0x1B440;
	s31 =	rddreg [dreg:$0x1a]  }
0x6a: {  	[tilespmem:s8], [sflag:$0x1] =	stream.linear.gather [hbm4b:s31+s4], $0x2780, $0x38;
	[tilespmem:$0x1BB80] =	vst v63  }
0x6b: {  	[tilespmem:s1+$0xFFFFFFC0] =	vst v0  }
0x6c: {  	[tilespmem:s1+$0x30] =	vst v0  }
0x6d: {  	[tilespmem:s1+$0x20] =	vst v0  }
0x6e: {  	[tilespmem:s1+$0x10] =	vst v0  }
0x6f: {  	[tilespmem:s1+$0x0] =	vst v0  }
0x70: {  	[tilespmem:s1+$0xFFFFFFF0] =	vst v0  }
0x71: {  	s26 =	simm.s32 $0x0;
	[tilespmem:s1+$0xFFFFFFE0] =	vst v0  }
.LBB2_2:
0x72: {  	s26 =	sadd.s32 $0x8, s26;
	[tilespmem:s1+$0xFFFFFFD0] =	vst v0;
	s1 =	sadd.s32 $0x80, s1  }
0x73: {  	[tilespmem:s1+$0xFFFFFFC0] =	vst v0;
	p2 =	slt.u32 s26, $0x20  }
0x74: {  	[tilespmem:s1+$0x30] =	vst v0  }
.Ltmp2:
0x75: {  	[tilespmem:s1+$0x20] =	vst v0;
	(pc) =	sbr.rel @p2 .LBB2_2-.Ltmp2, $4  }
0x76: {  	[tilespmem:s1+$0x10] =	vst v0  }
0x77: {  	[tilespmem:s1+$0x0] =	vst v0  }
0x78: {  	[tilespmem:s1+$0xFFFFFFF0] =	vst v0  }
0x79: {  	[tilespmem:s1+$0xFFFFFFE0] =	vst v0  }
0x7a: {  	[tilespmem:s1+$0xFFFFFFD0] =	vst v0  }
0x7b: {  	s0 =	simm.s32 $0x1B400;
	s1 =	rddreg [dreg:$0x1b]  }
0x7c: {  	[spmem:s1] =	stream.linear.scatter [tilespmem:s0], [sflag:$0x6], $0x280, $0x38;
	[tilespmem:$0x1BB80] =	vst v63  }
0x7d: {  	_ =	swait.ge [sflag:s9], $0x280  }
0x7e: {  	[sflag:s9] =	ssyncset.done $0x0  }
0x7f: {  	s26 =	rddreg [dreg:$0x1c];
	[sflag:s9] =	ssyncadd.s32 $0xFFFFFD80  }
0x80: {  	[spmem:s26] =	stream.linear.scatter [tilespmem:s0], [sflag:$0x6], $0x280, $0x38;
	[tilespmem:$0x1BB80] =	vst v63  }
0x81: {  	_ =	swait.ge [sflag:s9], $0x280  }
0x82: {  	[sflag:s9] =	ssyncset.done $0x0  }
0x83: {  	s26 =	simm.s32 $0x13C00;
	s0 =	rddreg [dreg:$0x8];
	[sflag:s9] =	ssyncadd.s32 $0xFFFFFD80  }
0x84: {  	[tilespmem:s26], [sflag:$0x2] =	stream.linear.gather [hbm4b:s0+s4], $0x1400, $0x38;
	[tilespmem:$0x1BB80] =	vst v63  }
0x85: {  	_ =	swait.ge [sflag:s10], $0x2780  }
0x86: {  	[sflag:s10] =	ssyncset.done $0x0  }
0x87: {  	[sflag:s10] =	ssyncadd.s32 $0xFFFFD880  }
0x88: {  	_ =	swait.ge [sflag:s10], $0x2780  }
0x89: {  	[sflag:s10] =	ssyncset.done $0x0  }
0x8a: {  	[sflag:s10] =	ssyncadd.s32 $0xFFFFD880  }
0x8b: {  	_ =	swait.ge [sflag:s10], $0x2780  }
0x8c: {  	[sflag:s10] =	ssyncset.done $0x0  }
0x8d: {  	[sflag:s10] =	ssyncadd.s32 $0xFFFFD880  }
0x8e: {  	_ =	swait.ge [sflag:s10], $0x2780  }
0x8f: {  	[sflag:s10] =	ssyncset.done $0x0  }
0x90: {  	[sflag:s10] =	ssyncadd.s32 $0xFFFFD880  }
0x91: {  	_ =	swait.ge [sflag:s10], $0x2780  }
0x92: {  	[sflag:s10] =	ssyncset.done $0x0  }
0x93: {  	[sflag:s10] =	ssyncadd.s32 $0xFFFFD880  }
0x94: {  	_ =	swait.ge [sflag:s10], $0x2780  }
0x95: {  	[sflag:s10] =	ssyncset.done $0x0  }
0x96: {  	[sflag:s10] =	ssyncadd.s32 $0xFFFFD880  }
0x97: {  	_ =	swait.ge [sflag:s10], $0x2780  }
0x98: {  	[sflag:s10] =	ssyncset.done $0x0  }
0x99: {  	[sflag:s10] =	ssyncadd.s32 $0xFFFFD880  }
0x9a: {  	_ =	swait.ge [sflag:s10], $0x2780  }
0x9b: {  	[sflag:s10] =	ssyncset.done $0x0  }
0x9c: {  	[sflag:s10] =	ssyncadd.s32 $0xFFFFD880  }
0x9d: {  	[bflag:$0x0] =	sbarrier.arrive $0xFFFF  }
0x9e: {  	_ =	swait.ge [sflag:s11], $0x1400  }
0x9f: {  	[sflag:s11] =	ssyncset.done $0x0  }
0xa0: {  	s26 =	simm.s32 $0x15000;
	s0 =	rddreg [dreg:$0x1d];
	[sflag:s11] =	ssyncadd.s32 $0xFFFFEC00  }
0xa1: {  	[tilespmem:s26], [sflag:$0x3] =	stream.linear.gather [hbm4b:s0+s4], $0x1400, $0x38;
	[tilespmem:$0x1BB80] =	vst v63  }
0xa2: {  	s0 =	simm.s32 $0x13C80  }
0xa3: {  	v2 =	vld [tilespmem:s0+$0xFFFFFFF0]  }
0xa4: {  	v9 =	vld [tilespmem:s0+$0xFFFFFF90]  }
0xa5: {  	v10 =	vld [tilespmem:s0+$0x70]  }
0xa6: {  	v11 =	vld [tilespmem:s0+$0xFFFFFFA0]  }
0xa7: {  	v7 =	vld [tilespmem:s0+$0xFFFFFFB0]  }
0xa8: {  	v5 =	vld [tilespmem:s0+$0xFFFFFFC0]  }
0xa9: {  	v3 =	vld [tilespmem:s0+$0xFFFFFFD0]  }
0xaa: {  	v1 =	vld [tilespmem:s0+$0xFFFFFFE0]  }
0xab: {  	v16 =	vld [tilespmem:s0+$0xFFFFFF80]  }
0xac: {  	v17 =	vld [tilespmem:s0+$0x0]  }
0xad: {  	v18 =	vld [tilespmem:s0+$0x10]  }
0xae: {  	v19 =	vld [tilespmem:s0+$0x20]  }
0xaf: {  	v8 =	vld [tilespmem:s0+$0x30]  }
0xb0: {  	s26 =	simm.s32 $0x16440;
	v6 =	vld [tilespmem:s0+$0x40]  }
0xb1: {  	v4 =	vld [tilespmem:s0+$0x50];
	[tilespmem:s26+$0x30] =	vst v2  }
0xb2: {  	v12 =	vld.idx.msk [tilespmem:v2+s4+$0x0], $0xffff  }
0xb3: {  	v13 =	vld.idx.msk [tilespmem:v2+s16+$0x0], $0xffff  }
0xb4: {  	v14 =	vld.idx.msk [tilespmem:v10+s5+$0x0], $0xffff  }
0xb5: {  	v15 =	vld.idx.msk [tilespmem:v10+s6+$0x0], $0xffff  }
0xb6: {  	v20 =	vld.idx.msk [tilespmem:v2+s17+$0x0], $0xffff  }
0xb7: {  	v21 =	vld.idx.msk [tilespmem:v2+s18+$0x0], $0xffff  }
0xb8: {  	v22 =	vld.idx.msk [tilespmem:v10+s7+$0x0], $0xffff  }
0xb9: {  	v10 =	vld.idx.msk [tilespmem:v10+s8+$0x0], $0xffff  }
0xba: {  	[tilespmem:s26+$0xFFFFFFC0] =	vst v16;
	v2 =	vld [tilespmem:s0+$0x60]  }
0xbb: {  	v23 =	vld.idx.msk [tilespmem:v16+s4+$0x0], $0xffff  }
0xbc: {  	v24 =	vld.idx.msk [tilespmem:v16+s16+$0x0], $0xffff  }
0xbd: {  	v25 =	vld.idx.msk [tilespmem:v17+s5+$0x0], $0xffff  }
0xbe: {  	[tilespmem:s26+$0xFFFFFFD0] =	vst v9;
	v26 =	vld.idx.msk [tilespmem:v17+s6+$0x0], $0xffff  }
0xbf: {  	v27 =	vld.idx.msk [tilespmem:v9+s4+$0x0], $0xffff  }
0xc0: {  	v28 =	vld.idx.msk [tilespmem:v9+s16+$0x0], $0xffff  }
0xc1: {  	v29 =	vld.idx.msk [tilespmem:v18+s5+$0x0], $0xffff  }
0xc2: {  	[tilespmem:s26+$0xFFFFFFE0] =	vst v11;
	v30 =	vld.idx.msk [tilespmem:v18+s6+$0x0], $0xffff  }
0xc3: {  	v31 =	vld.idx.msk [tilespmem:v11+s4+$0x0], $0xffff  }
0xc4: {  	v32 =	vld.idx.msk [tilespmem:v11+s16+$0x0], $0xffff  }
0xc5: {  	v33 =	vld.idx.msk [tilespmem:v19+s5+$0x0], $0xffff  }
0xc6: {  	[tilespmem:s26+$0xFFFFFFF0] =	vst v7;
	v34 =	vld.idx.msk [tilespmem:v19+s6+$0x0], $0xffff  }
0xc7: {  	v35 =	vld.idx.msk [tilespmem:v7+s4+$0x0], $0xffff  }
0xc8: {  	v36 =	vld.idx.msk [tilespmem:v7+s16+$0x0], $0xffff  }
0xc9: {  	v37 =	vld.idx.msk [tilespmem:v8+s5+$0x0], $0xffff  }
0xca: {  	[tilespmem:s26+$0x0] =	vst v5;
	v38 =	vld.idx.msk [tilespmem:v8+s6+$0x0], $0xffff;
	v12 =	vadd.f32 v14, v12  }
0xcb: {  	v39 =	vld.idx.msk [tilespmem:v5+s4+$0x0], $0xffff;
	v13 =	vadd.f32 v15, v13  }
0xcc: {  	[tilespmem:s26+$0x10] =	vst v3;
	v40 =	vld.idx.msk [tilespmem:v6+s6+$0x0], $0xffff;
	v12 =	vmax.f32 v12, $0.0e+00  }
0xcd: {  	v41 =	vld.idx.msk [tilespmem:v3+s4+$0x0], $0xffff;
	v13 =	vmax.f32 v13, $0.0e+00;
	v12 =	vmul.f32 $1.442695020e+00, v12  }
0xce: {  	v57 =	vld.idx.msk [tilespmem:v3+s16+$0x0], $0xffff;
	v13 =	vmul.f32 $1.442695020e+00, v13  }
0xcf: {  	v58 =	vld.idx.msk [tilespmem:v4+s5+$0x0], $0xffff;
	(erf) = vpow2.f32 v12;
	v12 =	vadd.f32 v25, v23  }
0xd0: {  	v59 =	vld.idx.msk [tilespmem:v4+s6+$0x0], $0xffff;
	v20 =	vadd.f32 v22, v20;
	(erf) = vpow2.f32 v13;
	v13 =	vadd.f32 v26, v24  }
0xd1: {  	v45 =	vld.idx.msk [tilespmem:v16+s17+$0x0], $0xffff;
	v10 =	vadd.f32 v10, v21;
	v61 =	vadd.f32 v29, v27;
	v12 =	vmax.f32 v12, $0.0e+00  }
0xd2: {  	v16 =	vld.idx.msk [tilespmem:v16+s18+$0x0], $0xffff;
	v63 =	vadd.f32 v30, v28;
	v12 =	vmul.f32 $1.442695020e+00, v12;
	v13 =	vmax.f32 v13, $0.0e+00  }
0xd3: {  	v48 =	vld.idx.msk [tilespmem:v17+s7+$0x0], $0xffff;
	v43 =	vadd.f32 v33, v31;
	v46 =	vadd.f32 v34, v32;
	v13 =	vmul.f32 $1.442695020e+00, v13  }
0xd4: {  	v17 =	vld.idx.msk [tilespmem:v17+s8+$0x0], $0xffff;
	v47 =	vadd.f32 v37, v35;
	(erf) = vpow2.f32 v12;
	v12 =	vmax.f32 v61, $0.0e+00  }
0xd5: {  	v15 =	vld.idx.msk [tilespmem:v6+s5+$0x0], $0xffff;
	(erf) = vpow2.f32 v13;
	v12 =	vmul.f32 $1.442695020e+00, v12;
	v13 =	vmax.f32 v63, $0.0e+00  }
0xd6: {  	v14 =	vld.idx.msk [tilespmem:v5+s16+$0x0], $0xffff;
	v20 =	vmax.f32 v20, $0.0e+00;
	v25 =	vmax.f32 v43, $0.0e+00;
	v13 =	vmul.f32 $1.442695020e+00, v13  }
0xd7: {  	v49 =	vld.idx.msk [tilespmem:v9+s17+$0x0], $0xffff;
	v10 =	vmax.f32 v10, $0.0e+00;
	(erf) = vpow2.f32 v12;
	v12 =	vmul.f32 $1.442695020e+00, v25  }
0xd8: {  	v9 =	vld.idx.msk [tilespmem:v9+s18+$0x0], $0xffff;
	v29 =	vmax.f32 v46, $0.0e+00;
	(erf) = vpow2.f32 v13;
	v13 =	vadd.f32 v38, v36  }
0xd9: {  	v50 =	vld.idx.msk [tilespmem:v18+s7+$0x0], $0xffff;
	v29 =	vmul.f32 $1.442695020e+00, v29;
	(erf) = vpow2.f32 v12;
	v12 =	vmax.f32 v47, $0.0e+00  }
0xda: {  	[tilespmem:s26+$0x20] =	vst v1;
	v18 =	vld.idx.msk [tilespmem:v18+s8+$0x0], $0xffff;
	v15 =	vadd.f32 v15, v39;
	v12 =	vmul.f32 $1.442695020e+00, v12;
	v13 =	vmax.f32 v13, $0.0e+00  }
0xdb: {  	v60 =	vld.idx.msk [tilespmem:v1+s4+$0x0], $0xffff;
	v14 =	vadd.f32 v40, v14;
	(erf) = vpow2.f32 v29;
	v13 =	vmul.f32 $1.442695020e+00, v13  }
0xdc: {  	v62 =	vld.idx.msk [tilespmem:v1+s16+$0x0], $0xffff;
	v10 =	vadd.f32 v10, v20;
	(erf) = vpow2.f32 v12;
	v12 =	vmax.f32 v15, $0.0e+00  }
0xdd: {  	s30 =	simm.s32 $0x17840;
	v42 =	vld.idx.msk [tilespmem:v2+s5+$0x0], $0xffff;
	v51 =	vpop (erf);
	(erf) = vpow2.f32 v13;
	v12 =	vmul.f32 $1.442695020e+00, v12;
	v13 =	vmax.f32 v14, $0.0e+00  }
0xde: {  	s29 =	simm.s32 $0x18C40;
	v52 =	vadd.f32 v59, v57;
	v44 =	vld.idx.msk [tilespmem:v2+s6+$0x0], $0xffff;
	[tilespmem:s30+$0x30] =	vst v51;
	v53 =	vpop (erf);
	v15 =	vadd.f32 v58, v41;
	v13 =	vmul.f32 $1.442695020e+00, v13  }
0xdf: {  	s28 =	simm.s32 $0x1A040;
	[tilespmem:s29+$0x30] =	vst v53;
	v14 =	vld.idx.msk [tilespmem:v11+s17+$0x0], $0xffff;
	(erf) = vpow2.f32 v12  }
0xe0: {  	[tilespmem:s28+$0x30] =	vst v10;
	v11 =	vld.idx.msk [tilespmem:v11+s18+$0x0], $0xffff;
	v10 =	vpop (erf);
	v15 =	vmax.f32 v15, $0.0e+00;
	(erf) = vpow2.f32 v13;
	v13 =	vmax.f32 v52, $0.0e+00  }
0xe1: {  	v12 =	vmul.f32 $1.442695020e+00, v15;
	v15 =	vld.idx.msk [tilespmem:v19+s7+$0x0], $0xffff  }
0xe2: {  	v16 =	vadd.f32 v17, v16;
	v55 =	vpop (erf);
	v19 =	vld.idx.msk [tilespmem:v19+s8+$0x0], $0xffff  }
0xe3: {  	v56 =	vld.idx.msk [tilespmem:v7+s18+$0x0], $0xffff;
	v59 =	vadd.f32 v50, v49;
	v20 =	vadd.f32 v48, v45;
	[tilespmem:s30+$0xFFFFFFC0] =	vst v10;
	v10 =	vmul.f32 $1.442695020e+00, v13;
	v13 =	vpop (erf)  }
0xe4: {  	v54 =	vadd.f32 v42, v60;
	v57 =	vadd.f32 v44, v62;
	(erf) = vpow2.f32 v12;
	v12 =	vld.idx.msk [tilespmem:v7+s17+$0x0], $0xffff;
	v7 =	vpop (erf);
	[tilespmem:s30+$0xFFFFFFD0] =	vst v13  }
0xe5: {  	v9 =	vadd.f32 v18, v9;
	v16 =	vmax.f32 v16, $0.0e+00;
	[tilespmem:s29+$0xFFFFFFD0] =	vst v7;
	v7 =	vmax.f32 v20, $0.0e+00  }
0xe6: {  	v21 =	vmax.f32 v54, $0.0e+00;
	v22 =	vmax.f32 v57, $0.0e+00;
	[tilespmem:s29+$0xFFFFFFC0] =	vst v55;
	v13 =	vld.idx.msk [tilespmem:v8+s7+$0x0], $0xffff;
	v58 =	vpop (erf);
	v7 =	vadd.f32 v16, v7  }
0xe7: {  	(erf) = vpow2.f32 v10;
	v10 =	vmul.f32 $1.442695020e+00, v21;
	v8 =	vld.idx.msk [tilespmem:v8+s8+$0x0], $0xffff;
	v11 =	vadd.f32 v19, v11;
	[tilespmem:s30+$0xFFFFFFE0] =	vst v58  }
0xe8: {  	v61 =	vld.idx.msk [tilespmem:v5+s17+$0x0], $0xffff;
	v62 =	vmul.f32 $1.442695020e+00, v22;
	v60 =	vpop (erf);
	[tilespmem:s28+$0xFFFFFFC0] =	vst v7;
	v7 =	vmax.f32 v9, $0.0e+00;
	v9 =	vadd.f32 v15, v14  }
0xe9: {  	v63 =	vld.idx.msk [tilespmem:v5+s18+$0x0], $0xffff;
	(erf) = vpow2.f32 v10;
	[tilespmem:s29+$0xFFFFFFE0] =	vst v60;
	v5 =	vpop (erf)  }
0xea: {  	v10 =	vmax.f32 v59, $0.0e+00;
	(erf) = vpow2.f32 v62;
	v14 =	vld.idx.msk [tilespmem:v6+s7+$0x0], $0xffff;
	v15 =	vpop (erf);
	[tilespmem:s30+$0xFFFFFFF0] =	vst v5;
	v9 =	vmax.f32 v9, $0.0e+00  }
0xeb: {  	v6 =	vld.idx.msk [tilespmem:v6+s8+$0x0], $0xffff;
	v5 =	vadd.f32 v7, v10;
	[tilespmem:s29+$0xFFFFFFF0] =	vst v15;
	v10 =	vmax.f32 v11, $0.0e+00;
	v11 =	vpop (erf)  }
0xec: {  	v7 =	vld.idx.msk [tilespmem:v3+s17+$0x0], $0xffff;
	[tilespmem:s30+$0x0] =	vst v11;
	v11 =	vadd.f32 v13, v12;
	v12 =	vadd.f32 v8, v56  }
0xed: {  	v8 =	vld.idx.msk [tilespmem:v4+s7+$0x0], $0xffff;
	[tilespmem:s28+$0xFFFFFFD0] =	vst v5;
	v5 =	vadd.f32 v10, v9;
	v9 =	vpop (erf)  }
0xee: {  	v10 =	vld.idx.msk [tilespmem:v4+s8+$0x0], $0xffff;
	[tilespmem:s29+$0x0] =	vst v9;
	v4 =	vpop (erf);
	v9 =	vmax.f32 v11, $0.0e+00;
	v11 =	vmax.f32 v12, $0.0e+00  }
0xef: {  	v3 =	vld.idx.msk [tilespmem:v3+s18+$0x0], $0xffff;
	[tilespmem:s30+$0x10] =	vst v4;
	v4 =	vadd.f32 v11, v9  }
0xf0: {  	[tilespmem:s28+$0xFFFFFFE0] =	vst v5;
	v5 =	vld.idx.msk [tilespmem:v1+s17+$0x0], $0xffff;
	v12 =	vpop (erf)  }
0xf1: {  	v1 =	vld.idx.msk [tilespmem:v1+s18+$0x0], $0xffff;
	v6 =	vadd.f32 v6, v63;
	v9 =	vadd.f32 v14, v61;
	[tilespmem:s29+$0x10] =	vst v12  }
0xf2: {  	v11 =	vld.idx.msk [tilespmem:v2+s7+$0x0], $0xffff;
	v13 =	vpop (erf);
	[tilespmem:s28+$0xFFFFFFF0] =	vst v4  }
0xf3: {  	s31 =	simm.s32 $0x0;
	s1 =	simm.s32 $0x13D80;
	v2 =	vld.idx.msk [tilespmem:v2+s8+$0x0], $0xffff;
	v12 =	vmax.f32 v6, $0.0e+00;
	v9 =	vmax.f32 v9, $0.0e+00;
	[tilespmem:s30+$0x20] =	vst v13;
	v4 =	vpop (erf)  }
.LBB2_4:
0xf4: {  	v6 =	vld [tilespmem:s1+$0xFFFFFFF0];
	v12 =	vadd.f32 v12, v9;
	v7 =	vadd.f32 v8, v7;
	[tilespmem:s29+$0x20] =	vst v4  }
0xf5: {  	v3 =	vadd.f32 v10, v3;
	v9 =	vld [tilespmem:s1+$0xFFFFFF90]  }
0xf6: {  	v15 =	vld [tilespmem:s1+$0x70];
	[tilespmem:s28+$0x0] =	vst v12;
	v8 =	vmax.f32 v7, $0.0e+00  }
0xf7: {  	v3 =	vmax.f32 v3, $0.0e+00;
	v7 =	vld [tilespmem:s1+$0xFFFFFFA0]  }
0xf8: {  	s31 =	sadd.s32 $0x8, s31;
	v8 =	vadd.f32 v3, v8;
	v5 =	vadd.f32 v11, v5;
	v4 =	vld [tilespmem:s1+$0xFFFFFFB0]  }
0xf9: {  	p2 =	slt.u32 s31, $0x98;
	v10 =	vadd.f32 v2, v1;
	v3 =	vld [tilespmem:s1+$0xFFFFFFC0]  }
0xfa: {  	s26 =	sadd.s32 $0x80, s26;
	v5 =	vmax.f32 v5, $0.0e+00;
	v2 =	vld [tilespmem:s1+$0xFFFFFFD0];
	[tilespmem:s28+$0x10] =	vst v8  }
0xfb: {  	v8 =	vmax.f32 v10, $0.0e+00;
	v1 =	vld [tilespmem:s1+$0xFFFFFFE0];
	[tilespmem:s26+$0x30] =	vst v6  }
0xfc: {  	v5 =	vadd.f32 v8, v5;
	v16 =	vld.idx.msk [tilespmem:v6+s4+$0x0], $0xffff  }
0xfd: {  	v17 =	vld.idx.msk [tilespmem:v6+s16+$0x0], $0xffff  }
0xfe: {  	v8 =	vld.idx.msk [tilespmem:v15+s5+$0x0], $0xffff;
	[tilespmem:s28+$0x20] =	vst v5  }
0xff: {  	v5 =	vld.idx.msk [tilespmem:v15+s6+$0x0], $0xffff  }
0x100: {  	v14 =	vld [tilespmem:s1+$0xFFFFFF80]  }
0x101: {  	v13 =	vld [tilespmem:s1+$0x0]  }
0x102: {  	v12 =	vld [tilespmem:s1+$0x10];
	[tilespmem:s26+$0xFFFFFFD0] =	vst v9  }
0x103: {  	v11 =	vld [tilespmem:s1+$0x20];
	[tilespmem:s26+$0xFFFFFFE0] =	vst v7  }
0x104: {  	v16 =	vadd.f32 v8, v16;
	v10 =	vld [tilespmem:s1+$0x30];
	[tilespmem:s26+$0xFFFFFFF0] =	vst v4  }
0x105: {  	v17 =	vadd.f32 v5, v17;
	[tilespmem:s26+$0xFFFFFFC0] =	vst v14;
	v8 =	vld [tilespmem:s1+$0x40]  }
0x106: {  	v16 =	vmax.f32 v16, $0.0e+00;
	[tilespmem:s26+$0x0] =	vst v3;
	v5 =	vld [tilespmem:s1+$0x50]  }
0x107: {  	v16 =	vmul.f32 $1.442695020e+00, v16;
	v17 =	vmax.f32 v17, $0.0e+00;
	[tilespmem:s26+$0x10] =	vst v2;
	v18 =	vld.idx.msk [tilespmem:v6+s17+$0x0], $0xffff  }
0x108: {  	v19 =	vld.idx.msk [tilespmem:v6+s18+$0x0], $0xffff;
	v6 =	vmul.f32 $1.442695020e+00, v17  }
0x109: {  	v17 =	vld.idx.msk [tilespmem:v15+s7+$0x0], $0xffff;
	(erf) = vpow2.f32 v16  }
0x10a: {  	v15 =	vld.idx.msk [tilespmem:v15+s8+$0x0], $0xffff;
	(erf) = vpow2.f32 v6  }
0x10b: {  	v6 =	vld [tilespmem:s1+$0x60];
	[tilespmem:s26+$0x20] =	vst v1  }
0x10c: {  	v16 =	vld.idx.msk [tilespmem:v14+s4+$0x0], $0xffff  }
0x10d: {  	v20 =	vld.idx.msk [tilespmem:v14+s16+$0x0], $0xffff  }
0x10e: {  	v21 =	vld.idx.msk [tilespmem:v13+s5+$0x0], $0xffff  }
0x10f: {  	v22 =	vld.idx.msk [tilespmem:v13+s6+$0x0], $0xffff  }
0x110: {  	v27 =	vadd.f32 v17, v18;
	v15 =	vadd.f32 v15, v19;
	v23 =	vld.idx.msk [tilespmem:v9+s4+$0x0], $0xffff  }
0x111: {  	v18 =	vld.idx.msk [tilespmem:v9+s16+$0x0], $0xffff  }
0x112: {  	s30 =	sadd.s32 $0x80, s30;
	v26 =	vmax.f32 v27, $0.0e+00;
	v15 =	vmax.f32 v15, $0.0e+00;
	v19 =	vld.idx.msk [tilespmem:v12+s5+$0x0], $0xffff;
	v24 =	vpop (erf)  }
0x113: {  	s29 =	sadd.s32 $0x80, s29;
	v15 =	vadd.f32 v15, v26;
	v25 =	vld.idx.msk [tilespmem:v12+s6+$0x0], $0xffff;
	[tilespmem:s30+$0x30] =	vst v24;
	v17 =	vpop (erf)  }
0x114: {  	s28 =	sadd.s32 $0x80, s28;
	v16 =	vadd.f32 v21, v16;
	v21 =	vld.idx.msk [tilespmem:v7+s4+$0x0], $0xffff;
	[tilespmem:s29+$0x30] =	vst v17  }
0x115: {  	v17 =	vadd.f32 v22, v20;
	v20 =	vld.idx.msk [tilespmem:v7+s16+$0x0], $0xffff;
	[tilespmem:s28+$0x30] =	vst v15  }
0x116: {  	v15 =	vmax.f32 v16, $0.0e+00;
	v16 =	vld.idx.msk [tilespmem:v11+s5+$0x0], $0xffff  }
0x117: {  	v15 =	vmul.f32 $1.442695020e+00, v15;
	v17 =	vmax.f32 v17, $0.0e+00;
	v22 =	vld.idx.msk [tilespmem:v11+s6+$0x0], $0xffff  }
0x118: {  	v17 =	vmul.f32 $1.442695020e+00, v17;
	v19 =	vadd.f32 v19, v23;
	v23 =	vld.idx.msk [tilespmem:v4+s4+$0x0], $0xffff  }
0x119: {  	v18 =	vadd.f32 v25, v18;
	v24 =	vld.idx.msk [tilespmem:v4+s16+$0x0], $0xffff;
	(erf) = vpow2.f32 v15  }
0x11a: {  	v15 =	vmax.f32 v19, $0.0e+00;
	v19 =	vld.idx.msk [tilespmem:v10+s5+$0x0], $0xffff;
	(erf) = vpow2.f32 v17  }
0x11b: {  	v15 =	vmul.f32 $1.442695020e+00, v15;
	v17 =	vmax.f32 v18, $0.0e+00;
	v18 =	vld.idx.msk [tilespmem:v10+s6+$0x0], $0xffff  }
0x11c: {  	v17 =	vmul.f32 $1.442695020e+00, v17;
	v16 =	vadd.f32 v16, v21;
	v21 =	vld.idx.msk [tilespmem:v3+s4+$0x0], $0xffff  }
0x11d: {  	v20 =	vadd.f32 v22, v20;
	v22 =	vld.idx.msk [tilespmem:v3+s16+$0x0], $0xffff;
	(erf) = vpow2.f32 v15  }
0x11e: {  	v15 =	vmax.f32 v16, $0.0e+00;
	v16 =	vld.idx.msk [tilespmem:v8+s5+$0x0], $0xffff;
	(erf) = vpow2.f32 v17  }
0x11f: {  	v15 =	vmul.f32 $1.442695020e+00, v15;
	v17 =	vmax.f32 v20, $0.0e+00;
	v20 =	vld.idx.msk [tilespmem:v8+s6+$0x0], $0xffff  }
0x120: {  	v17 =	vmul.f32 $1.442695020e+00, v17;
	v19 =	vadd.f32 v19, v23;
	v23 =	vld.idx.msk [tilespmem:v2+s4+$0x0], $0xffff  }
0x121: {  	v18 =	vadd.f32 v18, v24;
	v24 =	vld.idx.msk [tilespmem:v2+s16+$0x0], $0xffff;
	(erf) = vpow2.f32 v15  }
0x122: {  	v15 =	vmax.f32 v19, $0.0e+00;
	v19 =	vld.idx.msk [tilespmem:v5+s5+$0x0], $0xffff;
	v25 =	vpop (erf);
	(erf) = vpow2.f32 v17  }
0x123: {  	v15 =	vmul.f32 $1.442695020e+00, v15;
	v17 =	vmax.f32 v18, $0.0e+00;
	v18 =	vld.idx.msk [tilespmem:v5+s6+$0x0], $0xffff;
	v26 =	vpop (erf)  }
0x124: {  	v17 =	vmul.f32 $1.442695020e+00, v17;
	v16 =	vadd.f32 v16, v21;
	v21 =	vld.idx.msk [tilespmem:v1+s4+$0x0], $0xffff  }
0x125: {  	v20 =	vadd.f32 v20, v22;
	v22 =	vld.idx.msk [tilespmem:v1+s16+$0x0], $0xffff;
	(erf) = vpow2.f32 v15  }
0x126: {  	v15 =	vmax.f32 v16, $0.0e+00;
	v16 =	vld.idx.msk [tilespmem:v6+s5+$0x0], $0xffff;
	v27 =	vpop (erf);
	(erf) = vpow2.f32 v17  }
0x127: {  	v15 =	vmul.f32 $1.442695020e+00, v15;
	v17 =	vmax.f32 v20, $0.0e+00;
	v20 =	vld.idx.msk [tilespmem:v6+s6+$0x0], $0xffff;
	v28 =	vpop (erf)  }
0x128: {  	v17 =	vmul.f32 $1.442695020e+00, v17;
	v30 =	vadd.f32 v19, v23;
	v29 =	vld.idx.msk [tilespmem:v14+s17+$0x0], $0xffff  }
0x129: {  	v18 =	vadd.f32 v18, v24;
	v14 =	vld.idx.msk [tilespmem:v14+s18+$0x0], $0xffff;
	(erf) = vpow2.f32 v15  }
0x12a: {  	v24 =	vmax.f32 v30, $0.0e+00;
	v15 =	vld.idx.msk [tilespmem:v13+s7+$0x0], $0xffff;
	v23 =	vpop (erf);
	(erf) = vpow2.f32 v17  }
0x12b: {  	v17 =	vmul.f32 $1.442695020e+00, v24;
	v18 =	vmax.f32 v18, $0.0e+00;
	v13 =	vld.idx.msk [tilespmem:v13+s8+$0x0], $0xffff;
	[tilespmem:s30+$0xFFFFFFC0] =	vst v25;
	v19 =	vpop (erf)  }
0x12c: {  	v18 =	vmul.f32 $1.442695020e+00, v18;
	v16 =	vadd.f32 v16, v21;
	[tilespmem:s29+$0xFFFFFFC0] =	vst v26;
	v24 =	vld.idx.msk [tilespmem:v9+s17+$0x0], $0xffff  }
0x12d: {  	v22 =	vadd.f32 v20, v22;
	v9 =	vld.idx.msk [tilespmem:v9+s18+$0x0], $0xffff;
	(erf) = vpow2.f32 v17  }
0x12e: {  	v16 =	vmax.f32 v16, $0.0e+00;
	v17 =	vld.idx.msk [tilespmem:v12+s7+$0x0], $0xffff;
	v21 =	vpop (erf);
	(erf) = vpow2.f32 v18  }
0x12f: {  	v25 =	vmul.f32 $1.442695020e+00, v16;
	v18 =	vmax.f32 v22, $0.0e+00;
	v12 =	vld.idx.msk [tilespmem:v12+s8+$0x0], $0xffff;
	[tilespmem:s30+$0xFFFFFFD0] =	vst v27;
	v20 =	vpop (erf)  }
0x130: {  	v15 =	vadd.f32 v15, v29;
	v26 =	vmul.f32 $1.442695020e+00, v18;
	[tilespmem:s29+$0xFFFFFFD0] =	vst v28;
	v22 =	vld.idx.msk [tilespmem:v7+s17+$0x0], $0xffff  }
0x131: {  	v13 =	vadd.f32 v13, v14;
	v7 =	vld.idx.msk [tilespmem:v7+s18+$0x0], $0xffff;
	(erf) = vpow2.f32 v25  }
0x132: {  	v14 =	vmax.f32 v15, $0.0e+00;
	v15 =	vld.idx.msk [tilespmem:v11+s7+$0x0], $0xffff;
	v16 =	vpop (erf);
	(erf) = vpow2.f32 v26  }
0x133: {  	v13 =	vmax.f32 v13, $0.0e+00;
	v11 =	vld.idx.msk [tilespmem:v11+s8+$0x0], $0xffff;
	[tilespmem:s30+$0xFFFFFFE0] =	vst v23;
	v18 =	vpop (erf)  }
0x134: {  	v13 =	vadd.f32 v13, v14;
	v23 =	vadd.f32 v17, v24;
	[tilespmem:s29+$0xFFFFFFE0] =	vst v19;
	v17 =	vld.idx.msk [tilespmem:v4+s17+$0x0], $0xffff  }
0x135: {  	v9 =	vadd.f32 v12, v9;
	v12 =	vld.idx.msk [tilespmem:v4+s18+$0x0], $0xffff  }
0x136: {  	v4 =	vmax.f32 v23, $0.0e+00;
	[tilespmem:s28+$0xFFFFFFC0] =	vst v13;
	v13 =	vld.idx.msk [tilespmem:v10+s7+$0x0], $0xffff;
	v14 =	vpop (erf)  }
0x137: {  	v9 =	vmax.f32 v9, $0.0e+00;
	v10 =	vld.idx.msk [tilespmem:v10+s8+$0x0], $0xffff;
	[tilespmem:s30+$0xFFFFFFF0] =	vst v21;
	v19 =	vpop (erf)  }
0x138: {  	v23 =	vadd.f32 v9, v4;
	v9 =	vadd.f32 v15, v22;
	[tilespmem:s29+$0xFFFFFFF0] =	vst v20;
	v15 =	vld.idx.msk [tilespmem:v3+s17+$0x0], $0xffff  }
0x139: {  	v7 =	vadd.f32 v11, v7;
	v11 =	vld.idx.msk [tilespmem:v3+s18+$0x0], $0xffff  }
0x13a: {  	v3 =	vmax.f32 v9, $0.0e+00;
	[tilespmem:s28+$0xFFFFFFD0] =	vst v23;
	v9 =	vld.idx.msk [tilespmem:v8+s7+$0x0], $0xffff;
	v20 =	vpop (erf)  }
0x13b: {  	v7 =	vmax.f32 v7, $0.0e+00;
	v21 =	vld.idx.msk [tilespmem:v8+s8+$0x0], $0xffff;
	[tilespmem:s30+$0x0] =	vst v16;
	v4 =	vpop (erf)  }
0x13c: {  	v8 =	vadd.f32 v7, v3;
	v13 =	vadd.f32 v13, v17;
	[tilespmem:s29+$0x0] =	vst v18;
	v7 =	vld.idx.msk [tilespmem:v2+s17+$0x0], $0xffff  }
0x13d: {  	v10 =	vadd.f32 v10, v12;
	v3 =	vld.idx.msk [tilespmem:v2+s18+$0x0], $0xffff  }
0x13e: {  	v2 =	vmax.f32 v13, $0.0e+00;
	[tilespmem:s28+$0xFFFFFFE0] =	vst v8;
	v8 =	vld.idx.msk [tilespmem:v5+s7+$0x0], $0xffff  }
.Ltmp3:
0x13f: {  	v12 =	vmax.f32 v10, $0.0e+00;
	v10 =	vld.idx.msk [tilespmem:v5+s8+$0x0], $0xffff;
	[tilespmem:s30+$0x10] =	vst v14;
	(pc) =	sbr.rel @p2 .LBB2_4-.Ltmp3, $4  }
0x140: {  	v2 =	vadd.f32 v12, v2;
	v9 =	vadd.f32 v9, v15;
	[tilespmem:s29+$0x10] =	vst v19;
	v5 =	vld.idx.msk [tilespmem:v1+s17+$0x0], $0xffff  }
0x141: {  	v12 =	vadd.f32 v21, v11;
	v1 =	vld.idx.msk [tilespmem:v1+s18+$0x0], $0xffff  }
0x142: {  	v9 =	vmax.f32 v9, $0.0e+00;
	[tilespmem:s28+$0xFFFFFFF0] =	vst v2;
	v11 =	vld.idx.msk [tilespmem:v6+s7+$0x0], $0xffff  }
0x143: {  	s1 =	sadd.s32 $0x100, s1;
	v12 =	vmax.f32 v12, $0.0e+00;
	v2 =	vld.idx.msk [tilespmem:v6+s8+$0x0], $0xffff;
	[tilespmem:s30+$0x20] =	vst v20  }
0x144: {  	_ = 	snop  }
0x145: {  	v6 =	vadd.f32 v8, v7  }
0x146: {  	v3 =	vadd.f32 v10, v3  }
0x147: {  	v6 =	vmax.f32 v6, $0.0e+00  }
0x148: {  	v3 =	vmax.f32 v3, $0.0e+00;
	v5 =	vadd.f32 v11, v5;
	v1 =	vadd.f32 v2, v1  }
0x149: {  	v3 =	vadd.f32 v3, v6  }
0x14a: {  	[tilespmem:s29+$0x20] =	vst v4;
	v2 =	vadd.f32 v12, v9;
	v4 =	vmax.f32 v5, $0.0e+00;
	v1 =	vmax.f32 v1, $0.0e+00  }
0x14b: {  	[tilespmem:s28+$0x10] =	vst v3;
	v1 =	vadd.f32 v1, v4  }
0x14c: {  	[tilespmem:s28+$0x0] =	vst v2  }
0x14d: {  	[tilespmem:s28+$0x20] =	vst v1  }
0x14e: {  	s1 =	rddreg [dreg:$0x9]  }
0x14f: {  	[hbm4b:s1+s4] =	stream.linear.scatter [tilespmem:s12], [sflag:$0x4], $0xA00, $0x38;
	[tilespmem:$0x1BB80] =	vst v63  }
0x150: {  	s0 =	rddreg [dreg:$0xa]  }
0x151: {  	[hbm4b:s0+s4] =	stream.linear.scatter [tilespmem:s13], [sflag:$0x4], $0xA00, $0x38;
	[tilespmem:$0x1BB80] =	vst v63  }
0x152: {  	s26 =	rddreg [dreg:$0xb];
	s0 =	simm.s32 $0x1A000  }
0x153: {  	[hbm4b:s26+s4] =	stream.linear.scatter [tilespmem:s0], [sflag:$0x4], $0xA00, $0x38;
	[tilespmem:$0x1BB80] =	vst v63  }
0x154: {  	_ = 	snop  }
0x155: {  	[spmem:s2] =	stream.indirect.scatter.add.f32 [tilespmem:s12], [sflag:$0x6], $0x1, s14, s15, $0xb8;
	[tilespmem:$0x1BB80] =	vst v63  }
0x156: {  	_ =	swait.ge [sflag:s9], $0xA00  }
0x157: {  	[sflag:s9] =	ssyncset.done $0x0  }
0x158: {  	[sflag:s9] =	ssyncadd.s32 $0xFFFFF600  }
0x159: {  	[spmem:s3] =	stream.indirect.scatter.add.f32 [tilespmem:s13], [sflag:$0x6], $0x1, s14, s15, $0xb8;
	[tilespmem:$0x1BB80] =	vst v63  }
0x15a: {  	_ =	swait.ge [sflag:s9], $0xA00  }
0x15b: {  	[sflag:s9] =	ssyncset.done $0x0  }
0x15c: {  	[sflag:s9] =	ssyncadd.s32 $0xFFFFF600  }
0x15d: {  	_ =	swait.ge [sflag:s19], $0x1400  }
0x15e: {  	[sflag:s19] =	ssyncset.done $0x0  }
0x15f: {  	[sflag:s19] =	ssyncadd.s32 $0xFFFFEC00  }
0x160: {  	_ =	swait.ge [sflag:s20], $0xA00  }
0x161: {  	[sflag:s20] =	ssyncset.done $0x0  }
0x162: {  	[sflag:s20] =	ssyncadd.s32 $0xFFFFF600  }
0x163: {  	_ =	swait.ge [sflag:s20], $0xA00  }
0x164: {  	[sflag:s20] =	ssyncset.done $0x0  }
0x165: {  	[sflag:s20] =	ssyncadd.s32 $0xFFFFF600  }
0x166: {  	_ =	swait.ge [sflag:s20], $0xA00  }
0x167: {  	[sflag:s20] =	ssyncset.done $0x0  }
0x168: {  	s26 =	simm.s32 $0x13C00;
	s0 =	rddreg [dreg:$0x1e];
	[sflag:s20] =	ssyncadd.s32 $0xFFFFF600  }
0x169: {  	[tilespmem:s26], [sflag:$0x2] =	stream.linear.gather [hbm4b:s0+s4], $0x1400, $0x38;
	[tilespmem:$0x1BB80] =	vst v63  }
0x16a: {  	s0 =	simm.s32 $0x15080  }
0x16b: {  	v2 =	vld [tilespmem:s0+$0xFFFFFFF0]  }
0x16c: {  	v9 =	vld [tilespmem:s0+$0xFFFFFF90]  }
0x16d: {  	v10 =	vld [tilespmem:s0+$0x70]  }
0x16e: {  	v11 =	vld [tilespmem:s0+$0xFFFFFFA0]  }
0x16f: {  	v7 =	vld [tilespmem:s0+$0xFFFFFFB0]  }
0x170: {  	v5 =	vld [tilespmem:s0+$0xFFFFFFC0]  }
0x171: {  	v3 =	vld [tilespmem:s0+$0xFFFFFFD0]  }
0x172: {  	v1 =	vld [tilespmem:s0+$0xFFFFFFE0]  }
0x173: {  	v16 =	vld [tilespmem:s0+$0xFFFFFF80]  }
0x174: {  	v17 =	vld [tilespmem:s0+$0x0]  }
0x175: {  	v18 =	vld [tilespmem:s0+$0x10]  }
0x176: {  	v19 =	vld [tilespmem:s0+$0x20]  }
0x177: {  	v8 =	vld [tilespmem:s0+$0x30]  }
0x178: {  	s26 =	simm.s32 $0x16E40;
	v6 =	vld [tilespmem:s0+$0x40]  }
0x179: {  	v4 =	vld [tilespmem:s0+$0x50];
	[tilespmem:s26+$0x30] =	vst v2  }
0x17a: {  	v12 =	vld.idx.msk [tilespmem:v2+s4+$0x0], $0xffff  }
0x17b: {  	v13 =	vld.idx.msk [tilespmem:v2+s16+$0x0], $0xffff  }
0x17c: {  	v14 =	vld.idx.msk [tilespmem:v10+s5+$0x0], $0xffff  }
0x17d: {  	v15 =	vld.idx.msk [tilespmem:v10+s6+$0x0], $0xffff  }
0x17e: {  	v20 =	vld.idx.msk [tilespmem:v2+s17+$0x0], $0xffff  }
0x17f: {  	v21 =	vld.idx.msk [tilespmem:v2+s18+$0x0], $0xffff  }
0x180: {  	v22 =	vld.idx.msk [tilespmem:v10+s7+$0x0], $0xffff  }
0x181: {  	v10 =	vld.idx.msk [tilespmem:v10+s8+$0x0], $0xffff  }
0x182: {  	[tilespmem:s26+$0xFFFFFFC0] =	vst v16;
	v2 =	vld [tilespmem:s0+$0x60]  }
0x183: {  	v23 =	vld.idx.msk [tilespmem:v16+s4+$0x0], $0xffff  }
0x184: {  	v24 =	vld.idx.msk [tilespmem:v16+s16+$0x0], $0xffff  }
0x185: {  	v25 =	vld.idx.msk [tilespmem:v17+s5+$0x0], $0xffff  }
0x186: {  	[tilespmem:s26+$0xFFFFFFD0] =	vst v9;
	v26 =	vld.idx.msk [tilespmem:v17+s6+$0x0], $0xffff  }
0x187: {  	v27 =	vld.idx.msk [tilespmem:v9+s4+$0x0], $0xffff  }
0x188: {  	v28 =	vld.idx.msk [tilespmem:v9+s16+$0x0], $0xffff  }
0x189: {  	v29 =	vld.idx.msk [tilespmem:v18+s5+$0x0], $0xffff  }
0x18a: {  	[tilespmem:s26+$0xFFFFFFE0] =	vst v11;
	v30 =	vld.idx.msk [tilespmem:v18+s6+$0x0], $0xffff  }
0x18b: {  	v31 =	vld.idx.msk [tilespmem:v11+s4+$0x0], $0xffff  }
0x18c: {  	v32 =	vld.idx.msk [tilespmem:v11+s16+$0x0], $0xffff  }
0x18d: {  	v33 =	vld.idx.msk [tilespmem:v19+s5+$0x0], $0xffff  }
0x18e: {  	[tilespmem:s26+$0xFFFFFFF0] =	vst v7;
	v34 =	vld.idx.msk [tilespmem:v19+s6+$0x0], $0xffff  }
0x18f: {  	v35 =	vld.idx.msk [tilespmem:v7+s4+$0x0], $0xffff  }
0x190: {  	v36 =	vld.idx.msk [tilespmem:v7+s16+$0x0], $0xffff  }
0x191: {  	v37 =	vld.idx.msk [tilespmem:v8+s5+$0x0], $0xffff  }
0x192: {  	[tilespmem:s26+$0x0] =	vst v5;
	v38 =	vld.idx.msk [tilespmem:v8+s6+$0x0], $0xffff;
	v12 =	vadd.f32 v14, v12  }
0x193: {  	v39 =	vld.idx.msk [tilespmem:v5+s4+$0x0], $0xffff;
	v13 =	vadd.f32 v15, v13  }
0x194: {  	[tilespmem:s26+$0x10] =	vst v3;
	v40 =	vld.idx.msk [tilespmem:v6+s6+$0x0], $0xffff;
	v12 =	vmax.f32 v12, $0.0e+00  }
0x195: {  	v41 =	vld.idx.msk [tilespmem:v3+s4+$0x0], $0xffff;
	v13 =	vmax.f32 v13, $0.0e+00;
	v12 =	vmul.f32 $1.442695020e+00, v12  }
0x196: {  	v57 =	vld.idx.msk [tilespmem:v3+s16+$0x0], $0xffff;
	v13 =	vmul.f32 $1.442695020e+00, v13  }
0x197: {  	v58 =	vld.idx.msk [tilespmem:v4+s5+$0x0], $0xffff;
	(erf) = vpow2.f32 v12;
	v12 =	vadd.f32 v25, v23  }
0x198: {  	v59 =	vld.idx.msk [tilespmem:v4+s6+$0x0], $0xffff;
	v20 =	vadd.f32 v22, v20;
	(erf) = vpow2.f32 v13;
	v13 =	vadd.f32 v26, v24  }
0x199: {  	v45 =	vld.idx.msk [tilespmem:v16+s17+$0x0], $0xffff;
	v10 =	vadd.f32 v10, v21;
	v61 =	vadd.f32 v29, v27;
	v12 =	vmax.f32 v12, $0.0e+00  }
0x19a: {  	v16 =	vld.idx.msk [tilespmem:v16+s18+$0x0], $0xffff;
	v63 =	vadd.f32 v30, v28;
	v12 =	vmul.f32 $1.442695020e+00, v12;
	v13 =	vmax.f32 v13, $0.0e+00  }
0x19b: {  	v48 =	vld.idx.msk [tilespmem:v17+s7+$0x0], $0xffff;
	v43 =	vadd.f32 v33, v31;
	v46 =	vadd.f32 v34, v32;
	v13 =	vmul.f32 $1.442695020e+00, v13  }
0x19c: {  	v17 =	vld.idx.msk [tilespmem:v17+s8+$0x0], $0xffff;
	v47 =	vadd.f32 v37, v35;
	(erf) = vpow2.f32 v12;
	v12 =	vmax.f32 v61, $0.0e+00  }
0x19d: {  	v15 =	vld.idx.msk [tilespmem:v6+s5+$0x0], $0xffff;
	(erf) = vpow2.f32 v13;
	v12 =	vmul.f32 $1.442695020e+00, v12;
	v13 =	vmax.f32 v63, $0.0e+00  }
0x19e: {  	v14 =	vld.idx.msk [tilespmem:v5+s16+$0x0], $0xffff;
	v20 =	vmax.f32 v20, $0.0e+00;
	v25 =	vmax.f32 v43, $0.0e+00;
	v13 =	vmul.f32 $1.442695020e+00, v13  }
0x19f: {  	v49 =	vld.idx.msk [tilespmem:v9+s17+$0x0], $0xffff;
	v10 =	vmax.f32 v10, $0.0e+00;
	(erf) = vpow2.f32 v12;
	v12 =	vmul.f32 $1.442695020e+00, v25  }
0x1a0: {  	v9 =	vld.idx.msk [tilespmem:v9+s18+$0x0], $0xffff;
	v29 =	vmax.f32 v46, $0.0e+00;
	(erf) = vpow2.f32 v13;
	v13 =	vadd.f32 v38, v36  }
0x1a1: {  	v50 =	vld.idx.msk [tilespmem:v18+s7+$0x0], $0xffff;
	v29 =	vmul.f32 $1.442695020e+00, v29;
	(erf) = vpow2.f32 v12;
	v12 =	vmax.f32 v47, $0.0e+00  }
0x1a2: {  	[tilespmem:s26+$0x20] =	vst v1;
	v18 =	vld.idx.msk [tilespmem:v18+s8+$0x0], $0xffff;
	v15 =	vadd.f32 v15, v39;
	v12 =	vmul.f32 $1.442695020e+00, v12;
	v13 =	vmax.f32 v13, $0.0e+00  }
0x1a3: {  	v60 =	vld.idx.msk [tilespmem:v1+s4+$0x0], $0xffff;
	v14 =	vadd.f32 v40, v14;
	(erf) = vpow2.f32 v29;
	v13 =	vmul.f32 $1.442695020e+00, v13  }
0x1a4: {  	v62 =	vld.idx.msk [tilespmem:v1+s16+$0x0], $0xffff;
	v10 =	vadd.f32 v10, v20;
	(erf) = vpow2.f32 v12;
	v12 =	vmax.f32 v15, $0.0e+00  }
0x1a5: {  	s30 =	simm.s32 $0x18240;
	v42 =	vld.idx.msk [tilespmem:v2+s5+$0x0], $0xffff;
	v51 =	vpop (erf);
	(erf) = vpow2.f32 v13;
	v12 =	vmul.f32 $1.442695020e+00, v12;
	v13 =	vmax.f32 v14, $0.0e+00  }
0x1a6: {  	s29 =	simm.s32 $0x19640;
	v52 =	vadd.f32 v59, v57;
	v44 =	vld.idx.msk [tilespmem:v2+s6+$0x0], $0xffff;
	[tilespmem:s30+$0x30] =	vst v51;
	v53 =	vpop (erf);
	v15 =	vadd.f32 v58, v41;
	v13 =	vmul.f32 $1.442695020e+00, v13  }
0x1a7: {  	s28 =	simm.s32 $0x1AA40;
	[tilespmem:s29+$0x30] =	vst v53;
	v14 =	vld.idx.msk [tilespmem:v11+s17+$0x0], $0xffff;
	(erf) = vpow2.f32 v12  }
0x1a8: {  	[tilespmem:s28+$0x30] =	vst v10;
	v11 =	vld.idx.msk [tilespmem:v11+s18+$0x0], $0xffff;
	v10 =	vpop (erf);
	v15 =	vmax.f32 v15, $0.0e+00;
	(erf) = vpow2.f32 v13;
	v13 =	vmax.f32 v52, $0.0e+00  }
0x1a9: {  	v12 =	vmul.f32 $1.442695020e+00, v15;
	v15 =	vld.idx.msk [tilespmem:v19+s7+$0x0], $0xffff  }
0x1aa: {  	v16 =	vadd.f32 v17, v16;
	v55 =	vpop (erf);
	v19 =	vld.idx.msk [tilespmem:v19+s8+$0x0], $0xffff  }
0x1ab: {  	v56 =	vld.idx.msk [tilespmem:v7+s18+$0x0], $0xffff;
	v59 =	vadd.f32 v50, v49;
	v20 =	vadd.f32 v48, v45;
	[tilespmem:s30+$0xFFFFFFC0] =	vst v10;
	v10 =	vmul.f32 $1.442695020e+00, v13;
	v13 =	vpop (erf)  }
0x1ac: {  	v54 =	vadd.f32 v42, v60;
	v57 =	vadd.f32 v44, v62;
	(erf) = vpow2.f32 v12;
	v12 =	vld.idx.msk [tilespmem:v7+s17+$0x0], $0xffff;
	v7 =	vpop (erf);
	[tilespmem:s30+$0xFFFFFFD0] =	vst v13  }
0x1ad: {  	v9 =	vadd.f32 v18, v9;
	v16 =	vmax.f32 v16, $0.0e+00;
	[tilespmem:s29+$0xFFFFFFD0] =	vst v7;
	v7 =	vmax.f32 v20, $0.0e+00  }
0x1ae: {  	v21 =	vmax.f32 v54, $0.0e+00;
	v22 =	vmax.f32 v57, $0.0e+00;
	[tilespmem:s29+$0xFFFFFFC0] =	vst v55;
	v13 =	vld.idx.msk [tilespmem:v8+s7+$0x0], $0xffff;
	v58 =	vpop (erf);
	v7 =	vadd.f32 v16, v7  }
0x1af: {  	(erf) = vpow2.f32 v10;
	v10 =	vmul.f32 $1.442695020e+00, v21;
	v8 =	vld.idx.msk [tilespmem:v8+s8+$0x0], $0xffff;
	v11 =	vadd.f32 v19, v11;
	[tilespmem:s30+$0xFFFFFFE0] =	vst v58  }
0x1b0: {  	v61 =	vld.idx.msk [tilespmem:v5+s17+$0x0], $0xffff;
	v62 =	vmul.f32 $1.442695020e+00, v22;
	v60 =	vpop (erf);
	[tilespmem:s28+$0xFFFFFFC0] =	vst v7;
	v7 =	vmax.f32 v9, $0.0e+00;
	v9 =	vadd.f32 v15, v14  }
0x1b1: {  	v63 =	vld.idx.msk [tilespmem:v5+s18+$0x0], $0xffff;
	(erf) = vpow2.f32 v10;
	[tilespmem:s29+$0xFFFFFFE0] =	vst v60;
	v5 =	vpop (erf)  }
0x1b2: {  	v10 =	vmax.f32 v59, $0.0e+00;
	(erf) = vpow2.f32 v62;
	v14 =	vld.idx.msk [tilespmem:v6+s7+$0x0], $0xffff;
	v15 =	vpop (erf);
	[tilespmem:s30+$0xFFFFFFF0] =	vst v5;
	v9 =	vmax.f32 v9, $0.0e+00  }
0x1b3: {  	v6 =	vld.idx.msk [tilespmem:v6+s8+$0x0], $0xffff;
	v5 =	vadd.f32 v7, v10;
	[tilespmem:s29+$0xFFFFFFF0] =	vst v15;
	v10 =	vmax.f32 v11, $0.0e+00;
	v11 =	vpop (erf)  }
0x1b4: {  	v7 =	vld.idx.msk [tilespmem:v3+s17+$0x0], $0xffff;
	[tilespmem:s30+$0x0] =	vst v11;
	v11 =	vadd.f32 v13, v12;
	v12 =	vadd.f32 v8, v56  }
0x1b5: {  	v8 =	vld.idx.msk [tilespmem:v4+s7+$0x0], $0xffff;
	[tilespmem:s28+$0xFFFFFFD0] =	vst v5;
	v5 =	vadd.f32 v10, v9;
	v9 =	vpop (erf)  }
0x1b6: {  	v10 =	vld.idx.msk [tilespmem:v4+s8+$0x0], $0xffff;
	[tilespmem:s29+$0x0] =	vst v9;
	v4 =	vpop (erf);
	v9 =	vmax.f32 v11, $0.0e+00;
	v11 =	vmax.f32 v12, $0.0e+00  }
0x1b7: {  	v3 =	vld.idx.msk [tilespmem:v3+s18+$0x0], $0xffff;
	[tilespmem:s30+$0x10] =	vst v4;
	v4 =	vadd.f32 v11, v9  }
0x1b8: {  	[tilespmem:s28+$0xFFFFFFE0] =	vst v5;
	v5 =	vld.idx.msk [tilespmem:v1+s17+$0x0], $0xffff;
	v12 =	vpop (erf)  }
0x1b9: {  	v1 =	vld.idx.msk [tilespmem:v1+s18+$0x0], $0xffff;
	v6 =	vadd.f32 v6, v63;
	v9 =	vadd.f32 v14, v61;
	[tilespmem:s29+$0x10] =	vst v12  }
0x1ba: {  	v11 =	vld.idx.msk [tilespmem:v2+s7+$0x0], $0xffff;
	v13 =	vpop (erf);
	[tilespmem:s28+$0xFFFFFFF0] =	vst v4  }
0x1bb: {  	s31 =	simm.s32 $0x0;
	s1 =	simm.s32 $0x15180;
	v2 =	vld.idx.msk [tilespmem:v2+s8+$0x0], $0xffff;
	v12 =	vmax.f32 v6, $0.0e+00;
	v9 =	vmax.f32 v9, $0.0e+00;
	[tilespmem:s30+$0x20] =	vst v13;
	v4 =	vpop (erf)  }
.LBB2_6:
0x1bc: {  	v6 =	vld [tilespmem:s1+$0xFFFFFFF0];
	v12 =	vadd.f32 v12, v9;
	v7 =	vadd.f32 v8, v7;
	[tilespmem:s29+$0x20] =	vst v4  }
0x1bd: {  	v3 =	vadd.f32 v10, v3;
	v9 =	vld [tilespmem:s1+$0xFFFFFF90]  }
0x1be: {  	v15 =	vld [tilespmem:s1+$0x70];
	[tilespmem:s28+$0x0] =	vst v12;
	v8 =	vmax.f32 v7, $0.0e+00  }
0x1bf: {  	v3 =	vmax.f32 v3, $0.0e+00;
	v7 =	vld [tilespmem:s1+$0xFFFFFFA0]  }
0x1c0: {  	s31 =	sadd.s32 $0x8, s31;
	v8 =	vadd.f32 v3, v8;
	v5 =	vadd.f32 v11, v5;
	v4 =	vld [tilespmem:s1+$0xFFFFFFB0]  }
0x1c1: {  	p2 =	slt.u32 s31, $0x98;
	v10 =	vadd.f32 v2, v1;
	v3 =	vld [tilespmem:s1+$0xFFFFFFC0]  }
0x1c2: {  	s26 =	sadd.s32 $0x80, s26;
	v5 =	vmax.f32 v5, $0.0e+00;
	v2 =	vld [tilespmem:s1+$0xFFFFFFD0];
	[tilespmem:s28+$0x10] =	vst v8  }
0x1c3: {  	v8 =	vmax.f32 v10, $0.0e+00;
	v1 =	vld [tilespmem:s1+$0xFFFFFFE0];
	[tilespmem:s26+$0x30] =	vst v6  }
0x1c4: {  	v5 =	vadd.f32 v8, v5;
	v16 =	vld.idx.msk [tilespmem:v6+s4+$0x0], $0xffff  }
0x1c5: {  	v17 =	vld.idx.msk [tilespmem:v6+s16+$0x0], $0xffff  }
0x1c6: {  	v8 =	vld.idx.msk [tilespmem:v15+s5+$0x0], $0xffff;
	[tilespmem:s28+$0x20] =	vst v5  }
0x1c7: {  	v5 =	vld.idx.msk [tilespmem:v15+s6+$0x0], $0xffff  }
0x1c8: {  	v14 =	vld [tilespmem:s1+$0xFFFFFF80]  }
0x1c9: {  	v13 =	vld [tilespmem:s1+$0x0]  }
0x1ca: {  	v12 =	vld [tilespmem:s1+$0x10];
	[tilespmem:s26+$0xFFFFFFD0] =	vst v9  }
0x1cb: {  	v11 =	vld [tilespmem:s1+$0x20];
	[tilespmem:s26+$0xFFFFFFE0] =	vst v7  }
0x1cc: {  	v16 =	vadd.f32 v8, v16;
	v10 =	vld [tilespmem:s1+$0x30];
	[tilespmem:s26+$0xFFFFFFF0] =	vst v4  }
0x1cd: {  	v17 =	vadd.f32 v5, v17;
	[tilespmem:s26+$0xFFFFFFC0] =	vst v14;
	v8 =	vld [tilespmem:s1+$0x40]  }
0x1ce: {  	v16 =	vmax.f32 v16, $0.0e+00;
	[tilespmem:s26+$0x0] =	vst v3;
	v5 =	vld [tilespmem:s1+$0x50]  }
0x1cf: {  	v16 =	vmul.f32 $1.442695020e+00, v16;
	v17 =	vmax.f32 v17, $0.0e+00;
	[tilespmem:s26+$0x10] =	vst v2;
	v18 =	vld.idx.msk [tilespmem:v6+s17+$0x0], $0xffff  }
0x1d0: {  	v19 =	vld.idx.msk [tilespmem:v6+s18+$0x0], $0xffff;
	v6 =	vmul.f32 $1.442695020e+00, v17  }
0x1d1: {  	v17 =	vld.idx.msk [tilespmem:v15+s7+$0x0], $0xffff;
	(erf) = vpow2.f32 v16  }
0x1d2: {  	v15 =	vld.idx.msk [tilespmem:v15+s8+$0x0], $0xffff;
	(erf) = vpow2.f32 v6  }
0x1d3: {  	v6 =	vld [tilespmem:s1+$0x60];
	[tilespmem:s26+$0x20] =	vst v1  }
0x1d4: {  	v16 =	vld.idx.msk [tilespmem:v14+s4+$0x0], $0xffff  }
0x1d5: {  	v20 =	vld.idx.msk [tilespmem:v14+s16+$0x0], $0xffff  }
0x1d6: {  	v21 =	vld.idx.msk [tilespmem:v13+s5+$0x0], $0xffff  }
0x1d7: {  	v22 =	vld.idx.msk [tilespmem:v13+s6+$0x0], $0xffff  }
0x1d8: {  	v27 =	vadd.f32 v17, v18;
	v15 =	vadd.f32 v15, v19;
	v23 =	vld.idx.msk [tilespmem:v9+s4+$0x0], $0xffff  }
0x1d9: {  	v18 =	vld.idx.msk [tilespmem:v9+s16+$0x0], $0xffff  }
0x1da: {  	s30 =	sadd.s32 $0x80, s30;
	v26 =	vmax.f32 v27, $0.0e+00;
	v15 =	vmax.f32 v15, $0.0e+00;
	v19 =	vld.idx.msk [tilespmem:v12+s5+$0x0], $0xffff;
	v24 =	vpop (erf)  }
0x1db: {  	s29 =	sadd.s32 $0x80, s29;
	v15 =	vadd.f32 v15, v26;
	v25 =	vld.idx.msk [tilespmem:v12+s6+$0x0], $0xffff;
	[tilespmem:s30+$0x30] =	vst v24;
	v17 =	vpop (erf)  }
0x1dc: {  	s28 =	sadd.s32 $0x80, s28;
	v16 =	vadd.f32 v21, v16;
	v21 =	vld.idx.msk [tilespmem:v7+s4+$0x0], $0xffff;
	[tilespmem:s29+$0x30] =	vst v17  }
0x1dd: {  	v17 =	vadd.f32 v22, v20;
	v20 =	vld.idx.msk [tilespmem:v7+s16+$0x0], $0xffff;
	[tilespmem:s28+$0x30] =	vst v15  }
0x1de: {  	v15 =	vmax.f32 v16, $0.0e+00;
	v16 =	vld.idx.msk [tilespmem:v11+s5+$0x0], $0xffff  }
0x1df: {  	v15 =	vmul.f32 $1.442695020e+00, v15;
	v17 =	vmax.f32 v17, $0.0e+00;
	v22 =	vld.idx.msk [tilespmem:v11+s6+$0x0], $0xffff  }
0x1e0: {  	v17 =	vmul.f32 $1.442695020e+00, v17;
	v19 =	vadd.f32 v19, v23;
	v23 =	vld.idx.msk [tilespmem:v4+s4+$0x0], $0xffff  }
0x1e1: {  	v18 =	vadd.f32 v25, v18;
	v24 =	vld.idx.msk [tilespmem:v4+s16+$0x0], $0xffff;
	(erf) = vpow2.f32 v15  }
0x1e2: {  	v15 =	vmax.f32 v19, $0.0e+00;
	v19 =	vld.idx.msk [tilespmem:v10+s5+$0x0], $0xffff;
	(erf) = vpow2.f32 v17  }
0x1e3: {  	v15 =	vmul.f32 $1.442695020e+00, v15;
	v17 =	vmax.f32 v18, $0.0e+00;
	v18 =	vld.idx.msk [tilespmem:v10+s6+$0x0], $0xffff  }
0x1e4: {  	v17 =	vmul.f32 $1.442695020e+00, v17;
	v16 =	vadd.f32 v16, v21;
	v21 =	vld.idx.msk [tilespmem:v3+s4+$0x0], $0xffff  }
0x1e5: {  	v20 =	vadd.f32 v22, v20;
	v22 =	vld.idx.msk [tilespmem:v3+s16+$0x0], $0xffff;
	(erf) = vpow2.f32 v15  }
0x1e6: {  	v15 =	vmax.f32 v16, $0.0e+00;
	v16 =	vld.idx.msk [tilespmem:v8+s5+$0x0], $0xffff;
	(erf) = vpow2.f32 v17  }
0x1e7: {  	v15 =	vmul.f32 $1.442695020e+00, v15;
	v17 =	vmax.f32 v20, $0.0e+00;
	v20 =	vld.idx.msk [tilespmem:v8+s6+$0x0], $0xffff  }
0x1e8: {  	v17 =	vmul.f32 $1.442695020e+00, v17;
	v19 =	vadd.f32 v19, v23;
	v23 =	vld.idx.msk [tilespmem:v2+s4+$0x0], $0xffff  }
0x1e9: {  	v18 =	vadd.f32 v18, v24;
	v24 =	vld.idx.msk [tilespmem:v2+s16+$0x0], $0xffff;
	(erf) = vpow2.f32 v15  }
0x1ea: {  	v15 =	vmax.f32 v19, $0.0e+00;
	v19 =	vld.idx.msk [tilespmem:v5+s5+$0x0], $0xffff;
	v25 =	vpop (erf);
	(erf) = vpow2.f32 v17  }
0x1eb: {  	v15 =	vmul.f32 $1.442695020e+00, v15;
	v17 =	vmax.f32 v18, $0.0e+00;
	v18 =	vld.idx.msk [tilespmem:v5+s6+$0x0], $0xffff;
	v26 =	vpop (erf)  }
0x1ec: {  	v17 =	vmul.f32 $1.442695020e+00, v17;
	v16 =	vadd.f32 v16, v21;
	v21 =	vld.idx.msk [tilespmem:v1+s4+$0x0], $0xffff  }
0x1ed: {  	v20 =	vadd.f32 v20, v22;
	v22 =	vld.idx.msk [tilespmem:v1+s16+$0x0], $0xffff;
	(erf) = vpow2.f32 v15  }
0x1ee: {  	v15 =	vmax.f32 v16, $0.0e+00;
	v16 =	vld.idx.msk [tilespmem:v6+s5+$0x0], $0xffff;
	v27 =	vpop (erf);
	(erf) = vpow2.f32 v17  }
0x1ef: {  	v15 =	vmul.f32 $1.442695020e+00, v15;
	v17 =	vmax.f32 v20, $0.0e+00;
	v20 =	vld.idx.msk [tilespmem:v6+s6+$0x0], $0xffff;
	v28 =	vpop (erf)  }
0x1f0: {  	v17 =	vmul.f32 $1.442695020e+00, v17;
	v30 =	vadd.f32 v19, v23;
	v29 =	vld.idx.msk [tilespmem:v14+s17+$0x0], $0xffff  }
0x1f1: {  	v18 =	vadd.f32 v18, v24;
	v14 =	vld.idx.msk [tilespmem:v14+s18+$0x0], $0xffff;
	(erf) = vpow2.f32 v15  }
0x1f2: {  	v24 =	vmax.f32 v30, $0.0e+00;
	v15 =	vld.idx.msk [tilespmem:v13+s7+$0x0], $0xffff;
	v23 =	vpop (erf);
	(erf) = vpow2.f32 v17  }
0x1f3: {  	v17 =	vmul.f32 $1.442695020e+00, v24;
	v18 =	vmax.f32 v18, $0.0e+00;
	v13 =	vld.idx.msk [tilespmem:v13+s8+$0x0], $0xffff;
	[tilespmem:s30+$0xFFFFFFC0] =	vst v25;
	v19 =	vpop (erf)  }
0x1f4: {  	v18 =	vmul.f32 $1.442695020e+00, v18;
	v16 =	vadd.f32 v16, v21;
	[tilespmem:s29+$0xFFFFFFC0] =	vst v26;
	v24 =	vld.idx.msk [tilespmem:v9+s17+$0x0], $0xffff  }
0x1f5: {  	v22 =	vadd.f32 v20, v22;
	v9 =	vld.idx.msk [tilespmem:v9+s18+$0x0], $0xffff;
	(erf) = vpow2.f32 v17  }
0x1f6: {  	v16 =	vmax.f32 v16, $0.0e+00;
	v17 =	vld.idx.msk [tilespmem:v12+s7+$0x0], $0xffff;
	v21 =	vpop (erf);
	(erf) = vpow2.f32 v18  }
0x1f7: {  	v25 =	vmul.f32 $1.442695020e+00, v16;
	v18 =	vmax.f32 v22, $0.0e+00;
	v12 =	vld.idx.msk [tilespmem:v12+s8+$0x0], $0xffff;
	[tilespmem:s30+$0xFFFFFFD0] =	vst v27;
	v20 =	vpop (erf)  }
0x1f8: {  	v15 =	vadd.f32 v15, v29;
	v26 =	vmul.f32 $1.442695020e+00, v18;
	[tilespmem:s29+$0xFFFFFFD0] =	vst v28;
	v22 =	vld.idx.msk [tilespmem:v7+s17+$0x0], $0xffff  }
0x1f9: {  	v13 =	vadd.f32 v13, v14;
	v7 =	vld.idx.msk [tilespmem:v7+s18+$0x0], $0xffff;
	(erf) = vpow2.f32 v25  }
0x1fa: {  	v14 =	vmax.f32 v15, $0.0e+00;
	v15 =	vld.idx.msk [tilespmem:v11+s7+$0x0], $0xffff;
	v16 =	vpop (erf);
	(erf) = vpow2.f32 v26  }
0x1fb: {  	v13 =	vmax.f32 v13, $0.0e+00;
	v11 =	vld.idx.msk [tilespmem:v11+s8+$0x0], $0xffff;
	[tilespmem:s30+$0xFFFFFFE0] =	vst v23;
	v18 =	vpop (erf)  }
0x1fc: {  	v13 =	vadd.f32 v13, v14;
	v23 =	vadd.f32 v17, v24;
	[tilespmem:s29+$0xFFFFFFE0] =	vst v19;
	v17 =	vld.idx.msk [tilespmem:v4+s17+$0x0], $0xffff  }
0x1fd: {  	v9 =	vadd.f32 v12, v9;
	v12 =	vld.idx.msk [tilespmem:v4+s18+$0x0], $0xffff  }
0x1fe: {  	v4 =	vmax.f32 v23, $0.0e+00;
	[tilespmem:s28+$0xFFFFFFC0] =	vst v13;
	v13 =	vld.idx.msk [tilespmem:v10+s7+$0x0], $0xffff;
	v14 =	vpop (erf)  }
0x1ff: {  	v9 =	vmax.f32 v9, $0.0e+00;
	v10 =	vld.idx.msk [tilespmem:v10+s8+$0x0], $0xffff;
	[tilespmem:s30+$0xFFFFFFF0] =	vst v21;
	v19 =	vpop (erf)  }
0x200: {  	v23 =	vadd.f32 v9, v4;
	v9 =	vadd.f32 v15, v22;
	[tilespmem:s29+$0xFFFFFFF0] =	vst v20;
	v15 =	vld.idx.msk [tilespmem:v3+s17+$0x0], $0xffff  }
0x201: {  	v7 =	vadd.f32 v11, v7;
	v11 =	vld.idx.msk [tilespmem:v3+s18+$0x0], $0xffff  }
0x202: {  	v3 =	vmax.f32 v9, $0.0e+00;
	[tilespmem:s28+$0xFFFFFFD0] =	vst v23;
	v9 =	vld.idx.msk [tilespmem:v8+s7+$0x0], $0xffff;
	v20 =	vpop (erf)  }
0x203: {  	v7 =	vmax.f32 v7, $0.0e+00;
	v21 =	vld.idx.msk [tilespmem:v8+s8+$0x0], $0xffff;
	[tilespmem:s30+$0x0] =	vst v16;
	v4 =	vpop (erf)  }
0x204: {  	v8 =	vadd.f32 v7, v3;
	v13 =	vadd.f32 v13, v17;
	[tilespmem:s29+$0x0] =	vst v18;
	v7 =	vld.idx.msk [tilespmem:v2+s17+$0x0], $0xffff  }
0x205: {  	v10 =	vadd.f32 v10, v12;
	v3 =	vld.idx.msk [tilespmem:v2+s18+$0x0], $0xffff  }
0x206: {  	v2 =	vmax.f32 v13, $0.0e+00;
	[tilespmem:s28+$0xFFFFFFE0] =	vst v8;
	v8 =	vld.idx.msk [tilespmem:v5+s7+$0x0], $0xffff  }
.Ltmp4:
0x207: {  	v12 =	vmax.f32 v10, $0.0e+00;
	v10 =	vld.idx.msk [tilespmem:v5+s8+$0x0], $0xffff;
	[tilespmem:s30+$0x10] =	vst v14;
	(pc) =	sbr.rel @p2 .LBB2_6-.Ltmp4, $4  }
0x208: {  	v2 =	vadd.f32 v12, v2;
	v9 =	vadd.f32 v9, v15;
	[tilespmem:s29+$0x10] =	vst v19;
	v5 =	vld.idx.msk [tilespmem:v1+s17+$0x0], $0xffff  }
0x209: {  	v12 =	vadd.f32 v21, v11;
	v1 =	vld.idx.msk [tilespmem:v1+s18+$0x0], $0xffff  }
0x20a: {  	v9 =	vmax.f32 v9, $0.0e+00;
	[tilespmem:s28+$0xFFFFFFF0] =	vst v2;
	v11 =	vld.idx.msk [tilespmem:v6+s7+$0x0], $0xffff  }
0x20b: {  	s1 =	sadd.s32 $0x100, s1;
	v12 =	vmax.f32 v12, $0.0e+00;
	v2 =	vld.idx.msk [tilespmem:v6+s8+$0x0], $0xffff;
	[tilespmem:s30+$0x20] =	vst v20  }
0x20c: {  	_ = 	snop  }
0x20d: {  	v6 =	vadd.f32 v8, v7  }
0x20e: {  	v3 =	vadd.f32 v10, v3  }
0x20f: {  	v6 =	vmax.f32 v6, $0.0e+00  }
0x210: {  	v3 =	vmax.f32 v3, $0.0e+00;
	v5 =	vadd.f32 v11, v5;
	v1 =	vadd.f32 v2, v1  }
0x211: {  	v3 =	vadd.f32 v3, v6  }
0x212: {  	[tilespmem:s29+$0x20] =	vst v4;
	v2 =	vadd.f32 v12, v9;
	v4 =	vmax.f32 v5, $0.0e+00;
	v1 =	vmax.f32 v1, $0.0e+00  }
0x213: {  	[tilespmem:s28+$0x10] =	vst v3;
	v1 =	vadd.f32 v1, v4  }
0x214: {  	[tilespmem:s28+$0x0] =	vst v2  }
0x215: {  	[tilespmem:s28+$0x20] =	vst v1  }
0x216: {  	s1 =	rddreg [dreg:$0xc]  }
0x217: {  	[hbm4b:s1+s4] =	stream.linear.scatter [tilespmem:s21], [sflag:$0x5], $0xA00, $0x38;
	[tilespmem:$0x1BB80] =	vst v63  }
0x218: {  	s0 =	rddreg [dreg:$0xd]  }
0x219: {  	[hbm4b:s0+s4] =	stream.linear.scatter [tilespmem:s22], [sflag:$0x5], $0xA00, $0x38;
	[tilespmem:$0x1BB80] =	vst v63  }
0x21a: {  	s26 =	rddreg [dreg:$0xe];
	s0 =	simm.s32 $0x1AA00  }
0x21b: {  	[hbm4b:s26+s4] =	stream.linear.scatter [tilespmem:s0], [sflag:$0x5], $0xA00, $0x38;
	[tilespmem:$0x1BB80] =	vst v63  }
0x21c: {  	_ = 	snop  }
0x21d: {  	[spmem:s2] =	stream.indirect.scatter.add.f32 [tilespmem:s21], [sflag:$0x6], $0x1, s23, s15, $0xb8;
	[tilespmem:$0x1BB80] =	vst v63  }
0x21e: {  	_ =	swait.ge [sflag:s9], $0xA00  }
0x21f: {  	[sflag:s9] =	ssyncset.done $0x0  }
0x220: {  	[sflag:s9] =	ssyncadd.s32 $0xFFFFF600  }
0x221: {  	[spmem:s3] =	stream.indirect.scatter.add.f32 [tilespmem:s22], [sflag:$0x6], $0x1, s23, s15, $0xb8;
	[tilespmem:$0x1BB80] =	vst v63  }
0x222: {  	_ =	swait.ge [sflag:s9], $0xA00  }
0x223: {  	[sflag:s9] =	ssyncset.done $0x0  }
0x224: {  	[sflag:s9] =	ssyncadd.s32 $0xFFFFF600  }
0x225: {  	_ =	swait.ge [sflag:s11], $0x1400  }
0x226: {  	[sflag:s11] =	ssyncset.done $0x0  }
0x227: {  	[sflag:s11] =	ssyncadd.s32 $0xFFFFEC00  }
0x228: {  	_ =	swait.ge [sflag:s24], $0xA00  }
0x229: {  	[sflag:s24] =	ssyncset.done $0x0  }
0x22a: {  	[sflag:s24] =	ssyncadd.s32 $0xFFFFF600  }
0x22b: {  	_ =	swait.ge [sflag:s24], $0xA00  }
0x22c: {  	[sflag:s24] =	ssyncset.done $0x0  }
0x22d: {  	[sflag:s24] =	ssyncadd.s32 $0xFFFFF600  }
0x22e: {  	_ =	swait.ge [sflag:s24], $0xA00  }
0x22f: {  	s1 =	simm.s32 @!p1 $0x0;
	s26 =	simm.s32 @!p1 $0x15000;
	[sflag:s24] =	ssyncset.done $0x0  }
0x230: {  	s0 =	simm.s32 $0x13C80;
	s28 =	rddreg [dreg:$0x1f];
	[sflag:s24] =	ssyncadd.s32 $0xFFFFF600  }
0x231: {  	[tilespmem:s26], [sflag:$0x3] =	stream.linear.gather @!p1 [hbm4b:s28+s1], $0x1400, $0x38;
	[tilespmem:$0x1BB80] =	vst v63  }
0x232: {  	v2 =	vld [tilespmem:s0+$0xFFFFFFF0]  }
0x233: {  	v9 =	vld [tilespmem:s0+$0xFFFFFF90]  }
0x234: {  	v10 =	vld [tilespmem:s0+$0x70]  }
0x235: {  	v11 =	vld [tilespmem:s0+$0xFFFFFFA0]  }
0x236: {  	v7 =	vld [tilespmem:s0+$0xFFFFFFB0]  }
0x237: {  	v5 =	vld [tilespmem:s0+$0xFFFFFFC0]  }
0x238: {  	v3 =	vld [tilespmem:s0+$0xFFFFFFD0]  }
0x239: {  	v1 =	vld [tilespmem:s0+$0xFFFFFFE0]  }
0x23a: {  	v16 =	vld [tilespmem:s0+$0xFFFFFF80]  }
0x23b: {  	v17 =	vld [tilespmem:s0+$0x0]  }
0x23c: {  	v18 =	vld [tilespmem:s0+$0x10]  }
0x23d: {  	v19 =	vld [tilespmem:s0+$0x20]  }
0x23e: {  	v8 =	vld [tilespmem:s0+$0x30]  }
0x23f: {  	s26 =	simm.s32 $0x16440;
	v6 =	vld [tilespmem:s0+$0x40]  }
0x240: {  	v4 =	vld [tilespmem:s0+$0x50];
	[tilespmem:s26+$0x30] =	vst v2  }
0x241: {  	v12 =	vld.idx.msk [tilespmem:v2+s4+$0x0], $0xffff  }
0x242: {  	v13 =	vld.idx.msk [tilespmem:v2+s16+$0x0], $0xffff  }
0x243: {  	v14 =	vld.idx.msk [tilespmem:v10+s5+$0x0], $0xffff  }
0x244: {  	v15 =	vld.idx.msk [tilespmem:v10+s6+$0x0], $0xffff  }
0x245: {  	v20 =	vld.idx.msk [tilespmem:v2+s17+$0x0], $0xffff  }
0x246: {  	v21 =	vld.idx.msk [tilespmem:v2+s18+$0x0], $0xffff  }
0x247: {  	v22 =	vld.idx.msk [tilespmem:v10+s7+$0x0], $0xffff  }
0x248: {  	v10 =	vld.idx.msk [tilespmem:v10+s8+$0x0], $0xffff  }
0x249: {  	[tilespmem:s26+$0xFFFFFFC0] =	vst v16;
	v2 =	vld [tilespmem:s0+$0x60]  }
0x24a: {  	v23 =	vld.idx.msk [tilespmem:v16+s4+$0x0], $0xffff  }
0x24b: {  	v24 =	vld.idx.msk [tilespmem:v16+s16+$0x0], $0xffff  }
0x24c: {  	v25 =	vld.idx.msk [tilespmem:v17+s5+$0x0], $0xffff  }
0x24d: {  	[tilespmem:s26+$0xFFFFFFD0] =	vst v9;
	v26 =	vld.idx.msk [tilespmem:v17+s6+$0x0], $0xffff  }
0x24e: {  	v27 =	vld.idx.msk [tilespmem:v9+s4+$0x0], $0xffff  }
0x24f: {  	v28 =	vld.idx.msk [tilespmem:v9+s16+$0x0], $0xffff  }
0x250: {  	v29 =	vld.idx.msk [tilespmem:v18+s5+$0x0], $0xffff  }
0x251: {  	[tilespmem:s26+$0xFFFFFFE0] =	vst v11;
	v30 =	vld.idx.msk [tilespmem:v18+s6+$0x0], $0xffff  }
0x252: {  	v31 =	vld.idx.msk [tilespmem:v11+s4+$0x0], $0xffff  }
0x253: {  	v32 =	vld.idx.msk [tilespmem:v11+s16+$0x0], $0xffff  }
0x254: {  	v33 =	vld.idx.msk [tilespmem:v19+s5+$0x0], $0xffff  }
0x255: {  	[tilespmem:s26+$0xFFFFFFF0] =	vst v7;
	v34 =	vld.idx.msk [tilespmem:v19+s6+$0x0], $0xffff  }
0x256: {  	v35 =	vld.idx.msk [tilespmem:v7+s4+$0x0], $0xffff  }
0x257: {  	v36 =	vld.idx.msk [tilespmem:v7+s16+$0x0], $0xffff  }
0x258: {  	v37 =	vld.idx.msk [tilespmem:v8+s5+$0x0], $0xffff  }
0x259: {  	[tilespmem:s26+$0x0] =	vst v5;
	v38 =	vld.idx.msk [tilespmem:v8+s6+$0x0], $0xffff;
	v12 =	vadd.f32 v14, v12  }
0x25a: {  	v39 =	vld.idx.msk [tilespmem:v5+s4+$0x0], $0xffff;
	v13 =	vadd.f32 v15, v13  }
0x25b: {  	[tilespmem:s26+$0x10] =	vst v3;
	v40 =	vld.idx.msk [tilespmem:v6+s6+$0x0], $0xffff;
	v12 =	vmax.f32 v12, $0.0e+00  }
0x25c: {  	v41 =	vld.idx.msk [tilespmem:v3+s4+$0x0], $0xffff;
	v13 =	vmax.f32 v13, $0.0e+00;
	v12 =	vmul.f32 $1.442695020e+00, v12  }
0x25d: {  	v57 =	vld.idx.msk [tilespmem:v3+s16+$0x0], $0xffff;
	v13 =	vmul.f32 $1.442695020e+00, v13  }
0x25e: {  	v58 =	vld.idx.msk [tilespmem:v4+s5+$0x0], $0xffff;
	(erf) = vpow2.f32 v12;
	v12 =	vadd.f32 v25, v23  }
0x25f: {  	v59 =	vld.idx.msk [tilespmem:v4+s6+$0x0], $0xffff;
	v20 =	vadd.f32 v22, v20;
	(erf) = vpow2.f32 v13;
	v13 =	vadd.f32 v26, v24  }
0x260: {  	v45 =	vld.idx.msk [tilespmem:v16+s17+$0x0], $0xffff;
	v10 =	vadd.f32 v10, v21;
	v61 =	vadd.f32 v29, v27;
	v12 =	vmax.f32 v12, $0.0e+00  }
0x261: {  	v16 =	vld.idx.msk [tilespmem:v16+s18+$0x0], $0xffff;
	v63 =	vadd.f32 v30, v28;
	v12 =	vmul.f32 $1.442695020e+00, v12;
	v13 =	vmax.f32 v13, $0.0e+00  }
0x262: {  	v48 =	vld.idx.msk [tilespmem:v17+s7+$0x0], $0xffff;
	v43 =	vadd.f32 v33, v31;
	v46 =	vadd.f32 v34, v32;
	v13 =	vmul.f32 $1.442695020e+00, v13  }
0x263: {  	v17 =	vld.idx.msk [tilespmem:v17+s8+$0x0], $0xffff;
	v47 =	vadd.f32 v37, v35;
	(erf) = vpow2.f32 v12;
	v12 =	vmax.f32 v61, $0.0e+00  }
0x264: {  	v15 =	vld.idx.msk [tilespmem:v6+s5+$0x0], $0xffff;
	(erf) = vpow2.f32 v13;
	v12 =	vmul.f32 $1.442695020e+00, v12;
	v13 =	vmax.f32 v63, $0.0e+00  }
0x265: {  	v14 =	vld.idx.msk [tilespmem:v5+s16+$0x0], $0xffff;
	v20 =	vmax.f32 v20, $0.0e+00;
	v25 =	vmax.f32 v43, $0.0e+00;
	v13 =	vmul.f32 $1.442695020e+00, v13  }
0x266: {  	v49 =	vld.idx.msk [tilespmem:v9+s17+$0x0], $0xffff;
	v10 =	vmax.f32 v10, $0.0e+00;
	(erf) = vpow2.f32 v12;
	v12 =	vmul.f32 $1.442695020e+00, v25  }
0x267: {  	v9 =	vld.idx.msk [tilespmem:v9+s18+$0x0], $0xffff;
	v29 =	vmax.f32 v46, $0.0e+00;
	(erf) = vpow2.f32 v13;
	v13 =	vadd.f32 v38, v36  }
0x268: {  	v50 =	vld.idx.msk [tilespmem:v18+s7+$0x0], $0xffff;
	v29 =	vmul.f32 $1.442695020e+00, v29;
	(erf) = vpow2.f32 v12;
	v12 =	vmax.f32 v47, $0.0e+00  }
0x269: {  	[tilespmem:s26+$0x20] =	vst v1;
	v18 =	vld.idx.msk [tilespmem:v18+s8+$0x0], $0xffff;
	v15 =	vadd.f32 v15, v39;
	v12 =	vmul.f32 $1.442695020e+00, v12;
	v13 =	vmax.f32 v13, $0.0e+00  }
0x26a: {  	v60 =	vld.idx.msk [tilespmem:v1+s4+$0x0], $0xffff;
	v14 =	vadd.f32 v40, v14;
	(erf) = vpow2.f32 v29;
	v13 =	vmul.f32 $1.442695020e+00, v13  }
0x26b: {  	v62 =	vld.idx.msk [tilespmem:v1+s16+$0x0], $0xffff;
	v10 =	vadd.f32 v10, v20;
	(erf) = vpow2.f32 v12;
	v12 =	vmax.f32 v15, $0.0e+00  }
0x26c: {  	s30 =	simm.s32 $0x17840;
	v42 =	vld.idx.msk [tilespmem:v2+s5+$0x0], $0xffff;
	v51 =	vpop (erf);
	(erf) = vpow2.f32 v13;
	v12 =	vmul.f32 $1.442695020e+00, v12;
	v13 =	vmax.f32 v14, $0.0e+00  }
0x26d: {  	s29 =	simm.s32 $0x18C40;
	v52 =	vadd.f32 v59, v57;
	v44 =	vld.idx.msk [tilespmem:v2+s6+$0x0], $0xffff;
	[tilespmem:s30+$0x30] =	vst v51;
	v53 =	vpop (erf);
	v15 =	vadd.f32 v58, v41;
	v13 =	vmul.f32 $1.442695020e+00, v13  }
0x26e: {  	s28 =	simm.s32 $0x1A040;
	[tilespmem:s29+$0x30] =	vst v53;
	v14 =	vld.idx.msk [tilespmem:v11+s17+$0x0], $0xffff;
	(erf) = vpow2.f32 v12  }
0x26f: {  	[tilespmem:s28+$0x30] =	vst v10;
	v11 =	vld.idx.msk [tilespmem:v11+s18+$0x0], $0xffff;
	v10 =	vpop (erf);
	v15 =	vmax.f32 v15, $0.0e+00;
	(erf) = vpow2.f32 v13;
	v13 =	vmax.f32 v52, $0.0e+00  }
0x270: {  	v12 =	vmul.f32 $1.442695020e+00, v15;
	v15 =	vld.idx.msk [tilespmem:v19+s7+$0x0], $0xffff  }
0x271: {  	v16 =	vadd.f32 v17, v16;
	v55 =	vpop (erf);
	v19 =	vld.idx.msk [tilespmem:v19+s8+$0x0], $0xffff  }
0x272: {  	v56 =	vld.idx.msk [tilespmem:v7+s18+$0x0], $0xffff;
	v59 =	vadd.f32 v50, v49;
	v20 =	vadd.f32 v48, v45;
	[tilespmem:s30+$0xFFFFFFC0] =	vst v10;
	v10 =	vmul.f32 $1.442695020e+00, v13;
	v13 =	vpop (erf)  }
0x273: {  	v54 =	vadd.f32 v42, v60;
	v57 =	vadd.f32 v44, v62;
	(erf) = vpow2.f32 v12;
	v12 =	vld.idx.msk [tilespmem:v7+s17+$0x0], $0xffff;
	v7 =	vpop (erf);
	[tilespmem:s30+$0xFFFFFFD0] =	vst v13  }
0x274: {  	v9 =	vadd.f32 v18, v9;
	v16 =	vmax.f32 v16, $0.0e+00;
	[tilespmem:s29+$0xFFFFFFD0] =	vst v7;
	v7 =	vmax.f32 v20, $0.0e+00  }
0x275: {  	v21 =	vmax.f32 v54, $0.0e+00;
	v22 =	vmax.f32 v57, $0.0e+00;
	[tilespmem:s29+$0xFFFFFFC0] =	vst v55;
	v13 =	vld.idx.msk [tilespmem:v8+s7+$0x0], $0xffff;
	v58 =	vpop (erf);
	v7 =	vadd.f32 v16, v7  }
0x276: {  	(erf) = vpow2.f32 v10;
	v10 =	vmul.f32 $1.442695020e+00, v21;
	v8 =	vld.idx.msk [tilespmem:v8+s8+$0x0], $0xffff;
	v11 =	vadd.f32 v19, v11;
	[tilespmem:s30+$0xFFFFFFE0] =	vst v58  }
0x277: {  	v61 =	vld.idx.msk [tilespmem:v5+s17+$0x0], $0xffff;
	v62 =	vmul.f32 $1.442695020e+00, v22;
	v60 =	vpop (erf);
	[tilespmem:s28+$0xFFFFFFC0] =	vst v7;
	v7 =	vmax.f32 v9, $0.0e+00;
	v9 =	vadd.f32 v15, v14  }
0x278: {  	v63 =	vld.idx.msk [tilespmem:v5+s18+$0x0], $0xffff;
	(erf) = vpow2.f32 v10;
	[tilespmem:s29+$0xFFFFFFE0] =	vst v60;
	v5 =	vpop (erf)  }
0x279: {  	v10 =	vmax.f32 v59, $0.0e+00;
	(erf) = vpow2.f32 v62;
	v14 =	vld.idx.msk [tilespmem:v6+s7+$0x0], $0xffff;
	v15 =	vpop (erf);
	[tilespmem:s30+$0xFFFFFFF0] =	vst v5;
	v9 =	vmax.f32 v9, $0.0e+00  }
0x27a: {  	v6 =	vld.idx.msk [tilespmem:v6+s8+$0x0], $0xffff;
	v5 =	vadd.f32 v7, v10;
	[tilespmem:s29+$0xFFFFFFF0] =	vst v15;
	v10 =	vmax.f32 v11, $0.0e+00;
	v11 =	vpop (erf)  }
0x27b: {  	v7 =	vld.idx.msk [tilespmem:v3+s17+$0x0], $0xffff;
	[tilespmem:s30+$0x0] =	vst v11;
	v11 =	vadd.f32 v13, v12;
	v12 =	vadd.f32 v8, v56  }
0x27c: {  	v8 =	vld.idx.msk [tilespmem:v4+s7+$0x0], $0xffff;
	[tilespmem:s28+$0xFFFFFFD0] =	vst v5;
	v5 =	vadd.f32 v10, v9;
	v9 =	vpop (erf)  }
0x27d: {  	v10 =	vld.idx.msk [tilespmem:v4+s8+$0x0], $0xffff;
	[tilespmem:s29+$0x0] =	vst v9;
	v4 =	vpop (erf);
	v9 =	vmax.f32 v11, $0.0e+00;
	v11 =	vmax.f32 v12, $0.0e+00  }
0x27e: {  	v3 =	vld.idx.msk [tilespmem:v3+s18+$0x0], $0xffff;
	[tilespmem:s30+$0x10] =	vst v4;
	v4 =	vadd.f32 v11, v9  }
0x27f: {  	[tilespmem:s28+$0xFFFFFFE0] =	vst v5;
	v5 =	vld.idx.msk [tilespmem:v1+s17+$0x0], $0xffff;
	v12 =	vpop (erf)  }
0x280: {  	v1 =	vld.idx.msk [tilespmem:v1+s18+$0x0], $0xffff;
	v6 =	vadd.f32 v6, v63;
	v9 =	vadd.f32 v14, v61;
	[tilespmem:s29+$0x10] =	vst v12  }
0x281: {  	v11 =	vld.idx.msk [tilespmem:v2+s7+$0x0], $0xffff;
	v13 =	vpop (erf);
	[tilespmem:s28+$0xFFFFFFF0] =	vst v4  }
0x282: {  	s31 =	simm.s32 $0x0;
	s1 =	simm.s32 $0x13D80;
	v2 =	vld.idx.msk [tilespmem:v2+s8+$0x0], $0xffff;
	v12 =	vmax.f32 v6, $0.0e+00;
	v9 =	vmax.f32 v9, $0.0e+00;
	[tilespmem:s30+$0x20] =	vst v13;
	v4 =	vpop (erf)  }
.LBB2_8:
0x283: {  	v6 =	vld [tilespmem:s1+$0xFFFFFFF0];
	v12 =	vadd.f32 v12, v9;
	v7 =	vadd.f32 v8, v7;
	[tilespmem:s29+$0x20] =	vst v4  }
0x284: {  	v3 =	vadd.f32 v10, v3;
	v9 =	vld [tilespmem:s1+$0xFFFFFF90]  }
0x285: {  	v15 =	vld [tilespmem:s1+$0x70];
	[tilespmem:s28+$0x0] =	vst v12;
	v8 =	vmax.f32 v7, $0.0e+00  }
0x286: {  	v3 =	vmax.f32 v3, $0.0e+00;
	v7 =	vld [tilespmem:s1+$0xFFFFFFA0]  }
0x287: {  	s31 =	sadd.s32 $0x8, s31;
	v8 =	vadd.f32 v3, v8;
	v5 =	vadd.f32 v11, v5;
	v4 =	vld [tilespmem:s1+$0xFFFFFFB0]  }
0x288: {  	p2 =	slt.u32 s31, $0x98;
	v10 =	vadd.f32 v2, v1;
	v3 =	vld [tilespmem:s1+$0xFFFFFFC0]  }
0x289: {  	s26 =	sadd.s32 $0x80, s26;
	v5 =	vmax.f32 v5, $0.0e+00;
	v2 =	vld [tilespmem:s1+$0xFFFFFFD0];
	[tilespmem:s28+$0x10] =	vst v8  }
0x28a: {  	v8 =	vmax.f32 v10, $0.0e+00;
	v1 =	vld [tilespmem:s1+$0xFFFFFFE0];
	[tilespmem:s26+$0x30] =	vst v6  }
0x28b: {  	v5 =	vadd.f32 v8, v5;
	v16 =	vld.idx.msk [tilespmem:v6+s4+$0x0], $0xffff  }
0x28c: {  	v17 =	vld.idx.msk [tilespmem:v6+s16+$0x0], $0xffff  }
0x28d: {  	v8 =	vld.idx.msk [tilespmem:v15+s5+$0x0], $0xffff;
	[tilespmem:s28+$0x20] =	vst v5  }
0x28e: {  	v5 =	vld.idx.msk [tilespmem:v15+s6+$0x0], $0xffff  }
0x28f: {  	v14 =	vld [tilespmem:s1+$0xFFFFFF80]  }
0x290: {  	v13 =	vld [tilespmem:s1+$0x0]  }
0x291: {  	v12 =	vld [tilespmem:s1+$0x10];
	[tilespmem:s26+$0xFFFFFFD0] =	vst v9  }
0x292: {  	v11 =	vld [tilespmem:s1+$0x20];
	[tilespmem:s26+$0xFFFFFFE0] =	vst v7  }
0x293: {  	v16 =	vadd.f32 v8, v16;
	v10 =	vld [tilespmem:s1+$0x30];
	[tilespmem:s26+$0xFFFFFFF0] =	vst v4  }
0x294: {  	v17 =	vadd.f32 v5, v17;
	[tilespmem:s26+$0xFFFFFFC0] =	vst v14;
	v8 =	vld [tilespmem:s1+$0x40]  }
0x295: {  	v16 =	vmax.f32 v16, $0.0e+00;
	[tilespmem:s26+$0x0] =	vst v3;
	v5 =	vld [tilespmem:s1+$0x50]  }
0x296: {  	v16 =	vmul.f32 $1.442695020e+00, v16;
	v17 =	vmax.f32 v17, $0.0e+00;
	[tilespmem:s26+$0x10] =	vst v2;
	v18 =	vld.idx.msk [tilespmem:v6+s17+$0x0], $0xffff  }
0x297: {  	v19 =	vld.idx.msk [tilespmem:v6+s18+$0x0], $0xffff;
	v6 =	vmul.f32 $1.442695020e+00, v17  }
0x298: {  	v17 =	vld.idx.msk [tilespmem:v15+s7+$0x0], $0xffff;
	(erf) = vpow2.f32 v16  }
0x299: {  	v15 =	vld.idx.msk [tilespmem:v15+s8+$0x0], $0xffff;
	(erf) = vpow2.f32 v6  }
0x29a: {  	v6 =	vld [tilespmem:s1+$0x60];
	[tilespmem:s26+$0x20] =	vst v1  }
0x29b: {  	v16 =	vld.idx.msk [tilespmem:v14+s4+$0x0], $0xffff  }
0x29c: {  	v20 =	vld.idx.msk [tilespmem:v14+s16+$0x0], $0xffff  }
0x29d: {  	v21 =	vld.idx.msk [tilespmem:v13+s5+$0x0], $0xffff  }
0x29e: {  	v22 =	vld.idx.msk [tilespmem:v13+s6+$0x0], $0xffff  }
0x29f: {  	v27 =	vadd.f32 v17, v18;
	v15 =	vadd.f32 v15, v19;
	v23 =	vld.idx.msk [tilespmem:v9+s4+$0x0], $0xffff  }
0x2a0: {  	v18 =	vld.idx.msk [tilespmem:v9+s16+$0x0], $0xffff  }
0x2a1: {  	s30 =	sadd.s32 $0x80, s30;
	v26 =	vmax.f32 v27, $0.0e+00;
	v15 =	vmax.f32 v15, $0.0e+00;
	v19 =	vld.idx.msk [tilespmem:v12+s5+$0x0], $0xffff;
	v24 =	vpop (erf)  }
0x2a2: {  	s29 =	sadd.s32 $0x80, s29;
	v15 =	vadd.f32 v15, v26;
	v25 =	vld.idx.msk [tilespmem:v12+s6+$0x0], $0xffff;
	[tilespmem:s30+$0x30] =	vst v24;
	v17 =	vpop (erf)  }
0x2a3: {  	s28 =	sadd.s32 $0x80, s28;
	v16 =	vadd.f32 v21, v16;
	v21 =	vld.idx.msk [tilespmem:v7+s4+$0x0], $0xffff;
	[tilespmem:s29+$0x30] =	vst v17  }
0x2a4: {  	v17 =	vadd.f32 v22, v20;
	v20 =	vld.idx.msk [tilespmem:v7+s16+$0x0], $0xffff;
	[tilespmem:s28+$0x30] =	vst v15  }
0x2a5: {  	v15 =	vmax.f32 v16, $0.0e+00;
	v16 =	vld.idx.msk [tilespmem:v11+s5+$0x0], $0xffff  }
0x2a6: {  	v15 =	vmul.f32 $1.442695020e+00, v15;
	v17 =	vmax.f32 v17, $0.0e+00;
	v22 =	vld.idx.msk [tilespmem:v11+s6+$0x0], $0xffff  }
0x2a7: {  	v17 =	vmul.f32 $1.442695020e+00, v17;
	v19 =	vadd.f32 v19, v23;
	v23 =	vld.idx.msk [tilespmem:v4+s4+$0x0], $0xffff  }
0x2a8: {  	v18 =	vadd.f32 v25, v18;
	v24 =	vld.idx.msk [tilespmem:v4+s16+$0x0], $0xffff;
	(erf) = vpow2.f32 v15  }
0x2a9: {  	v15 =	vmax.f32 v19, $0.0e+00;
	v19 =	vld.idx.msk [tilespmem:v10+s5+$0x0], $0xffff;
	(erf) = vpow2.f32 v17  }
0x2aa: {  	v15 =	vmul.f32 $1.442695020e+00, v15;
	v17 =	vmax.f32 v18, $0.0e+00;
	v18 =	vld.idx.msk [tilespmem:v10+s6+$0x0], $0xffff  }
0x2ab: {  	v17 =	vmul.f32 $1.442695020e+00, v17;
	v16 =	vadd.f32 v16, v21;
	v21 =	vld.idx.msk [tilespmem:v3+s4+$0x0], $0xffff  }
0x2ac: {  	v20 =	vadd.f32 v22, v20;
	v22 =	vld.idx.msk [tilespmem:v3+s16+$0x0], $0xffff;
	(erf) = vpow2.f32 v15  }
0x2ad: {  	v15 =	vmax.f32 v16, $0.0e+00;
	v16 =	vld.idx.msk [tilespmem:v8+s5+$0x0], $0xffff;
	(erf) = vpow2.f32 v17  }
0x2ae: {  	v15 =	vmul.f32 $1.442695020e+00, v15;
	v17 =	vmax.f32 v20, $0.0e+00;
	v20 =	vld.idx.msk [tilespmem:v8+s6+$0x0], $0xffff  }
0x2af: {  	v17 =	vmul.f32 $1.442695020e+00, v17;
	v19 =	vadd.f32 v19, v23;
	v23 =	vld.idx.msk [tilespmem:v2+s4+$0x0], $0xffff  }
0x2b0: {  	v18 =	vadd.f32 v18, v24;
	v24 =	vld.idx.msk [tilespmem:v2+s16+$0x0], $0xffff;
	(erf) = vpow2.f32 v15  }
0x2b1: {  	v15 =	vmax.f32 v19, $0.0e+00;
	v19 =	vld.idx.msk [tilespmem:v5+s5+$0x0], $0xffff;
	v25 =	vpop (erf);
	(erf) = vpow2.f32 v17  }
0x2b2: {  	v15 =	vmul.f32 $1.442695020e+00, v15;
	v17 =	vmax.f32 v18, $0.0e+00;
	v18 =	vld.idx.msk [tilespmem:v5+s6+$0x0], $0xffff;
	v26 =	vpop (erf)  }
0x2b3: {  	v17 =	vmul.f32 $1.442695020e+00, v17;
	v16 =	vadd.f32 v16, v21;
	v21 =	vld.idx.msk [tilespmem:v1+s4+$0x0], $0xffff  }
0x2b4: {  	v20 =	vadd.f32 v20, v22;
	v22 =	vld.idx.msk [tilespmem:v1+s16+$0x0], $0xffff;
	(erf) = vpow2.f32 v15  }
0x2b5: {  	v15 =	vmax.f32 v16, $0.0e+00;
	v16 =	vld.idx.msk [tilespmem:v6+s5+$0x0], $0xffff;
	v27 =	vpop (erf);
	(erf) = vpow2.f32 v17  }
0x2b6: {  	v15 =	vmul.f32 $1.442695020e+00, v15;
	v17 =	vmax.f32 v20, $0.0e+00;
	v20 =	vld.idx.msk [tilespmem:v6+s6+$0x0], $0xffff;
	v28 =	vpop (erf)  }
0x2b7: {  	v17 =	vmul.f32 $1.442695020e+00, v17;
	v30 =	vadd.f32 v19, v23;
	v29 =	vld.idx.msk [tilespmem:v14+s17+$0x0], $0xffff  }
0x2b8: {  	v18 =	vadd.f32 v18, v24;
	v14 =	vld.idx.msk [tilespmem:v14+s18+$0x0], $0xffff;
	(erf) = vpow2.f32 v15  }
0x2b9: {  	v24 =	vmax.f32 v30, $0.0e+00;
	v15 =	vld.idx.msk [tilespmem:v13+s7+$0x0], $0xffff;
	v23 =	vpop (erf);
	(erf) = vpow2.f32 v17  }
0x2ba: {  	v17 =	vmul.f32 $1.442695020e+00, v24;
	v18 =	vmax.f32 v18, $0.0e+00;
	v13 =	vld.idx.msk [tilespmem:v13+s8+$0x0], $0xffff;
	[tilespmem:s30+$0xFFFFFFC0] =	vst v25;
	v19 =	vpop (erf)  }
0x2bb: {  	v18 =	vmul.f32 $1.442695020e+00, v18;
	v16 =	vadd.f32 v16, v21;
	[tilespmem:s29+$0xFFFFFFC0] =	vst v26;
	v24 =	vld.idx.msk [tilespmem:v9+s17+$0x0], $0xffff  }
0x2bc: {  	v22 =	vadd.f32 v20, v22;
	v9 =	vld.idx.msk [tilespmem:v9+s18+$0x0], $0xffff;
	(erf) = vpow2.f32 v17  }
0x2bd: {  	v16 =	vmax.f32 v16, $0.0e+00;
	v17 =	vld.idx.msk [tilespmem:v12+s7+$0x0], $0xffff;
	v21 =	vpop (erf);
	(erf) = vpow2.f32 v18  }
0x2be: {  	v25 =	vmul.f32 $1.442695020e+00, v16;
	v18 =	vmax.f32 v22, $0.0e+00;
	v12 =	vld.idx.msk [tilespmem:v12+s8+$0x0], $0xffff;
	[tilespmem:s30+$0xFFFFFFD0] =	vst v27;
	v20 =	vpop (erf)  }
0x2bf: {  	v15 =	vadd.f32 v15, v29;
	v26 =	vmul.f32 $1.442695020e+00, v18;
	[tilespmem:s29+$0xFFFFFFD0] =	vst v28;
	v22 =	vld.idx.msk [tilespmem:v7+s17+$0x0], $0xffff  }
0x2c0: {  	v13 =	vadd.f32 v13, v14;
	v7 =	vld.idx.msk [tilespmem:v7+s18+$0x0], $0xffff;
	(erf) = vpow2.f32 v25  }
0x2c1: {  	v14 =	vmax.f32 v15, $0.0e+00;
	v15 =	vld.idx.msk [tilespmem:v11+s7+$0x0], $0xffff;
	v16 =	vpop (erf);
	(erf) = vpow2.f32 v26  }
0x2c2: {  	v13 =	vmax.f32 v13, $0.0e+00;
	v11 =	vld.idx.msk [tilespmem:v11+s8+$0x0], $0xffff;
	[tilespmem:s30+$0xFFFFFFE0] =	vst v23;
	v18 =	vpop (erf)  }
0x2c3: {  	v13 =	vadd.f32 v13, v14;
	v23 =	vadd.f32 v17, v24;
	[tilespmem:s29+$0xFFFFFFE0] =	vst v19;
	v17 =	vld.idx.msk [tilespmem:v4+s17+$0x0], $0xffff  }
0x2c4: {  	v9 =	vadd.f32 v12, v9;
	v12 =	vld.idx.msk [tilespmem:v4+s18+$0x0], $0xffff  }
0x2c5: {  	v4 =	vmax.f32 v23, $0.0e+00;
	[tilespmem:s28+$0xFFFFFFC0] =	vst v13;
	v13 =	vld.idx.msk [tilespmem:v10+s7+$0x0], $0xffff;
	v14 =	vpop (erf)  }
0x2c6: {  	v9 =	vmax.f32 v9, $0.0e+00;
	v10 =	vld.idx.msk [tilespmem:v10+s8+$0x0], $0xffff;
	[tilespmem:s30+$0xFFFFFFF0] =	vst v21;
	v19 =	vpop (erf)  }
0x2c7: {  	v23 =	vadd.f32 v9, v4;
	v9 =	vadd.f32 v15, v22;
	[tilespmem:s29+$0xFFFFFFF0] =	vst v20;
	v15 =	vld.idx.msk [tilespmem:v3+s17+$0x0], $0xffff  }
0x2c8: {  	v7 =	vadd.f32 v11, v7;
	v11 =	vld.idx.msk [tilespmem:v3+s18+$0x0], $0xffff  }
0x2c9: {  	v3 =	vmax.f32 v9, $0.0e+00;
	[tilespmem:s28+$0xFFFFFFD0] =	vst v23;
	v9 =	vld.idx.msk [tilespmem:v8+s7+$0x0], $0xffff;
	v20 =	vpop (erf)  }
0x2ca: {  	v7 =	vmax.f32 v7, $0.0e+00;
	v21 =	vld.idx.msk [tilespmem:v8+s8+$0x0], $0xffff;
	[tilespmem:s30+$0x0] =	vst v16;
	v4 =	vpop (erf)  }
0x2cb: {  	v8 =	vadd.f32 v7, v3;
	v13 =	vadd.f32 v13, v17;
	[tilespmem:s29+$0x0] =	vst v18;
	v7 =	vld.idx.msk [tilespmem:v2+s17+$0x0], $0xffff  }
0x2cc: {  	v10 =	vadd.f32 v10, v12;
	v3 =	vld.idx.msk [tilespmem:v2+s18+$0x0], $0xffff  }
0x2cd: {  	v2 =	vmax.f32 v13, $0.0e+00;
	[tilespmem:s28+$0xFFFFFFE0] =	vst v8;
	v8 =	vld.idx.msk [tilespmem:v5+s7+$0x0], $0xffff  }
.Ltmp5:
0x2ce: {  	v12 =	vmax.f32 v10, $0.0e+00;
	v10 =	vld.idx.msk [tilespmem:v5+s8+$0x0], $0xffff;
	[tilespmem:s30+$0x10] =	vst v14;
	(pc) =	sbr.rel @p2 .LBB2_8-.Ltmp5, $4  }
0x2cf: {  	v2 =	vadd.f32 v12, v2;
	v9 =	vadd.f32 v9, v15;
	[tilespmem:s29+$0x10] =	vst v19;
	v5 =	vld.idx.msk [tilespmem:v1+s17+$0x0], $0xffff  }
0x2d0: {  	v12 =	vadd.f32 v21, v11;
	v1 =	vld.idx.msk [tilespmem:v1+s18+$0x0], $0xffff  }
0x2d1: {  	v9 =	vmax.f32 v9, $0.0e+00;
	[tilespmem:s28+$0xFFFFFFF0] =	vst v2;
	v11 =	vld.idx.msk [tilespmem:v6+s7+$0x0], $0xffff  }
0x2d2: {  	s1 =	sadd.s32 $0x100, s1;
	v12 =	vmax.f32 v12, $0.0e+00;
	v2 =	vld.idx.msk [tilespmem:v6+s8+$0x0], $0xffff;
	[tilespmem:s30+$0x20] =	vst v20  }
0x2d3: {  	_ = 	snop  }
0x2d4: {  	v6 =	vadd.f32 v8, v7  }
0x2d5: {  	v3 =	vadd.f32 v10, v3  }
0x2d6: {  	v6 =	vmax.f32 v6, $0.0e+00  }
0x2d7: {  	v3 =	vmax.f32 v3, $0.0e+00;
	v5 =	vadd.f32 v11, v5;
	v1 =	vadd.f32 v2, v1  }
0x2d8: {  	v3 =	vadd.f32 v3, v6  }
0x2d9: {  	[tilespmem:s29+$0x20] =	vst v4;
	v2 =	vadd.f32 v12, v9;
	v63 =	vmax.f32 v5, $0.0e+00;
	v1 =	vmax.f32 v1, $0.0e+00  }
0x2da: {  	[tilespmem:s28+$0x10] =	vst v3;
	v1 =	vadd.f32 v1, v63  }
0x2db: {  	[tilespmem:s28+$0x0] =	vst v2  }
0x2dc: {  	[tilespmem:s28+$0x20] =	vst v1  }
0x2dd: {  	s1 =	rddreg [dreg:$0xf]  }
0x2de: {  	[hbm4b:s1+s4] =	stream.linear.scatter [tilespmem:s12], [sflag:$0x4], $0xA00, $0x38;
	[tilespmem:$0x1BB80] =	vst v63  }
0x2df: {  	s30 =	rddreg [dreg:$0x10]  }
0x2e0: {  	[hbm4b:s30+s4] =	stream.linear.scatter [tilespmem:s13], [sflag:$0x4], $0xA00, $0x38;
	[tilespmem:$0x1BB80] =	vst v63  }
0x2e1: {  	s0 =	simm.s32 $0x1A000;
	s31 =	rddreg [dreg:$0x11]  }
0x2e2: {  	[hbm4b:s31+s4] =	stream.linear.scatter [tilespmem:s0], [sflag:$0x4], $0xA00, $0x38;
	[tilespmem:$0x1BB80] =	vst v63  }
0x2e3: {  	_ = 	snop  }
0x2e4: {  	[spmem:s2] =	stream.indirect.scatter.add.f32 [tilespmem:s12], [sflag:$0x6], $0x1, s14, s15, $0xb8;
	[tilespmem:$0x1BB80] =	vst v63  }
0x2e5: {  	_ =	swait.ge [sflag:s9], $0xA00  }
0x2e6: {  	[sflag:s9] =	ssyncset.done $0x0  }
.Ltmp6:
0x2e7: {  	[sflag:s9] =	ssyncadd.s32 $0xFFFFF600;
	(pc) =	sbr.rel @p1 .LBB2_13-.Ltmp6, $4  }
0x2e8: {  	[spmem:s3] =	stream.indirect.scatter.add.f32 [tilespmem:s13], [sflag:$0x6], $0x1, s14, s15, $0xb8;
	[tilespmem:$0x1BB80] =	vst v63  }
0x2e9: {  	_ =	swait.ge [sflag:s9], $0xA00  }
0x2ea: {  	[sflag:s9] =	ssyncset.done $0x0  }
0x2eb: {  	s1 =	simm.s32 $0x4;
	[sflag:s9] =	ssyncadd.s32 $0xFFFFF600  }
0x2ec: {  	_ =	swait.ge [sflag:s19], $0x1400  }
0x2ed: {  	[sflag:s19] =	ssyncset.done $0x0  }
0x2ee: {  	[sflag:s19] =	ssyncadd.s32 $0xFFFFEC00  }
0x2ef: {  	_ =	swait.ge [sflag:s20], $0xA00  }
0x2f0: {  	[sflag:s20] =	ssyncset.done $0x0  }
0x2f1: {  	[sflag:s20] =	ssyncadd.s32 $0xFFFFF600  }
0x2f2: {  	_ =	swait.ge [sflag:s20], $0xA00  }
0x2f3: {  	[sflag:s20] =	ssyncset.done $0x0  }
0x2f4: {  	[sflag:s20] =	ssyncadd.s32 $0xFFFFF600  }
0x2f5: {  	_ =	swait.ge [sflag:s20], $0xA00  }
0x2f6: {  	[sflag:s20] =	ssyncset.done $0x0  }
0x2f7: {  	s1 =	simm.s32 $0x15080;
	[sflag:s20] =	ssyncadd.s32 $0xFFFFF600  }
0x2f8: {  	v2 =	vld [tilespmem:s1+$0xFFFFFFF0]  }
0x2f9: {  	v9 =	vld [tilespmem:s1+$0xFFFFFF90]  }
0x2fa: {  	v10 =	vld [tilespmem:s1+$0x70]  }
0x2fb: {  	v11 =	vld [tilespmem:s1+$0xFFFFFFA0]  }
0x2fc: {  	v7 =	vld [tilespmem:s1+$0xFFFFFFB0]  }
0x2fd: {  	v5 =	vld [tilespmem:s1+$0xFFFFFFC0]  }
0x2fe: {  	v3 =	vld [tilespmem:s1+$0xFFFFFFD0]  }
0x2ff: {  	v1 =	vld [tilespmem:s1+$0xFFFFFFE0]  }
0x300: {  	v16 =	vld [tilespmem:s1+$0xFFFFFF80]  }
0x301: {  	v17 =	vld [tilespmem:s1+$0x0]  }
0x302: {  	v18 =	vld [tilespmem:s1+$0x10]  }
0x303: {  	v19 =	vld [tilespmem:s1+$0x20]  }
0x304: {  	v8 =	vld [tilespmem:s1+$0x30]  }
0x305: {  	s26 =	simm.s32 $0x16E40;
	v6 =	vld [tilespmem:s1+$0x40]  }
0x306: {  	v4 =	vld [tilespmem:s1+$0x50];
	[tilespmem:s26+$0x30] =	vst v2  }
0x307: {  	v12 =	vld.idx.msk [tilespmem:v2+s4+$0x0], $0xffff  }
0x308: {  	v13 =	vld.idx.msk [tilespmem:v2+s16+$0x0], $0xffff  }
0x309: {  	v14 =	vld.idx.msk [tilespmem:v10+s5+$0x0], $0xffff  }
0x30a: {  	v15 =	vld.idx.msk [tilespmem:v10+s6+$0x0], $0xffff  }
0x30b: {  	v20 =	vld.idx.msk [tilespmem:v2+s17+$0x0], $0xffff  }
0x30c: {  	v21 =	vld.idx.msk [tilespmem:v2+s18+$0x0], $0xffff  }
0x30d: {  	v22 =	vld.idx.msk [tilespmem:v10+s7+$0x0], $0xffff  }
0x30e: {  	v10 =	vld.idx.msk [tilespmem:v10+s8+$0x0], $0xffff  }
0x30f: {  	[tilespmem:s26+$0xFFFFFFC0] =	vst v16;
	v2 =	vld [tilespmem:s1+$0x60]  }
0x310: {  	v23 =	vld.idx.msk [tilespmem:v16+s4+$0x0], $0xffff  }
0x311: {  	v24 =	vld.idx.msk [tilespmem:v16+s16+$0x0], $0xffff  }
0x312: {  	v25 =	vld.idx.msk [tilespmem:v17+s5+$0x0], $0xffff  }
0x313: {  	[tilespmem:s26+$0xFFFFFFD0] =	vst v9;
	v26 =	vld.idx.msk [tilespmem:v17+s6+$0x0], $0xffff  }
0x314: {  	v27 =	vld.idx.msk [tilespmem:v9+s4+$0x0], $0xffff  }
0x315: {  	v28 =	vld.idx.msk [tilespmem:v9+s16+$0x0], $0xffff  }
0x316: {  	v29 =	vld.idx.msk [tilespmem:v18+s5+$0x0], $0xffff  }
0x317: {  	[tilespmem:s26+$0xFFFFFFE0] =	vst v11;
	v30 =	vld.idx.msk [tilespmem:v18+s6+$0x0], $0xffff  }
0x318: {  	v31 =	vld.idx.msk [tilespmem:v11+s4+$0x0], $0xffff  }
0x319: {  	v32 =	vld.idx.msk [tilespmem:v11+s16+$0x0], $0xffff  }
0x31a: {  	v33 =	vld.idx.msk [tilespmem:v19+s5+$0x0], $0xffff  }
0x31b: {  	[tilespmem:s26+$0xFFFFFFF0] =	vst v7;
	v34 =	vld.idx.msk [tilespmem:v19+s6+$0x0], $0xffff  }
0x31c: {  	v35 =	vld.idx.msk [tilespmem:v7+s4+$0x0], $0xffff  }
0x31d: {  	v36 =	vld.idx.msk [tilespmem:v7+s16+$0x0], $0xffff  }
0x31e: {  	v37 =	vld.idx.msk [tilespmem:v8+s5+$0x0], $0xffff  }
0x31f: {  	[tilespmem:s26+$0x0] =	vst v5;
	v38 =	vld.idx.msk [tilespmem:v8+s6+$0x0], $0xffff;
	v12 =	vadd.f32 v14, v12  }
0x320: {  	v39 =	vld.idx.msk [tilespmem:v5+s4+$0x0], $0xffff;
	v13 =	vadd.f32 v15, v13  }
0x321: {  	[tilespmem:s26+$0x10] =	vst v3;
	v40 =	vld.idx.msk [tilespmem:v6+s6+$0x0], $0xffff;
	v12 =	vmax.f32 v12, $0.0e+00  }
0x322: {  	v41 =	vld.idx.msk [tilespmem:v3+s4+$0x0], $0xffff;
	v13 =	vmax.f32 v13, $0.0e+00;
	v12 =	vmul.f32 $1.442695020e+00, v12  }
0x323: {  	v57 =	vld.idx.msk [tilespmem:v3+s16+$0x0], $0xffff;
	v13 =	vmul.f32 $1.442695020e+00, v13  }
0x324: {  	v58 =	vld.idx.msk [tilespmem:v4+s5+$0x0], $0xffff;
	(erf) = vpow2.f32 v12;
	v12 =	vadd.f32 v25, v23  }
0x325: {  	v59 =	vld.idx.msk [tilespmem:v4+s6+$0x0], $0xffff;
	v20 =	vadd.f32 v22, v20;
	(erf) = vpow2.f32 v13;
	v13 =	vadd.f32 v26, v24  }
0x326: {  	v45 =	vld.idx.msk [tilespmem:v16+s17+$0x0], $0xffff;
	v10 =	vadd.f32 v10, v21;
	v61 =	vadd.f32 v29, v27;
	v12 =	vmax.f32 v12, $0.0e+00  }
0x327: {  	v16 =	vld.idx.msk [tilespmem:v16+s18+$0x0], $0xffff;
	v63 =	vadd.f32 v30, v28;
	v12 =	vmul.f32 $1.442695020e+00, v12;
	v13 =	vmax.f32 v13, $0.0e+00  }
0x328: {  	v48 =	vld.idx.msk [tilespmem:v17+s7+$0x0], $0xffff;
	v43 =	vadd.f32 v33, v31;
	v46 =	vadd.f32 v34, v32;
	v13 =	vmul.f32 $1.442695020e+00, v13  }
0x329: {  	v17 =	vld.idx.msk [tilespmem:v17+s8+$0x0], $0xffff;
	v47 =	vadd.f32 v37, v35;
	(erf) = vpow2.f32 v12;
	v12 =	vmax.f32 v61, $0.0e+00  }
0x32a: {  	v15 =	vld.idx.msk [tilespmem:v6+s5+$0x0], $0xffff;
	(erf) = vpow2.f32 v13;
	v12 =	vmul.f32 $1.442695020e+00, v12;
	v13 =	vmax.f32 v63, $0.0e+00  }
0x32b: {  	v14 =	vld.idx.msk [tilespmem:v5+s16+$0x0], $0xffff;
	v20 =	vmax.f32 v20, $0.0e+00;
	v25 =	vmax.f32 v43, $0.0e+00;
	v13 =	vmul.f32 $1.442695020e+00, v13  }
0x32c: {  	v49 =	vld.idx.msk [tilespmem:v9+s17+$0x0], $0xffff;
	v10 =	vmax.f32 v10, $0.0e+00;
	(erf) = vpow2.f32 v12;
	v12 =	vmul.f32 $1.442695020e+00, v25  }
0x32d: {  	v9 =	vld.idx.msk [tilespmem:v9+s18+$0x0], $0xffff;
	v29 =	vmax.f32 v46, $0.0e+00;
	(erf) = vpow2.f32 v13;
	v13 =	vadd.f32 v38, v36  }
0x32e: {  	v50 =	vld.idx.msk [tilespmem:v18+s7+$0x0], $0xffff;
	v29 =	vmul.f32 $1.442695020e+00, v29;
	(erf) = vpow2.f32 v12;
	v12 =	vmax.f32 v47, $0.0e+00  }
0x32f: {  	[tilespmem:s26+$0x20] =	vst v1;
	v18 =	vld.idx.msk [tilespmem:v18+s8+$0x0], $0xffff;
	v15 =	vadd.f32 v15, v39;
	v12 =	vmul.f32 $1.442695020e+00, v12;
	v13 =	vmax.f32 v13, $0.0e+00  }
0x330: {  	v60 =	vld.idx.msk [tilespmem:v1+s4+$0x0], $0xffff;
	v14 =	vadd.f32 v40, v14;
	(erf) = vpow2.f32 v29;
	v13 =	vmul.f32 $1.442695020e+00, v13  }
0x331: {  	v62 =	vld.idx.msk [tilespmem:v1+s16+$0x0], $0xffff;
	v10 =	vadd.f32 v10, v20;
	(erf) = vpow2.f32 v12;
	v12 =	vmax.f32 v15, $0.0e+00  }
0x332: {  	s30 =	simm.s32 $0x18240;
	v42 =	vld.idx.msk [tilespmem:v2+s5+$0x0], $0xffff;
	v51 =	vpop (erf);
	(erf) = vpow2.f32 v13;
	v12 =	vmul.f32 $1.442695020e+00, v12;
	v13 =	vmax.f32 v14, $0.0e+00  }
0x333: {  	s29 =	simm.s32 $0x19640;
	v52 =	vadd.f32 v59, v57;
	v44 =	vld.idx.msk [tilespmem:v2+s6+$0x0], $0xffff;
	[tilespmem:s30+$0x30] =	vst v51;
	v53 =	vpop (erf);
	v15 =	vadd.f32 v58, v41;
	v13 =	vmul.f32 $1.442695020e+00, v13  }
0x334: {  	s28 =	simm.s32 $0x1AA40;
	[tilespmem:s29+$0x30] =	vst v53;
	v14 =	vld.idx.msk [tilespmem:v11+s17+$0x0], $0xffff;
	(erf) = vpow2.f32 v12  }
0x335: {  	[tilespmem:s28+$0x30] =	vst v10;
	v11 =	vld.idx.msk [tilespmem:v11+s18+$0x0], $0xffff;
	v10 =	vpop (erf);
	v15 =	vmax.f32 v15, $0.0e+00;
	(erf) = vpow2.f32 v13;
	v13 =	vmax.f32 v52, $0.0e+00  }
0x336: {  	v12 =	vmul.f32 $1.442695020e+00, v15;
	v15 =	vld.idx.msk [tilespmem:v19+s7+$0x0], $0xffff  }
0x337: {  	v16 =	vadd.f32 v17, v16;
	v55 =	vpop (erf);
	v19 =	vld.idx.msk [tilespmem:v19+s8+$0x0], $0xffff  }
0x338: {  	v56 =	vld.idx.msk [tilespmem:v7+s18+$0x0], $0xffff;
	v59 =	vadd.f32 v50, v49;
	v20 =	vadd.f32 v48, v45;
	[tilespmem:s30+$0xFFFFFFC0] =	vst v10;
	v10 =	vmul.f32 $1.442695020e+00, v13;
	v13 =	vpop (erf)  }
0x339: {  	v54 =	vadd.f32 v42, v60;
	v57 =	vadd.f32 v44, v62;
	(erf) = vpow2.f32 v12;
	v12 =	vld.idx.msk [tilespmem:v7+s17+$0x0], $0xffff;
	v7 =	vpop (erf);
	[tilespmem:s30+$0xFFFFFFD0] =	vst v13  }
0x33a: {  	v9 =	vadd.f32 v18, v9;
	v16 =	vmax.f32 v16, $0.0e+00;
	[tilespmem:s29+$0xFFFFFFD0] =	vst v7;
	v7 =	vmax.f32 v20, $0.0e+00  }
0x33b: {  	v21 =	vmax.f32 v54, $0.0e+00;
	v22 =	vmax.f32 v57, $0.0e+00;
	[tilespmem:s29+$0xFFFFFFC0] =	vst v55;
	v13 =	vld.idx.msk [tilespmem:v8+s7+$0x0], $0xffff;
	v58 =	vpop (erf);
	v7 =	vadd.f32 v16, v7  }
0x33c: {  	(erf) = vpow2.f32 v10;
	v10 =	vmul.f32 $1.442695020e+00, v21;
	v8 =	vld.idx.msk [tilespmem:v8+s8+$0x0], $0xffff;
	v11 =	vadd.f32 v19, v11;
	[tilespmem:s30+$0xFFFFFFE0] =	vst v58  }
0x33d: {  	v61 =	vld.idx.msk [tilespmem:v5+s17+$0x0], $0xffff;
	v62 =	vmul.f32 $1.442695020e+00, v22;
	v60 =	vpop (erf);
	[tilespmem:s28+$0xFFFFFFC0] =	vst v7;
	v7 =	vmax.f32 v9, $0.0e+00;
	v9 =	vadd.f32 v15, v14  }
0x33e: {  	v63 =	vld.idx.msk [tilespmem:v5+s18+$0x0], $0xffff;
	(erf) = vpow2.f32 v10;
	[tilespmem:s29+$0xFFFFFFE0] =	vst v60;
	v5 =	vpop (erf)  }
0x33f: {  	v10 =	vmax.f32 v59, $0.0e+00;
	(erf) = vpow2.f32 v62;
	v14 =	vld.idx.msk [tilespmem:v6+s7+$0x0], $0xffff;
	v15 =	vpop (erf);
	[tilespmem:s30+$0xFFFFFFF0] =	vst v5;
	v9 =	vmax.f32 v9, $0.0e+00  }
0x340: {  	v6 =	vld.idx.msk [tilespmem:v6+s8+$0x0], $0xffff;
	v5 =	vadd.f32 v7, v10;
	[tilespmem:s29+$0xFFFFFFF0] =	vst v15;
	v10 =	vmax.f32 v11, $0.0e+00;
	v11 =	vpop (erf)  }
0x341: {  	v7 =	vld.idx.msk [tilespmem:v3+s17+$0x0], $0xffff;
	[tilespmem:s30+$0x0] =	vst v11;
	v11 =	vadd.f32 v13, v12;
	v12 =	vadd.f32 v8, v56  }
0x342: {  	v8 =	vld.idx.msk [tilespmem:v4+s7+$0x0], $0xffff;
	[tilespmem:s28+$0xFFFFFFD0] =	vst v5;
	v5 =	vadd.f32 v10, v9;
	v9 =	vpop (erf)  }
0x343: {  	v10 =	vld.idx.msk [tilespmem:v4+s8+$0x0], $0xffff;
	[tilespmem:s29+$0x0] =	vst v9;
	v4 =	vpop (erf);
	v9 =	vmax.f32 v11, $0.0e+00;
	v11 =	vmax.f32 v12, $0.0e+00  }
0x344: {  	v3 =	vld.idx.msk [tilespmem:v3+s18+$0x0], $0xffff;
	[tilespmem:s30+$0x10] =	vst v4;
	v4 =	vadd.f32 v11, v9  }
0x345: {  	[tilespmem:s28+$0xFFFFFFE0] =	vst v5;
	v5 =	vld.idx.msk [tilespmem:v1+s17+$0x0], $0xffff;
	v12 =	vpop (erf)  }
0x346: {  	v1 =	vld.idx.msk [tilespmem:v1+s18+$0x0], $0xffff;
	v6 =	vadd.f32 v6, v63;
	v9 =	vadd.f32 v14, v61;
	[tilespmem:s29+$0x10] =	vst v12  }
0x347: {  	v11 =	vld.idx.msk [tilespmem:v2+s7+$0x0], $0xffff;
	v13 =	vpop (erf);
	[tilespmem:s28+$0xFFFFFFF0] =	vst v4  }
0x348: {  	s31 =	simm.s32 $0x0;
	s1 =	simm.s32 $0x15180;
	v2 =	vld.idx.msk [tilespmem:v2+s8+$0x0], $0xffff;
	v12 =	vmax.f32 v6, $0.0e+00;
	v9 =	vmax.f32 v9, $0.0e+00;
	[tilespmem:s30+$0x20] =	vst v13;
	v4 =	vpop (erf)  }
.LBB2_11:
0x349: {  	v6 =	vld [tilespmem:s1+$0xFFFFFFF0];
	v12 =	vadd.f32 v12, v9;
	v7 =	vadd.f32 v8, v7;
	[tilespmem:s29+$0x20] =	vst v4  }
0x34a: {  	v3 =	vadd.f32 v10, v3;
	v9 =	vld [tilespmem:s1+$0xFFFFFF90]  }
0x34b: {  	v15 =	vld [tilespmem:s1+$0x70];
	[tilespmem:s28+$0x0] =	vst v12;
	v8 =	vmax.f32 v7, $0.0e+00  }
0x34c: {  	v3 =	vmax.f32 v3, $0.0e+00;
	v7 =	vld [tilespmem:s1+$0xFFFFFFA0]  }
0x34d: {  	s31 =	sadd.s32 $0x8, s31;
	v5 =	vadd.f32 v11, v5;
	v8 =	vadd.f32 v3, v8;
	v4 =	vld [tilespmem:s1+$0xFFFFFFB0]  }
0x34e: {  	v10 =	vadd.f32 v2, v1;
	p2 =	slt.u32 s31, $0x98;
	v3 =	vld [tilespmem:s1+$0xFFFFFFC0]  }
0x34f: {  	s26 =	sadd.s32 $0x80, s26;
	v5 =	vmax.f32 v5, $0.0e+00;
	v2 =	vld [tilespmem:s1+$0xFFFFFFD0];
	[tilespmem:s28+$0x10] =	vst v8  }
0x350: {  	v8 =	vmax.f32 v10, $0.0e+00;
	v1 =	vld [tilespmem:s1+$0xFFFFFFE0];
	[tilespmem:s26+$0x30] =	vst v6  }
0x351: {  	v5 =	vadd.f32 v8, v5;
	v16 =	vld.idx.msk [tilespmem:v6+s4+$0x0], $0xffff  }
0x352: {  	v17 =	vld.idx.msk [tilespmem:v6+s16+$0x0], $0xffff  }
0x353: {  	v8 =	vld.idx.msk [tilespmem:v15+s5+$0x0], $0xffff;
	[tilespmem:s28+$0x20] =	vst v5  }
0x354: {  	v5 =	vld.idx.msk [tilespmem:v15+s6+$0x0], $0xffff  }
0x355: {  	v14 =	vld [tilespmem:s1+$0xFFFFFF80]  }
0x356: {  	v13 =	vld [tilespmem:s1+$0x0]  }
0x357: {  	v12 =	vld [tilespmem:s1+$0x10];
	[tilespmem:s26+$0xFFFFFFD0] =	vst v9  }
0x358: {  	v11 =	vld [tilespmem:s1+$0x20];
	[tilespmem:s26+$0xFFFFFFE0] =	vst v7  }
0x359: {  	v16 =	vadd.f32 v8, v16;
	v10 =	vld [tilespmem:s1+$0x30];
	[tilespmem:s26+$0xFFFFFFF0] =	vst v4  }
0x35a: {  	v17 =	vadd.f32 v5, v17;
	[tilespmem:s26+$0xFFFFFFC0] =	vst v14;
	v8 =	vld [tilespmem:s1+$0x40]  }
0x35b: {  	v16 =	vmax.f32 v16, $0.0e+00;
	[tilespmem:s26+$0x0] =	vst v3;
	v5 =	vld [tilespmem:s1+$0x50]  }
0x35c: {  	v16 =	vmul.f32 $1.442695020e+00, v16;
	v17 =	vmax.f32 v17, $0.0e+00;
	[tilespmem:s26+$0x10] =	vst v2;
	v18 =	vld.idx.msk [tilespmem:v6+s17+$0x0], $0xffff  }
0x35d: {  	v19 =	vld.idx.msk [tilespmem:v6+s18+$0x0], $0xffff;
	v6 =	vmul.f32 $1.442695020e+00, v17  }
0x35e: {  	v17 =	vld.idx.msk [tilespmem:v15+s7+$0x0], $0xffff;
	(erf) = vpow2.f32 v16  }
0x35f: {  	v15 =	vld.idx.msk [tilespmem:v15+s8+$0x0], $0xffff;
	(erf) = vpow2.f32 v6  }
0x360: {  	v6 =	vld [tilespmem:s1+$0x60];
	[tilespmem:s26+$0x20] =	vst v1  }
0x361: {  	v16 =	vld.idx.msk [tilespmem:v14+s4+$0x0], $0xffff  }
0x362: {  	v20 =	vld.idx.msk [tilespmem:v14+s16+$0x0], $0xffff  }
0x363: {  	v21 =	vld.idx.msk [tilespmem:v13+s5+$0x0], $0xffff  }
0x364: {  	v22 =	vld.idx.msk [tilespmem:v13+s6+$0x0], $0xffff  }
0x365: {  	v27 =	vadd.f32 v17, v18;
	v15 =	vadd.f32 v15, v19;
	v23 =	vld.idx.msk [tilespmem:v9+s4+$0x0], $0xffff  }
0x366: {  	v18 =	vld.idx.msk [tilespmem:v9+s16+$0x0], $0xffff  }
0x367: {  	s30 =	sadd.s32 $0x80, s30;
	v26 =	vmax.f32 v27, $0.0e+00;
	v15 =	vmax.f32 v15, $0.0e+00;
	v19 =	vld.idx.msk [tilespmem:v12+s5+$0x0], $0xffff;
	v24 =	vpop (erf)  }
0x368: {  	s29 =	sadd.s32 $0x80, s29;
	v15 =	vadd.f32 v15, v26;
	v25 =	vld.idx.msk [tilespmem:v12+s6+$0x0], $0xffff;
	[tilespmem:s30+$0x30] =	vst v24;
	v17 =	vpop (erf)  }
0x369: {  	s28 =	sadd.s32 $0x80, s28;
	v16 =	vadd.f32 v21, v16;
	v21 =	vld.idx.msk [tilespmem:v7+s4+$0x0], $0xffff;
	[tilespmem:s29+$0x30] =	vst v17  }
0x36a: {  	v17 =	vadd.f32 v22, v20;
	v20 =	vld.idx.msk [tilespmem:v7+s16+$0x0], $0xffff;
	[tilespmem:s28+$0x30] =	vst v15  }
0x36b: {  	v15 =	vmax.f32 v16, $0.0e+00;
	v16 =	vld.idx.msk [tilespmem:v11+s5+$0x0], $0xffff  }
0x36c: {  	v15 =	vmul.f32 $1.442695020e+00, v15;
	v17 =	vmax.f32 v17, $0.0e+00;
	v22 =	vld.idx.msk [tilespmem:v11+s6+$0x0], $0xffff  }
0x36d: {  	v17 =	vmul.f32 $1.442695020e+00, v17;
	v19 =	vadd.f32 v19, v23;
	v23 =	vld.idx.msk [tilespmem:v4+s4+$0x0], $0xffff  }
0x36e: {  	v18 =	vadd.f32 v25, v18;
	v24 =	vld.idx.msk [tilespmem:v4+s16+$0x0], $0xffff;
	(erf) = vpow2.f32 v15  }
0x36f: {  	v15 =	vmax.f32 v19, $0.0e+00;
	v19 =	vld.idx.msk [tilespmem:v10+s5+$0x0], $0xffff;
	(erf) = vpow2.f32 v17  }
0x370: {  	v15 =	vmul.f32 $1.442695020e+00, v15;
	v17 =	vmax.f32 v18, $0.0e+00;
	v18 =	vld.idx.msk [tilespmem:v10+s6+$0x0], $0xffff  }
0x371: {  	v17 =	vmul.f32 $1.442695020e+00, v17;
	v16 =	vadd.f32 v16, v21;
	v21 =	vld.idx.msk [tilespmem:v3+s4+$0x0], $0xffff  }
0x372: {  	v20 =	vadd.f32 v22, v20;
	v22 =	vld.idx.msk [tilespmem:v3+s16+$0x0], $0xffff;
	(erf) = vpow2.f32 v15  }
0x373: {  	v15 =	vmax.f32 v16, $0.0e+00;
	v16 =	vld.idx.msk [tilespmem:v8+s5+$0x0], $0xffff;
	(erf) = vpow2.f32 v17  }
0x374: {  	v15 =	vmul.f32 $1.442695020e+00, v15;
	v17 =	vmax.f32 v20, $0.0e+00;
	v20 =	vld.idx.msk [tilespmem:v8+s6+$0x0], $0xffff  }
0x375: {  	v17 =	vmul.f32 $1.442695020e+00, v17;
	v19 =	vadd.f32 v19, v23;
	v23 =	vld.idx.msk [tilespmem:v2+s4+$0x0], $0xffff  }
0x376: {  	v18 =	vadd.f32 v18, v24;
	v24 =	vld.idx.msk [tilespmem:v2+s16+$0x0], $0xffff;
	(erf) = vpow2.f32 v15  }
0x377: {  	v15 =	vmax.f32 v19, $0.0e+00;
	v19 =	vld.idx.msk [tilespmem:v5+s5+$0x0], $0xffff;
	v25 =	vpop (erf);
	(erf) = vpow2.f32 v17  }
0x378: {  	v15 =	vmul.f32 $1.442695020e+00, v15;
	v17 =	vmax.f32 v18, $0.0e+00;
	v18 =	vld.idx.msk [tilespmem:v5+s6+$0x0], $0xffff;
	v26 =	vpop (erf)  }
0x379: {  	v17 =	vmul.f32 $1.442695020e+00, v17;
	v16 =	vadd.f32 v16, v21;
	v21 =	vld.idx.msk [tilespmem:v1+s4+$0x0], $0xffff  }
0x37a: {  	v20 =	vadd.f32 v20, v22;
	v22 =	vld.idx.msk [tilespmem:v1+s16+$0x0], $0xffff;
	(erf) = vpow2.f32 v15  }
0x37b: {  	v15 =	vmax.f32 v16, $0.0e+00;
	v16 =	vld.idx.msk [tilespmem:v6+s5+$0x0], $0xffff;
	v27 =	vpop (erf);
	(erf) = vpow2.f32 v17  }
0x37c: {  	v15 =	vmul.f32 $1.442695020e+00, v15;
	v17 =	vmax.f32 v20, $0.0e+00;
	v20 =	vld.idx.msk [tilespmem:v6+s6+$0x0], $0xffff;
	v28 =	vpop (erf)  }
0x37d: {  	v17 =	vmul.f32 $1.442695020e+00, v17;
	v30 =	vadd.f32 v19, v23;
	v29 =	vld.idx.msk [tilespmem:v14+s17+$0x0], $0xffff  }
0x37e: {  	v18 =	vadd.f32 v18, v24;
	v14 =	vld.idx.msk [tilespmem:v14+s18+$0x0], $0xffff;
	(erf) = vpow2.f32 v15  }
0x37f: {  	v24 =	vmax.f32 v30, $0.0e+00;
	v15 =	vld.idx.msk [tilespmem:v13+s7+$0x0], $0xffff;
	v23 =	vpop (erf);
	(erf) = vpow2.f32 v17  }
0x380: {  	v17 =	vmul.f32 $1.442695020e+00, v24;
	v18 =	vmax.f32 v18, $0.0e+00;
	v13 =	vld.idx.msk [tilespmem:v13+s8+$0x0], $0xffff;
	[tilespmem:s30+$0xFFFFFFC0] =	vst v25;
	v19 =	vpop (erf)  }
0x381: {  	v18 =	vmul.f32 $1.442695020e+00, v18;
	v16 =	vadd.f32 v16, v21;
	[tilespmem:s29+$0xFFFFFFC0] =	vst v26;
	v24 =	vld.idx.msk [tilespmem:v9+s17+$0x0], $0xffff  }
0x382: {  	v22 =	vadd.f32 v20, v22;
	v9 =	vld.idx.msk [tilespmem:v9+s18+$0x0], $0xffff;
	(erf) = vpow2.f32 v17  }
0x383: {  	v16 =	vmax.f32 v16, $0.0e+00;
	v17 =	vld.idx.msk [tilespmem:v12+s7+$0x0], $0xffff;
	v21 =	vpop (erf);
	(erf) = vpow2.f32 v18  }
0x384: {  	v25 =	vmul.f32 $1.442695020e+00, v16;
	v18 =	vmax.f32 v22, $0.0e+00;
	v12 =	vld.idx.msk [tilespmem:v12+s8+$0x0], $0xffff;
	[tilespmem:s30+$0xFFFFFFD0] =	vst v27;
	v20 =	vpop (erf)  }
0x385: {  	v15 =	vadd.f32 v15, v29;
	v26 =	vmul.f32 $1.442695020e+00, v18;
	[tilespmem:s29+$0xFFFFFFD0] =	vst v28;
	v22 =	vld.idx.msk [tilespmem:v7+s17+$0x0], $0xffff  }
0x386: {  	v13 =	vadd.f32 v13, v14;
	v7 =	vld.idx.msk [tilespmem:v7+s18+$0x0], $0xffff;
	(erf) = vpow2.f32 v25  }
0x387: {  	v14 =	vmax.f32 v15, $0.0e+00;
	v15 =	vld.idx.msk [tilespmem:v11+s7+$0x0], $0xffff;
	v16 =	vpop (erf);
	(erf) = vpow2.f32 v26  }
0x388: {  	v13 =	vmax.f32 v13, $0.0e+00;
	v11 =	vld.idx.msk [tilespmem:v11+s8+$0x0], $0xffff;
	[tilespmem:s30+$0xFFFFFFE0] =	vst v23;
	v18 =	vpop (erf)  }
0x389: {  	v13 =	vadd.f32 v13, v14;
	v23 =	vadd.f32 v17, v24;
	[tilespmem:s29+$0xFFFFFFE0] =	vst v19;
	v17 =	vld.idx.msk [tilespmem:v4+s17+$0x0], $0xffff  }
0x38a: {  	v9 =	vadd.f32 v12, v9;
	v12 =	vld.idx.msk [tilespmem:v4+s18+$0x0], $0xffff  }
0x38b: {  	v4 =	vmax.f32 v23, $0.0e+00;
	[tilespmem:s28+$0xFFFFFFC0] =	vst v13;
	v13 =	vld.idx.msk [tilespmem:v10+s7+$0x0], $0xffff;
	v14 =	vpop (erf)  }
0x38c: {  	v9 =	vmax.f32 v9, $0.0e+00;
	v10 =	vld.idx.msk [tilespmem:v10+s8+$0x0], $0xffff;
	[tilespmem:s30+$0xFFFFFFF0] =	vst v21;
	v19 =	vpop (erf)  }
0x38d: {  	v23 =	vadd.f32 v9, v4;
	v9 =	vadd.f32 v15, v22;
	[tilespmem:s29+$0xFFFFFFF0] =	vst v20;
	v15 =	vld.idx.msk [tilespmem:v3+s17+$0x0], $0xffff  }
0x38e: {  	v7 =	vadd.f32 v11, v7;
	v11 =	vld.idx.msk [tilespmem:v3+s18+$0x0], $0xffff  }
0x38f: {  	v3 =	vmax.f32 v9, $0.0e+00;
	[tilespmem:s28+$0xFFFFFFD0] =	vst v23;
	v9 =	vld.idx.msk [tilespmem:v8+s7+$0x0], $0xffff;
	v20 =	vpop (erf)  }
0x390: {  	v7 =	vmax.f32 v7, $0.0e+00;
	v21 =	vld.idx.msk [tilespmem:v8+s8+$0x0], $0xffff;
	[tilespmem:s30+$0x0] =	vst v16;
	v4 =	vpop (erf)  }
0x391: {  	v8 =	vadd.f32 v7, v3;
	v13 =	vadd.f32 v13, v17;
	[tilespmem:s29+$0x0] =	vst v18;
	v7 =	vld.idx.msk [tilespmem:v2+s17+$0x0], $0xffff  }
0x392: {  	v10 =	vadd.f32 v10, v12;
	v3 =	vld.idx.msk [tilespmem:v2+s18+$0x0], $0xffff  }
0x393: {  	v2 =	vmax.f32 v13, $0.0e+00;
	[tilespmem:s28+$0xFFFFFFE0] =	vst v8;
	v8 =	vld.idx.msk [tilespmem:v5+s7+$0x0], $0xffff  }
.Ltmp7:
0x394: {  	v12 =	vmax.f32 v10, $0.0e+00;
	v10 =	vld.idx.msk [tilespmem:v5+s8+$0x0], $0xffff;
	[tilespmem:s30+$0x10] =	vst v14;
	(pc) =	sbr.rel @p2 .LBB2_11-.Ltmp7, $4  }
0x395: {  	v2 =	vadd.f32 v12, v2;
	v9 =	vadd.f32 v9, v15;
	[tilespmem:s29+$0x10] =	vst v19;
	v5 =	vld.idx.msk [tilespmem:v1+s17+$0x0], $0xffff  }
0x396: {  	v12 =	vadd.f32 v21, v11;
	v1 =	vld.idx.msk [tilespmem:v1+s18+$0x0], $0xffff  }
0x397: {  	v9 =	vmax.f32 v9, $0.0e+00;
	[tilespmem:s28+$0xFFFFFFF0] =	vst v2;
	v11 =	vld.idx.msk [tilespmem:v6+s7+$0x0], $0xffff  }
0x398: {  	s1 =	sadd.s32 $0x100, s1;
	v12 =	vmax.f32 v12, $0.0e+00;
	v2 =	vld.idx.msk [tilespmem:v6+s8+$0x0], $0xffff;
	[tilespmem:s30+$0x20] =	vst v20  }
.Ltmp8:
0x399: {  	_ = 	snop;
	(pc) =	sbr.rel .LBB2_12-.Ltmp8, $1  }
0x39a: {  	_ =	sdelay $0x3  }
.LBB2_14:
0x39b: {  	_ =	sfence.sel $0x180000  }
0x39c: {  	[bflag:$0x0] =	sbarrier.arrive $0xFFFF  }
0x39d: {  	_ =	strace $0x90000047  }
0x39e: {  	[bflag:$0x2] =	sbarrier.arrive $0xFFFF  }
0x39f: {  	s0 =	rddreg [dreg:$0x6]  }
0x3a0: {  	s0 =	sadd.s32 @!p0 $0x100000, s0  }
0x3a1: {  	[sflag:s0] =	ssyncadd.tile.s32 @!p0 $0x1;
	_ =	shalt  }
.Lfunc_end2:
_tile_overlayer_lowered:
.L_overlay_start_2:
0x3a2: {  	(tag) =	ssettag $0x2  }
0x3a3: {  	s0 =	rddreg [dreg:$0x0];
	s2 =	stileid.u32  }
0x3a4: {  	s1 =	rddreg [dreg:$0x1];
	p0 =	sne.s32 s2, $0x0  }
0x3a5: {  	s3 =	rddreg [dreg:$0x2];
	[bflag:$0x3] =	sbarrier.arrive $0xFFFF;
	s2 =	simm.s32 @!p0 $0x1C06  }
0x3a6: {  	[timem:s3], [sflag:s2] =	dma.local @!p0 [hbm:s0], s1  }
0x3a7: {  	s0 =	simm.s32 @!p0 $0x6  }
0x3a8: {  	_ =	swait.ge @!p0 [sflag:s0], s1  }
0x3a9: {  	s1 =	ssub.s32 @!p0 $0x0, s1;
	[sflag:s0] =	ssyncset.done @!p0 $0x0  }
0x3aa: {  	[sflag:s0] =	ssyncadd.s32 @!p0 s1  }
0x3ab: {  	[bflag:$0x3] =	sbarrier.arrive $0xFFFF  }
0x3ac: {  	_ =	shalt  }

// kernel: kernel.8.cloned.1.call-start
scs
__scs_entry_jumppad:
0x0: {  	(pc) =	sbr.rel $0x88, $3  }
0x1: {  	(tag) =	ssettag $0x0;
	lr =	simm.s32 $0x1  }
0x2: {  	[smem:$0x3F9A] =	sst lr;
	_ =	strace $0xD0000000  }
0x3: {  	_ = 	snop  }
0x4: {  	_ = 	snop  }
0x5: {  	_ = 	snop  }
0x6: {  	_ = 	snop  }
0x7: {  	_ = 	snop  }
__scs_overlays_trampoline_lowered:
0x8: {  	[smem:$0x3FA9] =	sst s0  }
0x9: {  	[smem:$0x3FAA] =	sst s1  }
0xa: {  	[smem:$0x3FAB] =	sst s2  }
0xb: {  	[smem:$0x3FAC] =	sst s3  }
0xc: {  	[smem:$0x3FAD] =	sst s4  }
0xd: {  	[smem:$0x3FAE] =	sst s5  }
0xe: {  	[smem:$0x3FAF] =	sst s6  }
0xf: {  	[smem:$0x3FB0] =	sst s7  }
0x10: {  	[smem:$0x3FB1] =	sst s8  }
0x11: {  	[smem:$0x3FB2] =	sst s9;
	s0 =	simm.s32 @!p0 $0x0  }
0x12: {  	s1 =	sld [smem:$0x3F98];
	s0 =	simm.s32 @p0 $0x1  }
0x13: {  	[smem:$0x3FB3] =	sst s0;
	s0 =	simm.s32 @!p1 $0x0  }
0x14: {  	s2 =	sld [smem:$0x3F97];
	s0 =	simm.s32 @p1 $0x1  }
0x15: {  	[smem:$0x3FB4] =	sst s0;
	s0 =	simm.s32 @!p2 $0x0  }
0x16: {  	s3 =	sld [smem:$0x3FDB];
	s0 =	simm.s32 @p2 $0x1  }
0x17: {  	s4 =	simm.s32 $0x1BF5;
	[smem:$0x3FB6] =	sst s0  }
0x18: {  	s0 =	sld [smem:$0x3F99];
	_ =	swait.ge [sflag:s4], $0x0  }
0x19: {  	s7 =	sld [smem:$0x3F9A]  }
0x1a: {  	s8 =	sadd.s32 $0xFFFFE003, lr  }
0x1b: {  	s9 =	sadd.s32 $0xFFFFFEF7, lr;
	s5 =	simm.s32 $0xFFFFFFFF;
	p2 =	slt.u32 s8, $0xFFFFF086  }
0x1c: {  	p1 =	slt.u32 s9, $0xF7A;
	s5 =	simm.s32 @!p2 $0x0  }
0x1d: {  	s5 =	simm.s32 @p1 $0x1;
	p0 =	seq.s32 s7, s2  }
0x1e: {  	s7 =	smul.u32 @!p0 $0xF7A, s2;
	p2 =	seq.s32 @!p0 s5, $0x0  }
0x1f: {  	s9 =	smul.u32 $0xF7A, s1;
	s8 =	simm.s32 @!p0 $0x1BF5;
	p2 =	por !p2, p0  }
0x20: {  	[sflag:s8] =	ssyncset.s32 @!p0 $0xFFFFF086;
	s6 =	sadd.s32 @!p0 s3, s7;
	s7 =	simm.s32 @!p0 $0x108  }
0x21: {  	s3 =	sadd.s32 s3, s9;
	s6 =	sadd.s32 @!p0 $0x88, s6;
	s7 =	simm.s32 @p2 $0x1082  }
0x22: {  	[simem:s7], [sflag:s8] =	dma.local @!p0 [hbm:s6], $0xF7A  }
0x23: {  	s9 =	sor.u32 $0xD0000000, s2;
	s6 =	simm.s32 $0x108;
	_ =	swait.ge @!p0 [sflag:s8], $0x0  }
0x24: {  	s3 =	sadd.s32 $0x88, s3;
	s6 =	simm.s32 @!p1 $0x1082;
	[sflag:s4] =	ssyncset.s32 $0xFFFFF086  }
0x25: {  	[simem:s6], [sflag:s4] =	dma.local [hbm:s3], $0xF7A  }
0x26: {  	[smem:$0x3F9A] =	sst s1;
	(tag) =	ssettag s2;
	_ =	strace s9  }
0x27: {  	s1 =	sld [smem:$0x3FAA]  }
0x28: {  	s2 =	sld [smem:$0x3FAB]  }
0x29: {  	s4 =	sld [smem:$0x3FAD]  }
0x2a: {  	p0 =	seq.s32 s5, $0x0;
	s5 =	sld [smem:$0x3FAE]  }
0x2b: {  	s6 =	sld [smem:$0x3FAF]  }
0x2c: {  	s7 =	sld [smem:$0x3FB0]  }
0x2d: {  	s3 =	simm.s32 $0x108;
	s8 =	sld [smem:$0x3FB1]  }
0x2e: {  	s3 =	simm.s32 @!p0 $0x1082;
	s9 =	sld [smem:$0x3FB2]  }
0x2f: {  	lr =	sadd.s32 s0, s3;
	s0 =	sld [smem:$0x3FA9]  }
0x30: {  	s3 =	sld [smem:$0x3FAC]  }
0x31: {  	[smem:$0x3FB5] =	sst s10  }
0x32: {  	s10 =	sld [smem:$0x3FB3];
	_ =	sdelay $0x3  }
0x33: {  	p0 =	seq.s32 s10, $0x1;
	s10 =	sld [smem:$0x3FB5];
	_ =	sdelay $0x3  }
0x34: {  	[smem:$0x3FB5] =	sst s10  }
0x35: {  	s10 =	sld [smem:$0x3FB4];
	_ =	sdelay $0x3  }
0x36: {  	p1 =	seq.s32 s10, $0x1;
	s10 =	sld [smem:$0x3FB5];
	_ =	sdelay $0x3  }
0x37: {  	[smem:$0x3FB5] =	sst s10  }
0x38: {  	s10 =	sld [smem:$0x3FB6]  }
0x39: {  	_ = 	snop;
	(pc) =	sbr.ind lr, $3  }
0x3a: {  	_ = 	snop  }
0x3b: {  	_ = 	snop  }
0x3c: {  	p2 =	seq.s32 s10, $0x1;
	s10 =	sld [smem:$0x3FB5]  }
0x3d: {  	_ =	shalt  }
0x3e: {  	_ =	shalt  }
0x3f: {  	_ =	shalt  }
0x40: {  	_ =	shalt  }
0x41: {  	_ =	shalt  }
0x42: {  	_ =	shalt  }
0x43: {  	_ =	shalt  }
0x44: {  	_ =	shalt  }
0x45: {  	_ =	shalt  }
0x46: {  	_ =	shalt  }
0x47: {  	_ =	shalt  }
0x48: {  	_ =	shalt  }
0x49: {  	_ =	shalt  }
0x4a: {  	_ =	shalt  }
0x4b: {  	_ =	shalt  }
0x4c: {  	_ =	shalt  }
0x4d: {  	_ =	shalt  }
0x4e: {  	_ =	shalt  }
0x4f: {  	_ =	shalt  }
0x50: {  	_ =	shalt  }
0x51: {  	_ =	shalt  }
0x52: {  	_ =	shalt  }
0x53: {  	_ =	shalt  }
0x54: {  	_ =	shalt  }
0x55: {  	_ =	shalt  }
0x56: {  	_ =	shalt  }
0x57: {  	_ =	shalt  }
0x58: {  	_ =	shalt  }
0x59: {  	_ =	shalt  }
0x5a: {  	_ =	shalt  }
0x5b: {  	_ =	shalt  }
0x5c: {  	_ =	shalt  }
0x5d: {  	_ =	shalt  }
0x5e: {  	_ =	shalt  }
0x5f: {  	_ =	shalt  }
0x60: {  	_ =	shalt  }
0x61: {  	_ =	shalt  }
0x62: {  	_ =	shalt  }
0x63: {  	_ =	shalt  }
0x64: {  	_ =	shalt  }
0x65: {  	_ =	shalt  }
0x66: {  	_ =	shalt  }
0x67: {  	_ =	shalt  }
0x68: {  	_ =	shalt  }
0x69: {  	_ =	shalt  }
0x6a: {  	_ =	shalt  }
0x6b: {  	_ =	shalt  }
0x6c: {  	_ =	shalt  }
0x6d: {  	_ =	shalt  }
0x6e: {  	_ =	shalt  }
0x6f: {  	_ =	shalt  }
0x70: {  	_ =	shalt  }
0x71: {  	_ =	shalt  }
0x72: {  	_ =	shalt  }
0x73: {  	_ =	shalt  }
0x74: {  	_ =	shalt  }
0x75: {  	_ =	shalt  }
0x76: {  	_ =	shalt  }
0x77: {  	_ =	shalt  }
0x78: {  	_ =	shalt  }
0x79: {  	_ =	shalt  }
0x7a: {  	_ =	shalt  }
0x7b: {  	_ =	shalt  }
0x7c: {  	_ =	shalt  }
0x7d: {  	_ =	shalt  }
0x7e: {  	_ =	shalt  }
0x7f: {  	_ =	shalt  }
0x80: {  	_ =	shalt  }
0x81: {  	_ =	shalt  }
0x82: {  	_ =	shalt  }
0x83: {  	_ =	shalt  }
0x84: {  	_ =	shalt  }
0x85: {  	_ =	shalt  }
0x86: {  	_ =	shalt  }
0x87: {  	_ =	shalt  }
.Lfunc_end0:
.L_simem_size_0:
called_computation.1_lowered:
.L_overlay_start_0:
0x88: {  	s2 =	sld [smem:$0x3FD9]  }
0x89: {  	s3 =	sld [smem:$0x3FFE];
	_ =	sdelay $0x1  }
0x8a: {  	s1 =	srdreg.scid  }
0x8b: {  	s0 =	sand.u32 $0x1, s1  }
0x8c: {  	s14 =	sshll.u32 s0, $0xA;
	s2 =	sadd.s32 s3, s2  }
0x8d: {  	s2 =	sadd.s32 s2, s14  }
0x8e: {  	[smem:$0x3FC1] =	sst s2  }
0x8f: {  	_ = 	snop  }
0x90: {  	s2 =	sld [smem:$0x3FD0];
	_ =	sdelay $0x2  }
0x91: {  	s4 =	simm.s32 $0xA;
	s5 =	simm.s32 $0x10;
	s15 =	sld [smem:$0x3FC8]  }
0x92: {  	[smem:s5], [sflag:s4] =	dma.local [hbm:s2], $0x1  }
0x93: {  	_ =	swait.eq [sflag:s4], $0x1  }
0x94: {  	[sflag:s4] =	ssyncset.done $0x0  }
0x95: {  	[sflag:s4] =	ssyncadd.s32 $0xFFFFFFFF  }
0x96: {  	s16 =	sld [smem:$0x10];
	(tm) =	ssettm $0x1  }
0x97: {  	s17 =	sld [smem:$0x3FFB];
	_ =	sdelay $0x3  }
0x98: {  	_ =	strace s17  }
0x99: {  	s4 =	sld [smem:$0x3FFC];
	_ =	sdelay $0x3  }
0x9a: {  	_ =	strace s4  }
0x9b: {  	s4 =	sld [smem:$0x3FFD];
	_ =	sdelay $0x3  }
0x9c: {  	_ =	strace s4  }
0x9d: {  	_ =	strace $0x8FFFFFFF  }
0x9e: {  	s18 =	sld [smem:$0x3FDB];
	_ =	sdelay $0x1  }
0x9f: {  	s19 =	simm.s32 $_scs_section_size  }
0xa0: {  	s6 =	simm.s32 $_size__tile_overlayer_lowered;
	s7 =	simm.s32 $_tile_overlayer_lowered  }
0xa1: {  	s22 =	simm.s32 $0x1BFF;
	s21 =	sshll.u32 s7, $0x1;
	s4 =	sadd.s32 s19, s18  }
0xa2: {  	s8 =	simm.s32 $0x0;
	s20 =	sshll.u32 s6, $0x1;
	s6 =	sadd.s32 s21, s4  }
0xa3: {  	[timem:s8], [sflag:s22] =	dma.local [hbm:s6], s20  }
0xa4: {  	_ =	swait.ge [sflag:s22], s20  }
0xa5: {  	s5 =	ssub.s32 $0x0, s20;
	[sflag:s22] =	ssyncset.done $0x0  }
0xa6: {  	[sflag:s22] =	ssyncadd.s32 s5;
	_ =	sdelay $0x1  }
0xa7: {  	s23 =	simm.s32 $0x1B8B  }
0xa8: {  	_ =	swait.ge [sflag:s23], $0x1  }
0xa9: {  	[sflag:s23] =	ssyncset.done $0x0  }
0xaa: {  	s25 =	simm.s32 $0x1B8E;
	s24 =	sld [smem:$0x3FFE];
	[sflag:s23] =	ssyncadd.s32 $0xFFFFFFFF  }
0xab: {  	s26 =	simm.s32 $execute0_lowered;
	[smem:$0x3FD2] =	sst s25  }
0xac: {  	s6 =	sshll.u32 s26, $0x1;
	_ =	strace $0x80000049;
	[dreg:$0x1] =	wrdreg $0xFFFFFFFF  }
0xad: {  	s28 =	simm.s32 $_size_execute0_lowered;
	s4 =	sadd.s32 s4, s6;
	[dreg:$0x0] =	wrdreg $0x0  }
0xae: {  	s6 =	sshll.u32 s28, $0x1;
	[dreg:$0x2] =	wrdreg s4  }
0xaf: {  	[dreg:$0x3] =	wrdreg s6  }
0xb0: {  	[dreg:$0x4] =	wrdreg $0xC0  }
0xb1: {  	_ =	task [dreg:s8], $0x5FFFF  }
0xb2: {  	[dreg:$0x1] =	wrdreg $0xFFFFFFFF  }
0xb3: {  	[dreg:$0x0] =	wrdreg $0x60  }
0xb4: {  	[dreg:$0x2] =	wrdreg s24  }
0xb5: {  	[dreg:$0x3] =	wrdreg s15  }
0xb6: {  	[dreg:$0x4] =	wrdreg s16  }
0xb7: {  	[dreg:$0x5] =	wrdreg $0x9  }
0xb8: {  	_ =	task.clear_ibuf [dreg:s8], $0x6FFFF;
	_ =	strace $0x90000049  }
0xb9: {  	s29 =	simm.s32 $0x9;
	_ =	strace $0x8000004B  }
0xba: {  	_ =	swait.ge [sflag:s29], $0x1  }
0xbb: {  	[sflag:s29] =	ssyncadd.s32 $0xFFFFFFFF  }
0xbc: {  	_ =	strace $0x9000004B  }
0xbd: {  	_ =	sfence  }
0xbe: {  	s30 =	sld [smem:$0x0];
	_ =	sdelay $0x2  }
0xbf: {  	s31 =	sshll.u32 s1, $0xD;
	s1 =	sshrl.u32 s1, $0x2  }
0xc0: {  	s3 =	sand.u32 $0x4000, s31;
	s1 =	sadd.s32 s1, s30  }
0xc1: {  	s0 =	sor.u32 s3, s0;
	s1 =	sshll.u32 s1, $0x11  }
0xc2: {  	s0 =	sor.u32 s1, s0  }
0xc3: {  	s0 =	sadd.s32 $0x8F2B, s0  }
0xc4: {  	[sflag:s0] =	ssyncadd.remote.s32 $0x1  }
0xc5: {  	_ =	sfence.sel $0xFFFF  }
0xc6: {  	[dreg:$0x0] =	wrdreg $0xFFFFFFFF;
	(pc) =	sbr.abs _section_cstart, $3  }
0xc7: {  	[dreg:$0x1] =	wrdreg $0xFFFFFFFF  }
0xc8: {  	_ =	task.clear_ibuf [dreg:s8], $0x2FFFF;
	_ =	strace $0x9FFFFFFF  }
0xc9: {  	(tm) =	ssettm $0x7FFFFFFF  }
tec
execute0_lowered:
.L_overlay_start_1:
0x0: {  	(tag) =	ssettag $0x1  }
0x1: {  	s0 =	rddreg [dreg:$0x0]  }
0x2: {  	s2 =	rddreg [dreg:$0x1]  }
0x3: {  	s3 =	rddreg [dreg:$0x2]  }
0x4: {  	s1 =	simm.s32 $0x0;
	s18 =	srdreg.scid;
	s5 =	stileid.u32  }
0x5: {  	[smem:$0x7FF] =	sst s1;
	s4 =	sadd.s32 $0x18800, s0;
	s5 =	sshll.u32 s5, $0x1  }
0x6: {  	_ =	strace $0x8000004A;
	[dreg:$0x4] =	wrdreg s4;
	s4 =	sand.u32 $0x1, s18  }
0x7: {  	s5 =	sor.u32 s4, s5  }
0x8: {  	s6 =	sadd.s32 $0x19200, s0;
	s8 =	smul.u32 $0x280, s5  }
0x9: {  	s19 =	sadd.s32 $0x4C00, s0;
	s7 =	sadd.s32 $0xEA00, s0;
	s10 =	smul.u32 $0x140, s5  }
0xa: {  	s0 =	sadd.s32 $0x19C00, s0;
	s11 =	sor.u32 $0x20, s5;
	s15 =	smul.u32 $0xA00, s5  }
0xb: {  	[dreg:$0x5] =	wrdreg s6;
	s6 =	simm.s32 $0x5;
	s20 =	smul.u32 $0x280, s11  }
0xc: {  	s4 =	ssub.s32 $0x2, s4;
	s12 =	sor.u32 $0x40, s5;
	s23 =	smul.u32 $0x140, s11  }
0xd: {  	s9 =	sshrl.u32 s4, $0x1;
	s16 =	sor.u32 $0x60, s5;
	s26 =	smul.u32 $0x280, s12  }
0xe: {  	p0 =	sgt.u32 s5, $0x1C;
	s5 =	simm.s32 $0x4;
	s18 =	smul.u32 $0x140, s12  }
0xf: {  	s4 =	ssub.s32 s4, s9;
	s28 =	smul.u32 $0x280, s16;
	s8 =	sadd.s32 s2, s8  }
0x10: {  	s30 =	smul.u32 $0x140, s16;
	s21 =	sadd.s32 s19, s10;
	[dreg:$0x6] =	wrdreg s8  }
0x11: {  	s22 =	sadd.s32 s7, s10;
	s24 =	sadd.s32 s0, s10;
	[dreg:$0x7] =	wrdreg s21  }
0x12: {  	s13 =	sadd.s32 s3, s10;
	s29 =	sshrl.u32 s15, $0x3;
	[dreg:$0x8] =	wrdreg s22  }
0x13: {  	[dreg:$0x9] =	wrdreg s24;
	s8 =	sadd.s32 s2, s20;
	s25 =	sadd.s32 s19, s23  }
0x14: {  	s11 =	sadd.s32 s7, s23;
	s12 =	sadd.s32 s0, s23;
	s14 =	sadd.s32 s2, s26  }
0x15: {  	s3 =	sadd.s32 s3, s29;
	s15 =	sadd.s32 s19, s18;
	s16 =	sadd.s32 s2, s28  }
0x16: {  	s17 =	sadd.s32 s7, s18;
	s18 =	sadd.s32 s0, s18;
	s19 =	sadd.s32 s19, s30  }
0x17: {  	s20 =	sadd.s32 s7, s30;
	s21 =	sadd.s32 s0, s30;
	s0 =	simm.s32 $0x1  }
.Ltmp0:
0x18: {  	s2 =	simm.s32 $0x2;
	s26 =	simm.s32 $0x3;
	(pc) =	sbr.rel .LBB2_1-.Ltmp0, $4  }
0x19: {  	s24 =	simm.s32 $0xA000;
	s7 =	simm.s32 $0x6;
	[dreg:$0xa] =	wrdreg s8  }
0x1a: {  	[dreg:$0xb] =	wrdreg s25;
	s22 =	sadd.s32 $0x2800, s3;
	s23 =	sadd.s32 $0x5000, s3  }
0x1b: {  	s31 =	sadd.s32 $0x7800, s3;
	s25 =	smax.u32 s4, $0x1;
	s3 =	simm.s32 $0xC800  }
0x1c: {  	s4 =	simm.s32 $0x15400;
	s8 =	simm.s32 $0x0;
	[dreg:$0xc] =	wrdreg s31  }
.LBB2_14:
0x1d: {  	vm1 =	veq.s32 v15, $0x0;
	v1 =	vmul.f32 v5, v1;
	vm2 =	veq.s32 v14, $0x0  }
0x1e: {  	v4 =	vadd.f32 v12, v4;
	v60 =	vsel vm0, $0x0, v13;
	v2 =	vmul.f32 v6, v2  }
0x1f: {  	v61 =	vand.u32 $0x1, v7;
	v62 =	vand.u32 $0x2, v7;
	v0 =	vmul.f32 v9, v0  }
0x20: {  	v3 =	vmul.f32 v10, v3;
	vm14 =	veq.s32 v61, $0x0;
	vm15 =	veq.s32 v62, $0x0  }
0x21: {  	[tilespmem:s9+$0xFFFFFFE0] =	vst v11;
	v5 =	vadd.f32 v60, v8;
	v1 =	vsel vm1, $0x0, v1;
	v2 =	vsel vm2, $0x0, v2  }
0x22: {  	[tilespmem:s9+$0xFFFFFFF0] =	vst v4;
	v0 =	vsel vm14, $0x0, v0;
	v63 =	vsel vm15, $0x0, v3;
	v1 =	vadd.f32 v2, v1  }
0x23: {  	[tilespmem:s9+$0x0] =	vst v5;
	v0 =	vadd.f32 v63, v0  }
0x24: {  	[tilespmem:s9+$0x10] =	vst v1  }
0x25: {  	[tilespmem:s9+$0x20] =	vst v0  }
0x26: {  	s10 =	simm.s32 $0x15E00;
	s9 =	rddreg [dreg:$0xc]  }
0x27: {  	[hbm4b:s9+s1] =	stream.linear.scatter [tilespmem:s10], [sflag:$0x6], $0xA00, $0x38;
	[tilespmem:$0x16800] =	vst v63  }
.LBB2_15:
0x28: {  	s8 =	sadd.s32 $0x1, s8  }
0x29: {  	_ =	swait.ge [sflag:s6], $0xA00;
	p1 =	sne.s32 s8, s25  }
.Ltmp1:
0x2a: {  	[sflag:s6] =	ssyncset.done $0x0;
	(pc) =	sbr.rel @!p1 .LBB2_16-.Ltmp1, $4  }
0x2b: {  	[sflag:s6] =	ssyncadd.s32 $0xFFFFF600  }
0x2c: {  	_ =	swait.ge [sflag:s7], $0xA00  }
0x2d: {  	[sflag:s7] =	ssyncset.done $0x0  }
0x2e: {  	[sflag:s7] =	ssyncadd.s32 $0xFFFFF600  }
.LBB2_1:
0x2f: {  	s9 =	rddreg [dreg:$0x4]  }
0x30: {  	[tilespmem:s1], [sflag:$0x1] =	stream.linear.gather [hbm4b:s9+s1], $0x5000, $0x38;
	[tilespmem:$0x16800] =	vst v63  }
0x31: {  	s31 =	rddreg [dreg:$0x5];
	s10 =	simm.s32 $0x5000  }
0x32: {  	[tilespmem:s10], [sflag:$0x2] =	stream.linear.gather [hbm4b:s31+s1], $0x5000, $0x38;
	[tilespmem:$0x16800] =	vst v63  }
0x33: {  	s29 =	simm.s32 $0xF000;
	s10 =	rddreg [dreg:$0x6]  }
0x34: {  	[tilespmem:s29], [sflag:$0x3] =	stream.linear.gather [hbm4b:s10+s1], $0x1400, $0x38;
	[tilespmem:$0x16800] =	vst v63  }
0x35: {  	s30 =	rddreg [dreg:$0x7];
	s31 =	simm.s32 $0x11800  }
0x36: {  	[tilespmem:s31], [sflag:$0x3] =	stream.linear.gather [hbm4b:s30+s1], $0xA00, $0x38;
	[tilespmem:$0x16800] =	vst v63  }
0x37: {  	s10 =	rddreg [dreg:$0x8];
	s29 =	simm.s32 $0x12C00  }
0x38: {  	[tilespmem:s29], [sflag:$0x3] =	stream.linear.gather [hbm4b:s10+s1], $0xA00, $0x38;
	[tilespmem:$0x16800] =	vst v63  }
0x39: {  	s30 =	rddreg [dreg:$0x9];
	s31 =	simm.s32 $0x14000  }
0x3a: {  	[tilespmem:s31], [sflag:$0x3] =	stream.linear.gather [hbm4b:s30+s1], $0xA00, $0x38;
	[tilespmem:$0x16800] =	vst v63  }
0x3b: {  	_ =	swait.ge [sflag:s0], $0x5000  }
0x3c: {  	[sflag:s0] =	ssyncset.done $0x0  }
0x3d: {  	s28 =	simm.s32 $0x80;
	[sflag:s0] =	ssyncadd.s32 $0xFFFFB000  }
0x3e: {  	v1 =	vld [tilespmem:s28+$0xFFFFFFF0]  }
0x3f: {  	v2 =	vld [tilespmem:s28+$0x70]  }
0x40: {  	v0 =	vld [tilespmem:s28+$0x0]  }
0x41: {  	v3 =	vld [tilespmem:s28+$0xFFFFFF90]  }
0x42: {  	v4 =	vld [tilespmem:s28+$0x10]  }
0x43: {  	v5 =	vld [tilespmem:s28+$0xFFFFFFA0]  }
0x44: {  	v6 =	vld [tilespmem:s28+$0x20]  }
0x45: {  	v7 =	vld [tilespmem:s28+$0xFFFFFFB0]  }
0x46: {  	v8 =	vld [tilespmem:s28+$0x30]  }
0x47: {  	v9 =	vld [tilespmem:s28+$0xFFFFFFC0]  }
0x48: {  	v10 =	vld [tilespmem:s28+$0x40];
	v2 =	vadd.f32 v2, v1  }
0x49: {  	s9 =	simm.s32 $0xA040;
	v4 =	vadd.f32 v4, v3;
	v1 =	vld [tilespmem:s28+$0xFFFFFFD0]  }
0x4a: {  	v5 =	vadd.f32 v6, v5;
	v3 =	vld [tilespmem:s28+$0x50];
	[tilespmem:s9+$0x30] =	vst v2  }
0x4b: {  	v6 =	vadd.f32 v8, v7;
	[tilespmem:s9+$0xFFFFFFD0] =	vst v4;
	v2 =	vld [tilespmem:s28+$0xFFFFFFE0]  }
0x4c: {  	[tilespmem:s9+$0xFFFFFFE0] =	vst v5;
	v5 =	vld [tilespmem:s28+$0x60]  }
0x4d: {  	s10 =	simm.s32 $0x0;
	v4 =	vld [tilespmem:s28+$0xFFFFFF80];
	[tilespmem:s9+$0xFFFFFFF0] =	vst v6;
	v6 =	vadd.f32 v10, v9;
	s28 =	simm.s32 $0x180  }
.LBB2_2:
0x4e: {  	v7 =	vld [tilespmem:s28+$0xFFFFFFF0]  }
0x4f: {  	s10 =	sadd.s32 $0x8, s10;
	v8 =	vld [tilespmem:s28+$0x70];
	[tilespmem:s9+$0x0] =	vst v6;
	v1 =	vadd.f32 v3, v1  }
0x50: {  	p1 =	slt.u32 s10, $0x278;
	v3 =	vld [tilespmem:s28+$0x0]  }
0x51: {  	v6 =	vld [tilespmem:s28+$0xFFFFFF90];
	[tilespmem:s9+$0x10] =	vst v1;
	v1 =	vadd.f32 v5, v2  }
0x52: {  	v2 =	vld [tilespmem:s28+$0x10];
	v9 =	vadd.f32 v0, v4  }
0x53: {  	v4 =	vld [tilespmem:s28+$0xFFFFFFA0];
	[tilespmem:s9+$0x20] =	vst v1  }
0x54: {  	v1 =	vld [tilespmem:s28+$0x20];
	v5 =	vadd.f32 v8, v7;
	[tilespmem:s9+$0xFFFFFFC0] =	vst v9  }
0x55: {  	s9 =	sadd.s32 $0x80, s9;
	v7 =	vld [tilespmem:s28+$0xFFFFFFB0];
	v0 =	vmov v3  }
0x56: {  	v8 =	vld [tilespmem:s28+$0x30];
	[tilespmem:s9+$0x30] =	vst v5  }
0x57: {  	v2 =	vadd.f32 v2, v6;
	v6 =	vld [tilespmem:s28+$0xFFFFFFC0]  }
0x58: {  	v9 =	vld [tilespmem:s28+$0x40]  }
.Ltmp2:
0x59: {  	[tilespmem:s9+$0xFFFFFFD0] =	vst v2;
	v2 =	vadd.f32 v1, v4;
	v1 =	vld [tilespmem:s28+$0xFFFFFFD0];
	(pc) =	sbr.rel @p1 .LBB2_2-.Ltmp2, $4  }
0x5a: {  	v3 =	vld [tilespmem:s28+$0x50]  }
0x5b: {  	[tilespmem:s9+$0xFFFFFFE0] =	vst v2;
	v7 =	vadd.f32 v8, v7;
	v2 =	vld [tilespmem:s28+$0xFFFFFFE0]  }
0x5c: {  	v5 =	vld [tilespmem:s28+$0x60]  }
0x5d: {  	v4 =	vld [tilespmem:s28+$0xFFFFFF80];
	[tilespmem:s9+$0xFFFFFFF0] =	vst v7;
	v6 =	vadd.f32 v9, v6;
	s28 =	sadd.s32 $0x100, s28  }
0x5e: {  	_ =	sdelay $0x1  }
0x5f: {  	v1 =	vadd.f32 v3, v1  }
0x60: {  	[tilespmem:s9+$0x0] =	vst v6;
	v2 =	vadd.f32 v5, v2  }
0x61: {  	[tilespmem:s9+$0x10] =	vst v1;
	v0 =	vadd.f32 v0, v4  }
0x62: {  	[tilespmem:s9+$0x20] =	vst v2  }
0x63: {  	[tilespmem:s9+$0xFFFFFFC0] =	vst v0  }
0x64: {  	_ =	swait.ge [sflag:s2], $0x5000  }
0x65: {  	[sflag:s2] =	ssyncset.done $0x0  }
0x66: {  	s28 =	simm.s32 $0x5080;
	[sflag:s2] =	ssyncadd.s32 $0xFFFFB000  }
0x67: {  	v1 =	vld [tilespmem:s28+$0xFFFFFFF0]  }
0x68: {  	v2 =	vld [tilespmem:s28+$0x70]  }
0x69: {  	v0 =	vld [tilespmem:s28+$0x0]  }
0x6a: {  	v3 =	vld [tilespmem:s28+$0xFFFFFF90]  }
0x6b: {  	v4 =	vld [tilespmem:s28+$0x10]  }
0x6c: {  	v5 =	vld [tilespmem:s28+$0xFFFFFFA0]  }
0x6d: {  	v6 =	vld [tilespmem:s28+$0x20]  }
0x6e: {  	v7 =	vld [tilespmem:s28+$0xFFFFFFB0]  }
0x6f: {  	v8 =	vld [tilespmem:s28+$0x30]  }
0x70: {  	v9 =	vld [tilespmem:s28+$0xFFFFFFC0]  }
0x71: {  	v10 =	vld [tilespmem:s28+$0x40];
	v2 =	vadd.f32 v2, v1  }
0x72: {  	s9 =	simm.s32 $0xC840;
	v4 =	vadd.f32 v4, v3;
	v1 =	vld [tilespmem:s28+$0xFFFFFFD0]  }
0x73: {  	v5 =	vadd.f32 v6, v5;
	v3 =	vld [tilespmem:s28+$0x50];
	[tilespmem:s9+$0x30] =	vst v2  }
0x74: {  	v6 =	vadd.f32 v8, v7;
	[tilespmem:s9+$0xFFFFFFD0] =	vst v4;
	v2 =	vld [tilespmem:s28+$0xFFFFFFE0]  }
0x75: {  	[tilespmem:s9+$0xFFFFFFE0] =	vst v5;
	v5 =	vld [tilespmem:s28+$0x60]  }
0x76: {  	s10 =	simm.s32 $0x0;
	v4 =	vld [tilespmem:s28+$0xFFFFFF80];
	[tilespmem:s9+$0xFFFFFFF0] =	vst v6;
	v6 =	vadd.f32 v10, v9;
	s28 =	simm.s32 $0x5180  }
.LBB2_4:
0x77: {  	v7 =	vld [tilespmem:s28+$0xFFFFFFF0]  }
0x78: {  	s10 =	sadd.s32 $0x8, s10;
	v8 =	vld [tilespmem:s28+$0x70];
	[tilespmem:s9+$0x0] =	vst v6;
	v1 =	vadd.f32 v3, v1  }
0x79: {  	p1 =	slt.u32 s10, $0x278;
	v3 =	vld [tilespmem:s28+$0x0]  }
0x7a: {  	v6 =	vld [tilespmem:s28+$0xFFFFFF90];
	[tilespmem:s9+$0x10] =	vst v1;
	v1 =	vadd.f32 v5, v2  }
0x7b: {  	v2 =	vld [tilespmem:s28+$0x10];
	v9 =	vadd.f32 v0, v4  }
0x7c: {  	v4 =	vld [tilespmem:s28+$0xFFFFFFA0];
	[tilespmem:s9+$0x20] =	vst v1  }
0x7d: {  	v1 =	vld [tilespmem:s28+$0x20];
	v5 =	vadd.f32 v8, v7;
	[tilespmem:s9+$0xFFFFFFC0] =	vst v9  }
0x7e: {  	s9 =	sadd.s32 $0x80, s9;
	v7 =	vld [tilespmem:s28+$0xFFFFFFB0];
	v0 =	vmov v3  }
0x7f: {  	v8 =	vld [tilespmem:s28+$0x30];
	[tilespmem:s9+$0x30] =	vst v5  }
0x80: {  	v2 =	vadd.f32 v2, v6;
	v6 =	vld [tilespmem:s28+$0xFFFFFFC0]  }
0x81: {  	v9 =	vld [tilespmem:s28+$0x40]  }
.Ltmp3:
0x82: {  	[tilespmem:s9+$0xFFFFFFD0] =	vst v2;
	v2 =	vadd.f32 v1, v4;
	v1 =	vld [tilespmem:s28+$0xFFFFFFD0];
	(pc) =	sbr.rel @p1 .LBB2_4-.Ltmp3, $4  }
0x83: {  	v3 =	vld [tilespmem:s28+$0x50]  }
0x84: {  	[tilespmem:s9+$0xFFFFFFE0] =	vst v2;
	v7 =	vadd.f32 v8, v7;
	v2 =	vld [tilespmem:s28+$0xFFFFFFE0]  }
0x85: {  	v5 =	vld [tilespmem:s28+$0x60]  }
0x86: {  	v4 =	vld [tilespmem:s28+$0xFFFFFF80];
	[tilespmem:s9+$0xFFFFFFF0] =	vst v7;
	v6 =	vadd.f32 v9, v6;
	s28 =	sadd.s32 $0x100, s28  }
0x87: {  	_ =	sdelay $0x1  }
0x88: {  	v1 =	vadd.f32 v3, v1  }
0x89: {  	[tilespmem:s9+$0x0] =	vst v6;
	v2 =	vadd.f32 v5, v2  }
0x8a: {  	[tilespmem:s9+$0x10] =	vst v1;
	v0 =	vadd.f32 v0, v4  }
0x8b: {  	[tilespmem:s9+$0x20] =	vst v2  }
0x8c: {  	[tilespmem:s9+$0xFFFFFFC0] =	vst v0  }
0x8d: {  	_ =	swait.ge [sflag:s26], $0x1400  }
0x8e: {  	[sflag:s26] =	ssyncset.done $0x0  }
0x8f: {  	[sflag:s26] =	ssyncadd.s32 $0xFFFFEC00  }
0x90: {  	_ =	swait.ge [sflag:s26], $0xA00  }
0x91: {  	[sflag:s26] =	ssyncset.done $0x0  }
0x92: {  	[sflag:s26] =	ssyncadd.s32 $0xFFFFF600  }
0x93: {  	_ =	swait.ge [sflag:s26], $0xA00  }
0x94: {  	[sflag:s26] =	ssyncset.done $0x0  }
0x95: {  	[sflag:s26] =	ssyncadd.s32 $0xFFFFF600  }
0x96: {  	_ =	swait.ge [sflag:s26], $0xA00  }
0x97: {  	[sflag:s26] =	ssyncset.done $0x0  }
0x98: {  	s10 =	simm.s32 $0x10400;
	s9 =	rddreg [dreg:$0xa];
	[sflag:s26] =	ssyncadd.s32 $0xFFFFF600  }
0x99: {  	[tilespmem:s10], [sflag:$0x4] =	stream.linear.gather [hbm4b:s9+s1], $0x1400, $0x38;
	[tilespmem:$0x16800] =	vst v63  }
0x9a: {  	s9 =	rddreg [dreg:$0xb];
	s10 =	simm.s32 $0x12200  }
0x9b: {  	[tilespmem:s10], [sflag:$0x4] =	stream.linear.gather [hbm4b:s9+s1], $0xA00, $0x38;
	[tilespmem:$0x16800] =	vst v63  }
0x9c: {  	s10 =	simm.s32 $0x13600  }
0x9d: {  	[tilespmem:s10], [sflag:$0x4] =	stream.linear.gather [hbm4b:s11+s1], $0xA00, $0x38;
	[tilespmem:$0x16800] =	vst v63  }
0x9e: {  	s10 =	simm.s32 $0x14A00  }
0x9f: {  	[tilespmem:s10], [sflag:$0x4] =	stream.linear.gather [hbm4b:s12+s1], $0xA00, $0x38;
	[tilespmem:$0x16800] =	vst v63  }
0xa0: {  	s10 =	simm.s32 $0xF040  }
0xa1: {  	v0 =	vld [tilespmem:s10+$0x30]  }
0xa2: {  	v1 =	vld [tilespmem:s10+$0xFFFFFFD0]  }
0xa3: {  	v2 =	vld [tilespmem:s10+$0xFFFFFFE0]  }
0xa4: {  	v3 =	vld [tilespmem:s10+$0xFFFFFFF0]  }
0xa5: {  	v4 =	vld [tilespmem:s10+$0x0]  }
0xa6: {  	v5 =	vld [tilespmem:s10+$0x10]  }
0xa7: {  	v6 =	vld [tilespmem:s10+$0x20]  }
0xa8: {  	v7 =	vld [tilespmem:s10+$0xFFFFFFC0]  }
0xa9: {  	v8 =	vld.idx.msk [tilespmem:v0+s24+$0x0], $0xffff  }
0xaa: {  	v0 =	vld.idx.msk [tilespmem:v0+s3+$0x0], $0xffff  }
0xab: {  	v9 =	vld.idx.msk [tilespmem:v1+s24+$0x0], $0xffff  }
0xac: {  	v1 =	vld.idx.msk [tilespmem:v1+s3+$0x0], $0xffff  }
0xad: {  	v10 =	vld.idx.msk [tilespmem:v2+s24+$0x0], $0xffff  }
0xae: {  	v2 =	vld.idx.msk [tilespmem:v2+s3+$0x0], $0xffff  }
0xaf: {  	v11 =	vld.idx.msk [tilespmem:v3+s24+$0x0], $0xffff  }
0xb0: {  	v12 =	vld.idx.msk [tilespmem:v7+s24+$0x0], $0xffff  }
0xb1: {  	s30 =	simm.s32 $0x12C40;
	v7 =	vld.idx.msk [tilespmem:v7+s3+$0x0], $0xffff;
	(erf) = vrcp.f32 v8  }
0xb2: {  	v8 =	vld [tilespmem:s30+$0x30];
	(erf) = vrcp.f32 v0  }
0xb3: {  	s28 =	simm.s32 $0x14040;
	v0 =	vld.idx.msk [tilespmem:v3+s3+$0x0], $0xffff;
	(erf) = vrcp.f32 v9  }
0xb4: {  	v3 =	vld [tilespmem:s28+$0x30];
	(erf) = vrcp.f32 v1  }
0xb5: {  	v9 =	vld.idx.msk [tilespmem:v5+s24+$0x0], $0xffff;
	(erf) = vrcp.f32 v10  }
0xb6: {  	s29 =	simm.s32 $0x11840;
	v5 =	vld.idx.msk [tilespmem:v5+s3+$0x0], $0xffff;
	(erf) = vrcp.f32 v2  }
0xb7: {  	v1 =	vld [tilespmem:s29+$0x30];
	(erf) = vrcp.f32 v11  }
0xb8: {  	v2 =	vld.idx.msk [tilespmem:v4+s24+$0x0], $0xffff;
	(erf) = vrcp.f32 v12  }
0xb9: {  	v4 =	vld.idx.msk [tilespmem:v4+s3+$0x0], $0xffff  }
0xba: {  	v10 =	vld.idx.msk [tilespmem:v6+s24+$0x0], $0xffff;
	(erf) = vrcp.f32 v7;
	v7 =	vpop (erf)  }
0xbb: {  	v6 =	vld.idx.msk [tilespmem:v6+s3+$0x0], $0xffff;
	v13 =	vand.u32 $0x1, v3;
	v11 =	vpop (erf)  }
0xbc: {  	v3 =	vand.u32 $0x2, v3;
	v12 =	vld [tilespmem:s28+$0xFFFFFFC0];
	(erf) = vrcp.f32 v0;
	v1 =	vmul.f32 v1, v7;
	v0 =	vpop (erf)  }
0xbd: {  	vm0 =	veq.s32 v13, $0x0;
	(erf) = vrcp.f32 v2;
	v2 =	vld [tilespmem:s29+$0xFFFFFFC0];
	v7 =	vpop (erf)  }
0xbe: {  	v8 =	vmul.f32 v8, v11;
	v1 =	vsel vm0, $0x0, v1;
	v11 =	vpop (erf);
	(erf) = vrcp.f32 v4;
	v4 =	vld [tilespmem:s30+$0xFFFFFFC0]  }
0xbf: {  	vm1 =	veq.s32 v3, $0x0;
	v3 =	vpop (erf);
	(erf) = vrcp.f32 v9;
	v9 =	vld [tilespmem:s28+$0xFFFFFFD0]  }
0xc0: {  	v8 =	vsel vm1, $0x0, v8;
	v13 =	vpop (erf);
	(erf) = vrcp.f32 v5;
	v5 =	vld [tilespmem:s29+$0xFFFFFFD0]  }
0xc1: {  	v8 =	vadd.f32 v8, v1;
	v1 =	vpop (erf);
	(erf) = vrcp.f32 v10;
	v10 =	vld [tilespmem:s30+$0xFFFFFFD0]  }
0xc2: {  	v1 =	vmul.f32 v2, v1;
	v2 =	vld [tilespmem:s28+$0xFFFFFFE0]  }
0xc3: {  	v14 =	vand.u32 $0x1, v12;
	v12 =	vand.u32 $0x2, v12;
	v15 =	vpop (erf);
	(erf) = vrcp.f32 v6;
	v6 =	vld [tilespmem:s29+$0xFFFFFFE0]  }
0xc4: {  	vm0 =	veq.s32 v14, $0x0;
	vm1 =	veq.s32 v12, $0x0;
	v14 =	vld [tilespmem:s30+$0xFFFFFFE0];
	v4 =	vmul.f32 v4, v15  }
0xc5: {  	v12 =	vand.u32 $0x1, v9;
	v9 =	vand.u32 $0x2, v9;
	v0 =	vmul.f32 v5, v0;
	v5 =	vld [tilespmem:s28+$0xFFFFFFF0]  }
0xc6: {  	v1 =	vsel vm0, $0x0, v1;
	vm0 =	veq.s32 v12, $0x0;
	vm2 =	veq.s32 v9, $0x0;
	v9 =	vld [tilespmem:s29+$0xFFFFFFF0]  }
0xc7: {  	v12 =	vld [tilespmem:s30+$0xFFFFFFF0];
	v7 =	vmul.f32 v10, v7;
	v10 =	vand.u32 $0x1, v2;
	v2 =	vand.u32 $0x2, v2  }
0xc8: {  	v4 =	vsel vm1, $0x0, v4;
	v6 =	vmul.f32 v6, v11;
	vm1 =	veq.s32 v2, $0x0;
	v2 =	vld [tilespmem:s28+$0x0]  }
0xc9: {  	v3 =	vmul.f32 v14, v3;
	v0 =	vsel vm0, $0x0, v0;
	vm0 =	veq.s32 v10, $0x0  }
0xca: {  	v10 =	vadd.f32 v4, v1;
	v1 =	vsel vm2, $0x0, v7;
	v7 =	vld [tilespmem:s29+$0x0];
	v11 =	vsel vm0, $0x0, v6  }
0xcb: {  	v14 =	vld [tilespmem:s30+$0x0];
	v4 =	vpop (erf);
	v17 =	vadd.f32 v1, v0;
	v3 =	vsel vm1, $0x0, v3;
	v6 =	vand.u32 $0x1, v5  }
0xcc: {  	v16 =	vld [tilespmem:s28+$0x10];
	v15 =	vpop (erf);
	v5 =	vand.u32 $0x2, v5;
	vm0 =	veq.s32 v6, $0x0;
	v6 =	vmul.f32 v9, v13  }
0xcd: {  	v12 =	vmul.f32 v12, v4;
	vm2 =	veq.s32 v5, $0x0;
	v9 =	vpop (erf);
	v5 =	vld [tilespmem:s29+$0x10];
	v0 =	vand.u32 $0x1, v2  }
0xce: {  	s9 =	simm.s32 $0x15440;
	v11 =	vadd.f32 v3, v11;
	v1 =	vpop (erf);
	v4 =	vsel vm0, $0x0, v6;
	v6 =	vld [tilespmem:s30+$0x10]  }
0xcf: {  	[tilespmem:s9+$0x30] =	vst v8;
	v12 =	vsel vm2, $0x0, v12;
	v13 =	vand.u32 $0x2, v2;
	v2 =	vpop (erf);
	v8 =	vmul.f32 v7, v15;
	v7 =	vld [tilespmem:s28+$0x20]  }
0xd0: {  	[tilespmem:s9+$0xFFFFFFC0] =	vst v10;
	vm1 =	veq.s32 v0, $0x0;
	vm0 =	veq.s32 v13, $0x0;
	v13 =	vmul.f32 v14, v9;
	v9 =	vld [tilespmem:s29+$0x20];
	v0 =	vpop (erf)  }
0xd1: {  	s31 =	simm.s32 $0x0;
	s10 =	simm.s32 $0xF140;
	v10 =	vld [tilespmem:s30+$0x20];
	[tilespmem:s9+$0xFFFFFFD0] =	vst v17;
	v15 =	vand.u32 $0x1, v16;
	v14 =	vand.u32 $0x2, v16;
	v8 =	vsel vm1, $0x0, v8;
	v3 =	vpop (erf)  }
.LBB2_6:
0xd2: {  	v16 =	vld [tilespmem:s10+$0x30];
	[tilespmem:s9+$0xFFFFFFE0] =	vst v11;
	vm1 =	veq.s32 v15, $0x0;
	v1 =	vmul.f32 v5, v1;
	vm2 =	veq.s32 v14, $0x0  }
0xd3: {  	s31 =	sadd.s32 $0x8, s31;
	v4 =	vadd.f32 v12, v4;
	v11 =	vsel vm0, $0x0, v13;
	v5 =	vld [tilespmem:s10+$0xFFFFFFD0];
	v2 =	vmul.f32 v6, v2  }
0xd4: {  	p1 =	slt.u32 s31, $0x98;
	v6 =	vld [tilespmem:s10+$0xFFFFFFE0];
	v1 =	vsel vm1, $0x0, v1;
	v12 =	vand.u32 $0x1, v7;
	v7 =	vand.u32 $0x2, v7  }
0xd5: {  	v13 =	vld [tilespmem:s10+$0xFFFFFFF0];
	[tilespmem:s9+$0xFFFFFFF0] =	vst v4;
	vm0 =	veq.s32 v12, $0x0;
	v0 =	vmul.f32 v9, v0;
	vm1 =	veq.s32 v7, $0x0  }
0xd6: {  	v7 =	vadd.f32 v11, v8;
	v2 =	vsel vm2, $0x0, v2;
	v4 =	vld [tilespmem:s10+$0x0];
	v3 =	vmul.f32 v10, v3  }
0xd7: {  	v1 =	vadd.f32 v2, v1;
	v8 =	vld [tilespmem:s10+$0x10];
	v0 =	vsel vm0, $0x0, v0  }
0xd8: {  	v2 =	vld [tilespmem:s10+$0x20];
	[tilespmem:s9+$0x0] =	vst v7;
	v3 =	vsel vm1, $0x0, v3  }
0xd9: {  	v7 =	vld [tilespmem:s10+$0xFFFFFFC0];
	[tilespmem:s9+$0x10] =	vst v1;
	v0 =	vadd.f32 v3, v0  }
0xda: {  	v1 =	vld.idx.msk [tilespmem:v16+s24+$0x0], $0xffff  }
0xdb: {  	v3 =	vld.idx.msk [tilespmem:v16+s3+$0x0], $0xffff;
	[tilespmem:s9+$0x20] =	vst v0  }
0xdc: {  	v0 =	vld.idx.msk [tilespmem:v5+s24+$0x0], $0xffff  }
0xdd: {  	v5 =	vld.idx.msk [tilespmem:v5+s3+$0x0], $0xffff  }
0xde: {  	v9 =	vld.idx.msk [tilespmem:v6+s24+$0x0], $0xffff  }
0xdf: {  	v6 =	vld.idx.msk [tilespmem:v6+s3+$0x0], $0xffff  }
0xe0: {  	v10 =	vld.idx.msk [tilespmem:v13+s24+$0x0], $0xffff;
	(erf) = vrcp.f32 v1  }
0xe1: {  	v1 =	vld.idx.msk [tilespmem:v7+s24+$0x0], $0xffff;
	(erf) = vrcp.f32 v3  }
0xe2: {  	v3 =	vld.idx.msk [tilespmem:v7+s3+$0x0], $0xffff;
	(erf) = vrcp.f32 v0  }
0xe3: {  	s28 =	sadd.s32 $0x80, s28;
	v0 =	vld.idx.msk [tilespmem:v13+s3+$0x0], $0xffff;
	(erf) = vrcp.f32 v5  }
0xe4: {  	s29 =	sadd.s32 $0x80, s29;
	v5 =	vld [tilespmem:s28+$0x30];
	(erf) = vrcp.f32 v9  }
0xe5: {  	s30 =	sadd.s32 $0x80, s30;
	v7 =	vld [tilespmem:s29+$0x30];
	(erf) = vrcp.f32 v6  }
0xe6: {  	v6 =	vld [tilespmem:s30+$0x30];
	(erf) = vrcp.f32 v10  }
0xe7: {  	v9 =	vld.idx.msk [tilespmem:v4+s24+$0x0], $0xffff;
	(erf) = vrcp.f32 v1  }
0xe8: {  	v1 =	vld.idx.msk [tilespmem:v4+s3+$0x0], $0xffff;
	(erf) = vrcp.f32 v3  }
0xe9: {  	v3 =	vld.idx.msk [tilespmem:v8+s24+$0x0], $0xffff;
	(erf) = vrcp.f32 v0;
	v0 =	vpop (erf)  }
0xea: {  	v4 =	vld.idx.msk [tilespmem:v8+s3+$0x0], $0xffff;
	v8 =	vand.u32 $0x1, v5;
	v10 =	vpop (erf)  }
0xeb: {  	v12 =	vand.u32 $0x2, v5;
	v0 =	vmul.f32 v7, v0;
	v11 =	vld.idx.msk [tilespmem:v2+s24+$0x0], $0xffff;
	v14 =	vmul.f32 v6, v10;
	v7 =	vpop (erf)  }
0xec: {  	vm1 =	veq.s32 v12, $0x0;
	vm0 =	veq.s32 v8, $0x0;
	v2 =	vld.idx.msk [tilespmem:v2+s3+$0x0], $0xffff;
	v5 =	vpop (erf)  }
0xed: {  	v0 =	vsel vm0, $0x0, v0;
	v8 =	vld [tilespmem:s28+$0xFFFFFFC0];
	v14 =	vsel vm1, $0x0, v14;
	v10 =	vpop (erf);
	(erf) = vrcp.f32 v9  }
0xee: {  	v9 =	vld [tilespmem:s29+$0xFFFFFFC0];
	v14 =	vadd.f32 v14, v0;
	v6 =	vpop (erf);
	(erf) = vrcp.f32 v1  }
0xef: {  	s9 =	sadd.s32 $0x80, s9;
	v1 =	vld [tilespmem:s30+$0xFFFFFFC0];
	v12 =	vpop (erf);
	(erf) = vrcp.f32 v3  }
0xf0: {  	v3 =	vld [tilespmem:s28+$0xFFFFFFD0];
	[tilespmem:s9+$0x30] =	vst v14;
	v0 =	vpop (erf);
	(erf) = vrcp.f32 v4  }
0xf1: {  	v4 =	vld [tilespmem:s29+$0xFFFFFFD0];
	v13 =	vpop (erf);
	(erf) = vrcp.f32 v11  }
0xf2: {  	v11 =	vand.u32 $0x1, v8;
	v8 =	vand.u32 $0x2, v8;
	v14 =	vld [tilespmem:s30+$0xFFFFFFD0];
	v15 =	vpop (erf);
	(erf) = vrcp.f32 v2  }
0xf3: {  	vm0 =	veq.s32 v11, $0x0;
	v0 =	vmul.f32 v9, v0;
	vm1 =	veq.s32 v8, $0x0;
	v2 =	vld [tilespmem:s28+$0xFFFFFFE0]  }
0xf4: {  	v1 =	vmul.f32 v1, v13;
	v8 =	vld [tilespmem:s29+$0xFFFFFFE0]  }
0xf5: {  	v0 =	vsel vm0, $0x0, v0;
	v9 =	vand.u32 $0x1, v3;
	v3 =	vand.u32 $0x2, v3;
	v11 =	vld [tilespmem:s30+$0xFFFFFFE0]  }
0xf6: {  	vm0 =	veq.s32 v9, $0x0;
	v4 =	vmul.f32 v4, v7;
	vm2 =	veq.s32 v3, $0x0;
	v3 =	vld [tilespmem:s28+$0xFFFFFFF0];
	v7 =	vpop (erf)  }
0xf7: {  	v9 =	vsel vm1, $0x0, v1;
	v5 =	vmul.f32 v14, v5;
	v13 =	vld [tilespmem:s29+$0xFFFFFFF0];
	v14 =	vpop (erf)  }
0xf8: {  	v4 =	vsel vm0, $0x0, v4;
	v16 =	vand.u32 $0x1, v2;
	v18 =	vand.u32 $0x2, v2;
	v17 =	vld [tilespmem:s30+$0xFFFFFFF0];
	v1 =	vpop (erf)  }
0xf9: {  	vm0 =	veq.s32 v16, $0x0;
	v8 =	vmul.f32 v8, v10;
	vm1 =	veq.s32 v18, $0x0;
	v10 =	vld [tilespmem:s28+$0x0];
	v2 =	vpop (erf)  }
0xfa: {  	v9 =	vadd.f32 v9, v0;
	v5 =	vsel vm2, $0x0, v5;
	v6 =	vmul.f32 v11, v6;
	v11 =	vld [tilespmem:s29+$0x0];
	v0 =	vpop (erf)  }
0xfb: {  	v8 =	vsel vm0, $0x0, v8;
	v16 =	vand.u32 $0x1, v3;
	v18 =	vand.u32 $0x2, v3;
	v19 =	vld [tilespmem:s30+$0x0];
	v3 =	vpop (erf)  }
0xfc: {  	[tilespmem:s9+$0xFFFFFFC0] =	vst v9;
	vm0 =	veq.s32 v16, $0x0;
	v9 =	vmul.f32 v13, v12;
	vm2 =	veq.s32 v18, $0x0;
	v16 =	vld [tilespmem:s28+$0x10]  }
.Ltmp4:
0xfd: {  	v12 =	vadd.f32 v5, v4;
	v13 =	vsel vm1, $0x0, v6;
	v15 =	vmul.f32 v17, v15;
	v5 =	vld [tilespmem:s29+$0x10];
	(pc) =	sbr.rel @p1 .LBB2_6-.Ltmp4, $4  }
0xfe: {  	v4 =	vsel vm0, $0x0, v9;
	v9 =	vand.u32 $0x1, v10;
	v10 =	vand.u32 $0x2, v10;
	v6 =	vld [tilespmem:s30+$0x10]  }
0xff: {  	[tilespmem:s9+$0xFFFFFFD0] =	vst v12;
	vm1 =	veq.s32 v9, $0x0;
	v17 =	vmul.f32 v11, v7;
	vm0 =	veq.s32 v10, $0x0;
	v7 =	vld [tilespmem:s28+$0x20]  }
0x100: {  	v11 =	vadd.f32 v13, v8;
	v12 =	vsel vm2, $0x0, v15;
	v13 =	vmul.f32 v19, v14;
	v9 =	vld [tilespmem:s29+$0x20]  }
0x101: {  	s10 =	sadd.s32 $0x100, s10;
	v8 =	vsel vm1, $0x0, v17;
	v15 =	vand.u32 $0x1, v16;
	v14 =	vand.u32 $0x2, v16;
	v10 =	vld [tilespmem:s30+$0x20]  }
0x102: {  	_ = 	snop  }
0x103: {  	vm1 =	veq.s32 v15, $0x0;
	v1 =	vmul.f32 v5, v1;
	vm2 =	veq.s32 v14, $0x0  }
0x104: {  	v4 =	vadd.f32 v12, v4;
	v5 =	vsel vm0, $0x0, v13;
	v2 =	vmul.f32 v6, v2  }
0x105: {  	v5 =	vadd.f32 v5, v8;
	v1 =	vsel vm1, $0x0, v1;
	v6 =	vand.u32 $0x1, v7  }
0x106: {  	v7 =	vand.u32 $0x2, v7;
	v0 =	vmul.f32 v9, v0;
	v3 =	vmul.f32 v10, v3  }
0x107: {  	[tilespmem:s9+$0xFFFFFFE0] =	vst v11;
	vm0 =	veq.s32 v6, $0x0;
	vm1 =	veq.s32 v7, $0x0;
	v2 =	vsel vm2, $0x0, v2  }
0x108: {  	[tilespmem:s9+$0xFFFFFFF0] =	vst v4;
	v1 =	vadd.f32 v2, v1;
	v0 =	vsel vm0, $0x0, v0;
	v2 =	vsel vm1, $0x0, v3  }
0x109: {  	[tilespmem:s9+$0x0] =	vst v5;
	v0 =	vadd.f32 v2, v0  }
0x10a: {  	[tilespmem:s9+$0x10] =	vst v1  }
0x10b: {  	[tilespmem:s9+$0x20] =	vst v0  }
0x10c: {  	[hbm4b:s13+s1] =	stream.linear.scatter [tilespmem:s4], [sflag:$0x5], $0xA00, $0x38;
	[tilespmem:$0x16800] =	vst v63  }
0x10d: {  	_ =	swait.ge [sflag:s5], $0x1400  }
0x10e: {  	[sflag:s5] =	ssyncset.done $0x0  }
0x10f: {  	[sflag:s5] =	ssyncadd.s32 $0xFFFFEC00  }
0x110: {  	_ =	swait.ge [sflag:s5], $0xA00  }
0x111: {  	[sflag:s5] =	ssyncset.done $0x0  }
0x112: {  	[sflag:s5] =	ssyncadd.s32 $0xFFFFF600  }
0x113: {  	_ =	swait.ge [sflag:s5], $0xA00  }
0x114: {  	[sflag:s5] =	ssyncset.done $0x0  }
0x115: {  	[sflag:s5] =	ssyncadd.s32 $0xFFFFF600  }
0x116: {  	_ =	swait.ge [sflag:s5], $0xA00  }
0x117: {  	[sflag:s5] =	ssyncset.done $0x0  }
0x118: {  	s10 =	simm.s32 $0xF000;
	[sflag:s5] =	ssyncadd.s32 $0xFFFFF600  }
0x119: {  	[tilespmem:s10], [sflag:$0x3] =	stream.linear.gather [hbm4b:s14+s1], $0x1400, $0x38;
	[tilespmem:$0x16800] =	vst v63  }
0x11a: {  	s10 =	simm.s32 $0x11800  }
0x11b: {  	[tilespmem:s10], [sflag:$0x3] =	stream.linear.gather [hbm4b:s15+s1], $0xA00, $0x38;
	[tilespmem:$0x16800] =	vst v63  }
0x11c: {  	s10 =	simm.s32 $0x12C00  }
0x11d: {  	[tilespmem:s10], [sflag:$0x3] =	stream.linear.gather [hbm4b:s17+s1], $0xA00, $0x38;
	[tilespmem:$0x16800] =	vst v63  }
0x11e: {  	s10 =	simm.s32 $0x14000  }
0x11f: {  	[tilespmem:s10], [sflag:$0x3] =	stream.linear.gather [hbm4b:s18+s1], $0xA00, $0x38;
	[tilespmem:$0x16800] =	vst v63  }
0x120: {  	s10 =	simm.s32 $0x10440  }
0x121: {  	v0 =	vld [tilespmem:s10+$0x30]  }
0x122: {  	v1 =	vld [tilespmem:s10+$0xFFFFFFD0]  }
0x123: {  	v2 =	vld [tilespmem:s10+$0xFFFFFFE0]  }
0x124: {  	v3 =	vld [tilespmem:s10+$0xFFFFFFF0]  }
0x125: {  	v4 =	vld [tilespmem:s10+$0x0]  }
0x126: {  	v5 =	vld [tilespmem:s10+$0x10]  }
0x127: {  	v6 =	vld [tilespmem:s10+$0x20]  }
0x128: {  	v7 =	vld [tilespmem:s10+$0xFFFFFFC0]  }
0x129: {  	v8 =	vld.idx.msk [tilespmem:v0+s24+$0x0], $0xffff  }
0x12a: {  	v0 =	vld.idx.msk [tilespmem:v0+s3+$0x0], $0xffff  }
0x12b: {  	v9 =	vld.idx.msk [tilespmem:v1+s24+$0x0], $0xffff  }
0x12c: {  	v1 =	vld.idx.msk [tilespmem:v1+s3+$0x0], $0xffff  }
0x12d: {  	v10 =	vld.idx.msk [tilespmem:v2+s24+$0x0], $0xffff  }
0x12e: {  	v2 =	vld.idx.msk [tilespmem:v2+s3+$0x0], $0xffff  }
0x12f: {  	v11 =	vld.idx.msk [tilespmem:v3+s24+$0x0], $0xffff  }
0x130: {  	v12 =	vld.idx.msk [tilespmem:v7+s24+$0x0], $0xffff  }
0x131: {  	s30 =	simm.s32 $0x13640;
	v7 =	vld.idx.msk [tilespmem:v7+s3+$0x0], $0xffff;
	(erf) = vrcp.f32 v8  }
0x132: {  	v8 =	vld [tilespmem:s30+$0x30];
	(erf) = vrcp.f32 v0  }
0x133: {  	s28 =	simm.s32 $0x14A40;
	v0 =	vld.idx.msk [tilespmem:v3+s3+$0x0], $0xffff;
	(erf) = vrcp.f32 v9  }
0x134: {  	v3 =	vld [tilespmem:s28+$0x30];
	(erf) = vrcp.f32 v1  }
0x135: {  	v9 =	vld.idx.msk [tilespmem:v5+s24+$0x0], $0xffff;
	(erf) = vrcp.f32 v10  }
0x136: {  	s29 =	simm.s32 $0x12240;
	v5 =	vld.idx.msk [tilespmem:v5+s3+$0x0], $0xffff;
	(erf) = vrcp.f32 v2  }
0x137: {  	v1 =	vld [tilespmem:s29+$0x30];
	(erf) = vrcp.f32 v11  }
0x138: {  	v2 =	vld.idx.msk [tilespmem:v4+s24+$0x0], $0xffff;
	(erf) = vrcp.f32 v12  }
0x139: {  	v4 =	vld.idx.msk [tilespmem:v4+s3+$0x0], $0xffff  }
0x13a: {  	v10 =	vld.idx.msk [tilespmem:v6+s24+$0x0], $0xffff;
	(erf) = vrcp.f32 v7;
	v7 =	vpop (erf)  }
0x13b: {  	v6 =	vld.idx.msk [tilespmem:v6+s3+$0x0], $0xffff;
	v13 =	vand.u32 $0x1, v3;
	v11 =	vpop (erf)  }
0x13c: {  	v3 =	vand.u32 $0x2, v3;
	v12 =	vld [tilespmem:s28+$0xFFFFFFC0];
	(erf) = vrcp.f32 v0;
	v1 =	vmul.f32 v1, v7;
	v0 =	vpop (erf)  }
0x13d: {  	vm0 =	veq.s32 v13, $0x0;
	(erf) = vrcp.f32 v2;
	v2 =	vld [tilespmem:s29+$0xFFFFFFC0];
	v7 =	vpop (erf)  }
0x13e: {  	v8 =	vmul.f32 v8, v11;
	v1 =	vsel vm0, $0x0, v1;
	v11 =	vpop (erf);
	(erf) = vrcp.f32 v4;
	v4 =	vld [tilespmem:s30+$0xFFFFFFC0]  }
0x13f: {  	vm1 =	veq.s32 v3, $0x0;
	v3 =	vpop (erf);
	(erf) = vrcp.f32 v9;
	v9 =	vld [tilespmem:s28+$0xFFFFFFD0]  }
0x140: {  	v8 =	vsel vm1, $0x0, v8;
	v13 =	vpop (erf);
	(erf) = vrcp.f32 v5;
	v5 =	vld [tilespmem:s29+$0xFFFFFFD0]  }
0x141: {  	v8 =	vadd.f32 v8, v1;
	v1 =	vpop (erf);
	(erf) = vrcp.f32 v10;
	v10 =	vld [tilespmem:s30+$0xFFFFFFD0]  }
0x142: {  	v1 =	vmul.f32 v2, v1;
	v2 =	vld [tilespmem:s28+$0xFFFFFFE0]  }
0x143: {  	v14 =	vand.u32 $0x1, v12;
	v12 =	vand.u32 $0x2, v12;
	v15 =	vpop (erf);
	(erf) = vrcp.f32 v6;
	v6 =	vld [tilespmem:s29+$0xFFFFFFE0]  }
0x144: {  	vm0 =	veq.s32 v14, $0x0;
	vm1 =	veq.s32 v12, $0x0;
	v14 =	vld [tilespmem:s30+$0xFFFFFFE0];
	v4 =	vmul.f32 v4, v15  }
0x145: {  	v12 =	vand.u32 $0x1, v9;
	v9 =	vand.u32 $0x2, v9;
	v0 =	vmul.f32 v5, v0;
	v5 =	vld [tilespmem:s28+$0xFFFFFFF0]  }
0x146: {  	v1 =	vsel vm0, $0x0, v1;
	vm0 =	veq.s32 v12, $0x0;
	vm2 =	veq.s32 v9, $0x0;
	v9 =	vld [tilespmem:s29+$0xFFFFFFF0]  }
0x147: {  	v12 =	vld [tilespmem:s30+$0xFFFFFFF0];
	v7 =	vmul.f32 v10, v7;
	v10 =	vand.u32 $0x1, v2;
	v2 =	vand.u32 $0x2, v2  }
0x148: {  	v4 =	vsel vm1, $0x0, v4;
	v6 =	vmul.f32 v6, v11;
	vm1 =	veq.s32 v2, $0x0;
	v2 =	vld [tilespmem:s28+$0x0]  }
0x149: {  	v3 =	vmul.f32 v14, v3;
	v0 =	vsel vm0, $0x0, v0;
	vm0 =	veq.s32 v10, $0x0  }
0x14a: {  	v10 =	vadd.f32 v4, v1;
	v1 =	vsel vm2, $0x0, v7;
	v7 =	vld [tilespmem:s29+$0x0];
	v11 =	vsel vm0, $0x0, v6  }
0x14b: {  	v14 =	vld [tilespmem:s30+$0x0];
	v4 =	vpop (erf);
	v17 =	vadd.f32 v1, v0;
	v3 =	vsel vm1, $0x0, v3;
	v6 =	vand.u32 $0x1, v5  }
0x14c: {  	v16 =	vld [tilespmem:s28+$0x10];
	v15 =	vpop (erf);
	v5 =	vand.u32 $0x2, v5;
	vm0 =	veq.s32 v6, $0x0;
	v6 =	vmul.f32 v9, v13  }
0x14d: {  	v12 =	vmul.f32 v12, v4;
	vm2 =	veq.s32 v5, $0x0;
	v9 =	vpop (erf);
	v5 =	vld [tilespmem:s29+$0x10];
	v0 =	vand.u32 $0x1, v2  }
0x14e: {  	s9 =	simm.s32 $0x15E40;
	v11 =	vadd.f32 v3, v11;
	v1 =	vpop (erf);
	v4 =	vsel vm0, $0x0, v6;
	v6 =	vld [tilespmem:s30+$0x10]  }
0x14f: {  	[tilespmem:s9+$0x30] =	vst v8;
	v12 =	vsel vm2, $0x0, v12;
	v13 =	vand.u32 $0x2, v2;
	v2 =	vpop (erf);
	v8 =	vmul.f32 v7, v15;
	v7 =	vld [tilespmem:s28+$0x20]  }
0x150: {  	[tilespmem:s9+$0xFFFFFFC0] =	vst v10;
	vm1 =	veq.s32 v0, $0x0;
	vm0 =	veq.s32 v13, $0x0;
	v13 =	vmul.f32 v14, v9;
	v9 =	vld [tilespmem:s29+$0x20];
	v0 =	vpop (erf)  }
0x151: {  	s31 =	simm.s32 $0x0;
	s10 =	simm.s32 $0x10540;
	v10 =	vld [tilespmem:s30+$0x20];
	[tilespmem:s9+$0xFFFFFFD0] =	vst v17;
	v15 =	vand.u32 $0x1, v16;
	v14 =	vand.u32 $0x2, v16;
	v8 =	vsel vm1, $0x0, v8;
	v3 =	vpop (erf)  }
.LBB2_8:
0x152: {  	v16 =	vld [tilespmem:s10+$0x30];
	[tilespmem:s9+$0xFFFFFFE0] =	vst v11;
	vm1 =	veq.s32 v15, $0x0;
	v1 =	vmul.f32 v5, v1;
	vm2 =	veq.s32 v14, $0x0  }
0x153: {  	s31 =	sadd.s32 $0x8, s31;
	v4 =	vadd.f32 v12, v4;
	v11 =	vsel vm0, $0x0, v13;
	v5 =	vld [tilespmem:s10+$0xFFFFFFD0];
	v2 =	vmul.f32 v6, v2  }
0x154: {  	p1 =	slt.u32 s31, $0x98;
	v6 =	vld [tilespmem:s10+$0xFFFFFFE0];
	v1 =	vsel vm1, $0x0, v1;
	v12 =	vand.u32 $0x1, v7;
	v7 =	vand.u32 $0x2, v7  }
0x155: {  	v13 =	vld [tilespmem:s10+$0xFFFFFFF0];
	[tilespmem:s9+$0xFFFFFFF0] =	vst v4;
	vm0 =	veq.s32 v12, $0x0;
	v0 =	vmul.f32 v9, v0;
	vm1 =	veq.s32 v7, $0x0  }
0x156: {  	v7 =	vadd.f32 v11, v8;
	v2 =	vsel vm2, $0x0, v2;
	v4 =	vld [tilespmem:s10+$0x0];
	v3 =	vmul.f32 v10, v3  }
0x157: {  	v1 =	vadd.f32 v2, v1;
	v8 =	vld [tilespmem:s10+$0x10];
	v0 =	vsel vm0, $0x0, v0  }
0x158: {  	v2 =	vld [tilespmem:s10+$0x20];
	[tilespmem:s9+$0x0] =	vst v7;
	v3 =	vsel vm1, $0x0, v3  }
0x159: {  	v7 =	vld [tilespmem:s10+$0xFFFFFFC0];
	[tilespmem:s9+$0x10] =	vst v1;
	v0 =	vadd.f32 v3, v0  }
0x15a: {  	v1 =	vld.idx.msk [tilespmem:v16+s24+$0x0], $0xffff  }
0x15b: {  	v3 =	vld.idx.msk [tilespmem:v16+s3+$0x0], $0xffff;
	[tilespmem:s9+$0x20] =	vst v0  }
0x15c: {  	v0 =	vld.idx.msk [tilespmem:v5+s24+$0x0], $0xffff  }
0x15d: {  	v5 =	vld.idx.msk [tilespmem:v5+s3+$0x0], $0xffff  }
0x15e: {  	v9 =	vld.idx.msk [tilespmem:v6+s24+$0x0], $0xffff  }
0x15f: {  	v6 =	vld.idx.msk [tilespmem:v6+s3+$0x0], $0xffff  }
0x160: {  	v10 =	vld.idx.msk [tilespmem:v13+s24+$0x0], $0xffff;
	(erf) = vrcp.f32 v1  }
0x161: {  	v1 =	vld.idx.msk [tilespmem:v7+s24+$0x0], $0xffff;
	(erf) = vrcp.f32 v3  }
0x162: {  	v3 =	vld.idx.msk [tilespmem:v7+s3+$0x0], $0xffff;
	(erf) = vrcp.f32 v0  }
0x163: {  	s28 =	sadd.s32 $0x80, s28;
	v0 =	vld.idx.msk [tilespmem:v13+s3+$0x0], $0xffff;
	(erf) = vrcp.f32 v5  }
0x164: {  	s29 =	sadd.s32 $0x80, s29;
	v5 =	vld [tilespmem:s28+$0x30];
	(erf) = vrcp.f32 v9  }
0x165: {  	s30 =	sadd.s32 $0x80, s30;
	v7 =	vld [tilespmem:s29+$0x30];
	(erf) = vrcp.f32 v6  }
0x166: {  	v6 =	vld [tilespmem:s30+$0x30];
	(erf) = vrcp.f32 v10  }
0x167: {  	v9 =	vld.idx.msk [tilespmem:v4+s24+$0x0], $0xffff;
	(erf) = vrcp.f32 v1  }
0x168: {  	v1 =	vld.idx.msk [tilespmem:v4+s3+$0x0], $0xffff;
	(erf) = vrcp.f32 v3  }
0x169: {  	v3 =	vld.idx.msk [tilespmem:v8+s24+$0x0], $0xffff;
	(erf) = vrcp.f32 v0;
	v0 =	vpop (erf)  }
0x16a: {  	v4 =	vld.idx.msk [tilespmem:v8+s3+$0x0], $0xffff;
	v8 =	vand.u32 $0x1, v5;
	v10 =	vpop (erf)  }
0x16b: {  	v12 =	vand.u32 $0x2, v5;
	v0 =	vmul.f32 v7, v0;
	v11 =	vld.idx.msk [tilespmem:v2+s24+$0x0], $0xffff;
	v14 =	vmul.f32 v6, v10;
	v7 =	vpop (erf)  }
0x16c: {  	vm1 =	veq.s32 v12, $0x0;
	vm0 =	veq.s32 v8, $0x0;
	v2 =	vld.idx.msk [tilespmem:v2+s3+$0x0], $0xffff;
	v5 =	vpop (erf)  }
0x16d: {  	v0 =	vsel vm0, $0x0, v0;
	v8 =	vld [tilespmem:s28+$0xFFFFFFC0];
	v14 =	vsel vm1, $0x0, v14;
	v10 =	vpop (erf);
	(erf) = vrcp.f32 v9  }
0x16e: {  	v9 =	vld [tilespmem:s29+$0xFFFFFFC0];
	v14 =	vadd.f32 v14, v0;
	v6 =	vpop (erf);
	(erf) = vrcp.f32 v1  }
0x16f: {  	s9 =	sadd.s32 $0x80, s9;
	v1 =	vld [tilespmem:s30+$0xFFFFFFC0];
	v12 =	vpop (erf);
	(erf) = vrcp.f32 v3  }
0x170: {  	v3 =	vld [tilespmem:s28+$0xFFFFFFD0];
	[tilespmem:s9+$0x30] =	vst v14;
	v0 =	vpop (erf);
	(erf) = vrcp.f32 v4  }
0x171: {  	v4 =	vld [tilespmem:s29+$0xFFFFFFD0];
	v13 =	vpop (erf);
	(erf) = vrcp.f32 v11  }
0x172: {  	v11 =	vand.u32 $0x1, v8;
	v8 =	vand.u32 $0x2, v8;
	v14 =	vld [tilespmem:s30+$0xFFFFFFD0];
	v15 =	vpop (erf);
	(erf) = vrcp.f32 v2  }
0x173: {  	vm0 =	veq.s32 v11, $0x0;
	v0 =	vmul.f32 v9, v0;
	vm1 =	veq.s32 v8, $0x0;
	v2 =	vld [tilespmem:s28+$0xFFFFFFE0]  }
0x174: {  	v1 =	vmul.f32 v1, v13;
	v8 =	vld [tilespmem:s29+$0xFFFFFFE0]  }
0x175: {  	v0 =	vsel vm0, $0x0, v0;
	v9 =	vand.u32 $0x1, v3;
	v3 =	vand.u32 $0x2, v3;
	v11 =	vld [tilespmem:s30+$0xFFFFFFE0]  }
0x176: {  	vm0 =	veq.s32 v9, $0x0;
	v4 =	vmul.f32 v4, v7;
	vm2 =	veq.s32 v3, $0x0;
	v3 =	vld [tilespmem:s28+$0xFFFFFFF0];
	v7 =	vpop (erf)  }
0x177: {  	v9 =	vsel vm1, $0x0, v1;
	v5 =	vmul.f32 v14, v5;
	v13 =	vld [tilespmem:s29+$0xFFFFFFF0];
	v14 =	vpop (erf)  }
0x178: {  	v4 =	vsel vm0, $0x0, v4;
	v16 =	vand.u32 $0x1, v2;
	v18 =	vand.u32 $0x2, v2;
	v17 =	vld [tilespmem:s30+$0xFFFFFFF0];
	v1 =	vpop (erf)  }
0x179: {  	vm0 =	veq.s32 v16, $0x0;
	v8 =	vmul.f32 v8, v10;
	vm1 =	veq.s32 v18, $0x0;
	v10 =	vld [tilespmem:s28+$0x0];
	v2 =	vpop (erf)  }
0x17a: {  	v9 =	vadd.f32 v9, v0;
	v5 =	vsel vm2, $0x0, v5;
	v6 =	vmul.f32 v11, v6;
	v11 =	vld [tilespmem:s29+$0x0];
	v0 =	vpop (erf)  }
0x17b: {  	v8 =	vsel vm0, $0x0, v8;
	v16 =	vand.u32 $0x1, v3;
	v18 =	vand.u32 $0x2, v3;
	v19 =	vld [tilespmem:s30+$0x0];
	v3 =	vpop (erf)  }
0x17c: {  	[tilespmem:s9+$0xFFFFFFC0] =	vst v9;
	vm0 =	veq.s32 v16, $0x0;
	v9 =	vmul.f32 v13, v12;
	vm2 =	veq.s32 v18, $0x0;
	v16 =	vld [tilespmem:s28+$0x10]  }
.Ltmp5:
0x17d: {  	v12 =	vadd.f32 v5, v4;
	v13 =	vsel vm1, $0x0, v6;
	v15 =	vmul.f32 v17, v15;
	v5 =	vld [tilespmem:s29+$0x10];
	(pc) =	sbr.rel @p1 .LBB2_8-.Ltmp5, $4  }
0x17e: {  	v4 =	vsel vm0, $0x0, v9;
	v9 =	vand.u32 $0x1, v10;
	v10 =	vand.u32 $0x2, v10;
	v6 =	vld [tilespmem:s30+$0x10]  }
0x17f: {  	[tilespmem:s9+$0xFFFFFFD0] =	vst v12;
	vm1 =	veq.s32 v9, $0x0;
	v17 =	vmul.f32 v11, v7;
	vm0 =	veq.s32 v10, $0x0;
	v7 =	vld [tilespmem:s28+$0x20]  }
0x180: {  	v11 =	vadd.f32 v13, v8;
	v12 =	vsel vm2, $0x0, v15;
	v13 =	vmul.f32 v19, v14;
	v9 =	vld [tilespmem:s29+$0x20]  }
0x181: {  	s10 =	sadd.s32 $0x100, s10;
	v8 =	vsel vm1, $0x0, v17;
	v15 =	vand.u32 $0x1, v16;
	v14 =	vand.u32 $0x2, v16;
	v10 =	vld [tilespmem:s30+$0x20]  }
0x182: {  	_ = 	snop  }
0x183: {  	vm1 =	veq.s32 v15, $0x0;
	v1 =	vmul.f32 v5, v1;
	vm2 =	veq.s32 v14, $0x0  }
0x184: {  	v4 =	vadd.f32 v12, v4;
	v5 =	vsel vm0, $0x0, v13;
	v2 =	vmul.f32 v6, v2  }
0x185: {  	v5 =	vadd.f32 v5, v8;
	v1 =	vsel vm1, $0x0, v1;
	v6 =	vand.u32 $0x1, v7  }
0x186: {  	v7 =	vand.u32 $0x2, v7;
	v0 =	vmul.f32 v9, v0;
	v3 =	vmul.f32 v10, v3  }
0x187: {  	[tilespmem:s9+$0xFFFFFFE0] =	vst v11;
	vm0 =	veq.s32 v6, $0x0;
	vm1 =	veq.s32 v7, $0x0;
	v2 =	vsel vm2, $0x0, v2  }
0x188: {  	[tilespmem:s9+$0xFFFFFFF0] =	vst v4;
	v1 =	vadd.f32 v2, v1;
	v0 =	vsel vm0, $0x0, v0;
	v2 =	vsel vm1, $0x0, v3  }
0x189: {  	[tilespmem:s9+$0x0] =	vst v5;
	v0 =	vadd.f32 v2, v0  }
0x18a: {  	[tilespmem:s9+$0x10] =	vst v1  }
0x18b: {  	s10 =	simm.s32 $0x15E00;
	[tilespmem:s9+$0x20] =	vst v0  }
0x18c: {  	[hbm4b:s22+s1] =	stream.linear.scatter [tilespmem:s10], [sflag:$0x6], $0xA00, $0x38;
	[tilespmem:$0x16800] =	vst v63  }
0x18d: {  	_ =	swait.ge [sflag:s26], $0x1400  }
0x18e: {  	[sflag:s26] =	ssyncset.done $0x0  }
0x18f: {  	[sflag:s26] =	ssyncadd.s32 $0xFFFFEC00  }
0x190: {  	_ =	swait.ge [sflag:s26], $0xA00  }
0x191: {  	[sflag:s26] =	ssyncset.done $0x0  }
0x192: {  	[sflag:s26] =	ssyncadd.s32 $0xFFFFF600  }
0x193: {  	_ =	swait.ge [sflag:s26], $0xA00  }
0x194: {  	[sflag:s26] =	ssyncset.done $0x0  }
0x195: {  	[sflag:s26] =	ssyncadd.s32 $0xFFFFF600  }
0x196: {  	_ =	swait.ge [sflag:s26], $0xA00  }
0x197: {  	[sflag:s26] =	ssyncset.done $0x0  }
0x198: {  	[sflag:s26] =	ssyncadd.s32 $0xFFFFF600  }
0x199: {  	_ =	swait.ge [sflag:s6], $0xA00  }
0x19a: {  	[sflag:s6] =	ssyncset.done $0x0  }
0x19b: {  	s9 =	simm.s32 @!p0 $0x0;
	s10 =	simm.s32 @!p0 $0x10400;
	[sflag:s6] =	ssyncadd.s32 $0xFFFFF600  }
0x19c: {  	[tilespmem:s10], [sflag:$0x4] =	stream.linear.gather @!p0 [hbm4b:s16+s9], $0x1400, $0x38;
	[tilespmem:$0x16800] =	vst v63  }
0x19d: {  	s10 =	simm.s32 @!p0 $0x12200  }
0x19e: {  	[tilespmem:s10], [sflag:$0x4] =	stream.linear.gather @!p0 [hbm4b:s19+s9], $0xA00, $0x38;
	[tilespmem:$0x16800] =	vst v63  }
0x19f: {  	s10 =	simm.s32 @!p0 $0x13600  }
0x1a0: {  	[tilespmem:s10], [sflag:$0x4] =	stream.linear.gather @!p0 [hbm4b:s20+s9], $0xA00, $0x38;
	[tilespmem:$0x16800] =	vst v63  }
0x1a1: {  	s10 =	simm.s32 @!p0 $0x14A00  }
0x1a2: {  	[tilespmem:s10], [sflag:$0x4] =	stream.linear.gather @!p0 [hbm4b:s21+s9], $0xA00, $0x38;
	[tilespmem:$0x16800] =	vst v63  }
0x1a3: {  	s10 =	simm.s32 $0xF040  }
0x1a4: {  	v0 =	vld [tilespmem:s10+$0x30]  }
0x1a5: {  	v1 =	vld [tilespmem:s10+$0xFFFFFFD0]  }
0x1a6: {  	v2 =	vld [tilespmem:s10+$0xFFFFFFE0]  }
0x1a7: {  	v3 =	vld [tilespmem:s10+$0xFFFFFFF0]  }
0x1a8: {  	v4 =	vld [tilespmem:s10+$0x0]  }
0x1a9: {  	v5 =	vld [tilespmem:s10+$0x10]  }
0x1aa: {  	v6 =	vld [tilespmem:s10+$0x20]  }
0x1ab: {  	v7 =	vld [tilespmem:s10+$0xFFFFFFC0]  }
0x1ac: {  	v8 =	vld.idx.msk [tilespmem:v0+s24+$0x0], $0xffff  }
0x1ad: {  	v0 =	vld.idx.msk [tilespmem:v0+s3+$0x0], $0xffff  }
0x1ae: {  	v9 =	vld.idx.msk [tilespmem:v1+s24+$0x0], $0xffff  }
0x1af: {  	v1 =	vld.idx.msk [tilespmem:v1+s3+$0x0], $0xffff  }
0x1b0: {  	v10 =	vld.idx.msk [tilespmem:v2+s24+$0x0], $0xffff  }
0x1b1: {  	v2 =	vld.idx.msk [tilespmem:v2+s3+$0x0], $0xffff  }
0x1b2: {  	v11 =	vld.idx.msk [tilespmem:v3+s24+$0x0], $0xffff  }
0x1b3: {  	v12 =	vld.idx.msk [tilespmem:v7+s24+$0x0], $0xffff  }
0x1b4: {  	s30 =	simm.s32 $0x12C40;
	v7 =	vld.idx.msk [tilespmem:v7+s3+$0x0], $0xffff;
	(erf) = vrcp.f32 v8  }
0x1b5: {  	v8 =	vld [tilespmem:s30+$0x30];
	(erf) = vrcp.f32 v0  }
0x1b6: {  	s28 =	simm.s32 $0x14040;
	v0 =	vld.idx.msk [tilespmem:v3+s3+$0x0], $0xffff;
	(erf) = vrcp.f32 v9  }
0x1b7: {  	v3 =	vld [tilespmem:s28+$0x30];
	(erf) = vrcp.f32 v1  }
0x1b8: {  	v9 =	vld.idx.msk [tilespmem:v5+s24+$0x0], $0xffff;
	(erf) = vrcp.f32 v10  }
0x1b9: {  	s29 =	simm.s32 $0x11840;
	v5 =	vld.idx.msk [tilespmem:v5+s3+$0x0], $0xffff;
	(erf) = vrcp.f32 v2  }
0x1ba: {  	v1 =	vld [tilespmem:s29+$0x30];
	(erf) = vrcp.f32 v11  }
0x1bb: {  	v2 =	vld.idx.msk [tilespmem:v4+s24+$0x0], $0xffff;
	(erf) = vrcp.f32 v12  }
0x1bc: {  	v4 =	vld.idx.msk [tilespmem:v4+s3+$0x0], $0xffff  }
0x1bd: {  	v10 =	vld.idx.msk [tilespmem:v6+s24+$0x0], $0xffff;
	(erf) = vrcp.f32 v7;
	v7 =	vpop (erf)  }
0x1be: {  	v6 =	vld.idx.msk [tilespmem:v6+s3+$0x0], $0xffff;
	v13 =	vand.u32 $0x1, v3;
	v11 =	vpop (erf)  }
0x1bf: {  	v3 =	vand.u32 $0x2, v3;
	v12 =	vld [tilespmem:s28+$0xFFFFFFC0];
	(erf) = vrcp.f32 v0;
	v1 =	vmul.f32 v1, v7;
	v0 =	vpop (erf)  }
0x1c0: {  	vm0 =	veq.s32 v13, $0x0;
	(erf) = vrcp.f32 v2;
	v2 =	vld [tilespmem:s29+$0xFFFFFFC0];
	v7 =	vpop (erf)  }
0x1c1: {  	v8 =	vmul.f32 v8, v11;
	v1 =	vsel vm0, $0x0, v1;
	v11 =	vpop (erf);
	(erf) = vrcp.f32 v4;
	v4 =	vld [tilespmem:s30+$0xFFFFFFC0]  }
0x1c2: {  	vm1 =	veq.s32 v3, $0x0;
	v3 =	vpop (erf);
	(erf) = vrcp.f32 v9;
	v9 =	vld [tilespmem:s28+$0xFFFFFFD0]  }
0x1c3: {  	v8 =	vsel vm1, $0x0, v8;
	v13 =	vpop (erf);
	(erf) = vrcp.f32 v5;
	v5 =	vld [tilespmem:s29+$0xFFFFFFD0]  }
0x1c4: {  	v8 =	vadd.f32 v8, v1;
	v1 =	vpop (erf);
	(erf) = vrcp.f32 v10;
	v10 =	vld [tilespmem:s30+$0xFFFFFFD0]  }
0x1c5: {  	v1 =	vmul.f32 v2, v1;
	v2 =	vld [tilespmem:s28+$0xFFFFFFE0]  }
0x1c6: {  	v14 =	vand.u32 $0x1, v12;
	v12 =	vand.u32 $0x2, v12;
	v15 =	vpop (erf);
	(erf) = vrcp.f32 v6;
	v6 =	vld [tilespmem:s29+$0xFFFFFFE0]  }
0x1c7: {  	vm0 =	veq.s32 v14, $0x0;
	vm1 =	veq.s32 v12, $0x0;
	v14 =	vld [tilespmem:s30+$0xFFFFFFE0];
	v4 =	vmul.f32 v4, v15  }
0x1c8: {  	v12 =	vand.u32 $0x1, v9;
	v9 =	vand.u32 $0x2, v9;
	v0 =	vmul.f32 v5, v0;
	v5 =	vld [tilespmem:s28+$0xFFFFFFF0]  }
0x1c9: {  	v1 =	vsel vm0, $0x0, v1;
	vm0 =	veq.s32 v12, $0x0;
	vm2 =	veq.s32 v9, $0x0;
	v9 =	vld [tilespmem:s29+$0xFFFFFFF0]  }
0x1ca: {  	v12 =	vld [tilespmem:s30+$0xFFFFFFF0];
	v7 =	vmul.f32 v10, v7;
	v10 =	vand.u32 $0x1, v2;
	v2 =	vand.u32 $0x2, v2  }
0x1cb: {  	v4 =	vsel vm1, $0x0, v4;
	v6 =	vmul.f32 v6, v11;
	vm1 =	veq.s32 v2, $0x0;
	v2 =	vld [tilespmem:s28+$0x0]  }
0x1cc: {  	v3 =	vmul.f32 v14, v3;
	v0 =	vsel vm0, $0x0, v0;
	vm0 =	veq.s32 v10, $0x0  }
0x1cd: {  	v10 =	vadd.f32 v4, v1;
	v1 =	vsel vm2, $0x0, v7;
	v7 =	vld [tilespmem:s29+$0x0];
	v11 =	vsel vm0, $0x0, v6  }
0x1ce: {  	v14 =	vld [tilespmem:s30+$0x0];
	v4 =	vpop (erf);
	v17 =	vadd.f32 v1, v0;
	v3 =	vsel vm1, $0x0, v3;
	v6 =	vand.u32 $0x1, v5  }
0x1cf: {  	v16 =	vld [tilespmem:s28+$0x10];
	v15 =	vpop (erf);
	v5 =	vand.u32 $0x2, v5;
	vm0 =	veq.s32 v6, $0x0;
	v6 =	vmul.f32 v9, v13  }
0x1d0: {  	v12 =	vmul.f32 v12, v4;
	vm2 =	veq.s32 v5, $0x0;
	v9 =	vpop (erf);
	v5 =	vld [tilespmem:s29+$0x10];
	v0 =	vand.u32 $0x1, v2  }
0x1d1: {  	s9 =	simm.s32 $0x15440;
	v11 =	vadd.f32 v3, v11;
	v1 =	vpop (erf);
	v4 =	vsel vm0, $0x0, v6;
	v6 =	vld [tilespmem:s30+$0x10]  }
0x1d2: {  	[tilespmem:s9+$0x30] =	vst v8;
	v12 =	vsel vm2, $0x0, v12;
	v13 =	vand.u32 $0x2, v2;
	v2 =	vpop (erf);
	v8 =	vmul.f32 v7, v15;
	v7 =	vld [tilespmem:s28+$0x20]  }
0x1d3: {  	[tilespmem:s9+$0xFFFFFFC0] =	vst v10;
	vm1 =	veq.s32 v0, $0x0;
	vm0 =	veq.s32 v13, $0x0;
	v13 =	vmul.f32 v14, v9;
	v9 =	vld [tilespmem:s29+$0x20];
	v0 =	vpop (erf)  }
0x1d4: {  	s31 =	simm.s32 $0x0;
	s10 =	simm.s32 $0xF140;
	v10 =	vld [tilespmem:s30+$0x20];
	[tilespmem:s9+$0xFFFFFFD0] =	vst v17;
	v15 =	vand.u32 $0x1, v16;
	v14 =	vand.u32 $0x2, v16;
	v8 =	vsel vm1, $0x0, v8;
	v3 =	vpop (erf)  }
.LBB2_10:
0x1d5: {  	v16 =	vld [tilespmem:s10+$0x30];
	[tilespmem:s9+$0xFFFFFFE0] =	vst v11;
	vm1 =	veq.s32 v15, $0x0;
	v1 =	vmul.f32 v5, v1;
	vm2 =	veq.s32 v14, $0x0  }
0x1d6: {  	s31 =	sadd.s32 $0x8, s31;
	v4 =	vadd.f32 v12, v4;
	v11 =	vsel vm0, $0x0, v13;
	v5 =	vld [tilespmem:s10+$0xFFFFFFD0];
	v2 =	vmul.f32 v6, v2  }
0x1d7: {  	p1 =	slt.u32 s31, $0x98;
	v6 =	vld [tilespmem:s10+$0xFFFFFFE0];
	v1 =	vsel vm1, $0x0, v1;
	v12 =	vand.u32 $0x1, v7;
	v7 =	vand.u32 $0x2, v7  }
0x1d8: {  	v13 =	vld [tilespmem:s10+$0xFFFFFFF0];
	[tilespmem:s9+$0xFFFFFFF0] =	vst v4;
	vm0 =	veq.s32 v12, $0x0;
	v0 =	vmul.f32 v9, v0;
	vm1 =	veq.s32 v7, $0x0  }
0x1d9: {  	v7 =	vadd.f32 v11, v8;
	v2 =	vsel vm2, $0x0, v2;
	v4 =	vld [tilespmem:s10+$0x0];
	v3 =	vmul.f32 v10, v3  }
0x1da: {  	v1 =	vadd.f32 v2, v1;
	v8 =	vld [tilespmem:s10+$0x10];
	v0 =	vsel vm0, $0x0, v0  }
0x1db: {  	v2 =	vld [tilespmem:s10+$0x20];
	[tilespmem:s9+$0x0] =	vst v7;
	v3 =	vsel vm1, $0x0, v3  }
0x1dc: {  	v7 =	vld [tilespmem:s10+$0xFFFFFFC0];
	[tilespmem:s9+$0x10] =	vst v1;
	v0 =	vadd.f32 v3, v0  }
0x1dd: {  	v1 =	vld.idx.msk [tilespmem:v16+s24+$0x0], $0xffff  }
0x1de: {  	v3 =	vld.idx.msk [tilespmem:v16+s3+$0x0], $0xffff;
	[tilespmem:s9+$0x20] =	vst v0  }
0x1df: {  	v0 =	vld.idx.msk [tilespmem:v5+s24+$0x0], $0xffff  }
0x1e0: {  	v5 =	vld.idx.msk [tilespmem:v5+s3+$0x0], $0xffff  }
0x1e1: {  	v9 =	vld.idx.msk [tilespmem:v6+s24+$0x0], $0xffff  }
0x1e2: {  	v6 =	vld.idx.msk [tilespmem:v6+s3+$0x0], $0xffff  }
0x1e3: {  	v10 =	vld.idx.msk [tilespmem:v13+s24+$0x0], $0xffff;
	(erf) = vrcp.f32 v1  }
0x1e4: {  	v1 =	vld.idx.msk [tilespmem:v7+s24+$0x0], $0xffff;
	(erf) = vrcp.f32 v3  }
0x1e5: {  	v3 =	vld.idx.msk [tilespmem:v7+s3+$0x0], $0xffff;
	(erf) = vrcp.f32 v0  }
0x1e6: {  	s28 =	sadd.s32 $0x80, s28;
	v0 =	vld.idx.msk [tilespmem:v13+s3+$0x0], $0xffff;
	(erf) = vrcp.f32 v5  }
0x1e7: {  	s29 =	sadd.s32 $0x80, s29;
	v5 =	vld [tilespmem:s28+$0x30];
	(erf) = vrcp.f32 v9  }
0x1e8: {  	s30 =	sadd.s32 $0x80, s30;
	v7 =	vld [tilespmem:s29+$0x30];
	(erf) = vrcp.f32 v6  }
0x1e9: {  	v6 =	vld [tilespmem:s30+$0x30];
	(erf) = vrcp.f32 v10  }
0x1ea: {  	v9 =	vld.idx.msk [tilespmem:v4+s24+$0x0], $0xffff;
	(erf) = vrcp.f32 v1  }
0x1eb: {  	v1 =	vld.idx.msk [tilespmem:v4+s3+$0x0], $0xffff;
	(erf) = vrcp.f32 v3  }
0x1ec: {  	v3 =	vld.idx.msk [tilespmem:v8+s24+$0x0], $0xffff;
	(erf) = vrcp.f32 v0;
	v0 =	vpop (erf)  }
0x1ed: {  	v4 =	vld.idx.msk [tilespmem:v8+s3+$0x0], $0xffff;
	v8 =	vand.u32 $0x1, v5;
	v10 =	vpop (erf)  }
0x1ee: {  	v12 =	vand.u32 $0x2, v5;
	v0 =	vmul.f32 v7, v0;
	v11 =	vld.idx.msk [tilespmem:v2+s24+$0x0], $0xffff;
	v14 =	vmul.f32 v6, v10;
	v7 =	vpop (erf)  }
0x1ef: {  	vm1 =	veq.s32 v12, $0x0;
	vm0 =	veq.s32 v8, $0x0;
	v2 =	vld.idx.msk [tilespmem:v2+s3+$0x0], $0xffff;
	v5 =	vpop (erf)  }
0x1f0: {  	v0 =	vsel vm0, $0x0, v0;
	v8 =	vld [tilespmem:s28+$0xFFFFFFC0];
	v14 =	vsel vm1, $0x0, v14;
	v10 =	vpop (erf);
	(erf) = vrcp.f32 v9  }
0x1f1: {  	v9 =	vld [tilespmem:s29+$0xFFFFFFC0];
	v14 =	vadd.f32 v14, v0;
	v6 =	vpop (erf);
	(erf) = vrcp.f32 v1  }
0x1f2: {  	s9 =	sadd.s32 $0x80, s9;
	v1 =	vld [tilespmem:s30+$0xFFFFFFC0];
	v12 =	vpop (erf);
	(erf) = vrcp.f32 v3  }
0x1f3: {  	v3 =	vld [tilespmem:s28+$0xFFFFFFD0];
	[tilespmem:s9+$0x30] =	vst v14;
	v0 =	vpop (erf);
	(erf) = vrcp.f32 v4  }
0x1f4: {  	v4 =	vld [tilespmem:s29+$0xFFFFFFD0];
	v13 =	vpop (erf);
	(erf) = vrcp.f32 v11  }
0x1f5: {  	v11 =	vand.u32 $0x1, v8;
	v8 =	vand.u32 $0x2, v8;
	v14 =	vld [tilespmem:s30+$0xFFFFFFD0];
	v15 =	vpop (erf);
	(erf) = vrcp.f32 v2  }
0x1f6: {  	vm0 =	veq.s32 v11, $0x0;
	v0 =	vmul.f32 v9, v0;
	vm1 =	veq.s32 v8, $0x0;
	v2 =	vld [tilespmem:s28+$0xFFFFFFE0]  }
0x1f7: {  	v1 =	vmul.f32 v1, v13;
	v8 =	vld [tilespmem:s29+$0xFFFFFFE0]  }
0x1f8: {  	v0 =	vsel vm0, $0x0, v0;
	v9 =	vand.u32 $0x1, v3;
	v3 =	vand.u32 $0x2, v3;
	v11 =	vld [tilespmem:s30+$0xFFFFFFE0]  }
0x1f9: {  	vm0 =	veq.s32 v9, $0x0;
	v4 =	vmul.f32 v4, v7;
	vm2 =	veq.s32 v3, $0x0;
	v3 =	vld [tilespmem:s28+$0xFFFFFFF0];
	v7 =	vpop (erf)  }
0x1fa: {  	v9 =	vsel vm1, $0x0, v1;
	v5 =	vmul.f32 v14, v5;
	v13 =	vld [tilespmem:s29+$0xFFFFFFF0];
	v14 =	vpop (erf)  }
0x1fb: {  	v4 =	vsel vm0, $0x0, v4;
	v16 =	vand.u32 $0x1, v2;
	v18 =	vand.u32 $0x2, v2;
	v17 =	vld [tilespmem:s30+$0xFFFFFFF0];
	v1 =	vpop (erf)  }
0x1fc: {  	vm0 =	veq.s32 v16, $0x0;
	v8 =	vmul.f32 v8, v10;
	vm1 =	veq.s32 v18, $0x0;
	v10 =	vld [tilespmem:s28+$0x0];
	v2 =	vpop (erf)  }
0x1fd: {  	v9 =	vadd.f32 v9, v0;
	v5 =	vsel vm2, $0x0, v5;
	v6 =	vmul.f32 v11, v6;
	v11 =	vld [tilespmem:s29+$0x0];
	v0 =	vpop (erf)  }
0x1fe: {  	v8 =	vsel vm0, $0x0, v8;
	v16 =	vand.u32 $0x1, v3;
	v18 =	vand.u32 $0x2, v3;
	v19 =	vld [tilespmem:s30+$0x0];
	v3 =	vpop (erf)  }
0x1ff: {  	[tilespmem:s9+$0xFFFFFFC0] =	vst v9;
	vm0 =	veq.s32 v16, $0x0;
	v9 =	vmul.f32 v13, v12;
	vm2 =	veq.s32 v18, $0x0;
	v16 =	vld [tilespmem:s28+$0x10]  }
.Ltmp6:
0x200: {  	v12 =	vadd.f32 v5, v4;
	v13 =	vsel vm1, $0x0, v6;
	v15 =	vmul.f32 v17, v15;
	v5 =	vld [tilespmem:s29+$0x10];
	(pc) =	sbr.rel @p1 .LBB2_10-.Ltmp6, $4  }
0x201: {  	v4 =	vsel vm0, $0x0, v9;
	v9 =	vand.u32 $0x1, v10;
	v10 =	vand.u32 $0x2, v10;
	v6 =	vld [tilespmem:s30+$0x10]  }
0x202: {  	[tilespmem:s9+$0xFFFFFFD0] =	vst v12;
	vm1 =	veq.s32 v9, $0x0;
	v17 =	vmul.f32 v11, v7;
	vm0 =	veq.s32 v10, $0x0;
	v7 =	vld [tilespmem:s28+$0x20]  }
0x203: {  	v11 =	vadd.f32 v13, v8;
	v12 =	vsel vm2, $0x0, v15;
	v13 =	vmul.f32 v19, v14;
	v9 =	vld [tilespmem:s29+$0x20]  }
0x204: {  	s10 =	sadd.s32 $0x100, s10;
	v8 =	vsel vm1, $0x0, v17;
	v15 =	vand.u32 $0x1, v16;
	v14 =	vand.u32 $0x2, v16;
	v10 =	vld [tilespmem:s30+$0x20]  }
0x205: {  	_ = 	snop  }
0x206: {  	vm1 =	veq.s32 v15, $0x0;
	v1 =	vmul.f32 v5, v1;
	vm2 =	veq.s32 v14, $0x0  }
0x207: {  	v4 =	vadd.f32 v12, v4;
	v60 =	vsel vm0, $0x0, v13;
	v2 =	vmul.f32 v6, v2  }
0x208: {  	v5 =	vadd.f32 v60, v8;
	v1 =	vsel vm1, $0x0, v1;
	v61 =	vand.u32 $0x1, v7  }
0x209: {  	v62 =	vand.u32 $0x2, v7;
	v0 =	vmul.f32 v9, v0;
	v3 =	vmul.f32 v10, v3  }
0x20a: {  	[tilespmem:s9+$0xFFFFFFE0] =	vst v11;
	vm14 =	veq.s32 v61, $0x0;
	vm15 =	veq.s32 v62, $0x0;
	v2 =	vsel vm2, $0x0, v2  }
.Ltmp7:
0x20b: {  	[tilespmem:s9+$0xFFFFFFF0] =	vst v4;
	v1 =	vadd.f32 v2, v1;
	v0 =	vsel vm14, $0x0, v0;
	v63 =	vsel vm15, $0x0, v3;
	(pc) =	sbr.rel @p0 .LBB2_15-.Ltmp7, $4  }
0x20c: {  	[tilespmem:s9+$0x0] =	vst v5;
	v0 =	vadd.f32 v63, v0  }
0x20d: {  	[tilespmem:s9+$0x10] =	vst v1  }
0x20e: {  	[tilespmem:s9+$0x20] =	vst v0  }
0x20f: {  	[hbm4b:s23+s1] =	stream.linear.scatter [tilespmem:s4], [sflag:$0x5], $0xA00, $0x38;
	[tilespmem:$0x16800] =	vst v63  }
0x210: {  	_ =	swait.ge [sflag:s5], $0x1400  }
0x211: {  	[sflag:s5] =	ssyncset.done $0x0  }
0x212: {  	[sflag:s5] =	ssyncadd.s32 $0xFFFFEC00  }
0x213: {  	_ =	swait.ge [sflag:s5], $0xA00  }
0x214: {  	[sflag:s5] =	ssyncset.done $0x0  }
0x215: {  	[sflag:s5] =	ssyncadd.s32 $0xFFFFF600  }
0x216: {  	_ =	swait.ge [sflag:s5], $0xA00  }
0x217: {  	[sflag:s5] =	ssyncset.done $0x0  }
0x218: {  	[sflag:s5] =	ssyncadd.s32 $0xFFFFF600  }
0x219: {  	_ =	swait.ge [sflag:s5], $0xA00  }
0x21a: {  	[sflag:s5] =	ssyncset.done $0x0  }
0x21b: {  	[sflag:s5] =	ssyncadd.s32 $0xFFFFF600  }
0x21c: {  	_ =	swait.ge [sflag:s7], $0xA00  }
0x21d: {  	[sflag:s7] =	ssyncset.done $0x0  }
0x21e: {  	s9 =	simm.s32 $0x10440;
	[sflag:s7] =	ssyncadd.s32 $0xFFFFF600  }
0x21f: {  	v0 =	vld [tilespmem:s9+$0x30]  }
0x220: {  	v1 =	vld [tilespmem:s9+$0xFFFFFFD0]  }
0x221: {  	v2 =	vld [tilespmem:s9+$0xFFFFFFE0]  }
0x222: {  	v3 =	vld [tilespmem:s9+$0xFFFFFFF0]  }
0x223: {  	v4 =	vld [tilespmem:s9+$0x0]  }
0x224: {  	v5 =	vld [tilespmem:s9+$0x10]  }
0x225: {  	v6 =	vld [tilespmem:s9+$0x20]  }
0x226: {  	v7 =	vld [tilespmem:s9+$0xFFFFFFC0]  }
0x227: {  	v8 =	vld.idx.msk [tilespmem:v0+s24+$0x0], $0xffff  }
0x228: {  	v0 =	vld.idx.msk [tilespmem:v0+s3+$0x0], $0xffff  }
0x229: {  	v9 =	vld.idx.msk [tilespmem:v1+s24+$0x0], $0xffff  }
0x22a: {  	v1 =	vld.idx.msk [tilespmem:v1+s3+$0x0], $0xffff  }
0x22b: {  	v10 =	vld.idx.msk [tilespmem:v2+s24+$0x0], $0xffff  }
0x22c: {  	v2 =	vld.idx.msk [tilespmem:v2+s3+$0x0], $0xffff  }
0x22d: {  	v11 =	vld.idx.msk [tilespmem:v3+s24+$0x0], $0xffff  }
0x22e: {  	v12 =	vld.idx.msk [tilespmem:v7+s24+$0x0], $0xffff  }
0x22f: {  	s30 =	simm.s32 $0x13640;
	v7 =	vld.idx.msk [tilespmem:v7+s3+$0x0], $0xffff;
	(erf) = vrcp.f32 v8  }
0x230: {  	v8 =	vld [tilespmem:s30+$0x30];
	(erf) = vrcp.f32 v0  }
0x231: {  	s28 =	simm.s32 $0x14A40;
	v0 =	vld.idx.msk [tilespmem:v3+s3+$0x0], $0xffff;
	(erf) = vrcp.f32 v9  }
0x232: {  	v3 =	vld [tilespmem:s28+$0x30];
	(erf) = vrcp.f32 v1  }
0x233: {  	v9 =	vld.idx.msk [tilespmem:v5+s24+$0x0], $0xffff;
	(erf) = vrcp.f32 v10  }
0x234: {  	s29 =	simm.s32 $0x12240;
	v5 =	vld.idx.msk [tilespmem:v5+s3+$0x0], $0xffff;
	(erf) = vrcp.f32 v2  }
0x235: {  	v1 =	vld [tilespmem:s29+$0x30];
	(erf) = vrcp.f32 v11  }
0x236: {  	v2 =	vld.idx.msk [tilespmem:v4+s24+$0x0], $0xffff;
	(erf) = vrcp.f32 v12  }
0x237: {  	v4 =	vld.idx.msk [tilespmem:v4+s3+$0x0], $0xffff  }
0x238: {  	v10 =	vld.idx.msk [tilespmem:v6+s24+$0x0], $0xffff;
	(erf) = vrcp.f32 v7;
	v7 =	vpop (erf)  }
0x239: {  	v6 =	vld.idx.msk [tilespmem:v6+s3+$0x0], $0xffff;
	v13 =	vand.u32 $0x1, v3;
	v11 =	vpop (erf)  }
0x23a: {  	v3 =	vand.u32 $0x2, v3;
	v12 =	vld [tilespmem:s28+$0xFFFFFFC0];
	(erf) = vrcp.f32 v0;
	v1 =	vmul.f32 v1, v7;
	v0 =	vpop (erf)  }
0x23b: {  	vm0 =	veq.s32 v13, $0x0;
	(erf) = vrcp.f32 v2;
	v2 =	vld [tilespmem:s29+$0xFFFFFFC0];
	v7 =	vpop (erf)  }
0x23c: {  	v8 =	vmul.f32 v8, v11;
	v1 =	vsel vm0, $0x0, v1;
	v11 =	vpop (erf);
	(erf) = vrcp.f32 v4;
	v4 =	vld [tilespmem:s30+$0xFFFFFFC0]  }
0x23d: {  	vm1 =	veq.s32 v3, $0x0;
	v3 =	vpop (erf);
	(erf) = vrcp.f32 v9;
	v9 =	vld [tilespmem:s28+$0xFFFFFFD0]  }
0x23e: {  	v8 =	vsel vm1, $0x0, v8;
	v13 =	vpop (erf);
	(erf) = vrcp.f32 v5;
	v5 =	vld [tilespmem:s29+$0xFFFFFFD0]  }
0x23f: {  	v8 =	vadd.f32 v8, v1;
	v1 =	vpop (erf);
	(erf) = vrcp.f32 v10;
	v10 =	vld [tilespmem:s30+$0xFFFFFFD0]  }
0x240: {  	v1 =	vmul.f32 v2, v1;
	v2 =	vld [tilespmem:s28+$0xFFFFFFE0]  }
0x241: {  	v14 =	vand.u32 $0x1, v12;
	v12 =	vand.u32 $0x2, v12;
	v15 =	vpop (erf);
	(erf) = vrcp.f32 v6;
	v6 =	vld [tilespmem:s29+$0xFFFFFFE0]  }
0x242: {  	vm0 =	veq.s32 v14, $0x0;
	vm1 =	veq.s32 v12, $0x0;
	v14 =	vld [tilespmem:s30+$0xFFFFFFE0];
	v4 =	vmul.f32 v4, v15  }
0x243: {  	v12 =	vand.u32 $0x1, v9;
	v9 =	vand.u32 $0x2, v9;
	v0 =	vmul.f32 v5, v0;
	v5 =	vld [tilespmem:s28+$0xFFFFFFF0]  }
0x244: {  	v1 =	vsel vm0, $0x0, v1;
	vm0 =	veq.s32 v12, $0x0;
	vm2 =	veq.s32 v9, $0x0;
	v9 =	vld [tilespmem:s29+$0xFFFFFFF0]  }
0x245: {  	v12 =	vld [tilespmem:s30+$0xFFFFFFF0];
	v7 =	vmul.f32 v10, v7;
	v10 =	vand.u32 $0x1, v2;
	v2 =	vand.u32 $0x2, v2  }
0x246: {  	v4 =	vsel vm1, $0x0, v4;
	v6 =	vmul.f32 v6, v11;
	vm1 =	veq.s32 v2, $0x0;
	v2 =	vld [tilespmem:s28+$0x0]  }
0x247: {  	v3 =	vmul.f32 v14, v3;
	v0 =	vsel vm0, $0x0, v0;
	vm0 =	veq.s32 v10, $0x0  }
0x248: {  	v10 =	vadd.f32 v4, v1;
	v1 =	vsel vm2, $0x0, v7;
	v7 =	vld [tilespmem:s29+$0x0];
	v11 =	vsel vm0, $0x0, v6  }
0x249: {  	v14 =	vld [tilespmem:s30+$0x0];
	v4 =	vpop (erf);
	v17 =	vadd.f32 v1, v0;
	v3 =	vsel vm1, $0x0, v3;
	v6 =	vand.u32 $0x1, v5  }
0x24a: {  	v16 =	vld [tilespmem:s28+$0x10];
	v15 =	vpop (erf);
	v5 =	vand.u32 $0x2, v5;
	vm0 =	veq.s32 v6, $0x0;
	v6 =	vmul.f32 v9, v13  }
0x24b: {  	v12 =	vmul.f32 v12, v4;
	vm2 =	veq.s32 v5, $0x0;
	v9 =	vpop (erf);
	v5 =	vld [tilespmem:s29+$0x10];
	v0 =	vand.u32 $0x1, v2  }
0x24c: {  	s9 =	simm.s32 $0x15E40;
	v11 =	vadd.f32 v3, v11;
	v1 =	vpop (erf);
	v4 =	vsel vm0, $0x0, v6;
	v6 =	vld [tilespmem:s30+$0x10]  }
0x24d: {  	[tilespmem:s9+$0x30] =	vst v8;
	v12 =	vsel vm2, $0x0, v12;
	v13 =	vand.u32 $0x2, v2;
	v2 =	vpop (erf);
	v8 =	vmul.f32 v7, v15;
	v7 =	vld [tilespmem:s28+$0x20]  }
0x24e: {  	[tilespmem:s9+$0xFFFFFFC0] =	vst v10;
	vm1 =	veq.s32 v0, $0x0;
	vm0 =	veq.s32 v13, $0x0;
	v13 =	vmul.f32 v14, v9;
	v9 =	vld [tilespmem:s29+$0x20];
	v0 =	vpop (erf)  }
0x24f: {  	s31 =	simm.s32 $0x0;
	s10 =	simm.s32 $0x10540;
	v10 =	vld [tilespmem:s30+$0x20];
	[tilespmem:s9+$0xFFFFFFD0] =	vst v17;
	v15 =	vand.u32 $0x1, v16;
	v14 =	vand.u32 $0x2, v16;
	v8 =	vsel vm1, $0x0, v8;
	v3 =	vpop (erf)  }
.LBB2_13:
0x250: {  	v16 =	vld [tilespmem:s10+$0x30];
	[tilespmem:s9+$0xFFFFFFE0] =	vst v11;
	vm1 =	veq.s32 v15, $0x0;
	v1 =	vmul.f32 v5, v1;
	vm2 =	veq.s32 v14, $0x0  }
0x251: {  	s31 =	sadd.s32 $0x8, s31;
	v4 =	vadd.f32 v12, v4;
	v11 =	vsel vm0, $0x0, v13;
	v2 =	vmul.f32 v6, v2;
	v5 =	vld [tilespmem:s10+$0xFFFFFFD0]  }
0x252: {  	v12 =	vand.u32 $0x1, v7;
	v7 =	vand.u32 $0x2, v7;
	p1 =	slt.u32 s31, $0x98;
	v6 =	vld [tilespmem:s10+$0xFFFFFFE0];
	v1 =	vsel vm1, $0x0, v1  }
0x253: {  	v0 =	vmul.f32 v9, v0;
	vm0 =	veq.s32 v12, $0x0;
	vm1 =	veq.s32 v7, $0x0;
	v13 =	vld [tilespmem:s10+$0xFFFFFFF0];
	[tilespmem:s9+$0xFFFFFFF0] =	vst v4  }
0x254: {  	v3 =	vmul.f32 v10, v3;
	v7 =	vadd.f32 v11, v8;
	v2 =	vsel vm2, $0x0, v2;
	v4 =	vld [tilespmem:s10+$0x0]  }
0x255: {  	v0 =	vsel vm0, $0x0, v0;
	v1 =	vadd.f32 v2, v1;
	v8 =	vld [tilespmem:s10+$0x10]  }
0x256: {  	v3 =	vsel vm1, $0x0, v3;
	v2 =	vld [tilespmem:s10+$0x20];
	[tilespmem:s9+$0x0] =	vst v7  }
0x257: {  	v0 =	vadd.f32 v3, v0;
	v7 =	vld [tilespmem:s10+$0xFFFFFFC0];
	[tilespmem:s9+$0x10] =	vst v1  }
0x258: {  	v1 =	vld.idx.msk [tilespmem:v16+s24+$0x0], $0xffff  }
0x259: {  	v3 =	vld.idx.msk [tilespmem:v16+s3+$0x0], $0xffff;
	[tilespmem:s9+$0x20] =	vst v0  }
0x25a: {  	v0 =	vld.idx.msk [tilespmem:v5+s24+$0x0], $0xffff  }
0x25b: {  	v5 =	vld.idx.msk [tilespmem:v5+s3+$0x0], $0xffff  }
0x25c: {  	v9 =	vld.idx.msk [tilespmem:v6+s24+$0x0], $0xffff  }
0x25d: {  	v6 =	vld.idx.msk [tilespmem:v6+s3+$0x0], $0xffff  }
0x25e: {  	v10 =	vld.idx.msk [tilespmem:v13+s24+$0x0], $0xffff;
	(erf) = vrcp.f32 v1  }
0x25f: {  	v1 =	vld.idx.msk [tilespmem:v7+s24+$0x0], $0xffff;
	(erf) = vrcp.f32 v3  }
0x260: {  	v3 =	vld.idx.msk [tilespmem:v7+s3+$0x0], $0xffff;
	(erf) = vrcp.f32 v0  }
0x261: {  	s28 =	sadd.s32 $0x80, s28;
	v0 =	vld.idx.msk [tilespmem:v13+s3+$0x0], $0xffff;
	(erf) = vrcp.f32 v5  }
0x262: {  	s29 =	sadd.s32 $0x80, s29;
	v5 =	vld [tilespmem:s28+$0x30];
	(erf) = vrcp.f32 v9  }
0x263: {  	s30 =	sadd.s32 $0x80, s30;
	v7 =	vld [tilespmem:s29+$0x30];
	(erf) = vrcp.f32 v6  }
0x264: {  	v6 =	vld [tilespmem:s30+$0x30];
	(erf) = vrcp.f32 v10  }
0x265: {  	v9 =	vld.idx.msk [tilespmem:v4+s24+$0x0], $0xffff;
	(erf) = vrcp.f32 v1  }
0x266: {  	v1 =	vld.idx.msk [tilespmem:v4+s3+$0x0], $0xffff;
	(erf) = vrcp.f32 v3  }
0x267: {  	v3 =	vld.idx.msk [tilespmem:v8+s24+$0x0], $0xffff;
	(erf) = vrcp.f32 v0;
	v0 =	vpop (erf)  }
0x268: {  	v4 =	vld.idx.msk [tilespmem:v8+s3+$0x0], $0xffff;
	v8 =	vand.u32 $0x1, v5;
	v10 =	vpop (erf)  }
0x269: {  	v12 =	vand.u32 $0x2, v5;
	v0 =	vmul.f32 v7, v0;
	v11 =	vld.idx.msk [tilespmem:v2+s24+$0x0], $0xffff;
	v14 =	vmul.f32 v6, v10;
	v7 =	vpop (erf)  }
0x26a: {  	vm1 =	veq.s32 v12, $0x0;
	vm0 =	veq.s32 v8, $0x0;
	v2 =	vld.idx.msk [tilespmem:v2+s3+$0x0], $0xffff;
	v5 =	vpop (erf)  }
0x26b: {  	v0 =	vsel vm0, $0x0, v0;
	v8 =	vld [tilespmem:s28+$0xFFFFFFC0];
	v14 =	vsel vm1, $0x0, v14;
	v10 =	vpop (erf);
	(erf) = vrcp.f32 v9  }
0x26c: {  	v9 =	vld [tilespmem:s29+$0xFFFFFFC0];
	v14 =	vadd.f32 v14, v0;
	v6 =	vpop (erf);
	(erf) = vrcp.f32 v1  }
0x26d: {  	s9 =	sadd.s32 $0x80, s9;
	v1 =	vld [tilespmem:s30+$0xFFFFFFC0];
	v12 =	vpop (erf);
	(erf) = vrcp.f32 v3  }
0x26e: {  	v3 =	vld [tilespmem:s28+$0xFFFFFFD0];
	[tilespmem:s9+$0x30] =	vst v14;
	v0 =	vpop (erf);
	(erf) = vrcp.f32 v4  }
0x26f: {  	v4 =	vld [tilespmem:s29+$0xFFFFFFD0];
	v13 =	vpop (erf);
	(erf) = vrcp.f32 v11  }
0x270: {  	v11 =	vand.u32 $0x1, v8;
	v8 =	vand.u32 $0x2, v8;
	v14 =	vld [tilespmem:s30+$0xFFFFFFD0];
	v15 =	vpop (erf);
	(erf) = vrcp.f32 v2  }
0x271: {  	vm0 =	veq.s32 v11, $0x0;
	v0 =	vmul.f32 v9, v0;
	vm1 =	veq.s32 v8, $0x0;
	v2 =	vld [tilespmem:s28+$0xFFFFFFE0]  }
0x272: {  	v1 =	vmul.f32 v1, v13;
	v8 =	vld [tilespmem:s29+$0xFFFFFFE0]  }
0x273: {  	v0 =	vsel vm0, $0x0, v0;
	v9 =	vand.u32 $0x1, v3;
	v3 =	vand.u32 $0x2, v3;
	v11 =	vld [tilespmem:s30+$0xFFFFFFE0]  }
0x274: {  	vm0 =	veq.s32 v9, $0x0;
	v4 =	vmul.f32 v4, v7;
	vm2 =	veq.s32 v3, $0x0;
	v3 =	vld [tilespmem:s28+$0xFFFFFFF0];
	v7 =	vpop (erf)  }
0x275: {  	v9 =	vsel vm1, $0x0, v1;
	v5 =	vmul.f32 v14, v5;
	v13 =	vld [tilespmem:s29+$0xFFFFFFF0];
	v14 =	vpop (erf)  }
0x276: {  	v4 =	vsel vm0, $0x0, v4;
	v16 =	vand.u32 $0x1, v2;
	v18 =	vand.u32 $0x2, v2;
	v17 =	vld [tilespmem:s30+$0xFFFFFFF0];
	v1 =	vpop (erf)  }
0x277: {  	vm0 =	veq.s32 v16, $0x0;
	v8 =	vmul.f32 v8, v10;
	vm1 =	veq.s32 v18, $0x0;
	v10 =	vld [tilespmem:s28+$0x0];
	v2 =	vpop (erf)  }
0x278: {  	v9 =	vadd.f32 v9, v0;
	v5 =	vsel vm2, $0x0, v5;
	v6 =	vmul.f32 v11, v6;
	v11 =	vld [tilespmem:s29+$0x0];
	v0 =	vpop (erf)  }
0x279: {  	v8 =	vsel vm0, $0x0, v8;
	v16 =	vand.u32 $0x1, v3;
	v18 =	vand.u32 $0x2, v3;
	v19 =	vld [tilespmem:s30+$0x0];
	v3 =	vpop (erf)  }
0x27a: {  	[tilespmem:s9+$0xFFFFFFC0] =	vst v9;
	vm0 =	veq.s32 v16, $0x0;
	v9 =	vmul.f32 v13, v12;
	vm2 =	veq.s32 v18, $0x0;
	v16 =	vld [tilespmem:s28+$0x10]  }
.Ltmp8:
0x27b: {  	v12 =	vadd.f32 v5, v4;
	v13 =	vsel vm1, $0x0, v6;
	v15 =	vmul.f32 v17, v15;
	v5 =	vld [tilespmem:s29+$0x10];
	(pc) =	sbr.rel @p1 .LBB2_13-.Ltmp8, $4  }
0x27c: {  	v4 =	vsel vm0, $0x0, v9;
	v9 =	vand.u32 $0x1, v10;
	v10 =	vand.u32 $0x2, v10;
	v6 =	vld [tilespmem:s30+$0x10]  }
0x27d: {  	[tilespmem:s9+$0xFFFFFFD0] =	vst v12;
	vm1 =	veq.s32 v9, $0x0;
	v17 =	vmul.f32 v11, v7;
	vm0 =	veq.s32 v10, $0x0;
	v7 =	vld [tilespmem:s28+$0x20]  }
0x27e: {  	v11 =	vadd.f32 v13, v8;
	v12 =	vsel vm2, $0x0, v15;
	v13 =	vmul.f32 v19, v14;
	v9 =	vld [tilespmem:s29+$0x20]  }
0x27f: {  	s10 =	sadd.s32 $0x100, s10;
	v8 =	vsel vm1, $0x0, v17;
	v15 =	vand.u32 $0x1, v16;
	v14 =	vand.u32 $0x2, v16;
	v10 =	vld [tilespmem:s30+$0x20]  }
.Ltmp9:
0x280: {  	_ = 	snop;
	(pc) =	sbr.rel .LBB2_14-.Ltmp9, $1  }
0x281: {  	_ =	sdelay $0x3  }
.LBB2_16:
0x282: {  	_ =	sfence.sel $0x180000  }
0x283: {  	[bflag:$0x0] =	sbarrier.arrive $0xFFFF  }
0x284: {  	_ =	strace $0x9000004A  }
0x285: {  	s0 =	stileid.u32;
	[bflag:$0x2] =	sbarrier.arrive $0xFFFF  }
0x286: {  	p0 =	sne.s32 s0, $0x0;
	s0 =	rddreg [dreg:$0x3]  }
0x287: {  	s0 =	sadd.s32 @!p0 $0x100000, s0  }
0x288: {  	[sflag:s0] =	ssyncadd.tile.s32 @!p0 $0x1;
	_ =	shalt  }
.Lfunc_end2:
_tile_overlayer_lowered:
.L_overlay_start_2:
0x289: {  	(tag) =	ssettag $0x2  }
0x28a: {  	s0 =	rddreg [dreg:$0x0];
	s2 =	stileid.u32  }
0x28b: {  	s1 =	rddreg [dreg:$0x1];
	p0 =	sne.s32 s2, $0x0  }
0x28c: {  	s3 =	rddreg [dreg:$0x2];
	[bflag:$0x3] =	sbarrier.arrive $0xFFFF;
	s2 =	simm.s32 @!p0 $0x1C07  }
0x28d: {  	[timem:s3], [sflag:s2] =	dma.local @!p0 [hbm:s0], s1  }
0x28e: {  	s0 =	simm.s32 @!p0 $0x7  }
0x28f: {  	_ =	swait.ge @!p0 [sflag:s0], s1  }
0x290: {  	s1 =	ssub.s32 @!p0 $0x0, s1;
	[sflag:s0] =	ssyncset.done @!p0 $0x0  }
0x291: {  	[sflag:s0] =	ssyncadd.s32 @!p0 s1  }
0x292: {  	[bflag:$0x3] =	sbarrier.arrive $0xFFFF  }
0x293: {  	_ =	shalt  }

</sc_bundles>
